<compile_context>
chip_gen: v7x
topology: tpu7x:2x2x1
jax: 0.10.2.dev20260603
libtpu: 0.0.44.dev20260713+nightly
codegen_flags: <defaults>
</compile_context>

<pallas_src>
import functools

import jax
import jax.numpy as jnp
from jax import lax
from jax.experimental import pallas as pl
from jax.experimental.pallas import tpu as pltpu
from jax.experimental.pallas import tpu_sc as plsc

_LANES = 16


def _mm_kernel(x_ref, w_ref, u_ref, v_ref):
    xb = x_ref[...]
    w = w_ref[...]
    c = w.shape[0]
    w1 = w[:, :c]
    w2 = w[:, c:]
    dn = (((1,), (1,)), ((), ()))
    u_ref[...] = lax.dot_general(xb, w1 - w2, dn, preferred_element_type=jnp.float32)
    v_ref[...] = lax.dot_general(xb, w2, dn, preferred_element_type=jnp.float32)


def _node_tables(xt, w, nt):
    g, c = xt.shape
    grid = g // nt
    return pl.pallas_call(
        _mm_kernel,
        grid=(grid,),
        in_specs=[
            pl.BlockSpec((nt, c), lambda i: (i, 0)),
            pl.BlockSpec((c, 2 * c), lambda i: (0, 0)),
        ],
        out_specs=[pl.BlockSpec((nt, c), lambda i: (i, 0))] * 2,
        out_shape=[jax.ShapeDtypeStruct((g, c), jnp.float32)] * 2,
    )(xt, w)


def _make_edge_max(g_pad, c, k, nb):
    info = plsc.get_sparse_core_info()
    nc, ns = info.num_cores, info.num_subcores
    nw = nc * ns
    npw = g_pad // nw
    nblk = npw // nb
    assert nblk % 2 == 0
    mesh = plsc.VectorSubcoreMesh(core_axis_name="c", subcore_axis_name="s")

    def _worker(u_hbm, v_hbm, ii_hbm, jj_hbm, b_hbm, out_hbm,
                ii_all, jj_all, ur0, vr0, ur1, vr1, b_v, ob0, ob1,
                su0, sv0, su1, sv1, so0, so1, base_blk):
        pltpu.sync_copy(b_hbm, b_v)
        pltpu.sync_copy(ii_hbm.at[pl.ds(base_blk, nblk)], ii_all)
        pltpu.sync_copy(jj_hbm.at[pl.ds(base_blk, nblk)], jj_all)

        def issue(i, ur, vr, su, sv):
            pltpu.async_copy(u_hbm.at[ii_all.at[i]], ur, su)
            pltpu.async_copy(v_hbm.at[jj_all.at[i]], vr, sv)

        def wait_rows(i, ur, vr, su, sv):
            pltpu.make_async_copy(u_hbm.at[ii_all.at[i]], ur, su).wait()
            pltpu.make_async_copy(v_hbm.at[jj_all.at[i]], vr, sv).wait()

        def out_slice(i):
            return out_hbm.at[pl.ds((base_blk + i) * nb, nb)]

        def compute(ur, vr, ob):
            def node(n, ncarry):
                for c16 in range(c // _LANES):
                    sl = pl.ds(c16 * _LANES, _LANES)
                    acc = ur[n * k, sl] + vr[n * k, sl]
                    for kk in range(1, k):
                        acc = jnp.maximum(acc, ur[n * k + kk, sl] + vr[n * k + kk, sl])
                    ob[n, sl] = jnp.maximum(acc + b_v[sl], 0.0)
                return ncarry
            lax.fori_loop(0, nb, node, 0)

        issue(0, ur0, vr0, su0, sv0)

        def body(i2, carry):
            b0 = 2 * i2
            b1 = b0 + 1
            issue(b1, ur1, vr1, su1, sv1)
            wait_rows(b0, ur0, vr0, su0, sv0)

            @pl.when(i2 > 0)
            def _():
                pltpu.make_async_copy(ob0, out_slice(b0 - 2), so0).wait()
            compute(ur0, vr0, ob0)
            pltpu.async_copy(ob0, out_slice(b0), so0)

            @pl.when(b0 + 2 < nblk)
            def _():
                issue(b0 + 2, ur0, vr0, su0, sv0)
            wait_rows(b1, ur1, vr1, su1, sv1)

            @pl.when(i2 > 0)
            def _():
                pltpu.make_async_copy(ob1, out_slice(b1 - 2), so1).wait()
            compute(ur1, vr1, ob1)
            pltpu.async_copy(ob1, out_slice(b1), so1)
            return carry

        lax.fori_loop(0, nblk // 2, body, 0)
        pltpu.make_async_copy(ob0, out_slice(nblk - 2), so0).wait()
        pltpu.make_async_copy(ob1, out_slice(nblk - 1), so1).wait()

    def _entry(u_hbm, v_hbm, ii_hbm, jj_hbm, b_hbm, out_hbm,
               ii_all, jj_all, ur0, vr0, ur1, vr1, b_v, ob0, ob1,
               su0, sv0, su1, sv1, so0, so1):
        wid = lax.axis_index("s") * nc + lax.axis_index("c")
        _worker(u_hbm, v_hbm, ii_hbm, jj_hbm, b_hbm, out_hbm,
                ii_all, jj_all, ur0, vr0, ur1, vr1, b_v, ob0, ob1,
                su0, sv0, su1, sv1, so0, so1, wid * nblk)

    return functools.partial(
        pl.kernel,
        mesh=mesh,
        out_type=jax.ShapeDtypeStruct((g_pad, c), jnp.float32),
        scratch_types=[
            pltpu.VMEM((nblk, nb * k), jnp.int32),
            pltpu.VMEM((nblk, nb * k), jnp.int32),
            pltpu.VMEM((nb * k, c), jnp.float32),
            pltpu.VMEM((nb * k, c), jnp.float32),
            pltpu.VMEM((nb * k, c), jnp.float32),
            pltpu.VMEM((nb * k, c), jnp.float32),
            pltpu.VMEM((c,), jnp.float32),
            pltpu.VMEM((nb, c), jnp.float32),
            pltpu.VMEM((nb, c), jnp.float32),
            pltpu.SemaphoreType.DMA,
            pltpu.SemaphoreType.DMA,
            pltpu.SemaphoreType.DMA,
            pltpu.SemaphoreType.DMA,
            pltpu.SemaphoreType.DMA,
            pltpu.SemaphoreType.DMA,
        ],
    )(_entry)


def kernel(x, edge_index, W, b):
    bsz, c, n, _ = x.shape
    kk = edge_index.shape[-1]
    g = bsz * n

    xt = jnp.transpose(x[:, :, :, 0], (0, 2, 1)).reshape(g, c)

    u, v = _node_tables(xt, W, nt=2000)

    offs = (jnp.arange(bsz, dtype=jnp.int32) * n)[:, None, None]
    idx_i = (edge_index[1] + offs).reshape(-1)
    idx_j = (edge_index[0] + offs).reshape(-1)

    nb = 8
    nw = 32
    gran = nw * nb * 2
    g_pad = ((g + gran - 1) // gran) * gran
    pad = g_pad - g
    if pad:
        zp = jnp.zeros((pad * kk,), jnp.int32)
        idx_i = jnp.concatenate([idx_i, zp])
        idx_j = jnp.concatenate([idx_j, zp])
    idx_i = idx_i.reshape(g_pad // nb, nb * kk)
    idx_j = idx_j.reshape(g_pad // nb, nb * kk)

    edge_max = _make_edge_max(g_pad, c, kk, nb)
    o_pad = edge_max(u, v, idx_i, idx_j, b)

    out = o_pad[:g].reshape(bsz, n, c).transpose(0, 2, 1)[..., None]
    return out

# --- scband reference (transcript-rebuilt; emitter-appended) ---
"""Pipeline reference for scband-edge-conv2d-34368328302639 (READ-ONLY COPY).

The authoritative reference and input builder live on the scoring server;
editing this copy changes nothing except your own understanding.
"""

import jax, jax.numpy as jnp
import numpy as np

B, C, N, K = 2, 128, 10000, 16

def setup_inputs(seed: int = 0) -> dict:
    key = jax.random.key(seed)
    k1, k2, k3, k4 = jax.random.split(key, 4)
    x = jax.random.normal(k1, (B, C, N, 1), dtype=jnp.float32)
    edge_index = jax.random.randint(k2, (2, B, N, K), 0, N, dtype=jnp.int32)
    # BasicConv([2C, C]) -> 1x1 Conv2d weight (C_out, 2C) + bias (C_out,), then ReLU
    W = jax.random.normal(k3, (C, 2 * C), dtype=jnp.float32) * 0.05
    b = jax.random.normal(k4, (C,), dtype=jnp.float32) * 0.05
    return {"x": x, "edge_index": edge_index, "W": W, "b": b}

def batched_index_select(x, idx):
    # x: (B, C, N, 1), idx: (B, N, k) -> (B, C, N, k)
    xt = jnp.transpose(x[:, :, :, 0], (0, 2, 1))  # (B, N, C)
    feat = jax.vmap(lambda xb, ib: xb[ib])(xt, idx)  # (B, N, k, C) via per-batch gather
    return jnp.transpose(feat, (0, 3, 1, 2))

def reference(x, edge_index, W, b):
    x_i = batched_index_select(x, edge_index[1])
    x_j = batched_index_select(x, edge_index[0])
    feat = jnp.concatenate([x_i, x_j - x_i], axis=1)  # (B, 2C, N, k)
    out = jnp.einsum('oc,bcnk->bonk', W, feat) + b[None, :, None, None]
    out = jax.nn.relu(out)
    max_value = jnp.max(out, axis=-1, keepdims=True)  # (B, C, N, 1)
    return max_value

if __name__ == "__main__":
    import jax
    _d = setup_inputs()
    print(jax.jit(kernel)(*tuple(_d.values())))

</pallas_src>

<mosaic_0001>
#map = affine_map<(d0, d1) -> (0, 0)>
#map1 = affine_map<(d0, d1) -> (0)>
module attributes {stable_mosaic.version = 14 : i64} {
  func.func @_entry(%arg0: i32, %arg1: i32, %arg2: memref<20000x128xf32, #tpu.memory_space<hbm>>, %arg3: memref<20000x128xf32, #tpu.memory_space<hbm>>, %arg4: memref<2560x128xi32, #tpu.memory_space<hbm>>, %arg5: memref<2560x128xi32, #tpu.memory_space<hbm>>, %arg6: memref<128xf32, #tpu.memory_space<hbm>>, %arg7: memref<20480x128xf32, #tpu.memory_space<hbm>>, %arg8: memref<80x128xi32, #tpu.memory_space<vmem>>, %arg9: memref<80x128xi32, #tpu.memory_space<vmem>>, %arg10: memref<128x128xf32, #tpu.memory_space<vmem>>, %arg11: memref<128x128xf32, #tpu.memory_space<vmem>>, %arg12: memref<128x128xf32, #tpu.memory_space<vmem>>, %arg13: memref<128x128xf32, #tpu.memory_space<vmem>>, %arg14: memref<128xf32, #tpu.memory_space<vmem>>, %arg15: memref<8x128xf32, #tpu.memory_space<vmem>>, %arg16: memref<8x128xf32, #tpu.memory_space<vmem>>, %arg17: memref<!tpu.dma_semaphore, #tpu.memory_space<semaphore_mem>>, %arg18: memref<!tpu.dma_semaphore, #tpu.memory_space<semaphore_mem>>, %arg19: memref<!tpu.dma_semaphore, #tpu.memory_space<semaphore_mem>>, %arg20: memref<!tpu.dma_semaphore, #tpu.memory_space<semaphore_mem>>, %arg21: memref<!tpu.dma_semaphore, #tpu.memory_space<semaphore_mem>>, %arg22: memref<!tpu.dma_semaphore, #tpu.memory_space<semaphore_mem>>) attributes {dimension_semantics = [#tpu.dimension_semantics<core_parallel>, #tpu.dimension_semantics<subcore_parallel>], iteration_bounds = array<i64: 2, 16>, scalar_prefetch = 0 : i64, scratch_operands = 15 : i64, tpu.core_type = #tpu.core_type<sc_vector_subcore>, window_params = [{transform_indices = #map}, {transform_indices = #map}, {transform_indices = #map}, {transform_indices = #map}, {transform_indices = #map1}, {transform_indices = #map}]} {
    %mul3A = arith.constant 2 : i32
    %mul3A_0 = arith.muli %arg1, %mul3A : i32
    %add3A = arith.addi %mul3A_0, %arg0 : i32
    %mul3A_1 = arith.constant 80 : i32
    %mul3A_2 = arith.muli %add3A, %mul3A_1 : i32
    "tpu.region"() ({
      %run_scoped3A = tpu.sem_alloc : memref<!tpu.dma_semaphore, #tpu.memory_space<semaphore_mem>>
      tpu.enqueue_dma source(%arg6 : memref<128xf32, #tpu.memory_space<hbm>>) target(%arg14 : memref<128xf32, #tpu.memory_space<vmem>>) target_semaphore(%run_scoped3A : memref<!tpu.dma_semaphore, #tpu.memory_space<semaphore_mem>>)
      tpu.wait_dma2 semaphore(%run_scoped3A : memref<!tpu.dma_semaphore, #tpu.memory_space<semaphore_mem>>) src(%arg6 : memref<128xf32, #tpu.memory_space<hbm>>) dst(%arg14 : memref<128xf32, #tpu.memory_space<vmem>>)
      tpu.yield
    }) : () -> ()
    "tpu.region"() ({
      %run_scoped3A = tpu.sem_alloc : memref<!tpu.dma_semaphore, #tpu.memory_space<semaphore_mem>>
      %dma_start3A_36 = arith.constant 0 : i32
      %dma_start3A_37 = tpu.memref_slice %arg4[%mul3A_2, %dma_start3A_36] : memref<2560x128xi32, #tpu.memory_space<hbm>> -> memref<80x128xi32, #tpu.memory_space<hbm>>
      %dma_start3A_38 = arith.constant 0 : i32
      %dma_start3A_39 = tpu.memref_slice %arg4[%mul3A_2, %dma_start3A_38] : memref<2560x128xi32, #tpu.memory_space<hbm>> -> memref<80x128xi32, #tpu.memory_space<hbm>>
      tpu.enqueue_dma source(%dma_start3A_39 : memref<80x128xi32, #tpu.memory_space<hbm>>) target(%arg8 : memref<80x128xi32, #tpu.memory_space<vmem>>) target_semaphore(%run_scoped3A : memref<!tpu.dma_semaphore, #tpu.memory_space<semaphore_mem>>)
      %dma_wait3A_40 = arith.constant 0 : i32
      %dma_wait3A_41 = tpu.memref_slice %arg4[%mul3A_2, %dma_wait3A_40] : memref<2560x128xi32, #tpu.memory_space<hbm>> -> memref<80x128xi32, #tpu.memory_space<hbm>>
      %dma_wait3A_42 = arith.constant 0 : i32
      %dma_wait3A_43 = tpu.memref_slice %arg4[%mul3A_2, %dma_wait3A_42] : memref<2560x128xi32, #tpu.memory_space<hbm>> -> memref<80x128xi32, #tpu.memory_space<hbm>>
      tpu.wait_dma2 semaphore(%run_scoped3A : memref<!tpu.dma_semaphore, #tpu.memory_space<semaphore_mem>>) src(%dma_wait3A_43 : memref<80x128xi32, #tpu.memory_space<hbm>>) dst(%arg8 : memref<80x128xi32, #tpu.memory_space<vmem>>)
      tpu.yield
    }) : () -> ()
    "tpu.region"() ({
      %run_scoped3A = tpu.sem_alloc : memref<!tpu.dma_semaphore, #tpu.memory_space<semaphore_mem>>
      %dma_start3A_36 = arith.constant 0 : i32
      %dma_start3A_37 = tpu.memref_slice %arg5[%mul3A_2, %dma_start3A_36] : memref<2560x128xi32, #tpu.memory_space<hbm>> -> memref<80x128xi32, #tpu.memory_space<hbm>>
      %dma_start3A_38 = arith.constant 0 : i32
      %dma_start3A_39 = tpu.memref_slice %arg5[%mul3A_2, %dma_start3A_38] : memref<2560x128xi32, #tpu.memory_space<hbm>> -> memref<80x128xi32, #tpu.memory_space<hbm>>
      tpu.enqueue_dma source(%dma_start3A_39 : memref<80x128xi32, #tpu.memory_space<hbm>>) target(%arg9 : memref<80x128xi32, #tpu.memory_space<vmem>>) target_semaphore(%run_scoped3A : memref<!tpu.dma_semaphore, #tpu.memory_space<semaphore_mem>>)
      %dma_wait3A_40 = arith.constant 0 : i32
      %dma_wait3A_41 = tpu.memref_slice %arg5[%mul3A_2, %dma_wait3A_40] : memref<2560x128xi32, #tpu.memory_space<hbm>> -> memref<80x128xi32, #tpu.memory_space<hbm>>
      %dma_wait3A_42 = arith.constant 0 : i32
      %dma_wait3A_43 = tpu.memref_slice %arg5[%mul3A_2, %dma_wait3A_42] : memref<2560x128xi32, #tpu.memory_space<hbm>> -> memref<80x128xi32, #tpu.memory_space<hbm>>
      tpu.wait_dma2 semaphore(%run_scoped3A : memref<!tpu.dma_semaphore, #tpu.memory_space<semaphore_mem>>) src(%dma_wait3A_43 : memref<80x128xi32, #tpu.memory_space<hbm>>) dst(%arg9 : memref<80x128xi32, #tpu.memory_space<vmem>>)
      tpu.yield
    }) : () -> ()
    %dma_start3A = arith.constant 0 : i32
    %dma_start3A_3 = arith.constant 0 : i32
    %dma_start3A_4 = tpu.memref_slice %arg8[%dma_start3A, %dma_start3A_3] : memref<80x128xi32, #tpu.memory_space<vmem>> -> memref<1x128xi32, #tpu.memory_space<vmem>>
    %dma_start3A_5 = tpu.memref_squeeze %dma_start3A_4 : memref<1x128xi32, #tpu.memory_space<vmem>> -> memref<128xi32, #tpu.memory_space<vmem>>
    %dma_start3A_6 = arith.constant 0 : i32
    %dma_start3A_7 = arith.constant 0 : i32
    %dma_start3A_8 = tpu.memref_slice %arg2[%dma_start3A_6, %dma_start3A_7] : memref<20000x128xf32, #tpu.memory_space<hbm>> -> memref<20000x128xf32, #tpu.memory_space<hbm>>
    tpu.enqueue_indirect_dma source(%dma_start3A_8 : memref<20000x128xf32, #tpu.memory_space<hbm>>) target(%arg10 : memref<128x128xf32, #tpu.memory_space<vmem>>) offsets(%dma_start3A_5 : memref<128xi32, #tpu.memory_space<vmem>>) semaphore(%arg17 : memref<!tpu.dma_semaphore, #tpu.memory_space<semaphore_mem>>)
    %dma_start3A_9 = arith.constant 0 : i32
    %dma_start3A_10 = arith.constant 0 : i32
    %dma_start3A_11 = tpu.memref_slice %arg9[%dma_start3A_9, %dma_start3A_10] : memref<80x128xi32, #tpu.memory_space<vmem>> -> memref<1x128xi32, #tpu.memory_space<vmem>>
    %dma_start3A_12 = tpu.memref_squeeze %dma_start3A_11 : memref<1x128xi32, #tpu.memory_space<vmem>> -> memref<128xi32, #tpu.memory_space<vmem>>
    %dma_start3A_13 = arith.constant 0 : i32
    %dma_start3A_14 = arith.constant 0 : i32
    %dma_start3A_15 = tpu.memref_slice %arg3[%dma_start3A_13, %dma_start3A_14] : memref<20000x128xf32, #tpu.memory_space<hbm>> -> memref<20000x128xf32, #tpu.memory_space<hbm>>
    tpu.enqueue_indirect_dma source(%dma_start3A_15 : memref<20000x128xf32, #tpu.memory_space<hbm>>) target(%arg11 : memref<128x128xf32, #tpu.memory_space<vmem>>) offsets(%dma_start3A_12 : memref<128xi32, #tpu.memory_space<vmem>>) semaphore(%arg18 : memref<!tpu.dma_semaphore, #tpu.memory_space<semaphore_mem>>)
    %scan3A = arith.constant 0 : i32
    %scan3A_16 = arith.constant 0 : i32
    %scan3A_17 = arith.constant 40 : i32
    %scan3A_18 = arith.addi %scan3A_16, %scan3A_17 : i32
    %scan3A_19 = arith.constant 1 : i32
    scf.for %scan3A_36 = %scan3A_16 to %scan3A_18 step %scan3A_19  : i32 {
      %mul3A_37 = arith.constant 2 : i32
      %mul3A_38 = arith.muli %mul3A_37, %scan3A_36 : i32
      %add3A_39 = arith.constant 1 : i32
      %add3A_40 = arith.addi %mul3A_38, %add3A_39 : i32
      %dma_start3A_41 = arith.constant 0 : i32
      %dma_start3A_42 = tpu.memref_slice %arg8[%add3A_40, %dma_start3A_41] : memref<80x128xi32, #tpu.memory_space<vmem>> -> memref<1x128xi32, #tpu.memory_space<vmem>>
      %dma_start3A_43 = tpu.memref_squeeze %dma_start3A_42 : memref<1x128xi32, #tpu.memory_space<vmem>> -> memref<128xi32, #tpu.memory_space<vmem>>
      %dma_start3A_44 = arith.constant 0 : i32
      %dma_start3A_45 = arith.constant 0 : i32
      %dma_start3A_46 = tpu.memref_slice %arg2[%dma_start3A_44, %dma_start3A_45] : memref<20000x128xf32, #tpu.memory_space<hbm>> -> memref<20000x128xf32, #tpu.memory_space<hbm>>
      tpu.enqueue_indirect_dma source(%dma_start3A_46 : memref<20000x128xf32, #tpu.memory_space<hbm>>) target(%arg12 : memref<128x128xf32, #tpu.memory_space<vmem>>) offsets(%dma_start3A_43 : memref<128xi32, #tpu.memory_space<vmem>>) semaphore(%arg19 : memref<!tpu.dma_semaphore, #tpu.memory_space<semaphore_mem>>)
      %dma_start3A_47 = arith.constant 0 : i32
      %dma_start3A_48 = tpu.memref_slice %arg9[%add3A_40, %dma_start3A_47] : memref<80x128xi32, #tpu.memory_space<vmem>> -> memref<1x128xi32, #tpu.memory_space<vmem>>
      %dma_start3A_49 = tpu.memref_squeeze %dma_start3A_48 : memref<1x128xi32, #tpu.memory_space<vmem>> -> memref<128xi32, #tpu.memory_space<vmem>>
      %dma_start3A_50 = arith.constant 0 : i32
      %dma_start3A_51 = arith.constant 0 : i32
      %dma_start3A_52 = tpu.memref_slice %arg3[%dma_start3A_50, %dma_start3A_51] : memref<20000x128xf32, #tpu.memory_space<hbm>> -> memref<20000x128xf32, #tpu.memory_space<hbm>>
      tpu.enqueue_indirect_dma source(%dma_start3A_52 : memref<20000x128xf32, #tpu.memory_space<hbm>>) target(%arg13 : memref<128x128xf32, #tpu.memory_space<vmem>>) offsets(%dma_start3A_49 : memref<128xi32, #tpu.memory_space<vmem>>) semaphore(%arg20 : memref<!tpu.dma_semaphore, #tpu.memory_space<semaphore_mem>>)
      %dma_wait3A_53 = arith.constant 0 : i32
      %dma_wait3A_54 = tpu.memref_slice %arg8[%mul3A_38, %dma_wait3A_53] : memref<80x128xi32, #tpu.memory_space<vmem>> -> memref<1x128xi32, #tpu.memory_space<vmem>>
      %dma_wait3A_55 = tpu.memref_squeeze %dma_wait3A_54 : memref<1x128xi32, #tpu.memory_space<vmem>> -> memref<128xi32, #tpu.memory_space<vmem>>
      %dma_wait3A_56 = arith.constant 0 : i32
      %dma_wait3A_57 = arith.constant 0 : i32
      %dma_wait3A_58 = tpu.memref_slice %arg2[%dma_wait3A_56, %dma_wait3A_57] : memref<20000x128xf32, #tpu.memory_space<hbm>> -> memref<20000x128xf32, #tpu.memory_space<hbm>>
      tpu.wait_indirect_dma semaphore(%arg17 : memref<!tpu.dma_semaphore, #tpu.memory_space<semaphore_mem>>) src(%dma_wait3A_58 : memref<20000x128xf32, #tpu.memory_space<hbm>>) dst(%arg10 : memref<128x128xf32, #tpu.memory_space<vmem>>)
      %dma_wait3A_59 = arith.constant 0 : i32
      %dma_wait3A_60 = tpu.memref_slice %arg9[%mul3A_38, %dma_wait3A_59] : memref<80x128xi32, #tpu.memory_space<vmem>> -> memref<1x128xi32, #tpu.memory_space<vmem>>
      %dma_wait3A_61 = tpu.memref_squeeze %dma_wait3A_60 : memref<1x128xi32, #tpu.memory_space<vmem>> -> memref<128xi32, #tpu.memory_space<vmem>>
      %dma_wait3A_62 = arith.constant 0 : i32
      %dma_wait3A_63 = arith.constant 0 : i32
      %dma_wait3A_64 = tpu.memref_slice %arg3[%dma_wait3A_62, %dma_wait3A_63] : memref<20000x128xf32, #tpu.memory_space<hbm>> -> memref<20000x128xf32, #tpu.memory_space<hbm>>
      tpu.wait_indirect_dma semaphore(%arg18 : memref<!tpu.dma_semaphore, #tpu.memory_space<semaphore_mem>>) src(%dma_wait3A_64 : memref<20000x128xf32, #tpu.memory_space<hbm>>) dst(%arg11 : memref<128x128xf32, #tpu.memory_space<vmem>>)
      %gt3A = arith.constant 0 : i32
      %gt3A_65 = arith.cmpi sgt, %scan3A_36, %gt3A : i32
      %convert_element_type3A = arith.extui %gt3A_65 : i1 to i32
      %cond3A = arith.constant 0 : i32
      %cond3A_66 = arith.cmpi ne, %convert_element_type3A, %cond3A : i32
      scf.if %cond3A_66 {
        %sub3A = arith.constant 2 : i32
        %sub3A_116 = arith.subi %mul3A_38, %sub3A : i32
        %add3A_117 = arith.addi %mul3A_2, %sub3A_116 : i32
        %mul3A_118 = arith.constant 8 : i32
        %mul3A_119 = arith.muli %add3A_117, %mul3A_118 : i32
        %dma_wait3A_120 = arith.constant 0 : i32
        %dma_wait3A_121 = tpu.memref_slice %arg7[%mul3A_119, %dma_wait3A_120] : memref<20480x128xf32, #tpu.memory_space<hbm>> -> memref<8x128xf32, #tpu.memory_space<hbm>>
        %dma_wait3A_122 = arith.constant 0 : i32
        %dma_wait3A_123 = tpu.memref_slice %arg7[%mul3A_119, %dma_wait3A_122] : memref<20480x128xf32, #tpu.memory_space<hbm>> -> memref<8x128xf32, #tpu.memory_space<hbm>>
        tpu.wait_dma2 semaphore(%arg21 : memref<!tpu.dma_semaphore, #tpu.memory_space<semaphore_mem>>) src(%arg15 : memref<8x128xf32, #tpu.memory_space<vmem>>) dst(%dma_wait3A_123 : memref<8x128xf32, #tpu.memory_space<hbm>>)
      } else {
      }
      %scan3A_67 = arith.constant 0 : i32
      %scan3A_68 = arith.constant 0 : i32
      %scan3A_69 = arith.constant 8 : i32
      %scan3A_70 = arith.addi %scan3A_68, %scan3A_69 : i32
      %scan3A_71 = arith.constant 1 : i32
      scf.for %scan3A_116 = %scan3A_68 to %scan3A_70 step %scan3A_71  : i32 {
        %mul3A_117 = arith.constant 16 : i32
        %mul3A_118 = arith.muli %scan3A_116, %mul3A_117 : i32
        %get3A = arith.index_cast %mul3A_118 : i32 to index
        %get3A_119 = arith.constant 0 : index
        %get3A_120 = tpu.vector_load %arg10[%get3A, %get3A_119] {strides = array<i32>} : memref<128x128xf32, #tpu.memory_space<vmem>>, vector<1x16xf32>,
        %get3A_121 = vector.shape_cast %get3A_120 : vector<1x16xf32> to vector<16xf32>
        %mul3A_122 = arith.constant 16 : i32
        %mul3A_123 = arith.muli %scan3A_116, %mul3A_122 : i32
        %get3A_124 = arith.index_cast %mul3A_123 : i32 to index
        %get3A_125 = arith.constant 0 : index
        %get3A_126 = tpu.vector_load %arg11[%get3A_124, %get3A_125] {strides = array<i32>} : memref<128x128xf32, #tpu.memory_space<vmem>>, vector<1x16xf32>,
        %get3A_127 = vector.shape_cast %get3A_126 : vector<1x16xf32> to vector<16xf32>
        %add3A_128 = arith.addf %get3A_121, %get3A_127 : vector<16xf32>
        %mul3A_129 = arith.constant 16 : i32
        %mul3A_130 = arith.muli %scan3A_116, %mul3A_129 : i32
        %add3A_131 = arith.constant 1 : i32
        %add3A_132 = arith.addi %mul3A_130, %add3A_131 : i32
        %get3A_133 = arith.index_cast %add3A_132 : i32 to index
        %get3A_134 = arith.constant 0 : index
        %get3A_135 = tpu.vector_load %arg10[%get3A_133, %get3A_134] {strides = array<i32>} : memref<128x128xf32, #tpu.memory_space<vmem>>, vector<1x16xf32>,
        %get3A_136 = vector.shape_cast %get3A_135 : vector<1x16xf32> to vector<16xf32>
        %mul3A_137 = arith.constant 16 : i32
        %mul3A_138 = arith.muli %scan3A_116, %mul3A_137 : i32
        %add3A_139 = arith.constant 1 : i32
        %add3A_140 = arith.addi %mul3A_138, %add3A_139 : i32
        %get3A_141 = arith.index_cast %add3A_140 : i32 to index
        %get3A_142 = arith.constant 0 : index
        %get3A_143 = tpu.vector_load %arg11[%get3A_141, %get3A_142] {strides = array<i32>} : memref<128x128xf32, #tpu.memory_space<vmem>>, vector<1x16xf32>,
        %get3A_144 = vector.shape_cast %get3A_143 : vector<1x16xf32> to vector<16xf32>
        %add3A_145 = arith.addf %get3A_136, %get3A_144 : vector<16xf32>
        %max3A = arith.maximumf %add3A_128, %add3A_145 : vector<16xf32>
        %mul3A_146 = arith.constant 16 : i32
        %mul3A_147 = arith.muli %scan3A_116, %mul3A_146 : i32
        %add3A_148 = arith.constant 2 : i32
        %add3A_149 = arith.addi %mul3A_147, %add3A_148 : i32
        %get3A_150 = arith.index_cast %add3A_149 : i32 to index
        %get3A_151 = arith.constant 0 : index
        %get3A_152 = tpu.vector_load %arg10[%get3A_150, %get3A_151] {strides = array<i32>} : memref<128x128xf32, #tpu.memory_space<vmem>>, vector<1x16xf32>,
        %get3A_153 = vector.shape_cast %get3A_152 : vector<1x16xf32> to vector<16xf32>
        %mul3A_154 = arith.constant 16 : i32
        %mul3A_155 = arith.muli %scan3A_116, %mul3A_154 : i32
        %add3A_156 = arith.constant 2 : i32
        %add3A_157 = arith.addi %mul3A_155, %add3A_156 : i32
        %get3A_158 = arith.index_cast %add3A_157 : i32 to index
        %get3A_159 = arith.constant 0 : index
        %get3A_160 = tpu.vector_load %arg11[%get3A_158, %get3A_159] {strides = array<i32>} : memref<128x128xf32, #tpu.memory_space<vmem>>, vector<1x16xf32>,
        %get3A_161 = vector.shape_cast %get3A_160 : vector<1x16xf32> to vector<16xf32>
        %add3A_162 = arith.addf %get3A_153, %get3A_161 : vector<16xf32>
        %max3A_163 = arith.maximumf %max3A, %add3A_162 : vector<16xf32>
        %mul3A_164 = arith.constant 16 : i32
        %mul3A_165 = arith.muli %scan3A_116, %mul3A_164 : i32
        %add3A_166 = arith.constant 3 : i32
        %add3A_167 = arith.addi %mul3A_165, %add3A_166 : i32
        %get3A_168 = arith.index_cast %add3A_167 : i32 to index
        %get3A_169 = arith.constant 0 : index
        %get3A_170 = tpu.vector_load %arg10[%get3A_168, %get3A_169] {strides = array<i32>} : memref<128x128xf32, #tpu.memory_space<vmem>>, vector<1x16xf32>,
        %get3A_171 = vector.shape_cast %get3A_170 : vector<1x16xf32> to vector<16xf32>
        %mul3A_172 = arith.constant 16 : i32
        %mul3A_173 = arith.muli %scan3A_116, %mul3A_172 : i32
        %add3A_174 = arith.constant 3 : i32
        %add3A_175 = arith.addi %mul3A_173, %add3A_174 : i32
        %get3A_176 = arith.index_cast %add3A_175 : i32 to index
        %get3A_177 = arith.constant 0 : index
        %get3A_178 = tpu.vector_load %arg11[%get3A_176, %get3A_177] {strides = array<i32>} : memref<128x128xf32, #tpu.memory_space<vmem>>, vector<1x16xf32>,
        %get3A_179 = vector.shape_cast %get3A_178 : vector<1x16xf32> to vector<16xf32>
        %add3A_180 = arith.addf %get3A_171, %get3A_179 : vector<16xf32>
        %max3A_181 = arith.maximumf %max3A_163, %add3A_180 : vector<16xf32>
        %mul3A_182 = arith.constant 16 : i32
        %mul3A_183 = arith.muli %scan3A_116, %mul3A_182 : i32
        %add3A_184 = arith.constant 4 : i32
        %add3A_185 = arith.addi %mul3A_183, %add3A_184 : i32
        %get3A_186 = arith.index_cast %add3A_185 : i32 to index
        %get3A_187 = arith.constant 0 : index
        %get3A_188 = tpu.vector_load %arg10[%get3A_186, %get3A_187] {strides = array<i32>} : memref<128x128xf32, #tpu.memory_space<vmem>>, vector<1x16xf32>,
        %get3A_189 = vector.shape_cast %get3A_188 : vector<1x16xf32> to vector<16xf32>
        %mul3A_190 = arith.constant 16 : i32
        %mul3A_191 = arith.muli %scan3A_116, %mul3A_190 : i32
        %add3A_192 = arith.constant 4 : i32
        %add3A_193 = arith.addi %mul3A_191, %add3A_192 : i32
        %get3A_194 = arith.index_cast %add3A_193 : i32 to index
        %get3A_195 = arith.constant 0 : index
        %get3A_196 = tpu.vector_load %arg11[%get3A_194, %get3A_195] {strides = array<i32>} : memref<128x128xf32, #tpu.memory_space<vmem>>, vector<1x16xf32>,
        %get3A_197 = vector.shape_cast %get3A_196 : vector<1x16xf32> to vector<16xf32>
        %add3A_198 = arith.addf %get3A_189, %get3A_197 : vector<16xf32>
        %max3A_199 = arith.maximumf %max3A_181, %add3A_198 : vector<16xf32>
        %mul3A_200 = arith.constant 16 : i32
        %mul3A_201 = arith.muli %scan3A_116, %mul3A_200 : i32
        %add3A_202 = arith.constant 5 : i32
        %add3A_203 = arith.addi %mul3A_201, %add3A_202 : i32
        %get3A_204 = arith.index_cast %add3A_203 : i32 to index
        %get3A_205 = arith.constant 0 : index
        %get3A_206 = tpu.vector_load %arg10[%get3A_204, %get3A_205] {strides = array<i32>} : memref<128x128xf32, #tpu.memory_space<vmem>>, vector<1x16xf32>,
        %get3A_207 = vector.shape_cast %get3A_206 : vector<1x16xf32> to vector<16xf32>
        %mul3A_208 = arith.constant 16 : i32
        %mul3A_209 = arith.muli %scan3A_116, %mul3A_208 : i32
        %add3A_210 = arith.constant 5 : i32
        %add3A_211 = arith.addi %mul3A_209, %add3A_210 : i32
        %get3A_212 = arith.index_cast %add3A_211 : i32 to index
        %get3A_213 = arith.constant 0 : index
        %get3A_214 = tpu.vector_load %arg11[%get3A_212, %get3A_213] {strides = array<i32>} : memref<128x128xf32, #tpu.memory_space<vmem>>, vector<1x16xf32>,
        %get3A_215 = vector.shape_cast %get3A_214 : vector<1x16xf32> to vector<16xf32>
        %add3A_216 = arith.addf %get3A_207, %get3A_215 : vector<16xf32>
        %max3A_217 = arith.maximumf %max3A_199, %add3A_216 : vector<16xf32>
        %mul3A_218 = arith.constant 16 : i32
        %mul3A_219 = arith.muli %scan3A_116, %mul3A_218 : i32
        %add3A_220 = arith.constant 6 : i32
        %add3A_221 = arith.addi %mul3A_219, %add3A_220 : i32
        %get3A_222 = arith.index_cast %add3A_221 : i32 to index
        %get3A_223 = arith.constant 0 : index
        %get3A_224 = tpu.vector_load %arg10[%get3A_222, %get3A_223] {strides = array<i32>} : memref<128x128xf32, #tpu.memory_space<vmem>>, vector<1x16xf32>,
        %get3A_225 = vector.shape_cast %get3A_224 : vector<1x16xf32> to vector<16xf32>
        %mul3A_226 = arith.constant 16 : i32
        %mul3A_227 = arith.muli %scan3A_116, %mul3A_226 : i32
        %add3A_228 = arith.constant 6 : i32
        %add3A_229 = arith.addi %mul3A_227, %add3A_228 : i32
        %get3A_230 = arith.index_cast %add3A_229 : i32 to index
        %get3A_231 = arith.constant 0 : index
        %get3A_232 = tpu.vector_load %arg11[%get3A_230, %get3A_231] {strides = array<i32>} : memref<128x128xf32, #tpu.memory_space<vmem>>, vector<1x16xf32>,
        %get3A_233 = vector.shape_cast %get3A_232 : vector<1x16xf32> to vector<16xf32>
        %add3A_234 = arith.addf %get3A_225, %get3A_233 : vector<16xf32>
        %max3A_235 = arith.maximumf %max3A_217, %add3A_234 : vector<16xf32>
        %mul3A_236 = arith.constant 16 : i32
        %mul3A_237 = arith.muli %scan3A_116, %mul3A_236 : i32
        %add3A_238 = arith.constant 7 : i32
        %add3A_239 = arith.addi %mul3A_237, %add3A_238 : i32
        %get3A_240 = arith.index_cast %add3A_239 : i32 to index
        %get3A_241 = arith.constant 0 : index
        %get3A_242 = tpu.vector_load %arg10[%get3A_240, %get3A_241] {strides = array<i32>} : memref<128x128xf32, #tpu.memory_space<vmem>>, vector<1x16xf32>,
        %get3A_243 = vector.shape_cast %get3A_242 : vector<1x16xf32> to vector<16xf32>
        %mul3A_244 = arith.constant 16 : i32
        %mul3A_245 = arith.muli %scan3A_116, %mul3A_244 : i32
        %add3A_246 = arith.constant 7 : i32
        %add3A_247 = arith.addi %mul3A_245, %add3A_246 : i32
        %get3A_248 = arith.index_cast %add3A_247 : i32 to index
        %get3A_249 = arith.constant 0 : index
        %get3A_250 = tpu.vector_load %arg11[%get3A_248, %get3A_249] {strides = array<i32>} : memref<128x128xf32, #tpu.memory_space<vmem>>, vector<1x16xf32>,
        %get3A_251 = vector.shape_cast %get3A_250 : vector<1x16xf32> to vector<16xf32>
        %add3A_252 = arith.addf %get3A_243, %get3A_251 : vector<16xf32>
        %max3A_253 = arith.maximumf %max3A_235, %add3A_252 : vector<16xf32>
        %mul3A_254 = arith.constant 16 : i32
        %mul3A_255 = arith.muli %scan3A_116, %mul3A_254 : i32
        %add3A_256 = arith.constant 8 : i32
        %add3A_257 = arith.addi %mul3A_255, %add3A_256 : i32
        %get3A_258 = arith.index_cast %add3A_257 : i32 to index
        %get3A_259 = arith.constant 0 : index
        %get3A_260 = tpu.vector_load %arg10[%get3A_258, %get3A_259] {strides = array<i32>} : memref<128x128xf32, #tpu.memory_space<vmem>>, vector<1x16xf32>,
        %get3A_261 = vector.shape_cast %get3A_260 : vector<1x16xf32> to vector<16xf32>
        %mul3A_262 = arith.constant 16 : i32
        %mul3A_263 = arith.muli %scan3A_116, %mul3A_262 : i32
        %add3A_264 = arith.constant 8 : i32
        %add3A_265 = arith.addi %mul3A_263, %add3A_264 : i32
        %get3A_266 = arith.index_cast %add3A_265 : i32 to index
        %get3A_267 = arith.constant 0 : index
        %get3A_268 = tpu.vector_load %arg11[%get3A_266, %get3A_267] {strides = array<i32>} : memref<128x128xf32, #tpu.memory_space<vmem>>, vector<1x16xf32>,
        %get3A_269 = vector.shape_cast %get3A_268 : vector<1x16xf32> to vector<16xf32>
        %add3A_270 = arith.addf %get3A_261, %get3A_269 : vector<16xf32>
        %max3A_271 = arith.maximumf %max3A_253, %add3A_270 : vector<16xf32>
        %mul3A_272 = arith.constant 16 : i32
        %mul3A_273 = arith.muli %scan3A_116, %mul3A_272 : i32
        %add3A_274 = arith.constant 9 : i32
        %add3A_275 = arith.addi %mul3A_273, %add3A_274 : i32
        %get3A_276 = arith.index_cast %add3A_275 : i32 to index
        %get3A_277 = arith.constant 0 : index
        %get3A_278 = tpu.vector_load %arg10[%get3A_276, %get3A_277] {strides = array<i32>} : memref<128x128xf32, #tpu.memory_space<vmem>>, vector<1x16xf32>,
        %get3A_279 = vector.shape_cast %get3A_278 : vector<1x16xf32> to vector<16xf32>
        %mul3A_280 = arith.constant 16 : i32
        %mul3A_281 = arith.muli %scan3A_116, %mul3A_280 : i32
        %add3A_282 = arith.constant 9 : i32
        %add3A_283 = arith.addi %mul3A_281, %add3A_282 : i32
        %get3A_284 = arith.index_cast %add3A_283 : i32 to index
        %get3A_285 = arith.constant 0 : index
        %get3A_286 = tpu.vector_load %arg11[%get3A_284, %get3A_285] {strides = array<i32>} : memref<128x128xf32, #tpu.memory_space<vmem>>, vector<1x16xf32>,
        %get3A_287 = vector.shape_cast %get3A_286 : vector<1x16xf32> to vector<16xf32>
        %add3A_288 = arith.addf %get3A_279, %get3A_287 : vector<16xf32>
        %max3A_289 = arith.maximumf %max3A_271, %add3A_288 : vector<16xf32>
        %mul3A_290 = arith.constant 16 : i32
        %mul3A_291 = arith.muli %scan3A_116, %mul3A_290 : i32
        %add3A_292 = arith.constant 10 : i32
        %add3A_293 = arith.addi %mul3A_291, %add3A_292 : i32
        %get3A_294 = arith.index_cast %add3A_293 : i32 to index
        %get3A_295 = arith.constant 0 : index
        %get3A_296 = tpu.vector_load %arg10[%get3A_294, %get3A_295] {strides = array<i32>} : memref<128x128xf32, #tpu.memory_space<vmem>>, vector<1x16xf32>,
        %get3A_297 = vector.shape_cast %get3A_296 : vector<1x16xf32> to vector<16xf32>
        %mul3A_298 = arith.constant 16 : i32
        %mul3A_299 = arith.muli %scan3A_116, %mul3A_298 : i32
        %add3A_300 = arith.constant 10 : i32
        %add3A_301 = arith.addi %mul3A_299, %add3A_300 : i32
        %get3A_302 = arith.index_cast %add3A_301 : i32 to index
        %get3A_303 = arith.constant 0 : index
        %get3A_304 = tpu.vector_load %arg11[%get3A_302, %get3A_303] {strides = array<i32>} : memref<128x128xf32, #tpu.memory_space<vmem>>, vector<1x16xf32>,
        %get3A_305 = vector.shape_cast %get3A_304 : vector<1x16xf32> to vector<16xf32>
        %add3A_306 = arith.addf %get3A_297, %get3A_305 : vector<16xf32>
        %max3A_307 = arith.maximumf %max3A_289, %add3A_306 : vector<16xf32>
        %mul3A_308 = arith.constant 16 : i32
        %mul3A_309 = arith.muli %scan3A_116, %mul3A_308 : i32
        %add3A_310 = arith.constant 11 : i32
        %add3A_311 = arith.addi %mul3A_309, %add3A_310 : i32
        %get3A_312 = arith.index_cast %add3A_311 : i32 to index
        %get3A_313 = arith.constant 0 : index
        %get3A_314 = tpu.vector_load %arg10[%get3A_312, %get3A_313] {strides = array<i32>} : memref<128x128xf32, #tpu.memory_space<vmem>>, vector<1x16xf32>,
        %get3A_315 = vector.shape_cast %get3A_314 : vector<1x16xf32> to vector<16xf32>
        %mul3A_316 = arith.constant 16 : i32
        %mul3A_317 = arith.muli %scan3A_116, %mul3A_316 : i32
        %add3A_318 = arith.constant 11 : i32
        %add3A_319 = arith.addi %mul3A_317, %add3A_318 : i32
        %get3A_320 = arith.index_cast %add3A_319 : i32 to index
        %get3A_321 = arith.constant 0 : index
        %get3A_322 = tpu.vector_load %arg11[%get3A_320, %get3A_321] {strides = array<i32>} : memref<128x128xf32, #tpu.memory_space<vmem>>, vector<1x16xf32>,
        %get3A_323 = vector.shape_cast %get3A_322 : vector<1x16xf32> to vector<16xf32>
        %add3A_324 = arith.addf %get3A_315, %get3A_323 : vector<16xf32>
        %max3A_325 = arith.maximumf %max3A_307, %add3A_324 : vector<16xf32>
        %mul3A_326 = arith.constant 16 : i32
        %mul3A_327 = arith.muli %scan3A_116, %mul3A_326 : i32
        %add3A_328 = arith.constant 12 : i32
        %add3A_329 = arith.addi %mul3A_327, %add3A_328 : i32
        %get3A_330 = arith.index_cast %add3A_329 : i32 to index
        %get3A_331 = arith.constant 0 : index
        %get3A_332 = tpu.vector_load %arg10[%get3A_330, %get3A_331] {strides = array<i32>} : memref<128x128xf32, #tpu.memory_space<vmem>>, vector<1x16xf32>,
        %get3A_333 = vector.shape_cast %get3A_332 : vector<1x16xf32> to vector<16xf32>
        %mul3A_334 = arith.constant 16 : i32
        %mul3A_335 = arith.muli %scan3A_116, %mul3A_334 : i32
        %add3A_336 = arith.constant 12 : i32
        %add3A_337 = arith.addi %mul3A_335, %add3A_336 : i32
        %get3A_338 = arith.index_cast %add3A_337 : i32 to index
        %get3A_339 = arith.constant 0 : index
        %get3A_340 = tpu.vector_load %arg11[%get3A_338, %get3A_339] {strides = array<i32>} : memref<128x128xf32, #tpu.memory_space<vmem>>, vector<1x16xf32>,
        %get3A_341 = vector.shape_cast %get3A_340 : vector<1x16xf32> to vector<16xf32>
        %add3A_342 = arith.addf %get3A_333, %get3A_341 : vector<16xf32>
        %max3A_343 = arith.maximumf %max3A_325, %add3A_342 : vector<16xf32>
        %mul3A_344 = arith.constant 16 : i32
        %mul3A_345 = arith.muli %scan3A_116, %mul3A_344 : i32
        %add3A_346 = arith.constant 13 : i32
        %add3A_347 = arith.addi %mul3A_345, %add3A_346 : i32
        %get3A_348 = arith.index_cast %add3A_347 : i32 to index
        %get3A_349 = arith.constant 0 : index
        %get3A_350 = tpu.vector_load %arg10[%get3A_348, %get3A_349] {strides = array<i32>} : memref<128x128xf32, #tpu.memory_space<vmem>>, vector<1x16xf32>,
        %get3A_351 = vector.shape_cast %get3A_350 : vector<1x16xf32> to vector<16xf32>
        %mul3A_352 = arith.constant 16 : i32
        %mul3A_353 = arith.muli %scan3A_116, %mul3A_352 : i32
        %add3A_354 = arith.constant 13 : i32
        %add3A_355 = arith.addi %mul3A_353, %add3A_354 : i32
        %get3A_356 = arith.index_cast %add3A_355 : i32 to index
        %get3A_357 = arith.constant 0 : index
        %get3A_358 = tpu.vector_load %arg11[%get3A_356, %get3A_357] {strides = array<i32>} : memref<128x128xf32, #tpu.memory_space<vmem>>, vector<1x16xf32>,
        %get3A_359 = vector.shape_cast %get3A_358 : vector<1x16xf32> to vector<16xf32>
        %add3A_360 = arith.addf %get3A_351, %get3A_359 : vector<16xf32>
        %max3A_361 = arith.maximumf %max3A_343, %add3A_360 : vector<16xf32>
        %mul3A_362 = arith.constant 16 : i32
        %mul3A_363 = arith.muli %scan3A_116, %mul3A_362 : i32
        %add3A_364 = arith.constant 14 : i32
        %add3A_365 = arith.addi %mul3A_363, %add3A_364 : i32
        %get3A_366 = arith.index_cast %add3A_365 : i32 to index
        %get3A_367 = arith.constant 0 : index
        %get3A_368 = tpu.vector_load %arg10[%get3A_366, %get3A_367] {strides = array<i32>} : memref<128x128xf32, #tpu.memory_space<vmem>>, vector<1x16xf32>,
        %get3A_369 = vector.shape_cast %get3A_368 : vector<1x16xf32> to vector<16xf32>
        %mul3A_370 = arith.constant 16 : i32
        %mul3A_371 = arith.muli %scan3A_116, %mul3A_370 : i32
        %add3A_372 = arith.constant 14 : i32
        %add3A_373 = arith.addi %mul3A_371, %add3A_372 : i32
        %get3A_374 = arith.index_cast %add3A_373 : i32 to index
        %get3A_375 = arith.constant 0 : index
        %get3A_376 = tpu.vector_load %arg11[%get3A_374, %get3A_375] {strides = array<i32>} : memref<128x128xf32, #tpu.memory_space<vmem>>, vector<1x16xf32>,
        %get3A_377 = vector.shape_cast %get3A_376 : vector<1x16xf32> to vector<16xf32>
        %add3A_378 = arith.addf %get3A_369, %get3A_377 : vector<16xf32>
        %max3A_379 = arith.maximumf %max3A_361, %add3A_378 : vector<16xf32>
        %mul3A_380 = arith.constant 16 : i32
        %mul3A_381 = arith.muli %scan3A_116, %mul3A_380 : i32
        %add3A_382 = arith.constant 15 : i32
        %add3A_383 = arith.addi %mul3A_381, %add3A_382 : i32
        %get3A_384 = arith.index_cast %add3A_383 : i32 to index
        %get3A_385 = arith.constant 0 : index
        %get3A_386 = tpu.vector_load %arg10[%get3A_384, %get3A_385] {strides = array<i32>} : memref<128x128xf32, #tpu.memory_space<vmem>>, vector<1x16xf32>,
        %get3A_387 = vector.shape_cast %get3A_386 : vector<1x16xf32> to vector<16xf32>
        %mul3A_388 = arith.constant 16 : i32
        %mul3A_389 = arith.muli %scan3A_116, %mul3A_388 : i32
        %add3A_390 = arith.constant 15 : i32
        %add3A_391 = arith.addi %mul3A_389, %add3A_390 : i32
        %get3A_392 = arith.index_cast %add3A_391 : i32 to index
        %get3A_393 = arith.constant 0 : index
        %get3A_394 = tpu.vector_load %arg11[%get3A_392, %get3A_393] {strides = array<i32>} : memref<128x128xf32, #tpu.memory_space<vmem>>, vector<1x16xf32>,
        %get3A_395 = vector.shape_cast %get3A_394 : vector<1x16xf32> to vector<16xf32>
        %add3A_396 = arith.addf %get3A_387, %get3A_395 : vector<16xf32>
        %max3A_397 = arith.maximumf %max3A_379, %add3A_396 : vector<16xf32>
        %get3A_398 = arith.constant 0 : index
        %get3A_399 = tpu.vector_load %arg14[%get3A_398] {strides = array<i32>} : memref<128xf32, #tpu.memory_space<vmem>>, vector<16xf32>,
        %get3A_400 = vector.shape_cast %get3A_399 : vector<16xf32> to vector<16xf32>
        %add3A_401 = arith.addf %max3A_397, %get3A_400 : vector<16xf32>
        %max3A_402 = arith.constant 0.000000e+00 : f32
        %max3A_403 = vector.broadcast %max3A_402 : f32 to vector<16xf32>
        %max3A_404 = arith.maximumf %add3A_401, %max3A_403 : vector<16xf32>
        %swap3A = arith.index_cast %scan3A_116 : i32 to index
        %swap3A_405 = arith.constant 0 : index
        %swap3A_406 = tpu.vector_load %arg15[%swap3A, %swap3A_405] {strides = array<i32>} : memref<8x128xf32, #tpu.memory_space<vmem>>, vector<1x16xf32>,
        %swap3A_407 = vector.shape_cast %swap3A_406 : vector<1x16xf32> to vector<16xf32>
        %swap3A_408 = vector.shape_cast %max3A_404 : vector<16xf32> to vector<1x16xf32>
        tpu.vector_store %arg15[%swap3A, %swap3A_405], %swap3A_408 {strides = array<i32>} : memref<8x128xf32, #tpu.memory_space<vmem>>, vector<1x16xf32>,
        %mul3A_409 = arith.constant 16 : i32
        %mul3A_410 = arith.muli %scan3A_116, %mul3A_409 : i32
        %get3A_411 = arith.index_cast %mul3A_410 : i32 to index
        %get3A_412 = arith.constant 16 : index
        %get3A_413 = tpu.vector_load %arg10[%get3A_411, %get3A_412] {strides = array<i32>} : memref<128x128xf32, #tpu.memory_space<vmem>>, vector<1x16xf32>,
        %get3A_414 = vector.shape_cast %get3A_413 : vector<1x16xf32> to vector<16xf32>
        %mul3A_415 = arith.constant 16 : i32
        %mul3A_416 = arith.muli %scan3A_116, %mul3A_415 : i32
        %get3A_417 = arith.index_cast %mul3A_416 : i32 to index
        %get3A_418 = arith.constant 16 : index
        %get3A_419 = tpu.vector_load %arg11[%get3A_417, %get3A_418] {strides = array<i32>} : memref<128x128xf32, #tpu.memory_space<vmem>>, vector<1x16xf32>,
        %get3A_420 = vector.shape_cast %get3A_419 : vector<1x16xf32> to vector<16xf32>
        %add3A_421 = arith.addf %get3A_414, %get3A_420 : vector<16xf32>
        %mul3A_422 = arith.constant 16 : i32
        %mul3A_423 = arith.muli %scan3A_116, %mul3A_422 : i32
        %add3A_424 = arith.constant 1 : i32
        %add3A_425 = arith.addi %mul3A_423, %add3A_424 : i32
        %get3A_426 = arith.index_cast %add3A_425 : i32 to index
        %get3A_427 = arith.constant 16 : index
        %get3A_428 = tpu.vector_load %arg10[%get3A_426, %get3A_427] {strides = array<i32>} : memref<128x128xf32, #tpu.memory_space<vmem>>, vector<1x16xf32>,
        %get3A_429 = vector.shape_cast %get3A_428 : vector<1x16xf32> to vector<16xf32>
        %mul3A_430 = arith.constant 16 : i32
        %mul3A_431 = arith.muli %scan3A_116, %mul3A_430 : i32
        %add3A_432 = arith.constant 1 : i32
        %add3A_433 = arith.addi %mul3A_431, %add3A_432 : i32
        %get3A_434 = arith.index_cast %add3A_433 : i32 to index
        %get3A_435 = arith.constant 16 : index
        %get3A_436 = tpu.vector_load %arg11[%get3A_434, %get3A_435] {strides = array<i32>} : memref<128x128xf32, #tpu.memory_space<vmem>>, vector<1x16xf32>,
        %get3A_437 = vector.shape_cast %get3A_436 : vector<1x16xf32> to vector<16xf32>
        %add3A_438 = arith.addf %get3A_429, %get3A_437 : vector<16xf32>
        %max3A_439 = arith.maximumf %add3A_421, %add3A_438 : vector<16xf32>
        %mul3A_440 = arith.constant 16 : i32
        %mul3A_441 = arith.muli %scan3A_116, %mul3A_440 : i32
        %add3A_442 = arith.constant 2 : i32
        %add3A_443 = arith.addi %mul3A_441, %add3A_442 : i32
        %get3A_444 = arith.index_cast %add3A_443 : i32 to index
        %get3A_445 = arith.constant 16 : index
        %get3A_446 = tpu.vector_load %arg10[%get3A_444, %get3A_445] {strides = array<i32>} : memref<128x128xf32, #tpu.memory_space<vmem>>, vector<1x16xf32>,
        %get3A_447 = vector.shape_cast %get3A_446 : vector<1x16xf32> to vector<16xf32>
        %mul3A_448 = arith.constant 16 : i32
        %mul3A_449 = arith.muli %scan3A_116, %mul3A_448 : i32
        %add3A_450 = arith.constant 2 : i32
        %add3A_451 = arith.addi %mul3A_449, %add3A_450 : i32
        %get3A_452 = arith.index_cast %add3A_451 : i32 to index
        %get3A_453 = arith.constant 16 : index
        %get3A_454 = tpu.vector_load %arg11[%get3A_452, %get3A_453] {strides = array<i32>} : memref<128x128xf32, #tpu.memory_space<vmem>>, vector<1x16xf32>,
        %get3A_455 = vector.shape_cast %get3A_454 : vector<1x16xf32> to vector<16xf32>
        %add3A_456 = arith.addf %get3A_447, %get3A_455 : vector<16xf32>
        %max3A_457 = arith.maximumf %max3A_439, %add3A_456 : vector<16xf32>
        %mul3A_458 = arith.constant 16 : i32
        %mul3A_459 = arith.muli %scan3A_116, %mul3A_458 : i32
        %add3A_460 = arith.constant 3 : i32
        %add3A_461 = arith.addi %mul3A_459, %add3A_460 : i32
        %get3A_462 = arith.index_cast %add3A_461 : i32 to index
        %get3A_463 = arith.constant 16 : index
        %get3A_464 = tpu.vector_load %arg10[%get3A_462, %get3A_463] {strides = array<i32>} : memref<128x128xf32, #tpu.memory_space<vmem>>, vector<1x16xf32>,
        %get3A_465 = vector.shape_cast %get3A_464 : vector<1x16xf32> to vector<16xf32>
        %mul3A_466 = arith.constant 16 : i32
        %mul3A_467 = arith.muli %scan3A_116, %mul3A_466 : i32
        %add3A_468 = arith.constant 3 : i32
        %add3A_469 = arith.addi %mul3A_467, %add3A_468 : i32
        %get3A_470 = arith.index_cast %add3A_469 : i32 to index
        %get3A_471 = arith.constant 16 : index
        %get3A_472 = tpu.vector_load %arg11[%get3A_470, %get3A_471] {strides = array<i32>} : memref<128x128xf32, #tpu.memory_space<vmem>>, vector<1x16xf32>,
        %get3A_473 = vector.shape_cast %get3A_472 : vector<1x16xf32> to vector<16xf32>
        %add3A_474 = arith.addf %get3A_465, %get3A_473 : vector<16xf32>
        %max3A_475 = arith.maximumf %max3A_457, %add3A_474 : vector<16xf32>
        %mul3A_476 = arith.constant 16 : i32
        %mul3A_477 = arith.muli %scan3A_116, %mul3A_476 : i32
        %add3A_478 = arith.constant 4 : i32
        %add3A_479 = arith.addi %mul3A_477, %add3A_478 : i32
        %get3A_480 = arith.index_cast %add3A_479 : i32 to index
        %get3A_481 = arith.constant 16 : index
        %get3A_482 = tpu.vector_load %arg10[%get3A_480, %get3A_481] {strides = array<i32>} : memref<128x128xf32, #tpu.memory_space<vmem>>, vector<1x16xf32>,
        %get3A_483 = vector.shape_cast %get3A_482 : vector<1x16xf32> to vector<16xf32>
        %mul3A_484 = arith.constant 16 : i32
        %mul3A_485 = arith.muli %scan3A_116, %mul3A_484 : i32
        %add3A_486 = arith.constant 4 : i32
        %add3A_487 = arith.addi %mul3A_485, %add3A_486 : i32
        %get3A_488 = arith.index_cast %add3A_487 : i32 to index
        %get3A_489 = arith.constant 16 : index
        %get3A_490 = tpu.vector_load %arg11[%get3A_488, %get3A_489] {strides = array<i32>} : memref<128x128xf32, #tpu.memory_space<vmem>>, vector<1x16xf32>,
        %get3A_491 = vector.shape_cast %get3A_490 : vector<1x16xf32> to vector<16xf32>
        %add3A_492 = arith.addf %get3A_483, %get3A_491 : vector<16xf32>
        %max3A_493 = arith.maximumf %max3A_475, %add3A_492 : vector<16xf32>
        %mul3A_494 = arith.constant 16 : i32
        %mul3A_495 = arith.muli %scan3A_116, %mul3A_494 : i32
        %add3A_496 = arith.constant 5 : i32
        %add3A_497 = arith.addi %mul3A_495, %add3A_496 : i32
        %get3A_498 = arith.index_cast %add3A_497 : i32 to index
        %get3A_499 = arith.constant 16 : index
        %get3A_500 = tpu.vector_load %arg10[%get3A_498, %get3A_499] {strides = array<i32>} : memref<128x128xf32, #tpu.memory_space<vmem>>, vector<1x16xf32>,
        %get3A_501 = vector.shape_cast %get3A_500 : vector<1x16xf32> to vector<16xf32>
        %mul3A_502 = arith.constant 16 : i32
        %mul3A_503 = arith.muli %scan3A_116, %mul3A_502 : i32
        %add3A_504 = arith.constant 5 : i32
        %add3A_505 = arith.addi %mul3A_503, %add3A_504 : i32
        %get3A_506 = arith.index_cast %add3A_505 : i32 to index
        %get3A_507 = arith.constant 16 : index
        %get3A_508 = tpu.vector_load %arg11[%get3A_506, %get3A_507] {strides = array<i32>} : memref<128x128xf32, #tpu.memory_space<vmem>>, vector<1x16xf32>,
        %get3A_509 = vector.shape_cast %get3A_508 : vector<1x16xf32> to vector<16xf32>
        %add3A_510 = arith.addf %get3A_501, %get3A_509 : vector<16xf32>
        %max3A_511 = arith.maximumf %max3A_493, %add3A_510 : vector<16xf32>
        %mul3A_512 = arith.constant 16 : i32
        %mul3A_513 = arith.muli %scan3A_116, %mul3A_512 : i32
        %add3A_514 = arith.constant 6 : i32
        %add3A_515 = arith.addi %mul3A_513, %add3A_514 : i32
        %get3A_516 = arith.index_cast %add3A_515 : i32 to index
        %get3A_517 = arith.constant 16 : index
        %get3A_518 = tpu.vector_load %arg10[%get3A_516, %get3A_517] {strides = array<i32>} : memref<128x128xf32, #tpu.memory_space<vmem>>, vector<1x16xf32>,
        %get3A_519 = vector.shape_cast %get3A_518 : vector<1x16xf32> to vector<16xf32>
        %mul3A_520 = arith.constant 16 : i32
        %mul3A_521 = arith.muli %scan3A_116, %mul3A_520 : i32
        %add3A_522 = arith.constant 6 : i32
        %add3A_523 = arith.addi %mul3A_521, %add3A_522 : i32
        %get3A_524 = arith.index_cast %add3A_523 : i32 to index
        %get3A_525 = arith.constant 16 : index
        %get3A_526 = tpu.vector_load %arg11[%get3A_524, %get3A_525] {strides = array<i32>} : memref<128x128xf32, #tpu.memory_space<vmem>>, vector<1x16xf32>,
        %get3A_527 = vector.shape_cast %get3A_526 : vector<1x16xf32> to vector<16xf32>
        %add3A_528 = arith.addf %get3A_519, %get3A_527 : vector<16xf32>
        %max3A_529 = arith.maximumf %max3A_511, %add3A_528 : vector<16xf32>
        %mul3A_530 = arith.constant 16 : i32
        %mul3A_531 = arith.muli %scan3A_116, %mul3A_530 : i32
        %add3A_532 = arith.constant 7 : i32
        %add3A_533 = arith.addi %mul3A_531, %add3A_532 : i32
        %get3A_534 = arith.index_cast %add3A_533 : i32 to index
        %get3A_535 = arith.constant 16 : index
        %get3A_536 = tpu.vector_load %arg10[%get3A_534, %get3A_535] {strides = array<i32>} : memref<128x128xf32, #tpu.memory_space<vmem>>, vector<1x16xf32>,
        %get3A_537 = vector.shape_cast %get3A_536 : vector<1x16xf32> to vector<16xf32>
        %mul3A_538 = arith.constant 16 : i32
        %mul3A_539 = arith.muli %scan3A_116, %mul3A_538 : i32
        %add3A_540 = arith.constant 7 : i32
        %add3A_541 = arith.addi %mul3A_539, %add3A_540 : i32
        %get3A_542 = arith.index_cast %add3A_541 : i32 to index
        %get3A_543 = arith.constant 16 : index
        %get3A_544 = tpu.vector_load %arg11[%get3A_542, %get3A_543] {strides = array<i32>} : memref<128x128xf32, #tpu.memory_space<vmem>>, vector<1x16xf32>,
        %get3A_545 = vector.shape_cast %get3A_544 : vector<1x16xf32> to vector<16xf32>
        %add3A_546 = arith.addf %get3A_537, %get3A_545 : vector<16xf32>
        %max3A_547 = arith.maximumf %max3A_529, %add3A_546 : vector<16xf32>
        %mul3A_548 = arith.constant 16 : i32
        %mul3A_549 = arith.muli %scan3A_116, %mul3A_548 : i32
        %add3A_550 = arith.constant 8 : i32
        %add3A_551 = arith.addi %mul3A_549, %add3A_550 : i32
        %get3A_552 = arith.index_cast %add3A_551 : i32 to index
        %get3A_553 = arith.constant 16 : index
        %get3A_554 = tpu.vector_load %arg10[%get3A_552, %get3A_553] {strides = array<i32>} : memref<128x128xf32, #tpu.memory_space<vmem>>, vector<1x16xf32>,
        %get3A_555 = vector.shape_cast %get3A_554 : vector<1x16xf32> to vector<16xf32>
        %mul3A_556 = arith.constant 16 : i32
        %mul3A_557 = arith.muli %scan3A_116, %mul3A_556 : i32
        %add3A_558 = arith.constant 8 : i32
        %add3A_559 = arith.addi %mul3A_557, %add3A_558 : i32
        %get3A_560 = arith.index_cast %add3A_559 : i32 to index
        %get3A_561 = arith.constant 16 : index
        %get3A_562 = tpu.vector_load %arg11[%get3A_560, %get3A_561] {strides = array<i32>} : memref<128x128xf32, #tpu.memory_space<vmem>>, vector<1x16xf32>,
        %get3A_563 = vector.shape_cast %get3A_562 : vector<1x16xf32> to vector<16xf32>
        %add3A_564 = arith.addf %get3A_555, %get3A_563 : vector<16xf32>
        %max3A_565 = arith.maximumf %max3A_547, %add3A_564 : vector<16xf32>
        %mul3A_566 = arith.constant 16 : i32
        %mul3A_567 = arith.muli %scan3A_116, %mul3A_566 : i32
        %add3A_568 = arith.constant 9 : i32
        %add3A_569 = arith.addi %mul3A_567, %add3A_568 : i32
        %get3A_570 = arith.index_cast %add3A_569 : i32 to index
        %get3A_571 = arith.constant 16 : index
        %get3A_572 = tpu.vector_load %arg10[%get3A_570, %get3A_571] {strides = array<i32>} : memref<128x128xf32, #tpu.memory_space<vmem>>, vector<1x16xf32>,
        %get3A_573 = vector.shape_cast %get3A_572 : vector<1x16xf32> to vector<16xf32>
        %mul3A_574 = arith.constant 16 : i32
        %mul3A_575 = arith.muli %scan3A_116, %mul3A_574 : i32
        %add3A_576 = arith.constant 9 : i32
        %add3A_577 = arith.addi %mul3A_575, %add3A_576 : i32
        %get3A_578 = arith.index_cast %add3A_577 : i32 to index
        %get3A_579 = arith.constant 16 : index
        %get3A_580 = tpu.vector_load %arg11[%get3A_578, %get3A_579] {strides = array<i32>} : memref<128x128xf32, #tpu.memory_space<vmem>>, vector<1x16xf32>,
        %get3A_581 = vector.shape_cast %get3A_580 : vector<1x16xf32> to vector<16xf32>
        %add3A_582 = arith.addf %get3A_573, %get3A_581 : vector<16xf32>
        %max3A_583 = arith.maximumf %max3A_565, %add3A_582 : vector<16xf32>
        %mul3A_584 = arith.constant 16 : i32
        %mul3A_585 = arith.muli %scan3A_116, %mul3A_584 : i32
        %add3A_586 = arith.constant 10 : i32
        %add3A_587 = arith.addi %mul3A_585, %add3A_586 : i32
        %get3A_588 = arith.index_cast %add3A_587 : i32 to index
        %get3A_589 = arith.constant 16 : index
        %get3A_590 = tpu.vector_load %arg10[%get3A_588, %get3A_589] {strides = array<i32>} : memref<128x128xf32, #tpu.memory_space<vmem>>, vector<1x16xf32>,
        %get3A_591 = vector.shape_cast %get3A_590 : vector<1x16xf32> to vector<16xf32>
        %mul3A_592 = arith.constant 16 : i32
        %mul3A_593 = arith.muli %scan3A_116, %mul3A_592 : i32
        %add3A_594 = arith.constant 10 : i32
        %add3A_595 = arith.addi %mul3A_593, %add3A_594 : i32
        %get3A_596 = arith.index_cast %add3A_595 : i32 to index
        %get3A_597 = arith.constant 16 : index
        %get3A_598 = tpu.vector_load %arg11[%get3A_596, %get3A_597] {strides = array<i32>} : memref<128x128xf32, #tpu.memory_space<vmem>>, vector<1x16xf32>,
        %get3A_599 = vector.shape_cast %get3A_598 : vector<1x16xf32> to vector<16xf32>
        %add3A_600 = arith.addf %get3A_591, %get3A_599 : vector<16xf32>
        %max3A_601 = arith.maximumf %max3A_583, %add3A_600 : vector<16xf32>
        %mul3A_602 = arith.constant 16 : i32
        %mul3A_603 = arith.muli %scan3A_116, %mul3A_602 : i32
        %add3A_604 = arith.constant 11 : i32
        %add3A_605 = arith.addi %mul3A_603, %add3A_604 : i32
        %get3A_606 = arith.index_cast %add3A_605 : i32 to index
        %get3A_607 = arith.constant 16 : index
        %get3A_608 = tpu.vector_load %arg10[%get3A_606, %get3A_607] {strides = array<i32>} : memref<128x128xf32, #tpu.memory_space<vmem>>, vector<1x16xf32>,
        %get3A_609 = vector.shape_cast %get3A_608 : vector<1x16xf32> to vector<16xf32>
        %mul3A_610 = arith.constant 16 : i32
        %mul3A_611 = arith.muli %scan3A_116, %mul3A_610 : i32
        %add3A_612 = arith.constant 11 : i32
        %add3A_613 = arith.addi %mul3A_611, %add3A_612 : i32
        %get3A_614 = arith.index_cast %add3A_613 : i32 to index
        %get3A_615 = arith.constant 16 : index
        %get3A_616 = tpu.vector_load %arg11[%get3A_614, %get3A_615] {strides = array<i32>} : memref<128x128xf32, #tpu.memory_space<vmem>>, vector<1x16xf32>,
        %get3A_617 = vector.shape_cast %get3A_616 : vector<1x16xf32> to vector<16xf32>
        %add3A_618 = arith.addf %get3A_609, %get3A_617 : vector<16xf32>
        %max3A_619 = arith.maximumf %max3A_601, %add3A_618 : vector<16xf32>
        %mul3A_620 = arith.constant 16 : i32
        %mul3A_621 = arith.muli %scan3A_116, %mul3A_620 : i32
        %add3A_622 = arith.constant 12 : i32
        %add3A_623 = arith.addi %mul3A_621, %add3A_622 : i32
        %get3A_624 = arith.index_cast %add3A_623 : i32 to index
        %get3A_625 = arith.constant 16 : index
        %get3A_626 = tpu.vector_load %arg10[%get3A_624, %get3A_625] {strides = array<i32>} : memref<128x128xf32, #tpu.memory_space<vmem>>, vector<1x16xf32>,
        %get3A_627 = vector.shape_cast %get3A_626 : vector<1x16xf32> to vector<16xf32>
        %mul3A_628 = arith.constant 16 : i32
        %mul3A_629 = arith.muli %scan3A_116, %mul3A_628 : i32
        %add3A_630 = arith.constant 12 : i32
        %add3A_631 = arith.addi %mul3A_629, %add3A_630 : i32
        %get3A_632 = arith.index_cast %add3A_631 : i32 to index
        %get3A_633 = arith.constant 16 : index
        %get3A_634 = tpu.vector_load %arg11[%get3A_632, %get3A_633] {strides = array<i32>} : memref<128x128xf32, #tpu.memory_space<vmem>>, vector<1x16xf32>,
        %get3A_635 = vector.shape_cast %get3A_634 : vector<1x16xf32> to vector<16xf32>
        %add3A_636 = arith.addf %get3A_627, %get3A_635 : vector<16xf32>
        %max3A_637 = arith.maximumf %max3A_619, %add3A_636 : vector<16xf32>
        %mul3A_638 = arith.constant 16 : i32
        %mul3A_639 = arith.muli %scan3A_116, %mul3A_638 : i32
        %add3A_640 = arith.constant 13 : i32
        %add3A_641 = arith.addi %mul3A_639, %add3A_640 : i32
        %get3A_642 = arith.index_cast %add3A_641 : i32 to index
        %get3A_643 = arith.constant 16 : index
        %get3A_644 = tpu.vector_load %arg10[%get3A_642, %get3A_643] {strides = array<i32>} : memref<128x128xf32, #tpu.memory_space<vmem>>, vector<1x16xf32>,
        %get3A_645 = vector.shape_cast %get3A_644 : vector<1x16xf32> to vector<16xf32>
        %mul3A_646 = arith.constant 16 : i32
        %mul3A_647 = arith.muli %scan3A_116, %mul3A_646 : i32
        %add3A_648 = arith.constant 13 : i32
        %add3A_649 = arith.addi %mul3A_647, %add3A_648 : i32
        %get3A_650 = arith.index_cast %add3A_649 : i32 to index
        %get3A_651 = arith.constant 16 : index
        %get3A_652 = tpu.vector_load %arg11[%get3A_650, %get3A_651] {strides = array<i32>} : memref<128x128xf32, #tpu.memory_space<vmem>>, vector<1x16xf32>,
        %get3A_653 = vector.shape_cast %get3A_652 : vector<1x16xf32> to vector<16xf32>
        %add3A_654 = arith.addf %get3A_645, %get3A_653 : vector<16xf32>
        %max3A_655 = arith.maximumf %max3A_637, %add3A_654 : vector<16xf32>
        %mul3A_656 = arith.constant 16 : i32
        %mul3A_657 = arith.muli %scan3A_116, %mul3A_656 : i32
        %add3A_658 = arith.constant 14 : i32
        %add3A_659 = arith.addi %mul3A_657, %add3A_658 : i32
        %get3A_660 = arith.index_cast %add3A_659 : i32 to index
        %get3A_661 = arith.constant 16 : index
        %get3A_662 = tpu.vector_load %arg10[%get3A_660, %get3A_661] {strides = array<i32>} : memref<128x128xf32, #tpu.memory_space<vmem>>, vector<1x16xf32>,
        %get3A_663 = vector.shape_cast %get3A_662 : vector<1x16xf32> to vector<16xf32>
        %mul3A_664 = arith.constant 16 : i32
        %mul3A_665 = arith.muli %scan3A_116, %mul3A_664 : i32
        %add3A_666 = arith.constant 14 : i32
        %add3A_667 = arith.addi %mul3A_665, %add3A_666 : i32
        %get3A_668 = arith.index_cast %add3A_667 : i32 to index
        %get3A_669 = arith.constant 16 : index
        %get3A_670 = tpu.vector_load %arg11[%get3A_668, %get3A_669] {strides = array<i32>} : memref<128x128xf32, #tpu.memory_space<vmem>>, vector<1x16xf32>,
        %get3A_671 = vector.shape_cast %get3A_670 : vector<1x16xf32> to vector<16xf32>
        %add3A_672 = arith.addf %get3A_663, %get3A_671 : vector<16xf32>
        %max3A_673 = arith.maximumf %max3A_655, %add3A_672 : vector<16xf32>
        %mul3A_674 = arith.constant 16 : i32
        %mul3A_675 = arith.muli %scan3A_116, %mul3A_674 : i32
        %add3A_676 = arith.constant 15 : i32
        %add3A_677 = arith.addi %mul3A_675, %add3A_676 : i32
        %get3A_678 = arith.index_cast %add3A_677 : i32 to index
        %get3A_679 = arith.constant 16 : index
        %get3A_680 = tpu.vector_load %arg10[%get3A_678, %get3A_679] {strides = array<i32>} : memref<128x128xf32, #tpu.memory_space<vmem>>, vector<1x16xf32>,
        %get3A_681 = vector.shape_cast %get3A_680 : vector<1x16xf32> to vector<16xf32>
        %mul3A_682 = arith.constant 16 : i32
        %mul3A_683 = arith.muli %scan3A_116, %mul3A_682 : i32
        %add3A_684 = arith.constant 15 : i32
        %add3A_685 = arith.addi %mul3A_683, %add3A_684 : i32
        %get3A_686 = arith.index_cast %add3A_685 : i32 to index
        %get3A_687 = arith.constant 16 : index
        %get3A_688 = tpu.vector_load %arg11[%get3A_686, %get3A_687] {strides = array<i32>} : memref<128x128xf32, #tpu.memory_space<vmem>>, vector<1x16xf32>,
        %get3A_689 = vector.shape_cast %get3A_688 : vector<1x16xf32> to vector<16xf32>
        %add3A_690 = arith.addf %get3A_681, %get3A_689 : vector<16xf32>
        %max3A_691 = arith.maximumf %max3A_673, %add3A_690 : vector<16xf32>
        %get3A_692 = arith.constant 16 : index
        %get3A_693 = tpu.vector_load %arg14[%get3A_692] {strides = array<i32>} : memref<128xf32, #tpu.memory_space<vmem>>, vector<16xf32>,
        %get3A_694 = vector.shape_cast %get3A_693 : vector<16xf32> to vector<16xf32>
        %add3A_695 = arith.addf %max3A_691, %get3A_694 : vector<16xf32>
        %max3A_696 = arith.constant 0.000000e+00 : f32
        %max3A_697 = vector.broadcast %max3A_696 : f32 to vector<16xf32>
        %max3A_698 = arith.maximumf %add3A_695, %max3A_697 : vector<16xf32>
        %swap3A_699 = arith.index_cast %scan3A_116 : i32 to index
        %swap3A_700 = arith.constant 16 : index
        %swap3A_701 = tpu.vector_load %arg15[%swap3A_699, %swap3A_700] {strides = array<i32>} : memref<8x128xf32, #tpu.memory_space<vmem>>, vector<1x16xf32>,
        %swap3A_702 = vector.shape_cast %swap3A_701 : vector<1x16xf32> to vector<16xf32>
        %swap3A_703 = vector.shape_cast %max3A_698 : vector<16xf32> to vector<1x16xf32>
        tpu.vector_store %arg15[%swap3A_699, %swap3A_700], %swap3A_703 {strides = array<i32>} : memref<8x128xf32, #tpu.memory_space<vmem>>, vector<1x16xf32>,
        %mul3A_704 = arith.constant 16 : i32
        %mul3A_705 = arith.muli %scan3A_116, %mul3A_704 : i32
        %get3A_706 = arith.index_cast %mul3A_705 : i32 to index
        %get3A_707 = arith.constant 32 : index
        %get3A_708 = tpu.vector_load %arg10[%get3A_706, %get3A_707] {strides = array<i32>} : memref<128x128xf32, #tpu.memory_space<vmem>>, vector<1x16xf32>,
        %get3A_709 = vector.shape_cast %get3A_708 : vector<1x16xf32> to vector<16xf32>
        %mul3A_710 = arith.constant 16 : i32
        %mul3A_711 = arith.muli %scan3A_116, %mul3A_710 : i32
        %get3A_712 = arith.index_cast %mul3A_711 : i32 to index
        %get3A_713 = arith.constant 32 : index
        %get3A_714 = tpu.vector_load %arg11[%get3A_712, %get3A_713] {strides = array<i32>} : memref<128x128xf32, #tpu.memory_space<vmem>>, vector<1x16xf32>,
        %get3A_715 = vector.shape_cast %get3A_714 : vector<1x16xf32> to vector<16xf32>
        %add3A_716 = arith.addf %get3A_709, %get3A_715 : vector<16xf32>
        %mul3A_717 = arith.constant 16 : i32
        %mul3A_718 = arith.muli %scan3A_116, %mul3A_717 : i32
        %add3A_719 = arith.constant 1 : i32
        %add3A_720 = arith.addi %mul3A_718, %add3A_719 : i32
        %get3A_721 = arith.index_cast %add3A_720 : i32 to index
        %get3A_722 = arith.constant 32 : index
        %get3A_723 = tpu.vector_load %arg10[%get3A_721, %get3A_722] {strides = array<i32>} : memref<128x128xf32, #tpu.memory_space<vmem>>, vector<1x16xf32>,
        %get3A_724 = vector.shape_cast %get3A_723 : vector<1x16xf32> to vector<16xf32>
        %mul3A_725 = arith.constant 16 : i32
        %mul3A_726 = arith.muli %scan3A_116, %mul3A_725 : i32
        %add3A_727 = arith.constant 1 : i32
        %add3A_728 = arith.addi %mul3A_726, %add3A_727 : i32
        %get3A_729 = arith.index_cast %add3A_728 : i32 to index
        %get3A_730 = arith.constant 32 : index
        %get3A_731 = tpu.vector_load %arg11[%get3A_729, %get3A_730] {strides = array<i32>} : memref<128x128xf32, #tpu.memory_space<vmem>>, vector<1x16xf32>,
        %get3A_732 = vector.shape_cast %get3A_731 : vector<1x16xf32> to vector<16xf32>
        %add3A_733 = arith.addf %get3A_724, %get3A_732 : vector<16xf32>
        %max3A_734 = arith.maximumf %add3A_716, %add3A_733 : vector<16xf32>
        %mul3A_735 = arith.constant 16 : i32
        %mul3A_736 = arith.muli %scan3A_116, %mul3A_735 : i32
        %add3A_737 = arith.constant 2 : i32
        %add3A_738 = arith.addi %mul3A_736, %add3A_737 : i32
        %get3A_739 = arith.index_cast %add3A_738 : i32 to index
        %get3A_740 = arith.constant 32 : index
        %get3A_741 = tpu.vector_load %arg10[%get3A_739, %get3A_740] {strides = array<i32>} : memref<128x128xf32, #tpu.memory_space<vmem>>, vector<1x16xf32>,
        %get3A_742 = vector.shape_cast %get3A_741 : vector<1x16xf32> to vector<16xf32>
        %mul3A_743 = arith.constant 16 : i32
        %mul3A_744 = arith.muli %scan3A_116, %mul3A_743 : i32
        %add3A_745 = arith.constant 2 : i32
        %add3A_746 = arith.addi %mul3A_744, %add3A_745 : i32
        %get3A_747 = arith.index_cast %add3A_746 : i32 to index
        %get3A_748 = arith.constant 32 : index
        %get3A_749 = tpu.vector_load %arg11[%get3A_747, %get3A_748] {strides = array<i32>} : memref<128x128xf32, #tpu.memory_space<vmem>>, vector<1x16xf32>,
        %get3A_750 = vector.shape_cast %get3A_749 : vector<1x16xf32> to vector<16xf32>
        %add3A_751 = arith.addf %get3A_742, %get3A_750 : vector<16xf32>
        %max3A_752 = arith.maximumf %max3A_734, %add3A_751 : vector<16xf32>
        %mul3A_753 = arith.constant 16 : i32
        %mul3A_754 = arith.muli %scan3A_116, %mul3A_753 : i32
        %add3A_755 = arith.constant 3 : i32
        %add3A_756 = arith.addi %mul3A_754, %add3A_755 : i32
        %get3A_757 = arith.index_cast %add3A_756 : i32 to index
        %get3A_758 = arith.constant 32 : index
        %get3A_759 = tpu.vector_load %arg10[%get3A_757, %get3A_758] {strides = array<i32>} : memref<128x128xf32, #tpu.memory_space<vmem>>, vector<1x16xf32>,
        %get3A_760 = vector.shape_cast %get3A_759 : vector<1x16xf32> to vector<16xf32>
        %mul3A_761 = arith.constant 16 : i32
        %mul3A_762 = arith.muli %scan3A_116, %mul3A_761 : i32
        %add3A_763 = arith.constant 3 : i32
        %add3A_764 = arith.addi %mul3A_762, %add3A_763 : i32
        %get3A_765 = arith.index_cast %add3A_764 : i32 to index
        %get3A_766 = arith.constant 32 : index
        %get3A_767 = tpu.vector_load %arg11[%get3A_765, %get3A_766] {strides = array<i32>} : memref<128x128xf32, #tpu.memory_space<vmem>>, vector<1x16xf32>,
        %get3A_768 = vector.shape_cast %get3A_767 : vector<1x16xf32> to vector<16xf32>
        %add3A_769 = arith.addf %get3A_760, %get3A_768 : vector<16xf32>
        %max3A_770 = arith.maximumf %max3A_752, %add3A_769 : vector<16xf32>
        %mul3A_771 = arith.constant 16 : i32
        %mul3A_772 = arith.muli %scan3A_116, %mul3A_771 : i32
        %add3A_773 = arith.constant 4 : i32
        %add3A_774 = arith.addi %mul3A_772, %add3A_773 : i32
        %get3A_775 = arith.index_cast %add3A_774 : i32 to index
        %get3A_776 = arith.constant 32 : index
        %get3A_777 = tpu.vector_load %arg10[%get3A_775, %get3A_776] {strides = array<i32>} : memref<128x128xf32, #tpu.memory_space<vmem>>, vector<1x16xf32>,
        %get3A_778 = vector.shape_cast %get3A_777 : vector<1x16xf32> to vector<16xf32>
        %mul3A_779 = arith.constant 16 : i32
        %mul3A_780 = arith.muli %scan3A_116, %mul3A_779 : i32
        %add3A_781 = arith.constant 4 : i32
        %add3A_782 = arith.addi %mul3A_780, %add3A_781 : i32
        %get3A_783 = arith.index_cast %add3A_782 : i32 to index
        %get3A_784 = arith.constant 32 : index
        %get3A_785 = tpu.vector_load %arg11[%get3A_783, %get3A_784] {strides = array<i32>} : memref<128x128xf32, #tpu.memory_space<vmem>>, vector<1x16xf32>,
        %get3A_786 = vector.shape_cast %get3A_785 : vector<1x16xf32> to vector<16xf32>
        %add3A_787 = arith.addf %get3A_778, %get3A_786 : vector<16xf32>
        %max3A_788 = arith.maximumf %max3A_770, %add3A_787 : vector<16xf32>
        %mul3A_789 = arith.constant 16 : i32
        %mul3A_790 = arith.muli %scan3A_116, %mul3A_789 : i32
        %add3A_791 = arith.constant 5 : i32
        %add3A_792 = arith.addi %mul3A_790, %add3A_791 : i32
        %get3A_793 = arith.index_cast %add3A_792 : i32 to index
        %get3A_794 = arith.constant 32 : index
        %get3A_795 = tpu.vector_load %arg10[%get3A_793, %get3A_794] {strides = array<i32>} : memref<128x128xf32, #tpu.memory_space<vmem>>, vector<1x16xf32>,
        %get3A_796 = vector.shape_cast %get3A_795 : vector<1x16xf32> to vector<16xf32>
        %mul3A_797 = arith.constant 16 : i32
        %mul3A_798 = arith.muli %scan3A_116, %mul3A_797 : i32
        %add3A_799 = arith.constant 5 : i32
        %add3A_800 = arith.addi %mul3A_798, %add3A_799 : i32
        %get3A_801 = arith.index_cast %add3A_800 : i32 to index
        %get3A_802 = arith.constant 32 : index
        %get3A_803 = tpu.vector_load %arg11[%get3A_801, %get3A_802] {strides = array<i32>} : memref<128x128xf32, #tpu.memory_space<vmem>>, vector<1x16xf32>,
        %get3A_804 = vector.shape_cast %get3A_803 : vector<1x16xf32> to vector<16xf32>
        %add3A_805 = arith.addf %get3A_796, %get3A_804 : vector<16xf32>
        %max3A_806 = arith.maximumf %max3A_788, %add3A_805 : vector<16xf32>
        %mul3A_807 = arith.constant 16 : i32
        %mul3A_808 = arith.muli %scan3A_116, %mul3A_807 : i32
        %add3A_809 = arith.constant 6 : i32
        %add3A_810 = arith.addi %mul3A_808, %add3A_809 : i32
        %get3A_811 = arith.index_cast %add3A_810 : i32 to index
        %get3A_812 = arith.constant 32 : index
        %get3A_813 = tpu.vector_load %arg10[%get3A_811, %get3A_812] {strides = array<i32>} : memref<128x128xf32, #tpu.memory_space<vmem>>, vector<1x16xf32>,
        %get3A_814 = vector.shape_cast %get3A_813 : vector<1x16xf32> to vector<16xf32>
        %mul3A_815 = arith.constant 16 : i32
        %mul3A_816 = arith.muli %scan3A_116, %mul3A_815 : i32
        %add3A_817 = arith.constant 6 : i32
        %add3A_818 = arith.addi %mul3A_816, %add3A_817 : i32
        %get3A_819 = arith.index_cast %add3A_818 : i32 to index
        %get3A_820 = arith.constant 32 : index
        %get3A_821 = tpu.vector_load %arg11[%get3A_819, %get3A_820] {strides = array<i32>} : memref<128x128xf32, #tpu.memory_space<vmem>>, vector<1x16xf32>,
        %get3A_822 = vector.shape_cast %get3A_821 : vector<1x16xf32> to vector<16xf32>
        %add3A_823 = arith.addf %get3A_814, %get3A_822 : vector<16xf32>
        %max3A_824 = arith.maximumf %max3A_806, %add3A_823 : vector<16xf32>
        %mul3A_825 = arith.constant 16 : i32
        %mul3A_826 = arith.muli %scan3A_116, %mul3A_825 : i32
        %add3A_827 = arith.constant 7 : i32
        %add3A_828 = arith.addi %mul3A_826, %add3A_827 : i32
        %get3A_829 = arith.index_cast %add3A_828 : i32 to index
        %get3A_830 = arith.constant 32 : index
        %get3A_831 = tpu.vector_load %arg10[%get3A_829, %get3A_830] {strides = array<i32>} : memref<128x128xf32, #tpu.memory_space<vmem>>, vector<1x16xf32>,
        %get3A_832 = vector.shape_cast %get3A_831 : vector<1x16xf32> to vector<16xf32>
        %mul3A_833 = arith.constant 16 : i32
        %mul3A_834 = arith.muli %scan3A_116, %mul3A_833 : i32
        %add3A_835 = arith.constant 7 : i32
        %add3A_836 = arith.addi %mul3A_834, %add3A_835 : i32
        %get3A_837 = arith.index_cast %add3A_836 : i32 to index
        %get3A_838 = arith.constant 32 : index
        %get3A_839 = tpu.vector_load %arg11[%get3A_837, %get3A_838] {strides = array<i32>} : memref<128x128xf32, #tpu.memory_space<vmem>>, vector<1x16xf32>,
        %get3A_840 = vector.shape_cast %get3A_839 : vector<1x16xf32> to vector<16xf32>
        %add3A_841 = arith.addf %get3A_832, %get3A_840 : vector<16xf32>
        %max3A_842 = arith.maximumf %max3A_824, %add3A_841 : vector<16xf32>
        %mul3A_843 = arith.constant 16 : i32
        %mul3A_844 = arith.muli %scan3A_116, %mul3A_843 : i32
        %add3A_845 = arith.constant 8 : i32
        %add3A_846 = arith.addi %mul3A_844, %add3A_845 : i32
        %get3A_847 = arith.index_cast %add3A_846 : i32 to index
        %get3A_848 = arith.constant 32 : index
        %get3A_849 = tpu.vector_load %arg10[%get3A_847, %get3A_848] {strides = array<i32>} : memref<128x128xf32, #tpu.memory_space<vmem>>, vector<1x16xf32>,
        %get3A_850 = vector.shape_cast %get3A_849 : vector<1x16xf32> to vector<16xf32>
        %mul3A_851 = arith.constant 16 : i32
        %mul3A_852 = arith.muli %scan3A_116, %mul3A_851 : i32
        %add3A_853 = arith.constant 8 : i32
        %add3A_854 = arith.addi %mul3A_852, %add3A_853 : i32
        %get3A_855 = arith.index_cast %add3A_854 : i32 to index
        %get3A_856 = arith.constant 32 : index
        %get3A_857 = tpu.vector_load %arg11[%get3A_855, %get3A_856] {strides = array<i32>} : memref<128x128xf32, #tpu.memory_space<vmem>>, vector<1x16xf32>,
        %get3A_858 = vector.shape_cast %get3A_857 : vector<1x16xf32> to vector<16xf32>
        %add3A_859 = arith.addf %get3A_850, %get3A_858 : vector<16xf32>
        %max3A_860 = arith.maximumf %max3A_842, %add3A_859 : vector<16xf32>
        %mul3A_861 = arith.constant 16 : i32
        %mul3A_862 = arith.muli %scan3A_116, %mul3A_861 : i32
        %add3A_863 = arith.constant 9 : i32
        %add3A_864 = arith.addi %mul3A_862, %add3A_863 : i32
        %get3A_865 = arith.index_cast %add3A_864 : i32 to index
        %get3A_866 = arith.constant 32 : index
        %get3A_867 = tpu.vector_load %arg10[%get3A_865, %get3A_866] {strides = array<i32>} : memref<128x128xf32, #tpu.memory_space<vmem>>, vector<1x16xf32>,
        %get3A_868 = vector.shape_cast %get3A_867 : vector<1x16xf32> to vector<16xf32>
        %mul3A_869 = arith.constant 16 : i32
        %mul3A_870 = arith.muli %scan3A_116, %mul3A_869 : i32
        %add3A_871 = arith.constant 9 : i32
        %add3A_872 = arith.addi %mul3A_870, %add3A_871 : i32
        %get3A_873 = arith.index_cast %add3A_872 : i32 to index
        %get3A_874 = arith.constant 32 : index
        %get3A_875 = tpu.vector_load %arg11[%get3A_873, %get3A_874] {strides = array<i32>} : memref<128x128xf32, #tpu.memory_space<vmem>>, vector<1x16xf32>,
        %get3A_876 = vector.shape_cast %get3A_875 : vector<1x16xf32> to vector<16xf32>
        %add3A_877 = arith.addf %get3A_868, %get3A_876 : vector<16xf32>
        %max3A_878 = arith.maximumf %max3A_860, %add3A_877 : vector<16xf32>
        %mul3A_879 = arith.constant 16 : i32
        %mul3A_880 = arith.muli %scan3A_116, %mul3A_879 : i32
        %add3A_881 = arith.constant 10 : i32
        %add3A_882 = arith.addi %mul3A_880, %add3A_881 : i32
        %get3A_883 = arith.index_cast %add3A_882 : i32 to index
        %get3A_884 = arith.constant 32 : index
        %get3A_885 = tpu.vector_load %arg10[%get3A_883, %get3A_884] {strides = array<i32>} : memref<128x128xf32, #tpu.memory_space<vmem>>, vector<1x16xf32>,
        %get3A_886 = vector.shape_cast %get3A_885 : vector<1x16xf32> to vector<16xf32>
        %mul3A_887 = arith.constant 16 : i32
        %mul3A_888 = arith.muli %scan3A_116, %mul3A_887 : i32
        %add3A_889 = arith.constant 10 : i32
        %add3A_890 = arith.addi %mul3A_888, %add3A_889 : i32
        %get3A_891 = arith.index_cast %add3A_890 : i32 to index
        %get3A_892 = arith.constant 32 : index
        %get3A_893 = tpu.vector_load %arg11[%get3A_891, %get3A_892] {strides = array<i32>} : memref<128x128xf32, #tpu.memory_space<vmem>>, vector<1x16xf32>,
        %get3A_894 = vector.shape_cast %get3A_893 : vector<1x16xf32> to vector<16xf32>
        %add3A_895 = arith.addf %get3A_886, %get3A_894 : vector<16xf32>
        %max3A_896 = arith.maximumf %max3A_878, %add3A_895 : vector<16xf32>
        %mul3A_897 = arith.constant 16 : i32
        %mul3A_898 = arith.muli %scan3A_116, %mul3A_897 : i32
        %add3A_899 = arith.constant 11 : i32
        %add3A_900 = arith.addi %mul3A_898, %add3A_899 : i32
        %get3A_901 = arith.index_cast %add3A_900 : i32 to index
        %get3A_902 = arith.constant 32 : index
        %get3A_903 = tpu.vector_load %arg10[%get3A_901, %get3A_902] {strides = array<i32>} : memref<128x128xf32, #tpu.memory_space<vmem>>, vector<1x16xf32>,
        %get3A_904 = vector.shape_cast %get3A_903 : vector<1x16xf32> to vector<16xf32>
        %mul3A_905 = arith.constant 16 : i32
        %mul3A_906 = arith.muli %scan3A_116, %mul3A_905 : i32
        %add3A_907 = arith.constant 11 : i32
        %add3A_908 = arith.addi %mul3A_906, %add3A_907 : i32
        %get3A_909 = arith.index_cast %add3A_908 : i32 to index
        %get3A_910 = arith.constant 32 : index
        %get3A_911 = tpu.vector_load %arg11[%get3A_909, %get3A_910] {strides = array<i32>} : memref<128x128xf32, #tpu.memory_space<vmem>>, vector<1x16xf32>,
        %get3A_912 = vector.shape_cast %get3A_911 : vector<1x16xf32> to vector<16xf32>
        %add3A_913 = arith.addf %get3A_904, %get3A_912 : vector<16xf32>
        %max3A_914 = arith.maximumf %max3A_896, %add3A_913 : vector<16xf32>
        %mul3A_915 = arith.constant 16 : i32
        %mul3A_916 = arith.muli %scan3A_116, %mul3A_915 : i32
        %add3A_917 = arith.constant 12 : i32
        %add3A_918 = arith.addi %mul3A_916, %add3A_917 : i32
        %get3A_919 = arith.index_cast %add3A_918 : i32 to index
        %get3A_920 = arith.constant 32 : index
        %get3A_921 = tpu.vector_load %arg10[%get3A_919, %get3A_920] {strides = array<i32>} : memref<128x128xf32, #tpu.memory_space<vmem>>, vector<1x16xf32>,
        %get3A_922 = vector.shape_cast %get3A_921 : vector<1x16xf32> to vector<16xf32>
        %mul3A_923 = arith.constant 16 : i32
        %mul3A_924 = arith.muli %scan3A_116, %mul3A_923 : i32
        %add3A_925 = arith.constant 12 : i32
        %add3A_926 = arith.addi %mul3A_924, %add3A_925 : i32
        %get3A_927 = arith.index_cast %add3A_926 : i32 to index
        %get3A_928 = arith.constant 32 : index
        %get3A_929 = tpu.vector_load %arg11[%get3A_927, %get3A_928] {strides = array<i32>} : memref<128x128xf32, #tpu.memory_space<vmem>>, vector<1x16xf32>,
        %get3A_930 = vector.shape_cast %get3A_929 : vector<1x16xf32> to vector<16xf32>
        %add3A_931 = arith.addf %get3A_922, %get3A_930 : vector<16xf32>
        %max3A_932 = arith.maximumf %max3A_914, %add3A_931 : vector<16xf32>
        %mul3A_933 = arith.constant 16 : i32
        %mul3A_934 = arith.muli %scan3A_116, %mul3A_933 : i32
        %add3A_935 = arith.constant 13 : i32
        %add3A_936 = arith.addi %mul3A_934, %add3A_935 : i32
        %get3A_937 = arith.index_cast %add3A_936 : i32 to index
        %get3A_938 = arith.constant 32 : index
        %get3A_939 = tpu.vector_load %arg10[%get3A_937, %get3A_938] {strides = array<i32>} : memref<128x128xf32, #tpu.memory_space<vmem>>, vector<1x16xf32>,
        %get3A_940 = vector.shape_cast %get3A_939 : vector<1x16xf32> to vector<16xf32>
        %mul3A_941 = arith.constant 16 : i32
        %mul3A_942 = arith.muli %scan3A_116, %mul3A_941 : i32
        %add3A_943 = arith.constant 13 : i32
        %add3A_944 = arith.addi %mul3A_942, %add3A_943 : i32
        %get3A_945 = arith.index_cast %add3A_944 : i32 to index
        %get3A_946 = arith.constant 32 : index
        %get3A_947 = tpu.vector_load %arg11[%get3A_945, %get3A_946] {strides = array<i32>} : memref<128x128xf32, #tpu.memory_space<vmem>>, vector<1x16xf32>,
        %get3A_948 = vector.shape_cast %get3A_947 : vector<1x16xf32> to vector<16xf32>
        %add3A_949 = arith.addf %get3A_940, %get3A_948 : vector<16xf32>
        %max3A_950 = arith.maximumf %max3A_932, %add3A_949 : vector<16xf32>
        %mul3A_951 = arith.constant 16 : i32
        %mul3A_952 = arith.muli %scan3A_116, %mul3A_951 : i32
        %add3A_953 = arith.constant 14 : i32
        %add3A_954 = arith.addi %mul3A_952, %add3A_953 : i32
        %get3A_955 = arith.index_cast %add3A_954 : i32 to index
        %get3A_956 = arith.constant 32 : index
        %get3A_957 = tpu.vector_load %arg10[%get3A_955, %get3A_956] {strides = array<i32>} : memref<128x128xf32, #tpu.memory_space<vmem>>, vector<1x16xf32>,
        %get3A_958 = vector.shape_cast %get3A_957 : vector<1x16xf32> to vector<16xf32>
        %mul3A_959 = arith.constant 16 : i32
        %mul3A_960 = arith.muli %scan3A_116, %mul3A_959 : i32
        %add3A_961 = arith.constant 14 : i32
        %add3A_962 = arith.addi %mul3A_960, %add3A_961 : i32
        %get3A_963 = arith.index_cast %add3A_962 : i32 to index
        %get3A_964 = arith.constant 32 : index
        %get3A_965 = tpu.vector_load %arg11[%get3A_963, %get3A_964] {strides = array<i32>} : memref<128x128xf32, #tpu.memory_space<vmem>>, vector<1x16xf32>,
        %get3A_966 = vector.shape_cast %get3A_965 : vector<1x16xf32> to vector<16xf32>
        %add3A_967 = arith.addf %get3A_958, %get3A_966 : vector<16xf32>
        %max3A_968 = arith.maximumf %max3A_950, %add3A_967 : vector<16xf32>
        %mul3A_969 = arith.constant 16 : i32
        %mul3A_970 = arith.muli %scan3A_116, %mul3A_969 : i32
        %add3A_971 = arith.constant 15 : i32
        %add3A_972 = arith.addi %mul3A_970, %add3A_971 : i32
        %get3A_973 = arith.index_cast %add3A_972 : i32 to index
        %get3A_974 = arith.constant 32 : index
        %get3A_975 = tpu.vector_load %arg10[%get3A_973, %get3A_974] {strides = array<i32>} : memref<128x128xf32, #tpu.memory_space<vmem>>, vector<1x16xf32>,
        %get3A_976 = vector.shape_cast %get3A_975 : vector<1x16xf32> to vector<16xf32>
        %mul3A_977 = arith.constant 16 : i32
        %mul3A_978 = arith.muli %scan3A_116, %mul3A_977 : i32
        %add3A_979 = arith.constant 15 : i32
        %add3A_980 = arith.addi %mul3A_978, %add3A_979 : i32
        %get3A_981 = arith.index_cast %add3A_980 : i32 to index
        %get3A_982 = arith.constant 32 : index
        %get3A_983 = tpu.vector_load %arg11[%get3A_981, %get3A_982] {strides = array<i32>} : memref<128x128xf32, #tpu.memory_space<vmem>>, vector<1x16xf32>,
        %get3A_984 = vector.shape_cast %get3A_983 : vector<1x16xf32> to vector<16xf32>
        %add3A_985 = arith.addf %get3A_976, %get3A_984 : vector<16xf32>
        %max3A_986 = arith.maximumf %max3A_968, %add3A_985 : vector<16xf32>
        %get3A_987 = arith.constant 32 : index
        %get3A_988 = tpu.vector_load %arg14[%get3A_987] {strides = array<i32>} : memref<128xf32, #tpu.memory_space<vmem>>, vector<16xf32>,
        %get3A_989 = vector.shape_cast %get3A_988 : vector<16xf32> to vector<16xf32>
        %add3A_990 = arith.addf %max3A_986, %get3A_989 : vector<16xf32>
        %max3A_991 = arith.constant 0.000000e+00 : f32
        %max3A_992 = vector.broadcast %max3A_991 : f32 to vector<16xf32>
        %max3A_993 = arith.maximumf %add3A_990, %max3A_992 : vector<16xf32>
        %swap3A_994 = arith.index_cast %scan3A_116 : i32 to index
        %swap3A_995 = arith.constant 32 : index
        %swap3A_996 = tpu.vector_load %arg15[%swap3A_994, %swap3A_995] {strides = array<i32>} : memref<8x128xf32, #tpu.memory_space<vmem>>, vector<1x16xf32>,
        %swap3A_997 = vector.shape_cast %swap3A_996 : vector<1x16xf32> to vector<16xf32>
        %swap3A_998 = vector.shape_cast %max3A_993 : vector<16xf32> to vector<1x16xf32>
        tpu.vector_store %arg15[%swap3A_994, %swap3A_995], %swap3A_998 {strides = array<i32>} : memref<8x128xf32, #tpu.memory_space<vmem>>, vector<1x16xf32>,
        %mul3A_999 = arith.constant 16 : i32
        %mul3A_1000 = arith.muli %scan3A_116, %mul3A_999 : i32
        %get3A_1001 = arith.index_cast %mul3A_1000 : i32 to index
        %get3A_1002 = arith.constant 48 : index
        %get3A_1003 = tpu.vector_load %arg10[%get3A_1001, %get3A_1002] {strides = array<i32>} : memref<128x128xf32, #tpu.memory_space<vmem>>, vector<1x16xf32>,
        %get3A_1004 = vector.shape_cast %get3A_1003 : vector<1x16xf32> to vector<16xf32>
        %mul3A_1005 = arith.constant 16 : i32
        %mul3A_1006 = arith.muli %scan3A_116, %mul3A_1005 : i32
        %get3A_1007 = arith.index_cast %mul3A_1006 : i32 to index
        %get3A_1008 = arith.constant 48 : index
        %get3A_1009 = tpu.vector_load %arg11[%get3A_1007, %get3A_1008] {strides = array<i32>} : memref<128x128xf32, #tpu.memory_space<vmem>>, vector<1x16xf32>,
        %get3A_1010 = vector.shape_cast %get3A_1009 : vector<1x16xf32> to vector<16xf32>
        %add3A_1011 = arith.addf %get3A_1004, %get3A_1010 : vector<16xf32>
        %mul3A_1012 = arith.constant 16 : i32
        %mul3A_1013 = arith.muli %scan3A_116, %mul3A_1012 : i32
        %add3A_1014 = arith.constant 1 : i32
        %add3A_1015 = arith.addi %mul3A_1013, %add3A_1014 : i32
        %get3A_1016 = arith.index_cast %add3A_1015 : i32 to index
        %get3A_1017 = arith.constant 48 : index
        %get3A_1018 = tpu.vector_load %arg10[%get3A_1016, %get3A_1017] {strides = array<i32>} : memref<128x128xf32, #tpu.memory_space<vmem>>, vector<1x16xf32>,
        %get3A_1019 = vector.shape_cast %get3A_1018 : vector<1x16xf32> to vector<16xf32>
        %mul3A_1020 = arith.constant 16 : i32
        %mul3A_1021 = arith.muli %scan3A_116, %mul3A_1020 : i32
        %add3A_1022 = arith.constant 1 : i32
        %add3A_1023 = arith.addi %mul3A_1021, %add3A_1022 : i32
        %get3A_1024 = arith.index_cast %add3A_1023 : i32 to index
        %get3A_1025 = arith.constant 48 : index
        %get3A_1026 = tpu.vector_load %arg11[%get3A_1024, %get3A_1025] {strides = array<i32>} : memref<128x128xf32, #tpu.memory_space<vmem>>, vector<1x16xf32>,
        %get3A_1027 = vector.shape_cast %get3A_1026 : vector<1x16xf32> to vector<16xf32>
        %add3A_1028 = arith.addf %get3A_1019, %get3A_1027 : vector<16xf32>
        %max3A_1029 = arith.maximumf %add3A_1011, %add3A_1028 : vector<16xf32>
        %mul3A_1030 = arith.constant 16 : i32
        %mul3A_1031 = arith.muli %scan3A_116, %mul3A_1030 : i32
        %add3A_1032 = arith.constant 2 : i32
        %add3A_1033 = arith.addi %mul3A_1031, %add3A_1032 : i32
        %get3A_1034 = arith.index_cast %add3A_1033 : i32 to index
        %get3A_1035 = arith.constant 48 : index
        %get3A_1036 = tpu.vector_load %arg10[%get3A_1034, %get3A_1035] {strides = array<i32>} : memref<128x128xf32, #tpu.memory_space<vmem>>, vector<1x16xf32>,
        %get3A_1037 = vector.shape_cast %get3A_1036 : vector<1x16xf32> to vector<16xf32>
        %mul3A_1038 = arith.constant 16 : i32
        %mul3A_1039 = arith.muli %scan3A_116, %mul3A_1038 : i32
        %add3A_1040 = arith.constant 2 : i32
        %add3A_1041 = arith.addi %mul3A_1039, %add3A_1040 : i32
        %get3A_1042 = arith.index_cast %add3A_1041 : i32 to index
        %get3A_1043 = arith.constant 48 : index
        %get3A_1044 = tpu.vector_load %arg11[%get3A_1042, %get3A_1043] {strides = array<i32>} : memref<128x128xf32, #tpu.memory_space<vmem>>, vector<1x16xf32>,
        %get3A_1045 = vector.shape_cast %get3A_1044 : vector<1x16xf32> to vector<16xf32>
        %add3A_1046 = arith.addf %get3A_1037, %get3A_1045 : vector<16xf32>
        %max3A_1047 = arith.maximumf %max3A_1029, %add3A_1046 : vector<16xf32>
        %mul3A_1048 = arith.constant 16 : i32
        %mul3A_1049 = arith.muli %scan3A_116, %mul3A_1048 : i32
        %add3A_1050 = arith.constant 3 : i32
        %add3A_1051 = arith.addi %mul3A_1049, %add3A_1050 : i32
        %get3A_1052 = arith.index_cast %add3A_1051 : i32 to index
        %get3A_1053 = arith.constant 48 : index
        %get3A_1054 = tpu.vector_load %arg10[%get3A_1052, %get3A_1053] {strides = array<i32>} : memref<128x128xf32, #tpu.memory_space<vmem>>, vector<1x16xf32>,
        %get3A_1055 = vector.shape_cast %get3A_1054 : vector<1x16xf32> to vector<16xf32>
        %mul3A_1056 = arith.constant 16 : i32
        %mul3A_1057 = arith.muli %scan3A_116, %mul3A_1056 : i32
        %add3A_1058 = arith.constant 3 : i32
        %add3A_1059 = arith.addi %mul3A_1057, %add3A_1058 : i32
        %get3A_1060 = arith.index_cast %add3A_1059 : i32 to index
        %get3A_1061 = arith.constant 48 : index
        %get3A_1062 = tpu.vector_load %arg11[%get3A_1060, %get3A_1061] {strides = array<i32>} : memref<128x128xf32, #tpu.memory_space<vmem>>, vector<1x16xf32>,
        %get3A_1063 = vector.shape_cast %get3A_1062 : vector<1x16xf32> to vector<16xf32>
        %add3A_1064 = arith.addf %get3A_1055, %get3A_1063 : vector<16xf32>
        %max3A_1065 = arith.maximumf %max3A_1047, %add3A_1064 : vector<16xf32>
        %mul3A_1066 = arith.constant 16 : i32
        %mul3A_1067 = arith.muli %scan3A_116, %mul3A_1066 : i32
        %add3A_1068 = arith.constant 4 : i32
        %add3A_1069 = arith.addi %mul3A_1067, %add3A_1068 : i32
        %get3A_1070 = arith.index_cast %add3A_1069 : i32 to index
        %get3A_1071 = arith.constant 48 : index
        %get3A_1072 = tpu.vector_load %arg10[%get3A_1070, %get3A_1071] {strides = array<i32>} : memref<128x128xf32, #tpu.memory_space<vmem>>, vector<1x16xf32>,
        %get3A_1073 = vector.shape_cast %get3A_1072 : vector<1x16xf32> to vector<16xf32>
        %mul3A_1074 = arith.constant 16 : i32
        %mul3A_1075 = arith.muli %scan3A_116, %mul3A_1074 : i32
        %add3A_1076 = arith.constant 4 : i32
        %add3A_1077 = arith.addi %mul3A_1075, %add3A_1076 : i32
        %get3A_1078 = arith.index_cast %add3A_1077 : i32 to index
        %get3A_1079 = arith.constant 48 : index
        %get3A_1080 = tpu.vector_load %arg11[%get3A_1078, %get3A_1079] {strides = array<i32>} : memref<128x128xf32, #tpu.memory_space<vmem>>, vector<1x16xf32>,
        %get3A_1081 = vector.shape_cast %get3A_1080 : vector<1x16xf32> to vector<16xf32>
        %add3A_1082 = arith.addf %get3A_1073, %get3A_1081 : vector<16xf32>
        %max3A_1083 = arith.maximumf %max3A_1065, %add3A_1082 : vector<16xf32>
        %mul3A_1084 = arith.constant 16 : i32
        %mul3A_1085 = arith.muli %scan3A_116, %mul3A_1084 : i32
        %add3A_1086 = arith.constant 5 : i32
        %add3A_1087 = arith.addi %mul3A_1085, %add3A_1086 : i32
        %get3A_1088 = arith.index_cast %add3A_1087 : i32 to index
        %get3A_1089 = arith.constant 48 : index
        %get3A_1090 = tpu.vector_load %arg10[%get3A_1088, %get3A_1089] {strides = array<i32>} : memref<128x128xf32, #tpu.memory_space<vmem>>, vector<1x16xf32>,
        %get3A_1091 = vector.shape_cast %get3A_1090 : vector<1x16xf32> to vector<16xf32>
        %mul3A_1092 = arith.constant 16 : i32
        %mul3A_1093 = arith.muli %scan3A_116, %mul3A_1092 : i32
        %add3A_1094 = arith.constant 5 : i32
        %add3A_1095 = arith.addi %mul3A_1093, %add3A_1094 : i32
        %get3A_1096 = arith.index_cast %add3A_1095 : i32 to index
        %get3A_1097 = arith.constant 48 : index
        %get3A_1098 = tpu.vector_load %arg11[%get3A_1096, %get3A_1097] {strides = array<i32>} : memref<128x128xf32, #tpu.memory_space<vmem>>, vector<1x16xf32>,
        %get3A_1099 = vector.shape_cast %get3A_1098 : vector<1x16xf32> to vector<16xf32>
        %add3A_1100 = arith.addf %get3A_1091, %get3A_1099 : vector<16xf32>
        %max3A_1101 = arith.maximumf %max3A_1083, %add3A_1100 : vector<16xf32>
        %mul3A_1102 = arith.constant 16 : i32
        %mul3A_1103 = arith.muli %scan3A_116, %mul3A_1102 : i32
        %add3A_1104 = arith.constant 6 : i32
        %add3A_1105 = arith.addi %mul3A_1103, %add3A_1104 : i32
        %get3A_1106 = arith.index_cast %add3A_1105 : i32 to index
        %get3A_1107 = arith.constant 48 : index
        %get3A_1108 = tpu.vector_load %arg10[%get3A_1106, %get3A_1107] {strides = array<i32>} : memref<128x128xf32, #tpu.memory_space<vmem>>, vector<1x16xf32>,
        %get3A_1109 = vector.shape_cast %get3A_1108 : vector<1x16xf32> to vector<16xf32>
        %mul3A_1110 = arith.constant 16 : i32
        %mul3A_1111 = arith.muli %scan3A_116, %mul3A_1110 : i32
        %add3A_1112 = arith.constant 6 : i32
        %add3A_1113 = arith.addi %mul3A_1111, %add3A_1112 : i32
        %get3A_1114 = arith.index_cast %add3A_1113 : i32 to index
        %get3A_1115 = arith.constant 48 : index
        %get3A_1116 = tpu.vector_load %arg11[%get3A_1114, %get3A_1115] {strides = array<i32>} : memref<128x128xf32, #tpu.memory_space<vmem>>, vector<1x16xf32>,
        %get3A_1117 = vector.shape_cast %get3A_1116 : vector<1x16xf32> to vector<16xf32>
        %add3A_1118 = arith.addf %get3A_1109, %get3A_1117 : vector<16xf32>
        %max3A_1119 = arith.maximumf %max3A_1101, %add3A_1118 : vector<16xf32>
        %mul3A_1120 = arith.constant 16 : i32
        %mul3A_1121 = arith.muli %scan3A_116, %mul3A_1120 : i32
        %add3A_1122 = arith.constant 7 : i32
        %add3A_1123 = arith.addi %mul3A_1121, %add3A_1122 : i32
        %get3A_1124 = arith.index_cast %add3A_1123 : i32 to index
        %get3A_1125 = arith.constant 48 : index
        %get3A_1126 = tpu.vector_load %arg10[%get3A_1124, %get3A_1125] {strides = array<i32>} : memref<128x128xf32, #tpu.memory_space<vmem>>, vector<1x16xf32>,
        %get3A_1127 = vector.shape_cast %get3A_1126 : vector<1x16xf32> to vector<16xf32>
        %mul3A_1128 = arith.constant 16 : i32
        %mul3A_1129 = arith.muli %scan3A_116, %mul3A_1128 : i32
        %add3A_1130 = arith.constant 7 : i32
        %add3A_1131 = arith.addi %mul3A_1129, %add3A_1130 : i32
        %get3A_1132 = arith.index_cast %add3A_1131 : i32 to index
        %get3A_1133 = arith.constant 48 : index
        %get3A_1134 = tpu.vector_load %arg11[%get3A_1132, %get3A_1133] {strides = array<i32>} : memref<128x128xf32, #tpu.memory_space<vmem>>, vector<1x16xf32>,
        %get3A_1135 = vector.shape_cast %get3A_1134 : vector<1x16xf32> to vector<16xf32>
        %add3A_1136 = arith.addf %get3A_1127, %get3A_1135 : vector<16xf32>
        %max3A_1137 = arith.maximumf %max3A_1119, %add3A_1136 : vector<16xf32>
        %mul3A_1138 = arith.constant 16 : i32
        %mul3A_1139 = arith.muli %scan3A_116, %mul3A_1138 : i32
        %add3A_1140 = arith.constant 8 : i32
        %add3A_1141 = arith.addi %mul3A_1139, %add3A_1140 : i32
        %get3A_1142 = arith.index_cast %add3A_1141 : i32 to index
        %get3A_1143 = arith.constant 48 : index
        %get3A_1144 = tpu.vector_load %arg10[%get3A_1142, %get3A_1143] {strides = array<i32>} : memref<128x128xf32, #tpu.memory_space<vmem>>, vector<1x16xf32>,
        %get3A_1145 = vector.shape_cast %get3A_1144 : vector<1x16xf32> to vector<16xf32>
        %mul3A_1146 = arith.constant 16 : i32
        %mul3A_1147 = arith.muli %scan3A_116, %mul3A_1146 : i32
        %add3A_1148 = arith.constant 8 : i32
        %add3A_1149 = arith.addi %mul3A_1147, %add3A_1148 : i32
        %get3A_1150 = arith.index_cast %add3A_1149 : i32 to index
        %get3A_1151 = arith.constant 48 : index
        %get3A_1152 = tpu.vector_load %arg11[%get3A_1150, %get3A_1151] {strides = array<i32>} : memref<128x128xf32, #tpu.memory_space<vmem>>, vector<1x16xf32>,
        %get3A_1153 = vector.shape_cast %get3A_1152 : vector<1x16xf32> to vector<16xf32>
        %add3A_1154 = arith.addf %get3A_1145, %get3A_1153 : vector<16xf32>
        %max3A_1155 = arith.maximumf %max3A_1137, %add3A_1154 : vector<16xf32>
        %mul3A_1156 = arith.constant 16 : i32
        %mul3A_1157 = arith.muli %scan3A_116, %mul3A_1156 : i32
        %add3A_1158 = arith.constant 9 : i32
        %add3A_1159 = arith.addi %mul3A_1157, %add3A_1158 : i32
        %get3A_1160 = arith.index_cast %add3A_1159 : i32 to index
        %get3A_1161 = arith.constant 48 : index
        %get3A_1162 = tpu.vector_load %arg10[%get3A_1160, %get3A_1161] {strides = array<i32>} : memref<128x128xf32, #tpu.memory_space<vmem>>, vector<1x16xf32>,
        %get3A_1163 = vector.shape_cast %get3A_1162 : vector<1x16xf32> to vector<16xf32>
        %mul3A_1164 = arith.constant 16 : i32
        %mul3A_1165 = arith.muli %scan3A_116, %mul3A_1164 : i32
        %add3A_1166 = arith.constant 9 : i32
        %add3A_1167 = arith.addi %mul3A_1165, %add3A_1166 : i32
        %get3A_1168 = arith.index_cast %add3A_1167 : i32 to index
        %get3A_1169 = arith.constant 48 : index
        %get3A_1170 = tpu.vector_load %arg11[%get3A_1168, %get3A_1169] {strides = array<i32>} : memref<128x128xf32, #tpu.memory_space<vmem>>, vector<1x16xf32>,
        %get3A_1171 = vector.shape_cast %get3A_1170 : vector<1x16xf32> to vector<16xf32>
        %add3A_1172 = arith.addf %get3A_1163, %get3A_1171 : vector<16xf32>
        %max3A_1173 = arith.maximumf %max3A_1155, %add3A_1172 : vector<16xf32>
        %mul3A_1174 = arith.constant 16 : i32
        %mul3A_1175 = arith.muli %scan3A_116, %mul3A_1174 : i32
        %add3A_1176 = arith.constant 10 : i32
        %add3A_1177 = arith.addi %mul3A_1175, %add3A_1176 : i32
        %get3A_1178 = arith.index_cast %add3A_1177 : i32 to index
        %get3A_1179 = arith.constant 48 : index
        %get3A_1180 = tpu.vector_load %arg10[%get3A_1178, %get3A_1179] {strides = array<i32>} : memref<128x128xf32, #tpu.memory_space<vmem>>, vector<1x16xf32>,
        %get3A_1181 = vector.shape_cast %get3A_1180 : vector<1x16xf32> to vector<16xf32>
        %mul3A_1182 = arith.constant 16 : i32
        %mul3A_1183 = arith.muli %scan3A_116, %mul3A_1182 : i32
        %add3A_1184 = arith.constant 10 : i32
        %add3A_1185 = arith.addi %mul3A_1183, %add3A_1184 : i32
        %get3A_1186 = arith.index_cast %add3A_1185 : i32 to index
        %get3A_1187 = arith.constant 48 : index
        %get3A_1188 = tpu.vector_load %arg11[%get3A_1186, %get3A_1187] {strides = array<i32>} : memref<128x128xf32, #tpu.memory_space<vmem>>, vector<1x16xf32>,
        %get3A_1189 = vector.shape_cast %get3A_1188 : vector<1x16xf32> to vector<16xf32>
        %add3A_1190 = arith.addf %get3A_1181, %get3A_1189 : vector<16xf32>
        %max3A_1191 = arith.maximumf %max3A_1173, %add3A_1190 : vector<16xf32>
        %mul3A_1192 = arith.constant 16 : i32
        %mul3A_1193 = arith.muli %scan3A_116, %mul3A_1192 : i32
        %add3A_1194 = arith.constant 11 : i32
        %add3A_1195 = arith.addi %mul3A_1193, %add3A_1194 : i32
        %get3A_1196 = arith.index_cast %add3A_1195 : i32 to index
        %get3A_1197 = arith.constant 48 : index
        %get3A_1198 = tpu.vector_load %arg10[%get3A_1196, %get3A_1197] {strides = array<i32>} : memref<128x128xf32, #tpu.memory_space<vmem>>, vector<1x16xf32>,
        %get3A_1199 = vector.shape_cast %get3A_1198 : vector<1x16xf32> to vector<16xf32>
        %mul3A_1200 = arith.constant 16 : i32
        %mul3A_1201 = arith.muli %scan3A_116, %mul3A_1200 : i32
        %add3A_1202 = arith.constant 11 : i32
        %add3A_1203 = arith.addi %mul3A_1201, %add3A_1202 : i32
        %get3A_1204 = arith.index_cast %add3A_1203 : i32 to index
        %get3A_1205 = arith.constant 48 : index
        %get3A_1206 = tpu.vector_load %arg11[%get3A_1204, %get3A_1205] {strides = array<i32>} : memref<128x128xf32, #tpu.memory_space<vmem>>, vector<1x16xf32>,
        %get3A_1207 = vector.shape_cast %get3A_1206 : vector<1x16xf32> to vector<16xf32>
        %add3A_1208 = arith.addf %get3A_1199, %get3A_1207 : vector<16xf32>
        %max3A_1209 = arith.maximumf %max3A_1191, %add3A_1208 : vector<16xf32>
        %mul3A_1210 = arith.constant 16 : i32
        %mul3A_1211 = arith.muli %scan3A_116, %mul3A_1210 : i32
        %add3A_1212 = arith.constant 12 : i32
        %add3A_1213 = arith.addi %mul3A_1211, %add3A_1212 : i32
        %get3A_1214 = arith.index_cast %add3A_1213 : i32 to index
        %get3A_1215 = arith.constant 48 : index
        %get3A_1216 = tpu.vector_load %arg10[%get3A_1214, %get3A_1215] {strides = array<i32>} : memref<128x128xf32, #tpu.memory_space<vmem>>, vector<1x16xf32>,
        %get3A_1217 = vector.shape_cast %get3A_1216 : vector<1x16xf32> to vector<16xf32>
        %mul3A_1218 = arith.constant 16 : i32
        %mul3A_1219 = arith.muli %scan3A_116, %mul3A_1218 : i32
        %add3A_1220 = arith.constant 12 : i32
        %add3A_1221 = arith.addi %mul3A_1219, %add3A_1220 : i32
        %get3A_1222 = arith.index_cast %add3A_1221 : i32 to index
        %get3A_1223 = arith.constant 48 : index
        %get3A_1224 = tpu.vector_load %arg11[%get3A_1222, %get3A_1223] {strides = array<i32>} : memref<128x128xf32, #tpu.memory_space<vmem>>, vector<1x16xf32>,
        %get3A_1225 = vector.shape_cast %get3A_1224 : vector<1x16xf32> to vector<16xf32>
        %add3A_1226 = arith.addf %get3A_1217, %get3A_1225 : vector<16xf32>
        %max3A_1227 = arith.maximumf %max3A_1209, %add3A_1226 : vector<16xf32>
        %mul3A_1228 = arith.constant 16 : i32
        %mul3A_1229 = arith.muli %scan3A_116, %mul3A_1228 : i32
        %add3A_1230 = arith.constant 13 : i32
        %add3A_1231 = arith.addi %mul3A_1229, %add3A_1230 : i32
        %get3A_1232 = arith.index_cast %add3A_1231 : i32 to index
        %get3A_1233 = arith.constant 48 : index
        %get3A_1234 = tpu.vector_load %arg10[%get3A_1232, %get3A_1233] {strides = array<i32>} : memref<128x128xf32, #tpu.memory_space<vmem>>, vector<1x16xf32>,
        %get3A_1235 = vector.shape_cast %get3A_1234 : vector<1x16xf32> to vector<16xf32>
        %mul3A_1236 = arith.constant 16 : i32
        %mul3A_1237 = arith.muli %scan3A_116, %mul3A_1236 : i32
        %add3A_1238 = arith.constant 13 : i32
        %add3A_1239 = arith.addi %mul3A_1237, %add3A_1238 : i32
        %get3A_1240 = arith.index_cast %add3A_1239 : i32 to index
        %get3A_1241 = arith.constant 48 : index
        %get3A_1242 = tpu.vector_load %arg11[%get3A_1240, %get3A_1241] {strides = array<i32>} : memref<128x128xf32, #tpu.memory_space<vmem>>, vector<1x16xf32>,
        %get3A_1243 = vector.shape_cast %get3A_1242 : vector<1x16xf32> to vector<16xf32>
        %add3A_1244 = arith.addf %get3A_1235, %get3A_1243 : vector<16xf32>
        %max3A_1245 = arith.maximumf %max3A_1227, %add3A_1244 : vector<16xf32>
        %mul3A_1246 = arith.constant 16 : i32
        %mul3A_1247 = arith.muli %scan3A_116, %mul3A_1246 : i32
        %add3A_1248 = arith.constant 14 : i32
        %add3A_1249 = arith.addi %mul3A_1247, %add3A_1248 : i32
        %get3A_1250 = arith.index_cast %add3A_1249 : i32 to index
        %get3A_1251 = arith.constant 48 : index
        %get3A_1252 = tpu.vector_load %arg10[%get3A_1250, %get3A_1251] {strides = array<i32>} : memref<128x128xf32, #tpu.memory_space<vmem>>, vector<1x16xf32>,
        %get3A_1253 = vector.shape_cast %get3A_1252 : vector<1x16xf32> to vector<16xf32>
        %mul3A_1254 = arith.constant 16 : i32
        %mul3A_1255 = arith.muli %scan3A_116, %mul3A_1254 : i32
        %add3A_1256 = arith.constant 14 : i32
        %add3A_1257 = arith.addi %mul3A_1255, %add3A_1256 : i32
        %get3A_1258 = arith.index_cast %add3A_1257 : i32 to index
        %get3A_1259 = arith.constant 48 : index
        %get3A_1260 = tpu.vector_load %arg11[%get3A_1258, %get3A_1259] {strides = array<i32>} : memref<128x128xf32, #tpu.memory_space<vmem>>, vector<1x16xf32>,
        %get3A_1261 = vector.shape_cast %get3A_1260 : vector<1x16xf32> to vector<16xf32>
        %add3A_1262 = arith.addf %get3A_1253, %get3A_1261 : vector<16xf32>
        %max3A_1263 = arith.maximumf %max3A_1245, %add3A_1262 : vector<16xf32>
        %mul3A_1264 = arith.constant 16 : i32
        %mul3A_1265 = arith.muli %scan3A_116, %mul3A_1264 : i32
        %add3A_1266 = arith.constant 15 : i32
        %add3A_1267 = arith.addi %mul3A_1265, %add3A_1266 : i32
        %get3A_1268 = arith.index_cast %add3A_1267 : i32 to index
        %get3A_1269 = arith.constant 48 : index
        %get3A_1270 = tpu.vector_load %arg10[%get3A_1268, %get3A_1269] {strides = array<i32>} : memref<128x128xf32, #tpu.memory_space<vmem>>, vector<1x16xf32>,
        %get3A_1271 = vector.shape_cast %get3A_1270 : vector<1x16xf32> to vector<16xf32>
        %mul3A_1272 = arith.constant 16 : i32
        %mul3A_1273 = arith.muli %scan3A_116, %mul3A_1272 : i32
        %add3A_1274 = arith.constant 15 : i32
        %add3A_1275 = arith.addi %mul3A_1273, %add3A_1274 : i32
        %get3A_1276 = arith.index_cast %add3A_1275 : i32 to index
        %get3A_1277 = arith.constant 48 : index
        %get3A_1278 = tpu.vector_load %arg11[%get3A_1276, %get3A_1277] {strides = array<i32>} : memref<128x128xf32, #tpu.memory_space<vmem>>, vector<1x16xf32>,
        %get3A_1279 = vector.shape_cast %get3A_1278 : vector<1x16xf32> to vector<16xf32>
        %add3A_1280 = arith.addf %get3A_1271, %get3A_1279 : vector<16xf32>
        %max3A_1281 = arith.maximumf %max3A_1263, %add3A_1280 : vector<16xf32>
        %get3A_1282 = arith.constant 48 : index
        %get3A_1283 = tpu.vector_load %arg14[%get3A_1282] {strides = array<i32>} : memref<128xf32, #tpu.memory_space<vmem>>, vector<16xf32>,
        %get3A_1284 = vector.shape_cast %get3A_1283 : vector<16xf32> to vector<16xf32>
        %add3A_1285 = arith.addf %max3A_1281, %get3A_1284 : vector<16xf32>
        %max3A_1286 = arith.constant 0.000000e+00 : f32
        %max3A_1287 = vector.broadcast %max3A_1286 : f32 to vector<16xf32>
        %max3A_1288 = arith.maximumf %add3A_1285, %max3A_1287 : vector<16xf32>
        %swap3A_1289 = arith.index_cast %scan3A_116 : i32 to index
        %swap3A_1290 = arith.constant 48 : index
        %swap3A_1291 = tpu.vector_load %arg15[%swap3A_1289, %swap3A_1290] {strides = array<i32>} : memref<8x128xf32, #tpu.memory_space<vmem>>, vector<1x16xf32>,
        %swap3A_1292 = vector.shape_cast %swap3A_1291 : vector<1x16xf32> to vector<16xf32>
        %swap3A_1293 = vector.shape_cast %max3A_1288 : vector<16xf32> to vector<1x16xf32>
        tpu.vector_store %arg15[%swap3A_1289, %swap3A_1290], %swap3A_1293 {strides = array<i32>} : memref<8x128xf32, #tpu.memory_space<vmem>>, vector<1x16xf32>,
        %mul3A_1294 = arith.constant 16 : i32
        %mul3A_1295 = arith.muli %scan3A_116, %mul3A_1294 : i32
        %get3A_1296 = arith.index_cast %mul3A_1295 : i32 to index
        %get3A_1297 = arith.constant 64 : index
        %get3A_1298 = tpu.vector_load %arg10[%get3A_1296, %get3A_1297] {strides = array<i32>} : memref<128x128xf32, #tpu.memory_space<vmem>>, vector<1x16xf32>,
        %get3A_1299 = vector.shape_cast %get3A_1298 : vector<1x16xf32> to vector<16xf32>
        %mul3A_1300 = arith.constant 16 : i32
        %mul3A_1301 = arith.muli %scan3A_116, %mul3A_1300 : i32
        %get3A_1302 = arith.index_cast %mul3A_1301 : i32 to index
        %get3A_1303 = arith.constant 64 : index
        %get3A_1304 = tpu.vector_load %arg11[%get3A_1302, %get3A_1303] {strides = array<i32>} : memref<128x128xf32, #tpu.memory_space<vmem>>, vector<1x16xf32>,
        %get3A_1305 = vector.shape_cast %get3A_1304 : vector<1x16xf32> to vector<16xf32>
        %add3A_1306 = arith.addf %get3A_1299, %get3A_1305 : vector<16xf32>
        %mul3A_1307 = arith.constant 16 : i32
        %mul3A_1308 = arith.muli %scan3A_116, %mul3A_1307 : i32
        %add3A_1309 = arith.constant 1 : i32
        %add3A_1310 = arith.addi %mul3A_1308, %add3A_1309 : i32
        %get3A_1311 = arith.index_cast %add3A_1310 : i32 to index
        %get3A_1312 = arith.constant 64 : index
        %get3A_1313 = tpu.vector_load %arg10[%get3A_1311, %get3A_1312] {strides = array<i32>} : memref<128x128xf32, #tpu.memory_space<vmem>>, vector<1x16xf32>,
        %get3A_1314 = vector.shape_cast %get3A_1313 : vector<1x16xf32> to vector<16xf32>
        %mul3A_1315 = arith.constant 16 : i32
        %mul3A_1316 = arith.muli %scan3A_116, %mul3A_1315 : i32
        %add3A_1317 = arith.constant 1 : i32
        %add3A_1318 = arith.addi %mul3A_1316, %add3A_1317 : i32
        %get3A_1319 = arith.index_cast %add3A_1318 : i32 to index
        %get3A_1320 = arith.constant 64 : index
        %get3A_1321 = tpu.vector_load %arg11[%get3A_1319, %get3A_1320] {strides = array<i32>} : memref<128x128xf32, #tpu.memory_space<vmem>>, vector<1x16xf32>,
        %get3A_1322 = vector.shape_cast %get3A_1321 : vector<1x16xf32> to vector<16xf32>
        %add3A_1323 = arith.addf %get3A_1314, %get3A_1322 : vector<16xf32>
        %max3A_1324 = arith.maximumf %add3A_1306, %add3A_1323 : vector<16xf32>
        %mul3A_1325 = arith.constant 16 : i32
        %mul3A_1326 = arith.muli %scan3A_116, %mul3A_1325 : i32
        %add3A_1327 = arith.constant 2 : i32
        %add3A_1328 = arith.addi %mul3A_1326, %add3A_1327 : i32
        %get3A_1329 = arith.index_cast %add3A_1328 : i32 to index
        %get3A_1330 = arith.constant 64 : index
        %get3A_1331 = tpu.vector_load %arg10[%get3A_1329, %get3A_1330] {strides = array<i32>} : memref<128x128xf32, #tpu.memory_space<vmem>>, vector<1x16xf32>,
        %get3A_1332 = vector.shape_cast %get3A_1331 : vector<1x16xf32> to vector<16xf32>
        %mul3A_1333 = arith.constant 16 : i32
        %mul3A_1334 = arith.muli %scan3A_116, %mul3A_1333 : i32
        %add3A_1335 = arith.constant 2 : i32
        %add3A_1336 = arith.addi %mul3A_1334, %add3A_1335 : i32
        %get3A_1337 = arith.index_cast %add3A_1336 : i32 to index
        %get3A_1338 = arith.constant 64 : index
        %get3A_1339 = tpu.vector_load %arg11[%get3A_1337, %get3A_1338] {strides = array<i32>} : memref<128x128xf32, #tpu.memory_space<vmem>>, vector<1x16xf32>,
        %get3A_1340 = vector.shape_cast %get3A_1339 : vector<1x16xf32> to vector<16xf32>
        %add3A_1341 = arith.addf %get3A_1332, %get3A_1340 : vector<16xf32>
        %max3A_1342 = arith.maximumf %max3A_1324, %add3A_1341 : vector<16xf32>
        %mul3A_1343 = arith.constant 16 : i32
        %mul3A_1344 = arith.muli %scan3A_116, %mul3A_1343 : i32
        %add3A_1345 = arith.constant 3 : i32
        %add3A_1346 = arith.addi %mul3A_1344, %add3A_1345 : i32
        %get3A_1347 = arith.index_cast %add3A_1346 : i32 to index
        %get3A_1348 = arith.constant 64 : index
        %get3A_1349 = tpu.vector_load %arg10[%get3A_1347, %get3A_1348] {strides = array<i32>} : memref<128x128xf32, #tpu.memory_space<vmem>>, vector<1x16xf32>,
        %get3A_1350 = vector.shape_cast %get3A_1349 : vector<1x16xf32> to vector<16xf32>
        %mul3A_1351 = arith.constant 16 : i32
        %mul3A_1352 = arith.muli %scan3A_116, %mul3A_1351 : i32
        %add3A_1353 = arith.constant 3 : i32
        %add3A_1354 = arith.addi %mul3A_1352, %add3A_1353 : i32
        %get3A_1355 = arith.index_cast %add3A_1354 : i32 to index
        %get3A_1356 = arith.constant 64 : index
        %get3A_1357 = tpu.vector_load %arg11[%get3A_1355, %get3A_1356] {strides = array<i32>} : memref<128x128xf32, #tpu.memory_space<vmem>>, vector<1x16xf32>,
        %get3A_1358 = vector.shape_cast %get3A_1357 : vector<1x16xf32> to vector<16xf32>
        %add3A_1359 = arith.addf %get3A_1350, %get3A_1358 : vector<16xf32>
        %max3A_1360 = arith.maximumf %max3A_1342, %add3A_1359 : vector<16xf32>
        %mul3A_1361 = arith.constant 16 : i32
        %mul3A_1362 = arith.muli %scan3A_116, %mul3A_1361 : i32
        %add3A_1363 = arith.constant 4 : i32
        %add3A_1364 = arith.addi %mul3A_1362, %add3A_1363 : i32
        %get3A_1365 = arith.index_cast %add3A_1364 : i32 to index
        %get3A_1366 = arith.constant 64 : index
        %get3A_1367 = tpu.vector_load %arg10[%get3A_1365, %get3A_1366] {strides = array<i32>} : memref<128x128xf32, #tpu.memory_space<vmem>>, vector<1x16xf32>,
        %get3A_1368 = vector.shape_cast %get3A_1367 : vector<1x16xf32> to vector<16xf32>
        %mul3A_1369 = arith.constant 16 : i32
        %mul3A_1370 = arith.muli %scan3A_116, %mul3A_1369 : i32
        %add3A_1371 = arith.constant 4 : i32
        %add3A_1372 = arith.addi %mul3A_1370, %add3A_1371 : i32
        %get3A_1373 = arith.index_cast %add3A_1372 : i32 to index
        %get3A_1374 = arith.constant 64 : index
        %get3A_1375 = tpu.vector_load %arg11[%get3A_1373, %get3A_1374] {strides = array<i32>} : memref<128x128xf32, #tpu.memory_space<vmem>>, vector<1x16xf32>,
        %get3A_1376 = vector.shape_cast %get3A_1375 : vector<1x16xf32> to vector<16xf32>
        %add3A_1377 = arith.addf %get3A_1368, %get3A_1376 : vector<16xf32>
        %max3A_1378 = arith.maximumf %max3A_1360, %add3A_1377 : vector<16xf32>
        %mul3A_1379 = arith.constant 16 : i32
        %mul3A_1380 = arith.muli %scan3A_116, %mul3A_1379 : i32
        %add3A_1381 = arith.constant 5 : i32
        %add3A_1382 = arith.addi %mul3A_1380, %add3A_1381 : i32
        %get3A_1383 = arith.index_cast %add3A_1382 : i32 to index
        %get3A_1384 = arith.constant 64 : index
        %get3A_1385 = tpu.vector_load %arg10[%get3A_1383, %get3A_1384] {strides = array<i32>} : memref<128x128xf32, #tpu.memory_space<vmem>>, vector<1x16xf32>,
        %get3A_1386 = vector.shape_cast %get3A_1385 : vector<1x16xf32> to vector<16xf32>
        %mul3A_1387 = arith.constant 16 : i32
        %mul3A_1388 = arith.muli %scan3A_116, %mul3A_1387 : i32
        %add3A_1389 = arith.constant 5 : i32
        %add3A_1390 = arith.addi %mul3A_1388, %add3A_1389 : i32
        %get3A_1391 = arith.index_cast %add3A_1390 : i32 to index
        %get3A_1392 = arith.constant 64 : index
        %get3A_1393 = tpu.vector_load %arg11[%get3A_1391, %get3A_1392] {strides = array<i32>} : memref<128x128xf32, #tpu.memory_space<vmem>>, vector<1x16xf32>,
        %get3A_1394 = vector.shape_cast %get3A_1393 : vector<1x16xf32> to vector<16xf32>
        %add3A_1395 = arith.addf %get3A_1386, %get3A_1394 : vector<16xf32>
        %max3A_1396 = arith.maximumf %max3A_1378, %add3A_1395 : vector<16xf32>
        %mul3A_1397 = arith.constant 16 : i32
        %mul3A_1398 = arith.muli %scan3A_116, %mul3A_1397 : i32
        %add3A_1399 = arith.constant 6 : i32
        %add3A_1400 = arith.addi %mul3A_1398, %add3A_1399 : i32
        %get3A_1401 = arith.index_cast %add3A_1400 : i32 to index
        %get3A_1402 = arith.constant 64 : index
        %get3A_1403 = tpu.vector_load %arg10[%get3A_1401, %get3A_1402] {strides = array<i32>} : memref<128x128xf32, #tpu.memory_space<vmem>>, vector<1x16xf32>,
        %get3A_1404 = vector.shape_cast %get3A_1403 : vector<1x16xf32> to vector<16xf32>
        %mul3A_1405 = arith.constant 16 : i32
        %mul3A_1406 = arith.muli %scan3A_116, %mul3A_1405 : i32
        %add3A_1407 = arith.constant 6 : i32
        %add3A_1408 = arith.addi %mul3A_1406, %add3A_1407 : i32
        %get3A_1409 = arith.index_cast %add3A_1408 : i32 to index
        %get3A_1410 = arith.constant 64 : index
        %get3A_1411 = tpu.vector_load %arg11[%get3A_1409, %get3A_1410] {strides = array<i32>} : memref<128x128xf32, #tpu.memory_space<vmem>>, vector<1x16xf32>,
        %get3A_1412 = vector.shape_cast %get3A_1411 : vector<1x16xf32> to vector<16xf32>
        %add3A_1413 = arith.addf %get3A_1404, %get3A_1412 : vector<16xf32>
        %max3A_1414 = arith.maximumf %max3A_1396, %add3A_1413 : vector<16xf32>
        %mul3A_1415 = arith.constant 16 : i32
        %mul3A_1416 = arith.muli %scan3A_116, %mul3A_1415 : i32
        %add3A_1417 = arith.constant 7 : i32
        %add3A_1418 = arith.addi %mul3A_1416, %add3A_1417 : i32
        %get3A_1419 = arith.index_cast %add3A_1418 : i32 to index
        %get3A_1420 = arith.constant 64 : index
        %get3A_1421 = tpu.vector_load %arg10[%get3A_1419, %get3A_1420] {strides = array<i32>} : memref<128x128xf32, #tpu.memory_space<vmem>>, vector<1x16xf32>,
        %get3A_1422 = vector.shape_cast %get3A_1421 : vector<1x16xf32> to vector<16xf32>
        %mul3A_1423 = arith.constant 16 : i32
        %mul3A_1424 = arith.muli %scan3A_116, %mul3A_1423 : i32
        %add3A_1425 = arith.constant 7 : i32
        %add3A_1426 = arith.addi %mul3A_1424, %add3A_1425 : i32
        %get3A_1427 = arith.index_cast %add3A_1426 : i32 to index
        %get3A_1428 = arith.constant 64 : index
        %get3A_1429 = tpu.vector_load %arg11[%get3A_1427, %get3A_1428] {strides = array<i32>} : memref<128x128xf32, #tpu.memory_space<vmem>>, vector<1x16xf32>,
        %get3A_1430 = vector.shape_cast %get3A_1429 : vector<1x16xf32> to vector<16xf32>
        %add3A_1431 = arith.addf %get3A_1422, %get3A_1430 : vector<16xf32>
        %max3A_1432 = arith.maximumf %max3A_1414, %add3A_1431 : vector<16xf32>
        %mul3A_1433 = arith.constant 16 : i32
        %mul3A_1434 = arith.muli %scan3A_116, %mul3A_1433 : i32
        %add3A_1435 = arith.constant 8 : i32
        %add3A_1436 = arith.addi %mul3A_1434, %add3A_1435 : i32
        %get3A_1437 = arith.index_cast %add3A_1436 : i32 to index
        %get3A_1438 = arith.constant 64 : index
        %get3A_1439 = tpu.vector_load %arg10[%get3A_1437, %get3A_1438] {strides = array<i32>} : memref<128x128xf32, #tpu.memory_space<vmem>>, vector<1x16xf32>,
        %get3A_1440 = vector.shape_cast %get3A_1439 : vector<1x16xf32> to vector<16xf32>
        %mul3A_1441 = arith.constant 16 : i32
        %mul3A_1442 = arith.muli %scan3A_116, %mul3A_1441 : i32
        %add3A_1443 = arith.constant 8 : i32
        %add3A_1444 = arith.addi %mul3A_1442, %add3A_1443 : i32
        %get3A_1445 = arith.index_cast %add3A_1444 : i32 to index
        %get3A_1446 = arith.constant 64 : index
        %get3A_1447 = tpu.vector_load %arg11[%get3A_1445, %get3A_1446] {strides = array<i32>} : memref<128x128xf32, #tpu.memory_space<vmem>>, vector<1x16xf32>,
        %get3A_1448 = vector.shape_cast %get3A_1447 : vector<1x16xf32> to vector<16xf32>
        %add3A_1449 = arith.addf %get3A_1440, %get3A_1448 : vector<16xf32>
        %max3A_1450 = arith.maximumf %max3A_1432, %add3A_1449 : vector<16xf32>
        %mul3A_1451 = arith.constant 16 : i32
        %mul3A_1452 = arith.muli %scan3A_116, %mul3A_1451 : i32
        %add3A_1453 = arith.constant 9 : i32
        %add3A_1454 = arith.addi %mul3A_1452, %add3A_1453 : i32
        %get3A_1455 = arith.index_cast %add3A_1454 : i32 to index
        %get3A_1456 = arith.constant 64 : index
        %get3A_1457 = tpu.vector_load %arg10[%get3A_1455, %get3A_1456] {strides = array<i32>} : memref<128x128xf32, #tpu.memory_space<vmem>>, vector<1x16xf32>,
        %get3A_1458 = vector.shape_cast %get3A_1457 : vector<1x16xf32> to vector<16xf32>
        %mul3A_1459 = arith.constant 16 : i32
        %mul3A_1460 = arith.muli %scan3A_116, %mul3A_1459 : i32
        %add3A_1461 = arith.constant 9 : i32
        %add3A_1462 = arith.addi %mul3A_1460, %add3A_1461 : i32
        %get3A_1463 = arith.index_cast %add3A_1462 : i32 to index
        %get3A_1464 = arith.constant 64 : index
        %get3A_1465 = tpu.vector_load %arg11[%get3A_1463, %get3A_1464] {strides = array<i32>} : memref<128x128xf32, #tpu.memory_space<vmem>>, vector<1x16xf32>,
        %get3A_1466 = vector.shape_cast %get3A_1465 : vector<1x16xf32> to vector<16xf32>
        %add3A_1467 = arith.addf %get3A_1458, %get3A_1466 : vector<16xf32>
        %max3A_1468 = arith.maximumf %max3A_1450, %add3A_1467 : vector<16xf32>
        %mul3A_1469 = arith.constant 16 : i32
        %mul3A_1470 = arith.muli %scan3A_116, %mul3A_1469 : i32
        %add3A_1471 = arith.constant 10 : i32
        %add3A_1472 = arith.addi %mul3A_1470, %add3A_1471 : i32
        %get3A_1473 = arith.index_cast %add3A_1472 : i32 to index
        %get3A_1474 = arith.constant 64 : index
        %get3A_1475 = tpu.vector_load %arg10[%get3A_1473, %get3A_1474] {strides = array<i32>} : memref<128x128xf32, #tpu.memory_space<vmem>>, vector<1x16xf32>,
        %get3A_1476 = vector.shape_cast %get3A_1475 : vector<1x16xf32> to vector<16xf32>
        %mul3A_1477 = arith.constant 16 : i32
        %mul3A_1478 = arith.muli %scan3A_116, %mul3A_1477 : i32
        %add3A_1479 = arith.constant 10 : i32
        %add3A_1480 = arith.addi %mul3A_1478, %add3A_1479 : i32
        %get3A_1481 = arith.index_cast %add3A_1480 : i32 to index
        %get3A_1482 = arith.constant 64 : index
        %get3A_1483 = tpu.vector_load %arg11[%get3A_1481, %get3A_1482] {strides = array<i32>} : memref<128x128xf32, #tpu.memory_space<vmem>>, vector<1x16xf32>,
        %get3A_1484 = vector.shape_cast %get3A_1483 : vector<1x16xf32> to vector<16xf32>
        %add3A_1485 = arith.addf %get3A_1476, %get3A_1484 : vector<16xf32>
        %max3A_1486 = arith.maximumf %max3A_1468, %add3A_1485 : vector<16xf32>
        %mul3A_1487 = arith.constant 16 : i32
        %mul3A_1488 = arith.muli %scan3A_116, %mul3A_1487 : i32
        %add3A_1489 = arith.constant 11 : i32
        %add3A_1490 = arith.addi %mul3A_1488, %add3A_1489 : i32
        %get3A_1491 = arith.index_cast %add3A_1490 : i32 to index
        %get3A_1492 = arith.constant 64 : index
        %get3A_1493 = tpu.vector_load %arg10[%get3A_1491, %get3A_1492] {strides = array<i32>} : memref<128x128xf32, #tpu.memory_space<vmem>>, vector<1x16xf32>,
        %get3A_1494 = vector.shape_cast %get3A_1493 : vector<1x16xf32> to vector<16xf32>
        %mul3A_1495 = arith.constant 16 : i32
        %mul3A_1496 = arith.muli %scan3A_116, %mul3A_1495 : i32
        %add3A_1497 = arith.constant 11 : i32
        %add3A_1498 = arith.addi %mul3A_1496, %add3A_1497 : i32
        %get3A_1499 = arith.index_cast %add3A_1498 : i32 to index
        %get3A_1500 = arith.constant 64 : index
        %get3A_1501 = tpu.vector_load %arg11[%get3A_1499, %get3A_1500] {strides = array<i32>} : memref<128x128xf32, #tpu.memory_space<vmem>>, vector<1x16xf32>,
        %get3A_1502 = vector.shape_cast %get3A_1501 : vector<1x16xf32> to vector<16xf32>
        %add3A_1503 = arith.addf %get3A_1494, %get3A_1502 : vector<16xf32>
        %max3A_1504 = arith.maximumf %max3A_1486, %add3A_1503 : vector<16xf32>
        %mul3A_1505 = arith.constant 16 : i32
        %mul3A_1506 = arith.muli %scan3A_116, %mul3A_1505 : i32
        %add3A_1507 = arith.constant 12 : i32
        %add3A_1508 = arith.addi %mul3A_1506, %add3A_1507 : i32
        %get3A_1509 = arith.index_cast %add3A_1508 : i32 to index
        %get3A_1510 = arith.constant 64 : index
        %get3A_1511 = tpu.vector_load %arg10[%get3A_1509, %get3A_1510] {strides = array<i32>} : memref<128x128xf32, #tpu.memory_space<vmem>>, vector<1x16xf32>,
        %get3A_1512 = vector.shape_cast %get3A_1511 : vector<1x16xf32> to vector<16xf32>
        %mul3A_1513 = arith.constant 16 : i32
        %mul3A_1514 = arith.muli %scan3A_116, %mul3A_1513 : i32
        %add3A_1515 = arith.constant 12 : i32
        %add3A_1516 = arith.addi %mul3A_1514, %add3A_1515 : i32
        %get3A_1517 = arith.index_cast %add3A_1516 : i32 to index
        %get3A_1518 = arith.constant 64 : index
        %get3A_1519 = tpu.vector_load %arg11[%get3A_1517, %get3A_1518] {strides = array<i32>} : memref<128x128xf32, #tpu.memory_space<vmem>>, vector<1x16xf32>,
        %get3A_1520 = vector.shape_cast %get3A_1519 : vector<1x16xf32> to vector<16xf32>
        %add3A_1521 = arith.addf %get3A_1512, %get3A_1520 : vector<16xf32>
        %max3A_1522 = arith.maximumf %max3A_1504, %add3A_1521 : vector<16xf32>
        %mul3A_1523 = arith.constant 16 : i32
        %mul3A_1524 = arith.muli %scan3A_116, %mul3A_1523 : i32
        %add3A_1525 = arith.constant 13 : i32
        %add3A_1526 = arith.addi %mul3A_1524, %add3A_1525 : i32
        %get3A_1527 = arith.index_cast %add3A_1526 : i32 to index
        %get3A_1528 = arith.constant 64 : index
        %get3A_1529 = tpu.vector_load %arg10[%get3A_1527, %get3A_1528] {strides = array<i32>} : memref<128x128xf32, #tpu.memory_space<vmem>>, vector<1x16xf32>,
        %get3A_1530 = vector.shape_cast %get3A_1529 : vector<1x16xf32> to vector<16xf32>
        %mul3A_1531 = arith.constant 16 : i32
        %mul3A_1532 = arith.muli %scan3A_116, %mul3A_1531 : i32
        %add3A_1533 = arith.constant 13 : i32
        %add3A_1534 = arith.addi %mul3A_1532, %add3A_1533 : i32
        %get3A_1535 = arith.index_cast %add3A_1534 : i32 to index
        %get3A_1536 = arith.constant 64 : index
        %get3A_1537 = tpu.vector_load %arg11[%get3A_1535, %get3A_1536] {strides = array<i32>} : memref<128x128xf32, #tpu.memory_space<vmem>>, vector<1x16xf32>,
        %get3A_1538 = vector.shape_cast %get3A_1537 : vector<1x16xf32> to vector<16xf32>
        %add3A_1539 = arith.addf %get3A_1530, %get3A_1538 : vector<16xf32>
        %max3A_1540 = arith.maximumf %max3A_1522, %add3A_1539 : vector<16xf32>
        %mul3A_1541 = arith.constant 16 : i32
        %mul3A_1542 = arith.muli %scan3A_116, %mul3A_1541 : i32
        %add3A_1543 = arith.constant 14 : i32
        %add3A_1544 = arith.addi %mul3A_1542, %add3A_1543 : i32
        %get3A_1545 = arith.index_cast %add3A_1544 : i32 to index
        %get3A_1546 = arith.constant 64 : index
        %get3A_1547 = tpu.vector_load %arg10[%get3A_1545, %get3A_1546] {strides = array<i32>} : memref<128x128xf32, #tpu.memory_space<vmem>>, vector<1x16xf32>,
        %get3A_1548 = vector.shape_cast %get3A_1547 : vector<1x16xf32> to vector<16xf32>
        %mul3A_1549 = arith.constant 16 : i32
        %mul3A_1550 = arith.muli %scan3A_116, %mul3A_1549 : i32
        %add3A_1551 = arith.constant 14 : i32
        %add3A_1552 = arith.addi %mul3A_1550, %add3A_1551 : i32
        %get3A_1553 = arith.index_cast %add3A_1552 : i32 to index
        %get3A_1554 = arith.constant 64 : index
        %get3A_1555 = tpu.vector_load %arg11[%get3A_1553, %get3A_1554] {strides = array<i32>} : memref<128x128xf32, #tpu.memory_space<vmem>>, vector<1x16xf32>,
        %get3A_1556 = vector.shape_cast %get3A_1555 : vector<1x16xf32> to vector<16xf32>
        %add3A_1557 = arith.addf %get3A_1548, %get3A_1556 : vector<16xf32>
        %max3A_1558 = arith.maximumf %max3A_1540, %add3A_1557 : vector<16xf32>
        %mul3A_1559 = arith.constant 16 : i32
        %mul3A_1560 = arith.muli %scan3A_116, %mul3A_1559 : i32
        %add3A_1561 = arith.constant 15 : i32
        %add3A_1562 = arith.addi %mul3A_1560, %add3A_1561 : i32
        %get3A_1563 = arith.index_cast %add3A_1562 : i32 to index
        %get3A_1564 = arith.constant 64 : index
        %get3A_1565 = tpu.vector_load %arg10[%get3A_1563, %get3A_1564] {strides = array<i32>} : memref<128x128xf32, #tpu.memory_space<vmem>>, vector<1x16xf32>,
        %get3A_1566 = vector.shape_cast %get3A_1565 : vector<1x16xf32> to vector<16xf32>
        %mul3A_1567 = arith.constant 16 : i32
        %mul3A_1568 = arith.muli %scan3A_116, %mul3A_1567 : i32
        %add3A_1569 = arith.constant 15 : i32
        %add3A_1570 = arith.addi %mul3A_1568, %add3A_1569 : i32
        %get3A_1571 = arith.index_cast %add3A_1570 : i32 to index
        %get3A_1572 = arith.constant 64 : index
        %get3A_1573 = tpu.vector_load %arg11[%get3A_1571, %get3A_1572] {strides = array<i32>} : memref<128x128xf32, #tpu.memory_space<vmem>>, vector<1x16xf32>,
        %get3A_1574 = vector.shape_cast %get3A_1573 : vector<1x16xf32> to vector<16xf32>
        %add3A_1575 = arith.addf %get3A_1566, %get3A_1574 : vector<16xf32>
        %max3A_1576 = arith.maximumf %max3A_1558, %add3A_1575 : vector<16xf32>
        %get3A_1577 = arith.constant 64 : index
        %get3A_1578 = tpu.vector_load %arg14[%get3A_1577] {strides = array<i32>} : memref<128xf32, #tpu.memory_space<vmem>>, vector<16xf32>,
        %get3A_1579 = vector.shape_cast %get3A_1578 : vector<16xf32> to vector<16xf32>
        %add3A_1580 = arith.addf %max3A_1576, %get3A_1579 : vector<16xf32>
        %max3A_1581 = arith.constant 0.000000e+00 : f32
        %max3A_1582 = vector.broadcast %max3A_1581 : f32 to vector<16xf32>
        %max3A_1583 = arith.maximumf %add3A_1580, %max3A_1582 : vector<16xf32>
        %swap3A_1584 = arith.index_cast %scan3A_116 : i32 to index
        %swap3A_1585 = arith.constant 64 : index
        %swap3A_1586 = tpu.vector_load %arg15[%swap3A_1584, %swap3A_1585] {strides = array<i32>} : memref<8x128xf32, #tpu.memory_space<vmem>>, vector<1x16xf32>,
        %swap3A_1587 = vector.shape_cast %swap3A_1586 : vector<1x16xf32> to vector<16xf32>
        %swap3A_1588 = vector.shape_cast %max3A_1583 : vector<16xf32> to vector<1x16xf32>
        tpu.vector_store %arg15[%swap3A_1584, %swap3A_1585], %swap3A_1588 {strides = array<i32>} : memref<8x128xf32, #tpu.memory_space<vmem>>, vector<1x16xf32>,
        %mul3A_1589 = arith.constant 16 : i32
        %mul3A_1590 = arith.muli %scan3A_116, %mul3A_1589 : i32
        %get3A_1591 = arith.index_cast %mul3A_1590 : i32 to index
        %get3A_1592 = arith.constant 80 : index
        %get3A_1593 = tpu.vector_load %arg10[%get3A_1591, %get3A_1592] {strides = array<i32>} : memref<128x128xf32, #tpu.memory_space<vmem>>, vector<1x16xf32>,
        %get3A_1594 = vector.shape_cast %get3A_1593 : vector<1x16xf32> to vector<16xf32>
        %mul3A_1595 = arith.constant 16 : i32
        %mul3A_1596 = arith.muli %scan3A_116, %mul3A_1595 : i32
        %get3A_1597 = arith.index_cast %mul3A_1596 : i32 to index
        %get3A_1598 = arith.constant 80 : index
        %get3A_1599 = tpu.vector_load %arg11[%get3A_1597, %get3A_1598] {strides = array<i32>} : memref<128x128xf32, #tpu.memory_space<vmem>>, vector<1x16xf32>,
        %get3A_1600 = vector.shape_cast %get3A_1599 : vector<1x16xf32> to vector<16xf32>
        %add3A_1601 = arith.addf %get3A_1594, %get3A_1600 : vector<16xf32>
        %mul3A_1602 = arith.constant 16 : i32
        %mul3A_1603 = arith.muli %scan3A_116, %mul3A_1602 : i32
        %add3A_1604 = arith.constant 1 : i32
        %add3A_1605 = arith.addi %mul3A_1603, %add3A_1604 : i32
        %get3A_1606 = arith.index_cast %add3A_1605 : i32 to index
        %get3A_1607 = arith.constant 80 : index
        %get3A_1608 = tpu.vector_load %arg10[%get3A_1606, %get3A_1607] {strides = array<i32>} : memref<128x128xf32, #tpu.memory_space<vmem>>, vector<1x16xf32>,
        %get3A_1609 = vector.shape_cast %get3A_1608 : vector<1x16xf32> to vector<16xf32>
        %mul3A_1610 = arith.constant 16 : i32
        %mul3A_1611 = arith.muli %scan3A_116, %mul3A_1610 : i32
        %add3A_1612 = arith.constant 1 : i32
        %add3A_1613 = arith.addi %mul3A_1611, %add3A_1612 : i32
        %get3A_1614 = arith.index_cast %add3A_1613 : i32 to index
        %get3A_1615 = arith.constant 80 : index
        %get3A_1616 = tpu.vector_load %arg11[%get3A_1614, %get3A_1615] {strides = array<i32>} : memref<128x128xf32, #tpu.memory_space<vmem>>, vector<1x16xf32>,
        %get3A_1617 = vector.shape_cast %get3A_1616 : vector<1x16xf32> to vector<16xf32>
        %add3A_1618 = arith.addf %get3A_1609, %get3A_1617 : vector<16xf32>
        %max3A_1619 = arith.maximumf %add3A_1601, %add3A_1618 : vector<16xf32>
        %mul3A_1620 = arith.constant 16 : i32
        %mul3A_1621 = arith.muli %scan3A_116, %mul3A_1620 : i32
        %add3A_1622 = arith.constant 2 : i32
        %add3A_1623 = arith.addi %mul3A_1621, %add3A_1622 : i32
        %get3A_1624 = arith.index_cast %add3A_1623 : i32 to index
        %get3A_1625 = arith.constant 80 : index
        %get3A_1626 = tpu.vector_load %arg10[%get3A_1624, %get3A_1625] {strides = array<i32>} : memref<128x128xf32, #tpu.memory_space<vmem>>, vector<1x16xf32>,
        %get3A_1627 = vector.shape_cast %get3A_1626 : vector<1x16xf32> to vector<16xf32>
        %mul3A_1628 = arith.constant 16 : i32
        %mul3A_1629 = arith.muli %scan3A_116, %mul3A_1628 : i32
        %add3A_1630 = arith.constant 2 : i32
        %add3A_1631 = arith.addi %mul3A_1629, %add3A_1630 : i32
        %get3A_1632 = arith.index_cast %add3A_1631 : i32 to index
        %get3A_1633 = arith.constant 80 : index
        %get3A_1634 = tpu.vector_load %arg11[%get3A_1632, %get3A_1633] {strides = array<i32>} : memref<128x128xf32, #tpu.memory_space<vmem>>, vector<1x16xf32>,
        %get3A_1635 = vector.shape_cast %get3A_1634 : vector<1x16xf32> to vector<16xf32>
        %add3A_1636 = arith.addf %get3A_1627, %get3A_1635 : vector<16xf32>
        %max3A_1637 = arith.maximumf %max3A_1619, %add3A_1636 : vector<16xf32>
        %mul3A_1638 = arith.constant 16 : i32
        %mul3A_1639 = arith.muli %scan3A_116, %mul3A_1638 : i32
        %add3A_1640 = arith.constant 3 : i32
        %add3A_1641 = arith.addi %mul3A_1639, %add3A_1640 : i32
        %get3A_1642 = arith.index_cast %add3A_1641 : i32 to index
        %get3A_1643 = arith.constant 80 : index
        %get3A_1644 = tpu.vector_load %arg10[%get3A_1642, %get3A_1643] {strides = array<i32>} : memref<128x128xf32, #tpu.memory_space<vmem>>, vector<1x16xf32>,
        %get3A_1645 = vector.shape_cast %get3A_1644 : vector<1x16xf32> to vector<16xf32>
        %mul3A_1646 = arith.constant 16 : i32
        %mul3A_1647 = arith.muli %scan3A_116, %mul3A_1646 : i32
        %add3A_1648 = arith.constant 3 : i32
        %add3A_1649 = arith.addi %mul3A_1647, %add3A_1648 : i32
        %get3A_1650 = arith.index_cast %add3A_1649 : i32 to index
        %get3A_1651 = arith.constant 80 : index
        %get3A_1652 = tpu.vector_load %arg11[%get3A_1650, %get3A_1651] {strides = array<i32>} : memref<128x128xf32, #tpu.memory_space<vmem>>, vector<1x16xf32>,
        %get3A_1653 = vector.shape_cast %get3A_1652 : vector<1x16xf32> to vector<16xf32>
        %add3A_1654 = arith.addf %get3A_1645, %get3A_1653 : vector<16xf32>
        %max3A_1655 = arith.maximumf %max3A_1637, %add3A_1654 : vector<16xf32>
        %mul3A_1656 = arith.constant 16 : i32
        %mul3A_1657 = arith.muli %scan3A_116, %mul3A_1656 : i32
        %add3A_1658 = arith.constant 4 : i32
        %add3A_1659 = arith.addi %mul3A_1657, %add3A_1658 : i32
        %get3A_1660 = arith.index_cast %add3A_1659 : i32 to index
        %get3A_1661 = arith.constant 80 : index
        %get3A_1662 = tpu.vector_load %arg10[%get3A_1660, %get3A_1661] {strides = array<i32>} : memref<128x128xf32, #tpu.memory_space<vmem>>, vector<1x16xf32>,
        %get3A_1663 = vector.shape_cast %get3A_1662 : vector<1x16xf32> to vector<16xf32>
        %mul3A_1664 = arith.constant 16 : i32
        %mul3A_1665 = arith.muli %scan3A_116, %mul3A_1664 : i32
        %add3A_1666 = arith.constant 4 : i32
        %add3A_1667 = arith.addi %mul3A_1665, %add3A_1666 : i32
        %get3A_1668 = arith.index_cast %add3A_1667 : i32 to index
        %get3A_1669 = arith.constant 80 : index
        %get3A_1670 = tpu.vector_load %arg11[%get3A_1668, %get3A_1669] {strides = array<i32>} : memref<128x128xf32, #tpu.memory_space<vmem>>, vector<1x16xf32>,
        %get3A_1671 = vector.shape_cast %get3A_1670 : vector<1x16xf32> to vector<16xf32>
        %add3A_1672 = arith.addf %get3A_1663, %get3A_1671 : vector<16xf32>
        %max3A_1673 = arith.maximumf %max3A_1655, %add3A_1672 : vector<16xf32>
        %mul3A_1674 = arith.constant 16 : i32
        %mul3A_1675 = arith.muli %scan3A_116, %mul3A_1674 : i32
        %add3A_1676 = arith.constant 5 : i32
        %add3A_1677 = arith.addi %mul3A_1675, %add3A_1676 : i32
        %get3A_1678 = arith.index_cast %add3A_1677 : i32 to index
        %get3A_1679 = arith.constant 80 : index
        %get3A_1680 = tpu.vector_load %arg10[%get3A_1678, %get3A_1679] {strides = array<i32>} : memref<128x128xf32, #tpu.memory_space<vmem>>, vector<1x16xf32>,
        %get3A_1681 = vector.shape_cast %get3A_1680 : vector<1x16xf32> to vector<16xf32>
        %mul3A_1682 = arith.constant 16 : i32
        %mul3A_1683 = arith.muli %scan3A_116, %mul3A_1682 : i32
        %add3A_1684 = arith.constant 5 : i32
        %add3A_1685 = arith.addi %mul3A_1683, %add3A_1684 : i32
        %get3A_1686 = arith.index_cast %add3A_1685 : i32 to index
        %get3A_1687 = arith.constant 80 : index
        %get3A_1688 = tpu.vector_load %arg11[%get3A_1686, %get3A_1687] {strides = array<i32>} : memref<128x128xf32, #tpu.memory_space<vmem>>, vector<1x16xf32>,
        %get3A_1689 = vector.shape_cast %get3A_1688 : vector<1x16xf32> to vector<16xf32>
        %add3A_1690 = arith.addf %get3A_1681, %get3A_1689 : vector<16xf32>
        %max3A_1691 = arith.maximumf %max3A_1673, %add3A_1690 : vector<16xf32>
        %mul3A_1692 = arith.constant 16 : i32
        %mul3A_1693 = arith.muli %scan3A_116, %mul3A_1692 : i32
        %add3A_1694 = arith.constant 6 : i32
        %add3A_1695 = arith.addi %mul3A_1693, %add3A_1694 : i32
        %get3A_1696 = arith.index_cast %add3A_1695 : i32 to index
        %get3A_1697 = arith.constant 80 : index
        %get3A_1698 = tpu.vector_load %arg10[%get3A_1696, %get3A_1697] {strides = array<i32>} : memref<128x128xf32, #tpu.memory_space<vmem>>, vector<1x16xf32>,
        %get3A_1699 = vector.shape_cast %get3A_1698 : vector<1x16xf32> to vector<16xf32>
        %mul3A_1700 = arith.constant 16 : i32
        %mul3A_1701 = arith.muli %scan3A_116, %mul3A_1700 : i32
        %add3A_1702 = arith.constant 6 : i32
        %add3A_1703 = arith.addi %mul3A_1701, %add3A_1702 : i32
        %get3A_1704 = arith.index_cast %add3A_1703 : i32 to index
        %get3A_1705 = arith.constant 80 : index
        %get3A_1706 = tpu.vector_load %arg11[%get3A_1704, %get3A_1705] {strides = array<i32>} : memref<128x128xf32, #tpu.memory_space<vmem>>, vector<1x16xf32>,
        %get3A_1707 = vector.shape_cast %get3A_1706 : vector<1x16xf32> to vector<16xf32>
        %add3A_1708 = arith.addf %get3A_1699, %get3A_1707 : vector<16xf32>
        %max3A_1709 = arith.maximumf %max3A_1691, %add3A_1708 : vector<16xf32>
        %mul3A_1710 = arith.constant 16 : i32
        %mul3A_1711 = arith.muli %scan3A_116, %mul3A_1710 : i32
        %add3A_1712 = arith.constant 7 : i32
        %add3A_1713 = arith.addi %mul3A_1711, %add3A_1712 : i32
        %get3A_1714 = arith.index_cast %add3A_1713 : i32 to index
        %get3A_1715 = arith.constant 80 : index
        %get3A_1716 = tpu.vector_load %arg10[%get3A_1714, %get3A_1715] {strides = array<i32>} : memref<128x128xf32, #tpu.memory_space<vmem>>, vector<1x16xf32>,
        %get3A_1717 = vector.shape_cast %get3A_1716 : vector<1x16xf32> to vector<16xf32>
        %mul3A_1718 = arith.constant 16 : i32
        %mul3A_1719 = arith.muli %scan3A_116, %mul3A_1718 : i32
        %add3A_1720 = arith.constant 7 : i32
        %add3A_1721 = arith.addi %mul3A_1719, %add3A_1720 : i32
        %get3A_1722 = arith.index_cast %add3A_1721 : i32 to index
        %get3A_1723 = arith.constant 80 : index
        %get3A_1724 = tpu.vector_load %arg11[%get3A_1722, %get3A_1723] {strides = array<i32>} : memref<128x128xf32, #tpu.memory_space<vmem>>, vector<1x16xf32>,
        %get3A_1725 = vector.shape_cast %get3A_1724 : vector<1x16xf32> to vector<16xf32>
        %add3A_1726 = arith.addf %get3A_1717, %get3A_1725 : vector<16xf32>
        %max3A_1727 = arith.maximumf %max3A_1709, %add3A_1726 : vector<16xf32>
        %mul3A_1728 = arith.constant 16 : i32
        %mul3A_1729 = arith.muli %scan3A_116, %mul3A_1728 : i32
        %add3A_1730 = arith.constant 8 : i32
        %add3A_1731 = arith.addi %mul3A_1729, %add3A_1730 : i32
        %get3A_1732 = arith.index_cast %add3A_1731 : i32 to index
        %get3A_1733 = arith.constant 80 : index
        %get3A_1734 = tpu.vector_load %arg10[%get3A_1732, %get3A_1733] {strides = array<i32>} : memref<128x128xf32, #tpu.memory_space<vmem>>, vector<1x16xf32>,
        %get3A_1735 = vector.shape_cast %get3A_1734 : vector<1x16xf32> to vector<16xf32>
        %mul3A_1736 = arith.constant 16 : i32
        %mul3A_1737 = arith.muli %scan3A_116, %mul3A_1736 : i32
        %add3A_1738 = arith.constant 8 : i32
        %add3A_1739 = arith.addi %mul3A_1737, %add3A_1738 : i32
        %get3A_1740 = arith.index_cast %add3A_1739 : i32 to index
        %get3A_1741 = arith.constant 80 : index
        %get3A_1742 = tpu.vector_load %arg11[%get3A_1740, %get3A_1741] {strides = array<i32>} : memref<128x128xf32, #tpu.memory_space<vmem>>, vector<1x16xf32>,
        %get3A_1743 = vector.shape_cast %get3A_1742 : vector<1x16xf32> to vector<16xf32>
        %add3A_1744 = arith.addf %get3A_1735, %get3A_1743 : vector<16xf32>
        %max3A_1745 = arith.maximumf %max3A_1727, %add3A_1744 : vector<16xf32>
        %mul3A_1746 = arith.constant 16 : i32
        %mul3A_1747 = arith.muli %scan3A_116, %mul3A_1746 : i32
        %add3A_1748 = arith.constant 9 : i32
        %add3A_1749 = arith.addi %mul3A_1747, %add3A_1748 : i32
        %get3A_1750 = arith.index_cast %add3A_1749 : i32 to index
        %get3A_1751 = arith.constant 80 : index
        %get3A_1752 = tpu.vector_load %arg10[%get3A_1750, %get3A_1751] {strides = array<i32>} : memref<128x128xf32, #tpu.memory_space<vmem>>, vector<1x16xf32>,
        %get3A_1753 = vector.shape_cast %get3A_1752 : vector<1x16xf32> to vector<16xf32>
        %mul3A_1754 = arith.constant 16 : i32
        %mul3A_1755 = arith.muli %scan3A_116, %mul3A_1754 : i32
        %add3A_1756 = arith.constant 9 : i32
        %add3A_1757 = arith.addi %mul3A_1755, %add3A_1756 : i32
        %get3A_1758 = arith.index_cast %add3A_1757 : i32 to index
        %get3A_1759 = arith.constant 80 : index
        %get3A_1760 = tpu.vector_load %arg11[%get3A_1758, %get3A_1759] {strides = array<i32>} : memref<128x128xf32, #tpu.memory_space<vmem>>, vector<1x16xf32>,
        %get3A_1761 = vector.shape_cast %get3A_1760 : vector<1x16xf32> to vector<16xf32>
        %add3A_1762 = arith.addf %get3A_1753, %get3A_1761 : vector<16xf32>
        %max3A_1763 = arith.maximumf %max3A_1745, %add3A_1762 : vector<16xf32>
        %mul3A_1764 = arith.constant 16 : i32
        %mul3A_1765 = arith.muli %scan3A_116, %mul3A_1764 : i32
        %add3A_1766 = arith.constant 10 : i32
        %add3A_1767 = arith.addi %mul3A_1765, %add3A_1766 : i32
        %get3A_1768 = arith.index_cast %add3A_1767 : i32 to index
        %get3A_1769 = arith.constant 80 : index
        %get3A_1770 = tpu.vector_load %arg10[%get3A_1768, %get3A_1769] {strides = array<i32>} : memref<128x128xf32, #tpu.memory_space<vmem>>, vector<1x16xf32>,
        %get3A_1771 = vector.shape_cast %get3A_1770 : vector<1x16xf32> to vector<16xf32>
        %mul3A_1772 = arith.constant 16 : i32
        %mul3A_1773 = arith.muli %scan3A_116, %mul3A_1772 : i32
        %add3A_1774 = arith.constant 10 : i32
        %add3A_1775 = arith.addi %mul3A_1773, %add3A_1774 : i32
        %get3A_1776 = arith.index_cast %add3A_1775 : i32 to index
        %get3A_1777 = arith.constant 80 : index
        %get3A_1778 = tpu.vector_load %arg11[%get3A_1776, %get3A_1777] {strides = array<i32>} : memref<128x128xf32, #tpu.memory_space<vmem>>, vector<1x16xf32>,
        %get3A_1779 = vector.shape_cast %get3A_1778 : vector<1x16xf32> to vector<16xf32>
        %add3A_1780 = arith.addf %get3A_1771, %get3A_1779 : vector<16xf32>
        %max3A_1781 = arith.maximumf %max3A_1763, %add3A_1780 : vector<16xf32>
        %mul3A_1782 = arith.constant 16 : i32
        %mul3A_1783 = arith.muli %scan3A_116, %mul3A_1782 : i32
        %add3A_1784 = arith.constant 11 : i32
        %add3A_1785 = arith.addi %mul3A_1783, %add3A_1784 : i32
        %get3A_1786 = arith.index_cast %add3A_1785 : i32 to index
        %get3A_1787 = arith.constant 80 : index
        %get3A_1788 = tpu.vector_load %arg10[%get3A_1786, %get3A_1787] {strides = array<i32>} : memref<128x128xf32, #tpu.memory_space<vmem>>, vector<1x16xf32>,
        %get3A_1789 = vector.shape_cast %get3A_1788 : vector<1x16xf32> to vector<16xf32>
        %mul3A_1790 = arith.constant 16 : i32
        %mul3A_1791 = arith.muli %scan3A_116, %mul3A_1790 : i32
        %add3A_1792 = arith.constant 11 : i32
        %add3A_1793 = arith.addi %mul3A_1791, %add3A_1792 : i32
        %get3A_1794 = arith.index_cast %add3A_1793 : i32 to index
        %get3A_1795 = arith.constant 80 : index
        %get3A_1796 = tpu.vector_load %arg11[%get3A_1794, %get3A_1795] {strides = array<i32>} : memref<128x128xf32, #tpu.memory_space<vmem>>, vector<1x16xf32>,
        %get3A_1797 = vector.shape_cast %get3A_1796 : vector<1x16xf32> to vector<16xf32>
        %add3A_1798 = arith.addf %get3A_1789, %get3A_1797 : vector<16xf32>
        %max3A_1799 = arith.maximumf %max3A_1781, %add3A_1798 : vector<16xf32>
        %mul3A_1800 = arith.constant 16 : i32
        %mul3A_1801 = arith.muli %scan3A_116, %mul3A_1800 : i32
        %add3A_1802 = arith.constant 12 : i32
        %add3A_1803 = arith.addi %mul3A_1801, %add3A_1802 : i32
        %get3A_1804 = arith.index_cast %add3A_1803 : i32 to index
        %get3A_1805 = arith.constant 80 : index
        %get3A_1806 = tpu.vector_load %arg10[%get3A_1804, %get3A_1805] {strides = array<i32>} : memref<128x128xf32, #tpu.memory_space<vmem>>, vector<1x16xf32>,
        %get3A_1807 = vector.shape_cast %get3A_1806 : vector<1x16xf32> to vector<16xf32>
        %mul3A_1808 = arith.constant 16 : i32
        %mul3A_1809 = arith.muli %scan3A_116, %mul3A_1808 : i32
        %add3A_1810 = arith.constant 12 : i32
        %add3A_1811 = arith.addi %mul3A_1809, %add3A_1810 : i32
        %get3A_1812 = arith.index_cast %add3A_1811 : i32 to index
        %get3A_1813 = arith.constant 80 : index
        %get3A_1814 = tpu.vector_load %arg11[%get3A_1812, %get3A_1813] {strides = array<i32>} : memref<128x128xf32, #tpu.memory_space<vmem>>, vector<1x16xf32>,
        %get3A_1815 = vector.shape_cast %get3A_1814 : vector<1x16xf32> to vector<16xf32>
        %add3A_1816 = arith.addf %get3A_1807, %get3A_1815 : vector<16xf32>
        %max3A_1817 = arith.maximumf %max3A_1799, %add3A_1816 : vector<16xf32>
        %mul3A_1818 = arith.constant 16 : i32
        %mul3A_1819 = arith.muli %scan3A_116, %mul3A_1818 : i32
        %add3A_1820 = arith.constant 13 : i32
        %add3A_1821 = arith.addi %mul3A_1819, %add3A_1820 : i32
        %get3A_1822 = arith.index_cast %add3A_1821 : i32 to index
        %get3A_1823 = arith.constant 80 : index
        %get3A_1824 = tpu.vector_load %arg10[%get3A_1822, %get3A_1823] {strides = array<i32>} : memref<128x128xf32, #tpu.memory_space<vmem>>, vector<1x16xf32>,
        %get3A_1825 = vector.shape_cast %get3A_1824 : vector<1x16xf32> to vector<16xf32>
        %mul3A_1826 = arith.constant 16 : i32
        %mul3A_1827 = arith.muli %scan3A_116, %mul3A_1826 : i32
        %add3A_1828 = arith.constant 13 : i32
        %add3A_1829 = arith.addi %mul3A_1827, %add3A_1828 : i32
        %get3A_1830 = arith.index_cast %add3A_1829 : i32 to index
        %get3A_1831 = arith.constant 80 : index
        %get3A_1832 = tpu.vector_load %arg11[%get3A_1830, %get3A_1831] {strides = array<i32>} : memref<128x128xf32, #tpu.memory_space<vmem>>, vector<1x16xf32>,
        %get3A_1833 = vector.shape_cast %get3A_1832 : vector<1x16xf32> to vector<16xf32>
        %add3A_1834 = arith.addf %get3A_1825, %get3A_1833 : vector<16xf32>
        %max3A_1835 = arith.maximumf %max3A_1817, %add3A_1834 : vector<16xf32>
        %mul3A_1836 = arith.constant 16 : i32
        %mul3A_1837 = arith.muli %scan3A_116, %mul3A_1836 : i32
        %add3A_1838 = arith.constant 14 : i32
        %add3A_1839 = arith.addi %mul3A_1837, %add3A_1838 : i32
        %get3A_1840 = arith.index_cast %add3A_1839 : i32 to index
        %get3A_1841 = arith.constant 80 : index
        %get3A_1842 = tpu.vector_load %arg10[%get3A_1840, %get3A_1841] {strides = array<i32>} : memref<128x128xf32, #tpu.memory_space<vmem>>, vector<1x16xf32>,
        %get3A_1843 = vector.shape_cast %get3A_1842 : vector<1x16xf32> to vector<16xf32>
        %mul3A_1844 = arith.constant 16 : i32
        %mul3A_1845 = arith.muli %scan3A_116, %mul3A_1844 : i32
        %add3A_1846 = arith.constant 14 : i32
        %add3A_1847 = arith.addi %mul3A_1845, %add3A_1846 : i32
        %get3A_1848 = arith.index_cast %add3A_1847 : i32 to index
        %get3A_1849 = arith.constant 80 : index
        %get3A_1850 = tpu.vector_load %arg11[%get3A_1848, %get3A_1849] {strides = array<i32>} : memref<128x128xf32, #tpu.memory_space<vmem>>, vector<1x16xf32>,
        %get3A_1851 = vector.shape_cast %get3A_1850 : vector<1x16xf32> to vector<16xf32>
        %add3A_1852 = arith.addf %get3A_1843, %get3A_1851 : vector<16xf32>
        %max3A_1853 = arith.maximumf %max3A_1835, %add3A_1852 : vector<16xf32>
        %mul3A_1854 = arith.constant 16 : i32
        %mul3A_1855 = arith.muli %scan3A_116, %mul3A_1854 : i32
        %add3A_1856 = arith.constant 15 : i32
        %add3A_1857 = arith.addi %mul3A_1855, %add3A_1856 : i32
        %get3A_1858 = arith.index_cast %add3A_1857 : i32 to index
        %get3A_1859 = arith.constant 80 : index
        %get3A_1860 = tpu.vector_load %arg10[%get3A_1858, %get3A_1859] {strides = array<i32>} : memref<128x128xf32, #tpu.memory_space<vmem>>, vector<1x16xf32>,
        %get3A_1861 = vector.shape_cast %get3A_1860 : vector<1x16xf32> to vector<16xf32>
        %mul3A_1862 = arith.constant 16 : i32
        %mul3A_1863 = arith.muli %scan3A_116, %mul3A_1862 : i32
        %add3A_1864 = arith.constant 15 : i32
        %add3A_1865 = arith.addi %mul3A_1863, %add3A_1864 : i32
        %get3A_1866 = arith.index_cast %add3A_1865 : i32 to index
        %get3A_1867 = arith.constant 80 : index
        %get3A_1868 = tpu.vector_load %arg11[%get3A_1866, %get3A_1867] {strides = array<i32>} : memref<128x128xf32, #tpu.memory_space<vmem>>, vector<1x16xf32>,
        %get3A_1869 = vector.shape_cast %get3A_1868 : vector<1x16xf32> to vector<16xf32>
        %add3A_1870 = arith.addf %get3A_1861, %get3A_1869 : vector<16xf32>
        %max3A_1871 = arith.maximumf %max3A_1853, %add3A_1870 : vector<16xf32>
        %get3A_1872 = arith.constant 80 : index
        %get3A_1873 = tpu.vector_load %arg14[%get3A_1872] {strides = array<i32>} : memref<128xf32, #tpu.memory_space<vmem>>, vector<16xf32>,
        %get3A_1874 = vector.shape_cast %get3A_1873 : vector<16xf32> to vector<16xf32>
        %add3A_1875 = arith.addf %max3A_1871, %get3A_1874 : vector<16xf32>
        %max3A_1876 = arith.constant 0.000000e+00 : f32
        %max3A_1877 = vector.broadcast %max3A_1876 : f32 to vector<16xf32>
        %max3A_1878 = arith.maximumf %add3A_1875, %max3A_1877 : vector<16xf32>
        %swap3A_1879 = arith.index_cast %scan3A_116 : i32 to index
        %swap3A_1880 = arith.constant 80 : index
        %swap3A_1881 = tpu.vector_load %arg15[%swap3A_1879, %swap3A_1880] {strides = array<i32>} : memref<8x128xf32, #tpu.memory_space<vmem>>, vector<1x16xf32>,
        %swap3A_1882 = vector.shape_cast %swap3A_1881 : vector<1x16xf32> to vector<16xf32>
        %swap3A_1883 = vector.shape_cast %max3A_1878 : vector<16xf32> to vector<1x16xf32>
        tpu.vector_store %arg15[%swap3A_1879, %swap3A_1880], %swap3A_1883 {strides = array<i32>} : memref<8x128xf32, #tpu.memory_space<vmem>>, vector<1x16xf32>,
        %mul3A_1884 = arith.constant 16 : i32
        %mul3A_1885 = arith.muli %scan3A_116, %mul3A_1884 : i32
        %get3A_1886 = arith.index_cast %mul3A_1885 : i32 to index
        %get3A_1887 = arith.constant 96 : index
        %get3A_1888 = tpu.vector_load %arg10[%get3A_1886, %get3A_1887] {strides = array<i32>} : memref<128x128xf32, #tpu.memory_space<vmem>>, vector<1x16xf32>,
        %get3A_1889 = vector.shape_cast %get3A_1888 : vector<1x16xf32> to vector<16xf32>
        %mul3A_1890 = arith.constant 16 : i32
        %mul3A_1891 = arith.muli %scan3A_116, %mul3A_1890 : i32
        %get3A_1892 = arith.index_cast %mul3A_1891 : i32 to index
        %get3A_1893 = arith.constant 96 : index
        %get3A_1894 = tpu.vector_load %arg11[%get3A_1892, %get3A_1893] {strides = array<i32>} : memref<128x128xf32, #tpu.memory_space<vmem>>, vector<1x16xf32>,
        %get3A_1895 = vector.shape_cast %get3A_1894 : vector<1x16xf32> to vector<16xf32>
        %add3A_1896 = arith.addf %get3A_1889, %get3A_1895 : vector<16xf32>
        %mul3A_1897 = arith.constant 16 : i32
        %mul3A_1898 = arith.muli %scan3A_116, %mul3A_1897 : i32
        %add3A_1899 = arith.constant 1 : i32
        %add3A_1900 = arith.addi %mul3A_1898, %add3A_1899 : i32
        %get3A_1901 = arith.index_cast %add3A_1900 : i32 to index
        %get3A_1902 = arith.constant 96 : index
        %get3A_1903 = tpu.vector_load %arg10[%get3A_1901, %get3A_1902] {strides = array<i32>} : memref<128x128xf32, #tpu.memory_space<vmem>>, vector<1x16xf32>,
        %get3A_1904 = vector.shape_cast %get3A_1903 : vector<1x16xf32> to vector<16xf32>
        %mul3A_1905 = arith.constant 16 : i32
        %mul3A_1906 = arith.muli %scan3A_116, %mul3A_1905 : i32
        %add3A_1907 = arith.constant 1 : i32
        %add3A_1908 = arith.addi %mul3A_1906, %add3A_1907 : i32
        %get3A_1909 = arith.index_cast %add3A_1908 : i32 to index
        %get3A_1910 = arith.constant 96 : index
        %get3A_1911 = tpu.vector_load %arg11[%get3A_1909, %get3A_1910] {strides = array<i32>} : memref<128x128xf32, #tpu.memory_space<vmem>>, vector<1x16xf32>,
        %get3A_1912 = vector.shape_cast %get3A_1911 : vector<1x16xf32> to vector<16xf32>
        %add3A_1913 = arith.addf %get3A_1904, %get3A_1912 : vector<16xf32>
        %max3A_1914 = arith.maximumf %add3A_1896, %add3A_1913 : vector<16xf32>
        %mul3A_1915 = arith.constant 16 : i32
        %mul3A_1916 = arith.muli %scan3A_116, %mul3A_1915 : i32
        %add3A_1917 = arith.constant 2 : i32
        %add3A_1918 = arith.addi %mul3A_1916, %add3A_1917 : i32
        %get3A_1919 = arith.index_cast %add3A_1918 : i32 to index
        %get3A_1920 = arith.constant 96 : index
        %get3A_1921 = tpu.vector_load %arg10[%get3A_1919, %get3A_1920] {strides = array<i32>} : memref<128x128xf32, #tpu.memory_space<vmem>>, vector<1x16xf32>,
        %get3A_1922 = vector.shape_cast %get3A_1921 : vector<1x16xf32> to vector<16xf32>
        %mul3A_1923 = arith.constant 16 : i32
        %mul3A_1924 = arith.muli %scan3A_116, %mul3A_1923 : i32
        %add3A_1925 = arith.constant 2 : i32
        %add3A_1926 = arith.addi %mul3A_1924, %add3A_1925 : i32
        %get3A_1927 = arith.index_cast %add3A_1926 : i32 to index
        %get3A_1928 = arith.constant 96 : index
        %get3A_1929 = tpu.vector_load %arg11[%get3A_1927, %get3A_1928] {strides = array<i32>} : memref<128x128xf32, #tpu.memory_space<vmem>>, vector<1x16xf32>,
        %get3A_1930 = vector.shape_cast %get3A_1929 : vector<1x16xf32> to vector<16xf32>
        %add3A_1931 = arith.addf %get3A_1922, %get3A_1930 : vector<16xf32>
        %max3A_1932 = arith.maximumf %max3A_1914, %add3A_1931 : vector<16xf32>
        %mul3A_1933 = arith.constant 16 : i32
        %mul3A_1934 = arith.muli %scan3A_116, %mul3A_1933 : i32
        %add3A_1935 = arith.constant 3 : i32
        %add3A_1936 = arith.addi %mul3A_1934, %add3A_1935 : i32
        %get3A_1937 = arith.index_cast %add3A_1936 : i32 to index
        %get3A_1938 = arith.constant 96 : index
        %get3A_1939 = tpu.vector_load %arg10[%get3A_1937, %get3A_1938] {strides = array<i32>} : memref<128x128xf32, #tpu.memory_space<vmem>>, vector<1x16xf32>,
        %get3A_1940 = vector.shape_cast %get3A_1939 : vector<1x16xf32> to vector<16xf32>
        %mul3A_1941 = arith.constant 16 : i32
        %mul3A_1942 = arith.muli %scan3A_116, %mul3A_1941 : i32
        %add3A_1943 = arith.constant 3 : i32
        %add3A_1944 = arith.addi %mul3A_1942, %add3A_1943 : i32
        %get3A_1945 = arith.index_cast %add3A_1944 : i32 to index
        %get3A_1946 = arith.constant 96 : index
        %get3A_1947 = tpu.vector_load %arg11[%get3A_1945, %get3A_1946] {strides = array<i32>} : memref<128x128xf32, #tpu.memory_space<vmem>>, vector<1x16xf32>,
        %get3A_1948 = vector.shape_cast %get3A_1947 : vector<1x16xf32> to vector<16xf32>
        %add3A_1949 = arith.addf %get3A_1940, %get3A_1948 : vector<16xf32>
        %max3A_1950 = arith.maximumf %max3A_1932, %add3A_1949 : vector<16xf32>
        %mul3A_1951 = arith.constant 16 : i32
        %mul3A_1952 = arith.muli %scan3A_116, %mul3A_1951 : i32
        %add3A_1953 = arith.constant 4 : i32
        %add3A_1954 = arith.addi %mul3A_1952, %add3A_1953 : i32
        %get3A_1955 = arith.index_cast %add3A_1954 : i32 to index
        %get3A_1956 = arith.constant 96 : index
        %get3A_1957 = tpu.vector_load %arg10[%get3A_1955, %get3A_1956] {strides = array<i32>} : memref<128x128xf32, #tpu.memory_space<vmem>>, vector<1x16xf32>,
        %get3A_1958 = vector.shape_cast %get3A_1957 : vector<1x16xf32> to vector<16xf32>
        %mul3A_1959 = arith.constant 16 : i32
        %mul3A_1960 = arith.muli %scan3A_116, %mul3A_1959 : i32
        %add3A_1961 = arith.constant 4 : i32
        %add3A_1962 = arith.addi %mul3A_1960, %add3A_1961 : i32
        %get3A_1963 = arith.index_cast %add3A_1962 : i32 to index
        %get3A_1964 = arith.constant 96 : index
        %get3A_1965 = tpu.vector_load %arg11[%get3A_1963, %get3A_1964] {strides = array<i32>} : memref<128x128xf32, #tpu.memory_space<vmem>>, vector<1x16xf32>,
        %get3A_1966 = vector.shape_cast %get3A_1965 : vector<1x16xf32> to vector<16xf32>
        %add3A_1967 = arith.addf %get3A_1958, %get3A_1966 : vector<16xf32>
        %max3A_1968 = arith.maximumf %max3A_1950, %add3A_1967 : vector<16xf32>
        %mul3A_1969 = arith.constant 16 : i32
        %mul3A_1970 = arith.muli %scan3A_116, %mul3A_1969 : i32
        %add3A_1971 = arith.constant 5 : i32
        %add3A_1972 = arith.addi %mul3A_1970, %add3A_1971 : i32
        %get3A_1973 = arith.index_cast %add3A_1972 : i32 to index
        %get3A_1974 = arith.constant 96 : index
        %get3A_1975 = tpu.vector_load %arg10[%get3A_1973, %get3A_1974] {strides = array<i32>} : memref<128x128xf32, #tpu.memory_space<vmem>>, vector<1x16xf32>,
        %get3A_1976 = vector.shape_cast %get3A_1975 : vector<1x16xf32> to vector<16xf32>
        %mul3A_1977 = arith.constant 16 : i32
        %mul3A_1978 = arith.muli %scan3A_116, %mul3A_1977 : i32
        %add3A_1979 = arith.constant 5 : i32
        %add3A_1980 = arith.addi %mul3A_1978, %add3A_1979 : i32
        %get3A_1981 = arith.index_cast %add3A_1980 : i32 to index
        %get3A_1982 = arith.constant 96 : index
        %get3A_1983 = tpu.vector_load %arg11[%get3A_1981, %get3A_1982] {strides = array<i32>} : memref<128x128xf32, #tpu.memory_space<vmem>>, vector<1x16xf32>,
        %get3A_1984 = vector.shape_cast %get3A_1983 : vector<1x16xf32> to vector<16xf32>
        %add3A_1985 = arith.addf %get3A_1976, %get3A_1984 : vector<16xf32>
        %max3A_1986 = arith.maximumf %max3A_1968, %add3A_1985 : vector<16xf32>
        %mul3A_1987 = arith.constant 16 : i32
        %mul3A_1988 = arith.muli %scan3A_116, %mul3A_1987 : i32
        %add3A_1989 = arith.constant 6 : i32
        %add3A_1990 = arith.addi %mul3A_1988, %add3A_1989 : i32
        %get3A_1991 = arith.index_cast %add3A_1990 : i32 to index
        %get3A_1992 = arith.constant 96 : index
        %get3A_1993 = tpu.vector_load %arg10[%get3A_1991, %get3A_1992] {strides = array<i32>} : memref<128x128xf32, #tpu.memory_space<vmem>>, vector<1x16xf32>,
        %get3A_1994 = vector.shape_cast %get3A_1993 : vector<1x16xf32> to vector<16xf32>
        %mul3A_1995 = arith.constant 16 : i32
        %mul3A_1996 = arith.muli %scan3A_116, %mul3A_1995 : i32
        %add3A_1997 = arith.constant 6 : i32
        %add3A_1998 = arith.addi %mul3A_1996, %add3A_1997 : i32
        %get3A_1999 = arith.index_cast %add3A_1998 : i32 to index
        %get3A_2000 = arith.constant 96 : index
        %get3A_2001 = tpu.vector_load %arg11[%get3A_1999, %get3A_2000] {strides = array<i32>} : memref<128x128xf32, #tpu.memory_space<vmem>>, vector<1x16xf32>,
        %get3A_2002 = vector.shape_cast %get3A_2001 : vector<1x16xf32> to vector<16xf32>
        %add3A_2003 = arith.addf %get3A_1994, %get3A_2002 : vector<16xf32>
        %max3A_2004 = arith.maximumf %max3A_1986, %add3A_2003 : vector<16xf32>
        %mul3A_2005 = arith.constant 16 : i32
        %mul3A_2006 = arith.muli %scan3A_116, %mul3A_2005 : i32
        %add3A_2007 = arith.constant 7 : i32
        %add3A_2008 = arith.addi %mul3A_2006, %add3A_2007 : i32
        %get3A_2009 = arith.index_cast %add3A_2008 : i32 to index
        %get3A_2010 = arith.constant 96 : index
        %get3A_2011 = tpu.vector_load %arg10[%get3A_2009, %get3A_2010] {strides = array<i32>} : memref<128x128xf32, #tpu.memory_space<vmem>>, vector<1x16xf32>,
        %get3A_2012 = vector.shape_cast %get3A_2011 : vector<1x16xf32> to vector<16xf32>
        %mul3A_2013 = arith.constant 16 : i32
        %mul3A_2014 = arith.muli %scan3A_116, %mul3A_2013 : i32
        %add3A_2015 = arith.constant 7 : i32
        %add3A_2016 = arith.addi %mul3A_2014, %add3A_2015 : i32
        %get3A_2017 = arith.index_cast %add3A_2016 : i32 to index
        %get3A_2018 = arith.constant 96 : index
        %get3A_2019 = tpu.vector_load %arg11[%get3A_2017, %get3A_2018] {strides = array<i32>} : memref<128x128xf32, #tpu.memory_space<vmem>>, vector<1x16xf32>,
        %get3A_2020 = vector.shape_cast %get3A_2019 : vector<1x16xf32> to vector<16xf32>
        %add3A_2021 = arith.addf %get3A_2012, %get3A_2020 : vector<16xf32>
        %max3A_2022 = arith.maximumf %max3A_2004, %add3A_2021 : vector<16xf32>
        %mul3A_2023 = arith.constant 16 : i32
        %mul3A_2024 = arith.muli %scan3A_116, %mul3A_2023 : i32
        %add3A_2025 = arith.constant 8 : i32
        %add3A_2026 = arith.addi %mul3A_2024, %add3A_2025 : i32
        %get3A_2027 = arith.index_cast %add3A_2026 : i32 to index
        %get3A_2028 = arith.constant 96 : index
        %get3A_2029 = tpu.vector_load %arg10[%get3A_2027, %get3A_2028] {strides = array<i32>} : memref<128x128xf32, #tpu.memory_space<vmem>>, vector<1x16xf32>,
        %get3A_2030 = vector.shape_cast %get3A_2029 : vector<1x16xf32> to vector<16xf32>
        %mul3A_2031 = arith.constant 16 : i32
        %mul3A_2032 = arith.muli %scan3A_116, %mul3A_2031 : i32
        %add3A_2033 = arith.constant 8 : i32
        %add3A_2034 = arith.addi %mul3A_2032, %add3A_2033 : i32
        %get3A_2035 = arith.index_cast %add3A_2034 : i32 to index
        %get3A_2036 = arith.constant 96 : index
        %get3A_2037 = tpu.vector_load %arg11[%get3A_2035, %get3A_2036] {strides = array<i32>} : memref<128x128xf32, #tpu.memory_space<vmem>>, vector<1x16xf32>,
        %get3A_2038 = vector.shape_cast %get3A_2037 : vector<1x16xf32> to vector<16xf32>
        %add3A_2039 = arith.addf %get3A_2030, %get3A_2038 : vector<16xf32>
        %max3A_2040 = arith.maximumf %max3A_2022, %add3A_2039 : vector<16xf32>
        %mul3A_2041 = arith.constant 16 : i32
        %mul3A_2042 = arith.muli %scan3A_116, %mul3A_2041 : i32
        %add3A_2043 = arith.constant 9 : i32
        %add3A_2044 = arith.addi %mul3A_2042, %add3A_2043 : i32
        %get3A_2045 = arith.index_cast %add3A_2044 : i32 to index
        %get3A_2046 = arith.constant 96 : index
        %get3A_2047 = tpu.vector_load %arg10[%get3A_2045, %get3A_2046] {strides = array<i32>} : memref<128x128xf32, #tpu.memory_space<vmem>>, vector<1x16xf32>,
        %get3A_2048 = vector.shape_cast %get3A_2047 : vector<1x16xf32> to vector<16xf32>
        %mul3A_2049 = arith.constant 16 : i32
        %mul3A_2050 = arith.muli %scan3A_116, %mul3A_2049 : i32
        %add3A_2051 = arith.constant 9 : i32
        %add3A_2052 = arith.addi %mul3A_2050, %add3A_2051 : i32
        %get3A_2053 = arith.index_cast %add3A_2052 : i32 to index
        %get3A_2054 = arith.constant 96 : index
        %get3A_2055 = tpu.vector_load %arg11[%get3A_2053, %get3A_2054] {strides = array<i32>} : memref<128x128xf32, #tpu.memory_space<vmem>>, vector<1x16xf32>,
        %get3A_2056 = vector.shape_cast %get3A_2055 : vector<1x16xf32> to vector<16xf32>
        %add3A_2057 = arith.addf %get3A_2048, %get3A_2056 : vector<16xf32>
        %max3A_2058 = arith.maximumf %max3A_2040, %add3A_2057 : vector<16xf32>
        %mul3A_2059 = arith.constant 16 : i32
        %mul3A_2060 = arith.muli %scan3A_116, %mul3A_2059 : i32
        %add3A_2061 = arith.constant 10 : i32
        %add3A_2062 = arith.addi %mul3A_2060, %add3A_2061 : i32
        %get3A_2063 = arith.index_cast %add3A_2062 : i32 to index
        %get3A_2064 = arith.constant 96 : index
        %get3A_2065 = tpu.vector_load %arg10[%get3A_2063, %get3A_2064] {strides = array<i32>} : memref<128x128xf32, #tpu.memory_space<vmem>>, vector<1x16xf32>,
        %get3A_2066 = vector.shape_cast %get3A_2065 : vector<1x16xf32> to vector<16xf32>
        %mul3A_2067 = arith.constant 16 : i32
        %mul3A_2068 = arith.muli %scan3A_116, %mul3A_2067 : i32
        %add3A_2069 = arith.constant 10 : i32
        %add3A_2070 = arith.addi %mul3A_2068, %add3A_2069 : i32
        %get3A_2071 = arith.index_cast %add3A_2070 : i32 to index
        %get3A_2072 = arith.constant 96 : index
        %get3A_2073 = tpu.vector_load %arg11[%get3A_2071, %get3A_2072] {strides = array<i32>} : memref<128x128xf32, #tpu.memory_space<vmem>>, vector<1x16xf32>,
        %get3A_2074 = vector.shape_cast %get3A_2073 : vector<1x16xf32> to vector<16xf32>
        %add3A_2075 = arith.addf %get3A_2066, %get3A_2074 : vector<16xf32>
        %max3A_2076 = arith.maximumf %max3A_2058, %add3A_2075 : vector<16xf32>
        %mul3A_2077 = arith.constant 16 : i32
        %mul3A_2078 = arith.muli %scan3A_116, %mul3A_2077 : i32
        %add3A_2079 = arith.constant 11 : i32
        %add3A_2080 = arith.addi %mul3A_2078, %add3A_2079 : i32
        %get3A_2081 = arith.index_cast %add3A_2080 : i32 to index
        %get3A_2082 = arith.constant 96 : index
        %get3A_2083 = tpu.vector_load %arg10[%get3A_2081, %get3A_2082] {strides = array<i32>} : memref<128x128xf32, #tpu.memory_space<vmem>>, vector<1x16xf32>,
        %get3A_2084 = vector.shape_cast %get3A_2083 : vector<1x16xf32> to vector<16xf32>
        %mul3A_2085 = arith.constant 16 : i32
        %mul3A_2086 = arith.muli %scan3A_116, %mul3A_2085 : i32
        %add3A_2087 = arith.constant 11 : i32
        %add3A_2088 = arith.addi %mul3A_2086, %add3A_2087 : i32
        %get3A_2089 = arith.index_cast %add3A_2088 : i32 to index
        %get3A_2090 = arith.constant 96 : index
        %get3A_2091 = tpu.vector_load %arg11[%get3A_2089, %get3A_2090] {strides = array<i32>} : memref<128x128xf32, #tpu.memory_space<vmem>>, vector<1x16xf32>,
        %get3A_2092 = vector.shape_cast %get3A_2091 : vector<1x16xf32> to vector<16xf32>
        %add3A_2093 = arith.addf %get3A_2084, %get3A_2092 : vector<16xf32>
        %max3A_2094 = arith.maximumf %max3A_2076, %add3A_2093 : vector<16xf32>
        %mul3A_2095 = arith.constant 16 : i32
        %mul3A_2096 = arith.muli %scan3A_116, %mul3A_2095 : i32
        %add3A_2097 = arith.constant 12 : i32
        %add3A_2098 = arith.addi %mul3A_2096, %add3A_2097 : i32
        %get3A_2099 = arith.index_cast %add3A_2098 : i32 to index
        %get3A_2100 = arith.constant 96 : index
        %get3A_2101 = tpu.vector_load %arg10[%get3A_2099, %get3A_2100] {strides = array<i32>} : memref<128x128xf32, #tpu.memory_space<vmem>>, vector<1x16xf32>,
        %get3A_2102 = vector.shape_cast %get3A_2101 : vector<1x16xf32> to vector<16xf32>
        %mul3A_2103 = arith.constant 16 : i32
        %mul3A_2104 = arith.muli %scan3A_116, %mul3A_2103 : i32
        %add3A_2105 = arith.constant 12 : i32
        %add3A_2106 = arith.addi %mul3A_2104, %add3A_2105 : i32
        %get3A_2107 = arith.index_cast %add3A_2106 : i32 to index
        %get3A_2108 = arith.constant 96 : index
        %get3A_2109 = tpu.vector_load %arg11[%get3A_2107, %get3A_2108] {strides = array<i32>} : memref<128x128xf32, #tpu.memory_space<vmem>>, vector<1x16xf32>,
        %get3A_2110 = vector.shape_cast %get3A_2109 : vector<1x16xf32> to vector<16xf32>
        %add3A_2111 = arith.addf %get3A_2102, %get3A_2110 : vector<16xf32>
        %max3A_2112 = arith.maximumf %max3A_2094, %add3A_2111 : vector<16xf32>
        %mul3A_2113 = arith.constant 16 : i32
        %mul3A_2114 = arith.muli %scan3A_116, %mul3A_2113 : i32
        %add3A_2115 = arith.constant 13 : i32
        %add3A_2116 = arith.addi %mul3A_2114, %add3A_2115 : i32
        %get3A_2117 = arith.index_cast %add3A_2116 : i32 to index
        %get3A_2118 = arith.constant 96 : index
        %get3A_2119 = tpu.vector_load %arg10[%get3A_2117, %get3A_2118] {strides = array<i32>} : memref<128x128xf32, #tpu.memory_space<vmem>>, vector<1x16xf32>,
        %get3A_2120 = vector.shape_cast %get3A_2119 : vector<1x16xf32> to vector<16xf32>
        %mul3A_2121 = arith.constant 16 : i32
        %mul3A_2122 = arith.muli %scan3A_116, %mul3A_2121 : i32
        %add3A_2123 = arith.constant 13 : i32
        %add3A_2124 = arith.addi %mul3A_2122, %add3A_2123 : i32
        %get3A_2125 = arith.index_cast %add3A_2124 : i32 to index
        %get3A_2126 = arith.constant 96 : index
        %get3A_2127 = tpu.vector_load %arg11[%get3A_2125, %get3A_2126] {strides = array<i32>} : memref<128x128xf32, #tpu.memory_space<vmem>>, vector<1x16xf32>,
        %get3A_2128 = vector.shape_cast %get3A_2127 : vector<1x16xf32> to vector<16xf32>
        %add3A_2129 = arith.addf %get3A_2120, %get3A_2128 : vector<16xf32>
        %max3A_2130 = arith.maximumf %max3A_2112, %add3A_2129 : vector<16xf32>
        %mul3A_2131 = arith.constant 16 : i32
        %mul3A_2132 = arith.muli %scan3A_116, %mul3A_2131 : i32
        %add3A_2133 = arith.constant 14 : i32
        %add3A_2134 = arith.addi %mul3A_2132, %add3A_2133 : i32
        %get3A_2135 = arith.index_cast %add3A_2134 : i32 to index
        %get3A_2136 = arith.constant 96 : index
        %get3A_2137 = tpu.vector_load %arg10[%get3A_2135, %get3A_2136] {strides = array<i32>} : memref<128x128xf32, #tpu.memory_space<vmem>>, vector<1x16xf32>,
        %get3A_2138 = vector.shape_cast %get3A_2137 : vector<1x16xf32> to vector<16xf32>
        %mul3A_2139 = arith.constant 16 : i32
        %mul3A_2140 = arith.muli %scan3A_116, %mul3A_2139 : i32
        %add3A_2141 = arith.constant 14 : i32
        %add3A_2142 = arith.addi %mul3A_2140, %add3A_2141 : i32
        %get3A_2143 = arith.index_cast %add3A_2142 : i32 to index
        %get3A_2144 = arith.constant 96 : index
        %get3A_2145 = tpu.vector_load %arg11[%get3A_2143, %get3A_2144] {strides = array<i32>} : memref<128x128xf32, #tpu.memory_space<vmem>>, vector<1x16xf32>,
        %get3A_2146 = vector.shape_cast %get3A_2145 : vector<1x16xf32> to vector<16xf32>
        %add3A_2147 = arith.addf %get3A_2138, %get3A_2146 : vector<16xf32>
        %max3A_2148 = arith.maximumf %max3A_2130, %add3A_2147 : vector<16xf32>
        %mul3A_2149 = arith.constant 16 : i32
        %mul3A_2150 = arith.muli %scan3A_116, %mul3A_2149 : i32
        %add3A_2151 = arith.constant 15 : i32
        %add3A_2152 = arith.addi %mul3A_2150, %add3A_2151 : i32
        %get3A_2153 = arith.index_cast %add3A_2152 : i32 to index
        %get3A_2154 = arith.constant 96 : index
        %get3A_2155 = tpu.vector_load %arg10[%get3A_2153, %get3A_2154] {strides = array<i32>} : memref<128x128xf32, #tpu.memory_space<vmem>>, vector<1x16xf32>,
        %get3A_2156 = vector.shape_cast %get3A_2155 : vector<1x16xf32> to vector<16xf32>
        %mul3A_2157 = arith.constant 16 : i32
        %mul3A_2158 = arith.muli %scan3A_116, %mul3A_2157 : i32
        %add3A_2159 = arith.constant 15 : i32
        %add3A_2160 = arith.addi %mul3A_2158, %add3A_2159 : i32
        %get3A_2161 = arith.index_cast %add3A_2160 : i32 to index
        %get3A_2162 = arith.constant 96 : index
        %get3A_2163 = tpu.vector_load %arg11[%get3A_2161, %get3A_2162] {strides = array<i32>} : memref<128x128xf32, #tpu.memory_space<vmem>>, vector<1x16xf32>,
        %get3A_2164 = vector.shape_cast %get3A_2163 : vector<1x16xf32> to vector<16xf32>
        %add3A_2165 = arith.addf %get3A_2156, %get3A_2164 : vector<16xf32>
        %max3A_2166 = arith.maximumf %max3A_2148, %add3A_2165 : vector<16xf32>
        %get3A_2167 = arith.constant 96 : index
        %get3A_2168 = tpu.vector_load %arg14[%get3A_2167] {strides = array<i32>} : memref<128xf32, #tpu.memory_space<vmem>>, vector<16xf32>,
        %get3A_2169 = vector.shape_cast %get3A_2168 : vector<16xf32> to vector<16xf32>
        %add3A_2170 = arith.addf %max3A_2166, %get3A_2169 : vector<16xf32>
        %max3A_2171 = arith.constant 0.000000e+00 : f32
        %max3A_2172 = vector.broadcast %max3A_2171 : f32 to vector<16xf32>
        %max3A_2173 = arith.maximumf %add3A_2170, %max3A_2172 : vector<16xf32>
        %swap3A_2174 = arith.index_cast %scan3A_116 : i32 to index
        %swap3A_2175 = arith.constant 96 : index
        %swap3A_2176 = tpu.vector_load %arg15[%swap3A_2174, %swap3A_2175] {strides = array<i32>} : memref<8x128xf32, #tpu.memory_space<vmem>>, vector<1x16xf32>,
        %swap3A_2177 = vector.shape_cast %swap3A_2176 : vector<1x16xf32> to vector<16xf32>
        %swap3A_2178 = vector.shape_cast %max3A_2173 : vector<16xf32> to vector<1x16xf32>
        tpu.vector_store %arg15[%swap3A_2174, %swap3A_2175], %swap3A_2178 {strides = array<i32>} : memref<8x128xf32, #tpu.memory_space<vmem>>, vector<1x16xf32>,
        %mul3A_2179 = arith.constant 16 : i32
        %mul3A_2180 = arith.muli %scan3A_116, %mul3A_2179 : i32
        %get3A_2181 = arith.index_cast %mul3A_2180 : i32 to index
        %get3A_2182 = arith.constant 112 : index
        %get3A_2183 = tpu.vector_load %arg10[%get3A_2181, %get3A_2182] {strides = array<i32>} : memref<128x128xf32, #tpu.memory_space<vmem>>, vector<1x16xf32>,
        %get3A_2184 = vector.shape_cast %get3A_2183 : vector<1x16xf32> to vector<16xf32>
        %mul3A_2185 = arith.constant 16 : i32
        %mul3A_2186 = arith.muli %scan3A_116, %mul3A_2185 : i32
        %get3A_2187 = arith.index_cast %mul3A_2186 : i32 to index
        %get3A_2188 = arith.constant 112 : index
        %get3A_2189 = tpu.vector_load %arg11[%get3A_2187, %get3A_2188] {strides = array<i32>} : memref<128x128xf32, #tpu.memory_space<vmem>>, vector<1x16xf32>,
        %get3A_2190 = vector.shape_cast %get3A_2189 : vector<1x16xf32> to vector<16xf32>
        %add3A_2191 = arith.addf %get3A_2184, %get3A_2190 : vector<16xf32>
        %mul3A_2192 = arith.constant 16 : i32
        %mul3A_2193 = arith.muli %scan3A_116, %mul3A_2192 : i32
        %add3A_2194 = arith.constant 1 : i32
        %add3A_2195 = arith.addi %mul3A_2193, %add3A_2194 : i32
        %get3A_2196 = arith.index_cast %add3A_2195 : i32 to index
        %get3A_2197 = arith.constant 112 : index
        %get3A_2198 = tpu.vector_load %arg10[%get3A_2196, %get3A_2197] {strides = array<i32>} : memref<128x128xf32, #tpu.memory_space<vmem>>, vector<1x16xf32>,
        %get3A_2199 = vector.shape_cast %get3A_2198 : vector<1x16xf32> to vector<16xf32>
        %mul3A_2200 = arith.constant 16 : i32
        %mul3A_2201 = arith.muli %scan3A_116, %mul3A_2200 : i32
        %add3A_2202 = arith.constant 1 : i32
        %add3A_2203 = arith.addi %mul3A_2201, %add3A_2202 : i32
        %get3A_2204 = arith.index_cast %add3A_2203 : i32 to index
        %get3A_2205 = arith.constant 112 : index
        %get3A_2206 = tpu.vector_load %arg11[%get3A_2204, %get3A_2205] {strides = array<i32>} : memref<128x128xf32, #tpu.memory_space<vmem>>, vector<1x16xf32>,
        %get3A_2207 = vector.shape_cast %get3A_2206 : vector<1x16xf32> to vector<16xf32>
        %add3A_2208 = arith.addf %get3A_2199, %get3A_2207 : vector<16xf32>
        %max3A_2209 = arith.maximumf %add3A_2191, %add3A_2208 : vector<16xf32>
        %mul3A_2210 = arith.constant 16 : i32
        %mul3A_2211 = arith.muli %scan3A_116, %mul3A_2210 : i32
        %add3A_2212 = arith.constant 2 : i32
        %add3A_2213 = arith.addi %mul3A_2211, %add3A_2212 : i32
        %get3A_2214 = arith.index_cast %add3A_2213 : i32 to index
        %get3A_2215 = arith.constant 112 : index
        %get3A_2216 = tpu.vector_load %arg10[%get3A_2214, %get3A_2215] {strides = array<i32>} : memref<128x128xf32, #tpu.memory_space<vmem>>, vector<1x16xf32>,
        %get3A_2217 = vector.shape_cast %get3A_2216 : vector<1x16xf32> to vector<16xf32>
        %mul3A_2218 = arith.constant 16 : i32
        %mul3A_2219 = arith.muli %scan3A_116, %mul3A_2218 : i32
        %add3A_2220 = arith.constant 2 : i32
        %add3A_2221 = arith.addi %mul3A_2219, %add3A_2220 : i32
        %get3A_2222 = arith.index_cast %add3A_2221 : i32 to index
        %get3A_2223 = arith.constant 112 : index
        %get3A_2224 = tpu.vector_load %arg11[%get3A_2222, %get3A_2223] {strides = array<i32>} : memref<128x128xf32, #tpu.memory_space<vmem>>, vector<1x16xf32>,
        %get3A_2225 = vector.shape_cast %get3A_2224 : vector<1x16xf32> to vector<16xf32>
        %add3A_2226 = arith.addf %get3A_2217, %get3A_2225 : vector<16xf32>
        %max3A_2227 = arith.maximumf %max3A_2209, %add3A_2226 : vector<16xf32>
        %mul3A_2228 = arith.constant 16 : i32
        %mul3A_2229 = arith.muli %scan3A_116, %mul3A_2228 : i32
        %add3A_2230 = arith.constant 3 : i32
        %add3A_2231 = arith.addi %mul3A_2229, %add3A_2230 : i32
        %get3A_2232 = arith.index_cast %add3A_2231 : i32 to index
        %get3A_2233 = arith.constant 112 : index
        %get3A_2234 = tpu.vector_load %arg10[%get3A_2232, %get3A_2233] {strides = array<i32>} : memref<128x128xf32, #tpu.memory_space<vmem>>, vector<1x16xf32>,
        %get3A_2235 = vector.shape_cast %get3A_2234 : vector<1x16xf32> to vector<16xf32>
        %mul3A_2236 = arith.constant 16 : i32
        %mul3A_2237 = arith.muli %scan3A_116, %mul3A_2236 : i32
        %add3A_2238 = arith.constant 3 : i32
        %add3A_2239 = arith.addi %mul3A_2237, %add3A_2238 : i32
        %get3A_2240 = arith.index_cast %add3A_2239 : i32 to index
        %get3A_2241 = arith.constant 112 : index
        %get3A_2242 = tpu.vector_load %arg11[%get3A_2240, %get3A_2241] {strides = array<i32>} : memref<128x128xf32, #tpu.memory_space<vmem>>, vector<1x16xf32>,
        %get3A_2243 = vector.shape_cast %get3A_2242 : vector<1x16xf32> to vector<16xf32>
        %add3A_2244 = arith.addf %get3A_2235, %get3A_2243 : vector<16xf32>
        %max3A_2245 = arith.maximumf %max3A_2227, %add3A_2244 : vector<16xf32>
        %mul3A_2246 = arith.constant 16 : i32
        %mul3A_2247 = arith.muli %scan3A_116, %mul3A_2246 : i32
        %add3A_2248 = arith.constant 4 : i32
        %add3A_2249 = arith.addi %mul3A_2247, %add3A_2248 : i32
        %get3A_2250 = arith.index_cast %add3A_2249 : i32 to index
        %get3A_2251 = arith.constant 112 : index
        %get3A_2252 = tpu.vector_load %arg10[%get3A_2250, %get3A_2251] {strides = array<i32>} : memref<128x128xf32, #tpu.memory_space<vmem>>, vector<1x16xf32>,
        %get3A_2253 = vector.shape_cast %get3A_2252 : vector<1x16xf32> to vector<16xf32>
        %mul3A_2254 = arith.constant 16 : i32
        %mul3A_2255 = arith.muli %scan3A_116, %mul3A_2254 : i32
        %add3A_2256 = arith.constant 4 : i32
        %add3A_2257 = arith.addi %mul3A_2255, %add3A_2256 : i32
        %get3A_2258 = arith.index_cast %add3A_2257 : i32 to index
        %get3A_2259 = arith.constant 112 : index
        %get3A_2260 = tpu.vector_load %arg11[%get3A_2258, %get3A_2259] {strides = array<i32>} : memref<128x128xf32, #tpu.memory_space<vmem>>, vector<1x16xf32>,
        %get3A_2261 = vector.shape_cast %get3A_2260 : vector<1x16xf32> to vector<16xf32>
        %add3A_2262 = arith.addf %get3A_2253, %get3A_2261 : vector<16xf32>
        %max3A_2263 = arith.maximumf %max3A_2245, %add3A_2262 : vector<16xf32>
        %mul3A_2264 = arith.constant 16 : i32
        %mul3A_2265 = arith.muli %scan3A_116, %mul3A_2264 : i32
        %add3A_2266 = arith.constant 5 : i32
        %add3A_2267 = arith.addi %mul3A_2265, %add3A_2266 : i32
        %get3A_2268 = arith.index_cast %add3A_2267 : i32 to index
        %get3A_2269 = arith.constant 112 : index
        %get3A_2270 = tpu.vector_load %arg10[%get3A_2268, %get3A_2269] {strides = array<i32>} : memref<128x128xf32, #tpu.memory_space<vmem>>, vector<1x16xf32>,
        %get3A_2271 = vector.shape_cast %get3A_2270 : vector<1x16xf32> to vector<16xf32>
        %mul3A_2272 = arith.constant 16 : i32
        %mul3A_2273 = arith.muli %scan3A_116, %mul3A_2272 : i32
        %add3A_2274 = arith.constant 5 : i32
        %add3A_2275 = arith.addi %mul3A_2273, %add3A_2274 : i32
        %get3A_2276 = arith.index_cast %add3A_2275 : i32 to index
        %get3A_2277 = arith.constant 112 : index
        %get3A_2278 = tpu.vector_load %arg11[%get3A_2276, %get3A_2277] {strides = array<i32>} : memref<128x128xf32, #tpu.memory_space<vmem>>, vector<1x16xf32>,
        %get3A_2279 = vector.shape_cast %get3A_2278 : vector<1x16xf32> to vector<16xf32>
        %add3A_2280 = arith.addf %get3A_2271, %get3A_2279 : vector<16xf32>
        %max3A_2281 = arith.maximumf %max3A_2263, %add3A_2280 : vector<16xf32>
        %mul3A_2282 = arith.constant 16 : i32
        %mul3A_2283 = arith.muli %scan3A_116, %mul3A_2282 : i32
        %add3A_2284 = arith.constant 6 : i32
        %add3A_2285 = arith.addi %mul3A_2283, %add3A_2284 : i32
        %get3A_2286 = arith.index_cast %add3A_2285 : i32 to index
        %get3A_2287 = arith.constant 112 : index
        %get3A_2288 = tpu.vector_load %arg10[%get3A_2286, %get3A_2287] {strides = array<i32>} : memref<128x128xf32, #tpu.memory_space<vmem>>, vector<1x16xf32>,
        %get3A_2289 = vector.shape_cast %get3A_2288 : vector<1x16xf32> to vector<16xf32>
        %mul3A_2290 = arith.constant 16 : i32
        %mul3A_2291 = arith.muli %scan3A_116, %mul3A_2290 : i32
        %add3A_2292 = arith.constant 6 : i32
        %add3A_2293 = arith.addi %mul3A_2291, %add3A_2292 : i32
        %get3A_2294 = arith.index_cast %add3A_2293 : i32 to index
        %get3A_2295 = arith.constant 112 : index
        %get3A_2296 = tpu.vector_load %arg11[%get3A_2294, %get3A_2295] {strides = array<i32>} : memref<128x128xf32, #tpu.memory_space<vmem>>, vector<1x16xf32>,
        %get3A_2297 = vector.shape_cast %get3A_2296 : vector<1x16xf32> to vector<16xf32>
        %add3A_2298 = arith.addf %get3A_2289, %get3A_2297 : vector<16xf32>
        %max3A_2299 = arith.maximumf %max3A_2281, %add3A_2298 : vector<16xf32>
        %mul3A_2300 = arith.constant 16 : i32
        %mul3A_2301 = arith.muli %scan3A_116, %mul3A_2300 : i32
        %add3A_2302 = arith.constant 7 : i32
        %add3A_2303 = arith.addi %mul3A_2301, %add3A_2302 : i32
        %get3A_2304 = arith.index_cast %add3A_2303 : i32 to index
        %get3A_2305 = arith.constant 112 : index
        %get3A_2306 = tpu.vector_load %arg10[%get3A_2304, %get3A_2305] {strides = array<i32>} : memref<128x128xf32, #tpu.memory_space<vmem>>, vector<1x16xf32>,
        %get3A_2307 = vector.shape_cast %get3A_2306 : vector<1x16xf32> to vector<16xf32>
        %mul3A_2308 = arith.constant 16 : i32
        %mul3A_2309 = arith.muli %scan3A_116, %mul3A_2308 : i32
        %add3A_2310 = arith.constant 7 : i32
        %add3A_2311 = arith.addi %mul3A_2309, %add3A_2310 : i32
        %get3A_2312 = arith.index_cast %add3A_2311 : i32 to index
        %get3A_2313 = arith.constant 112 : index
        %get3A_2314 = tpu.vector_load %arg11[%get3A_2312, %get3A_2313] {strides = array<i32>} : memref<128x128xf32, #tpu.memory_space<vmem>>, vector<1x16xf32>,
        %get3A_2315 = vector.shape_cast %get3A_2314 : vector<1x16xf32> to vector<16xf32>
        %add3A_2316 = arith.addf %get3A_2307, %get3A_2315 : vector<16xf32>
        %max3A_2317 = arith.maximumf %max3A_2299, %add3A_2316 : vector<16xf32>
        %mul3A_2318 = arith.constant 16 : i32
        %mul3A_2319 = arith.muli %scan3A_116, %mul3A_2318 : i32
        %add3A_2320 = arith.constant 8 : i32
        %add3A_2321 = arith.addi %mul3A_2319, %add3A_2320 : i32
        %get3A_2322 = arith.index_cast %add3A_2321 : i32 to index
        %get3A_2323 = arith.constant 112 : index
        %get3A_2324 = tpu.vector_load %arg10[%get3A_2322, %get3A_2323] {strides = array<i32>} : memref<128x128xf32, #tpu.memory_space<vmem>>, vector<1x16xf32>,
        %get3A_2325 = vector.shape_cast %get3A_2324 : vector<1x16xf32> to vector<16xf32>
        %mul3A_2326 = arith.constant 16 : i32
        %mul3A_2327 = arith.muli %scan3A_116, %mul3A_2326 : i32
        %add3A_2328 = arith.constant 8 : i32
        %add3A_2329 = arith.addi %mul3A_2327, %add3A_2328 : i32
        %get3A_2330 = arith.index_cast %add3A_2329 : i32 to index
        %get3A_2331 = arith.constant 112 : index
        %get3A_2332 = tpu.vector_load %arg11[%get3A_2330, %get3A_2331] {strides = array<i32>} : memref<128x128xf32, #tpu.memory_space<vmem>>, vector<1x16xf32>,
        %get3A_2333 = vector.shape_cast %get3A_2332 : vector<1x16xf32> to vector<16xf32>
        %add3A_2334 = arith.addf %get3A_2325, %get3A_2333 : vector<16xf32>
        %max3A_2335 = arith.maximumf %max3A_2317, %add3A_2334 : vector<16xf32>
        %mul3A_2336 = arith.constant 16 : i32
        %mul3A_2337 = arith.muli %scan3A_116, %mul3A_2336 : i32
        %add3A_2338 = arith.constant 9 : i32
        %add3A_2339 = arith.addi %mul3A_2337, %add3A_2338 : i32
        %get3A_2340 = arith.index_cast %add3A_2339 : i32 to index
        %get3A_2341 = arith.constant 112 : index
        %get3A_2342 = tpu.vector_load %arg10[%get3A_2340, %get3A_2341] {strides = array<i32>} : memref<128x128xf32, #tpu.memory_space<vmem>>, vector<1x16xf32>,
        %get3A_2343 = vector.shape_cast %get3A_2342 : vector<1x16xf32> to vector<16xf32>
        %mul3A_2344 = arith.constant 16 : i32
        %mul3A_2345 = arith.muli %scan3A_116, %mul3A_2344 : i32
        %add3A_2346 = arith.constant 9 : i32
        %add3A_2347 = arith.addi %mul3A_2345, %add3A_2346 : i32
        %get3A_2348 = arith.index_cast %add3A_2347 : i32 to index
        %get3A_2349 = arith.constant 112 : index
        %get3A_2350 = tpu.vector_load %arg11[%get3A_2348, %get3A_2349] {strides = array<i32>} : memref<128x128xf32, #tpu.memory_space<vmem>>, vector<1x16xf32>,
        %get3A_2351 = vector.shape_cast %get3A_2350 : vector<1x16xf32> to vector<16xf32>
        %add3A_2352 = arith.addf %get3A_2343, %get3A_2351 : vector<16xf32>
        %max3A_2353 = arith.maximumf %max3A_2335, %add3A_2352 : vector<16xf32>
        %mul3A_2354 = arith.constant 16 : i32
        %mul3A_2355 = arith.muli %scan3A_116, %mul3A_2354 : i32
        %add3A_2356 = arith.constant 10 : i32
        %add3A_2357 = arith.addi %mul3A_2355, %add3A_2356 : i32
        %get3A_2358 = arith.index_cast %add3A_2357 : i32 to index
        %get3A_2359 = arith.constant 112 : index
        %get3A_2360 = tpu.vector_load %arg10[%get3A_2358, %get3A_2359] {strides = array<i32>} : memref<128x128xf32, #tpu.memory_space<vmem>>, vector<1x16xf32>,
        %get3A_2361 = vector.shape_cast %get3A_2360 : vector<1x16xf32> to vector<16xf32>
        %mul3A_2362 = arith.constant 16 : i32
        %mul3A_2363 = arith.muli %scan3A_116, %mul3A_2362 : i32
        %add3A_2364 = arith.constant 10 : i32
        %add3A_2365 = arith.addi %mul3A_2363, %add3A_2364 : i32
        %get3A_2366 = arith.index_cast %add3A_2365 : i32 to index
        %get3A_2367 = arith.constant 112 : index
        %get3A_2368 = tpu.vector_load %arg11[%get3A_2366, %get3A_2367] {strides = array<i32>} : memref<128x128xf32, #tpu.memory_space<vmem>>, vector<1x16xf32>,
        %get3A_2369 = vector.shape_cast %get3A_2368 : vector<1x16xf32> to vector<16xf32>
        %add3A_2370 = arith.addf %get3A_2361, %get3A_2369 : vector<16xf32>
        %max3A_2371 = arith.maximumf %max3A_2353, %add3A_2370 : vector<16xf32>
        %mul3A_2372 = arith.constant 16 : i32
        %mul3A_2373 = arith.muli %scan3A_116, %mul3A_2372 : i32
        %add3A_2374 = arith.constant 11 : i32
        %add3A_2375 = arith.addi %mul3A_2373, %add3A_2374 : i32
        %get3A_2376 = arith.index_cast %add3A_2375 : i32 to index
        %get3A_2377 = arith.constant 112 : index
        %get3A_2378 = tpu.vector_load %arg10[%get3A_2376, %get3A_2377] {strides = array<i32>} : memref<128x128xf32, #tpu.memory_space<vmem>>, vector<1x16xf32>,
        %get3A_2379 = vector.shape_cast %get3A_2378 : vector<1x16xf32> to vector<16xf32>
        %mul3A_2380 = arith.constant 16 : i32
        %mul3A_2381 = arith.muli %scan3A_116, %mul3A_2380 : i32
        %add3A_2382 = arith.constant 11 : i32
        %add3A_2383 = arith.addi %mul3A_2381, %add3A_2382 : i32
        %get3A_2384 = arith.index_cast %add3A_2383 : i32 to index
        %get3A_2385 = arith.constant 112 : index
        %get3A_2386 = tpu.vector_load %arg11[%get3A_2384, %get3A_2385] {strides = array<i32>} : memref<128x128xf32, #tpu.memory_space<vmem>>, vector<1x16xf32>,
        %get3A_2387 = vector.shape_cast %get3A_2386 : vector<1x16xf32> to vector<16xf32>
        %add3A_2388 = arith.addf %get3A_2379, %get3A_2387 : vector<16xf32>
        %max3A_2389 = arith.maximumf %max3A_2371, %add3A_2388 : vector<16xf32>
        %mul3A_2390 = arith.constant 16 : i32
        %mul3A_2391 = arith.muli %scan3A_116, %mul3A_2390 : i32
        %add3A_2392 = arith.constant 12 : i32
        %add3A_2393 = arith.addi %mul3A_2391, %add3A_2392 : i32
        %get3A_2394 = arith.index_cast %add3A_2393 : i32 to index
        %get3A_2395 = arith.constant 112 : index
        %get3A_2396 = tpu.vector_load %arg10[%get3A_2394, %get3A_2395] {strides = array<i32>} : memref<128x128xf32, #tpu.memory_space<vmem>>, vector<1x16xf32>,
        %get3A_2397 = vector.shape_cast %get3A_2396 : vector<1x16xf32> to vector<16xf32>
        %mul3A_2398 = arith.constant 16 : i32
        %mul3A_2399 = arith.muli %scan3A_116, %mul3A_2398 : i32
        %add3A_2400 = arith.constant 12 : i32
        %add3A_2401 = arith.addi %mul3A_2399, %add3A_2400 : i32
        %get3A_2402 = arith.index_cast %add3A_2401 : i32 to index
        %get3A_2403 = arith.constant 112 : index
        %get3A_2404 = tpu.vector_load %arg11[%get3A_2402, %get3A_2403] {strides = array<i32>} : memref<128x128xf32, #tpu.memory_space<vmem>>, vector<1x16xf32>,
        %get3A_2405 = vector.shape_cast %get3A_2404 : vector<1x16xf32> to vector<16xf32>
        %add3A_2406 = arith.addf %get3A_2397, %get3A_2405 : vector<16xf32>
        %max3A_2407 = arith.maximumf %max3A_2389, %add3A_2406 : vector<16xf32>
        %mul3A_2408 = arith.constant 16 : i32
        %mul3A_2409 = arith.muli %scan3A_116, %mul3A_2408 : i32
        %add3A_2410 = arith.constant 13 : i32
        %add3A_2411 = arith.addi %mul3A_2409, %add3A_2410 : i32
        %get3A_2412 = arith.index_cast %add3A_2411 : i32 to index
        %get3A_2413 = arith.constant 112 : index
        %get3A_2414 = tpu.vector_load %arg10[%get3A_2412, %get3A_2413] {strides = array<i32>} : memref<128x128xf32, #tpu.memory_space<vmem>>, vector<1x16xf32>,
        %get3A_2415 = vector.shape_cast %get3A_2414 : vector<1x16xf32> to vector<16xf32>
        %mul3A_2416 = arith.constant 16 : i32
        %mul3A_2417 = arith.muli %scan3A_116, %mul3A_2416 : i32
        %add3A_2418 = arith.constant 13 : i32
        %add3A_2419 = arith.addi %mul3A_2417, %add3A_2418 : i32
        %get3A_2420 = arith.index_cast %add3A_2419 : i32 to index
        %get3A_2421 = arith.constant 112 : index
        %get3A_2422 = tpu.vector_load %arg11[%get3A_2420, %get3A_2421] {strides = array<i32>} : memref<128x128xf32, #tpu.memory_space<vmem>>, vector<1x16xf32>,
        %get3A_2423 = vector.shape_cast %get3A_2422 : vector<1x16xf32> to vector<16xf32>
        %add3A_2424 = arith.addf %get3A_2415, %get3A_2423 : vector<16xf32>
        %max3A_2425 = arith.maximumf %max3A_2407, %add3A_2424 : vector<16xf32>
        %mul3A_2426 = arith.constant 16 : i32
        %mul3A_2427 = arith.muli %scan3A_116, %mul3A_2426 : i32
        %add3A_2428 = arith.constant 14 : i32
        %add3A_2429 = arith.addi %mul3A_2427, %add3A_2428 : i32
        %get3A_2430 = arith.index_cast %add3A_2429 : i32 to index
        %get3A_2431 = arith.constant 112 : index
        %get3A_2432 = tpu.vector_load %arg10[%get3A_2430, %get3A_2431] {strides = array<i32>} : memref<128x128xf32, #tpu.memory_space<vmem>>, vector<1x16xf32>,
        %get3A_2433 = vector.shape_cast %get3A_2432 : vector<1x16xf32> to vector<16xf32>
        %mul3A_2434 = arith.constant 16 : i32
        %mul3A_2435 = arith.muli %scan3A_116, %mul3A_2434 : i32
        %add3A_2436 = arith.constant 14 : i32
        %add3A_2437 = arith.addi %mul3A_2435, %add3A_2436 : i32
        %get3A_2438 = arith.index_cast %add3A_2437 : i32 to index
        %get3A_2439 = arith.constant 112 : index
        %get3A_2440 = tpu.vector_load %arg11[%get3A_2438, %get3A_2439] {strides = array<i32>} : memref<128x128xf32, #tpu.memory_space<vmem>>, vector<1x16xf32>,
        %get3A_2441 = vector.shape_cast %get3A_2440 : vector<1x16xf32> to vector<16xf32>
        %add3A_2442 = arith.addf %get3A_2433, %get3A_2441 : vector<16xf32>
        %max3A_2443 = arith.maximumf %max3A_2425, %add3A_2442 : vector<16xf32>
        %mul3A_2444 = arith.constant 16 : i32
        %mul3A_2445 = arith.muli %scan3A_116, %mul3A_2444 : i32
        %add3A_2446 = arith.constant 15 : i32
        %add3A_2447 = arith.addi %mul3A_2445, %add3A_2446 : i32
        %get3A_2448 = arith.index_cast %add3A_2447 : i32 to index
        %get3A_2449 = arith.constant 112 : index
        %get3A_2450 = tpu.vector_load %arg10[%get3A_2448, %get3A_2449] {strides = array<i32>} : memref<128x128xf32, #tpu.memory_space<vmem>>, vector<1x16xf32>,
        %get3A_2451 = vector.shape_cast %get3A_2450 : vector<1x16xf32> to vector<16xf32>
        %mul3A_2452 = arith.constant 16 : i32
        %mul3A_2453 = arith.muli %scan3A_116, %mul3A_2452 : i32
        %add3A_2454 = arith.constant 15 : i32
        %add3A_2455 = arith.addi %mul3A_2453, %add3A_2454 : i32
        %get3A_2456 = arith.index_cast %add3A_2455 : i32 to index
        %get3A_2457 = arith.constant 112 : index
        %get3A_2458 = tpu.vector_load %arg11[%get3A_2456, %get3A_2457] {strides = array<i32>} : memref<128x128xf32, #tpu.memory_space<vmem>>, vector<1x16xf32>,
        %get3A_2459 = vector.shape_cast %get3A_2458 : vector<1x16xf32> to vector<16xf32>
        %add3A_2460 = arith.addf %get3A_2451, %get3A_2459 : vector<16xf32>
        %max3A_2461 = arith.maximumf %max3A_2443, %add3A_2460 : vector<16xf32>
        %get3A_2462 = arith.constant 112 : index
        %get3A_2463 = tpu.vector_load %arg14[%get3A_2462] {strides = array<i32>} : memref<128xf32, #tpu.memory_space<vmem>>, vector<16xf32>,
        %get3A_2464 = vector.shape_cast %get3A_2463 : vector<16xf32> to vector<16xf32>
        %add3A_2465 = arith.addf %max3A_2461, %get3A_2464 : vector<16xf32>
        %max3A_2466 = arith.constant 0.000000e+00 : f32
        %max3A_2467 = vector.broadcast %max3A_2466 : f32 to vector<16xf32>
        %max3A_2468 = arith.maximumf %add3A_2465, %max3A_2467 : vector<16xf32>
        %swap3A_2469 = arith.index_cast %scan3A_116 : i32 to index
        %swap3A_2470 = arith.constant 112 : index
        %swap3A_2471 = tpu.vector_load %arg15[%swap3A_2469, %swap3A_2470] {strides = array<i32>} : memref<8x128xf32, #tpu.memory_space<vmem>>, vector<1x16xf32>,
        %swap3A_2472 = vector.shape_cast %swap3A_2471 : vector<1x16xf32> to vector<16xf32>
        %swap3A_2473 = vector.shape_cast %max3A_2468 : vector<16xf32> to vector<1x16xf32>
        tpu.vector_store %arg15[%swap3A_2469, %swap3A_2470], %swap3A_2473 {strides = array<i32>} : memref<8x128xf32, #tpu.memory_space<vmem>>, vector<1x16xf32>,
      }
      %scan3A_72 = arith.constant 8 : i32
      %add3A_73 = arith.addi %mul3A_2, %mul3A_38 : i32
      %mul3A_74 = arith.constant 8 : i32
      %mul3A_75 = arith.muli %add3A_73, %mul3A_74 : i32
      %dma_start3A_76 = arith.constant 0 : i32
      %dma_start3A_77 = tpu.memref_slice %arg7[%mul3A_75, %dma_start3A_76] : memref<20480x128xf32, #tpu.memory_space<hbm>> -> memref<8x128xf32, #tpu.memory_space<hbm>>
      %dma_start3A_78 = arith.constant 0 : i32
      %dma_start3A_79 = tpu.memref_slice %arg7[%mul3A_75, %dma_start3A_78] : memref<20480x128xf32, #tpu.memory_space<hbm>> -> memref<8x128xf32, #tpu.memory_space<hbm>>
      tpu.enqueue_dma source(%arg15 : memref<8x128xf32, #tpu.memory_space<vmem>>) target(%dma_start3A_79 : memref<8x128xf32, #tpu.memory_space<hbm>>) target_semaphore(%arg21 : memref<!tpu.dma_semaphore, #tpu.memory_space<semaphore_mem>>)
      %add3A_80 = arith.constant 2 : i32
      %add3A_81 = arith.addi %mul3A_38, %add3A_80 : i32
      %lt3A = arith.constant 80 : i32
      %lt3A_82 = arith.cmpi slt, %add3A_81, %lt3A : i32
      %convert_element_type3A_83 = arith.extui %lt3A_82 : i1 to i32
      %cond3A_84 = arith.constant 0 : i32
      %cond3A_85 = arith.cmpi ne, %convert_element_type3A_83, %cond3A_84 : i32
      scf.if %cond3A_85 {
        %add3A_116 = arith.constant 2 : i32
        %add3A_117 = arith.addi %mul3A_38, %add3A_116 : i32
        %dma_start3A_118 = arith.constant 0 : i32
        %dma_start3A_119 = tpu.memref_slice %arg8[%add3A_117, %dma_start3A_118] : memref<80x128xi32, #tpu.memory_space<vmem>> -> memref<1x128xi32, #tpu.memory_space<vmem>>
        %dma_start3A_120 = tpu.memref_squeeze %dma_start3A_119 : memref<1x128xi32, #tpu.memory_space<vmem>> -> memref<128xi32, #tpu.memory_space<vmem>>
        %dma_start3A_121 = arith.constant 0 : i32
        %dma_start3A_122 = arith.constant 0 : i32
        %dma_start3A_123 = tpu.memref_slice %arg2[%dma_start3A_121, %dma_start3A_122] : memref<20000x128xf32, #tpu.memory_space<hbm>> -> memref<20000x128xf32, #tpu.memory_space<hbm>>
        tpu.enqueue_indirect_dma source(%dma_start3A_123 : memref<20000x128xf32, #tpu.memory_space<hbm>>) target(%arg10 : memref<128x128xf32, #tpu.memory_space<vmem>>) offsets(%dma_start3A_120 : memref<128xi32, #tpu.memory_space<vmem>>) semaphore(%arg17 : memref<!tpu.dma_semaphore, #tpu.memory_space<semaphore_mem>>)
        %dma_start3A_124 = arith.constant 0 : i32
        %dma_start3A_125 = tpu.memref_slice %arg9[%add3A_117, %dma_start3A_124] : memref<80x128xi32, #tpu.memory_space<vmem>> -> memref<1x128xi32, #tpu.memory_space<vmem>>
        %dma_start3A_126 = tpu.memref_squeeze %dma_start3A_125 : memref<1x128xi32, #tpu.memory_space<vmem>> -> memref<128xi32, #tpu.memory_space<vmem>>
        %dma_start3A_127 = arith.constant 0 : i32
        %dma_start3A_128 = arith.constant 0 : i32
        %dma_start3A_129 = tpu.memref_slice %arg3[%dma_start3A_127, %dma_start3A_128] : memref<20000x128xf32, #tpu.memory_space<hbm>> -> memref<20000x128xf32, #tpu.memory_space<hbm>>
        tpu.enqueue_indirect_dma source(%dma_start3A_129 : memref<20000x128xf32, #tpu.memory_space<hbm>>) target(%arg11 : memref<128x128xf32, #tpu.memory_space<vmem>>) offsets(%dma_start3A_126 : memref<128xi32, #tpu.memory_space<vmem>>) semaphore(%arg18 : memref<!tpu.dma_semaphore, #tpu.memory_space<semaphore_mem>>)
      } else {
      }
      %dma_wait3A_86 = arith.constant 0 : i32
      %dma_wait3A_87 = tpu.memref_slice %arg8[%add3A_40, %dma_wait3A_86] : memref<80x128xi32, #tpu.memory_space<vmem>> -> memref<1x128xi32, #tpu.memory_space<vmem>>
      %dma_wait3A_88 = tpu.memref_squeeze %dma_wait3A_87 : memref<1x128xi32, #tpu.memory_space<vmem>> -> memref<128xi32, #tpu.memory_space<vmem>>
      %dma_wait3A_89 = arith.constant 0 : i32
      %dma_wait3A_90 = arith.constant 0 : i32
      %dma_wait3A_91 = tpu.memref_slice %arg2[%dma_wait3A_89, %dma_wait3A_90] : memref<20000x128xf32, #tpu.memory_space<hbm>> -> memref<20000x128xf32, #tpu.memory_space<hbm>>
      tpu.wait_indirect_dma semaphore(%arg19 : memref<!tpu.dma_semaphore, #tpu.memory_space<semaphore_mem>>) src(%dma_wait3A_91 : memref<20000x128xf32, #tpu.memory_space<hbm>>) dst(%arg12 : memref<128x128xf32, #tpu.memory_space<vmem>>)
      %dma_wait3A_92 = arith.constant 0 : i32
      %dma_wait3A_93 = tpu.memref_slice %arg9[%add3A_40, %dma_wait3A_92] : memref<80x128xi32, #tpu.memory_space<vmem>> -> memref<1x128xi32, #tpu.memory_space<vmem>>
      %dma_wait3A_94 = tpu.memref_squeeze %dma_wait3A_93 : memref<1x128xi32, #tpu.memory_space<vmem>> -> memref<128xi32, #tpu.memory_space<vmem>>
      %dma_wait3A_95 = arith.constant 0 : i32
      %dma_wait3A_96 = arith.constant 0 : i32
      %dma_wait3A_97 = tpu.memref_slice %arg3[%dma_wait3A_95, %dma_wait3A_96] : memref<20000x128xf32, #tpu.memory_space<hbm>> -> memref<20000x128xf32, #tpu.memory_space<hbm>>
      tpu.wait_indirect_dma semaphore(%arg20 : memref<!tpu.dma_semaphore, #tpu.memory_space<semaphore_mem>>) src(%dma_wait3A_97 : memref<20000x128xf32, #tpu.memory_space<hbm>>) dst(%arg13 : memref<128x128xf32, #tpu.memory_space<vmem>>)
      %gt3A_98 = arith.constant 0 : i32
      %gt3A_99 = arith.cmpi sgt, %scan3A_36, %gt3A_98 : i32
      %convert_element_type3A_100 = arith.extui %gt3A_99 : i1 to i32
      %cond3A_101 = arith.constant 0 : i32
      %cond3A_102 = arith.cmpi ne, %convert_element_type3A_100, %cond3A_101 : i32
      scf.if %cond3A_102 {
        %sub3A = arith.constant 2 : i32
        %sub3A_116 = arith.subi %add3A_40, %sub3A : i32
        %add3A_117 = arith.addi %mul3A_2, %sub3A_116 : i32
        %mul3A_118 = arith.constant 8 : i32
        %mul3A_119 = arith.muli %add3A_117, %mul3A_118 : i32
        %dma_wait3A_120 = arith.constant 0 : i32
        %dma_wait3A_121 = tpu.memref_slice %arg7[%mul3A_119, %dma_wait3A_120] : memref<20480x128xf32, #tpu.memory_space<hbm>> -> memref<8x128xf32, #tpu.memory_space<hbm>>
        %dma_wait3A_122 = arith.constant 0 : i32
        %dma_wait3A_123 = tpu.memref_slice %arg7[%mul3A_119, %dma_wait3A_122] : memref<20480x128xf32, #tpu.memory_space<hbm>> -> memref<8x128xf32, #tpu.memory_space<hbm>>
        tpu.wait_dma2 semaphore(%arg22 : memref<!tpu.dma_semaphore, #tpu.memory_space<semaphore_mem>>) src(%arg16 : memref<8x128xf32, #tpu.memory_space<vmem>>) dst(%dma_wait3A_123 : memref<8x128xf32, #tpu.memory_space<hbm>>)
      } else {
      }
      %scan3A_103 = arith.constant 0 : i32
      %scan3A_104 = arith.constant 0 : i32
      %scan3A_105 = arith.constant 8 : i32
      %scan3A_106 = arith.addi %scan3A_104, %scan3A_105 : i32
      %scan3A_107 = arith.constant 1 : i32
      scf.for %scan3A_116 = %scan3A_104 to %scan3A_106 step %scan3A_107  : i32 {
        %mul3A_117 = arith.constant 16 : i32
        %mul3A_118 = arith.muli %scan3A_116, %mul3A_117 : i32
        %get3A = arith.index_cast %mul3A_118 : i32 to index
        %get3A_119 = arith.constant 0 : index
        %get3A_120 = tpu.vector_load %arg12[%get3A, %get3A_119] {strides = array<i32>} : memref<128x128xf32, #tpu.memory_space<vmem>>, vector<1x16xf32>,
        %get3A_121 = vector.shape_cast %get3A_120 : vector<1x16xf32> to vector<16xf32>
        %mul3A_122 = arith.constant 16 : i32
        %mul3A_123 = arith.muli %scan3A_116, %mul3A_122 : i32
        %get3A_124 = arith.index_cast %mul3A_123 : i32 to index
        %get3A_125 = arith.constant 0 : index
        %get3A_126 = tpu.vector_load %arg13[%get3A_124, %get3A_125] {strides = array<i32>} : memref<128x128xf32, #tpu.memory_space<vmem>>, vector<1x16xf32>,
        %get3A_127 = vector.shape_cast %get3A_126 : vector<1x16xf32> to vector<16xf32>
        %add3A_128 = arith.addf %get3A_121, %get3A_127 : vector<16xf32>
        %mul3A_129 = arith.constant 16 : i32
        %mul3A_130 = arith.muli %scan3A_116, %mul3A_129 : i32
        %add3A_131 = arith.constant 1 : i32
        %add3A_132 = arith.addi %mul3A_130, %add3A_131 : i32
        %get3A_133 = arith.index_cast %add3A_132 : i32 to index
        %get3A_134 = arith.constant 0 : index
        %get3A_135 = tpu.vector_load %arg12[%get3A_133, %get3A_134] {strides = array<i32>} : memref<128x128xf32, #tpu.memory_space<vmem>>, vector<1x16xf32>,
        %get3A_136 = vector.shape_cast %get3A_135 : vector<1x16xf32> to vector<16xf32>
        %mul3A_137 = arith.constant 16 : i32
        %mul3A_138 = arith.muli %scan3A_116, %mul3A_137 : i32
        %add3A_139 = arith.constant 1 : i32
        %add3A_140 = arith.addi %mul3A_138, %add3A_139 : i32
        %get3A_141 = arith.index_cast %add3A_140 : i32 to index
        %get3A_142 = arith.constant 0 : index
        %get3A_143 = tpu.vector_load %arg13[%get3A_141, %get3A_142] {strides = array<i32>} : memref<128x128xf32, #tpu.memory_space<vmem>>, vector<1x16xf32>,
        %get3A_144 = vector.shape_cast %get3A_143 : vector<1x16xf32> to vector<16xf32>
        %add3A_145 = arith.addf %get3A_136, %get3A_144 : vector<16xf32>
        %max3A = arith.maximumf %add3A_128, %add3A_145 : vector<16xf32>
        %mul3A_146 = arith.constant 16 : i32
        %mul3A_147 = arith.muli %scan3A_116, %mul3A_146 : i32
        %add3A_148 = arith.constant 2 : i32
        %add3A_149 = arith.addi %mul3A_147, %add3A_148 : i32
        %get3A_150 = arith.index_cast %add3A_149 : i32 to index
        %get3A_151 = arith.constant 0 : index
        %get3A_152 = tpu.vector_load %arg12[%get3A_150, %get3A_151] {strides = array<i32>} : memref<128x128xf32, #tpu.memory_space<vmem>>, vector<1x16xf32>,
        %get3A_153 = vector.shape_cast %get3A_152 : vector<1x16xf32> to vector<16xf32>
        %mul3A_154 = arith.constant 16 : i32
        %mul3A_155 = arith.muli %scan3A_116, %mul3A_154 : i32
        %add3A_156 = arith.constant 2 : i32
        %add3A_157 = arith.addi %mul3A_155, %add3A_156 : i32
        %get3A_158 = arith.index_cast %add3A_157 : i32 to index
        %get3A_159 = arith.constant 0 : index
        %get3A_160 = tpu.vector_load %arg13[%get3A_158, %get3A_159] {strides = array<i32>} : memref<128x128xf32, #tpu.memory_space<vmem>>, vector<1x16xf32>,
        %get3A_161 = vector.shape_cast %get3A_160 : vector<1x16xf32> to vector<16xf32>
        %add3A_162 = arith.addf %get3A_153, %get3A_161 : vector<16xf32>
        %max3A_163 = arith.maximumf %max3A, %add3A_162 : vector<16xf32>
        %mul3A_164 = arith.constant 16 : i32
        %mul3A_165 = arith.muli %scan3A_116, %mul3A_164 : i32
        %add3A_166 = arith.constant 3 : i32
        %add3A_167 = arith.addi %mul3A_165, %add3A_166 : i32
        %get3A_168 = arith.index_cast %add3A_167 : i32 to index
        %get3A_169 = arith.constant 0 : index
        %get3A_170 = tpu.vector_load %arg12[%get3A_168, %get3A_169] {strides = array<i32>} : memref<128x128xf32, #tpu.memory_space<vmem>>, vector<1x16xf32>,
        %get3A_171 = vector.shape_cast %get3A_170 : vector<1x16xf32> to vector<16xf32>
        %mul3A_172 = arith.constant 16 : i32
        %mul3A_173 = arith.muli %scan3A_116, %mul3A_172 : i32
        %add3A_174 = arith.constant 3 : i32
        %add3A_175 = arith.addi %mul3A_173, %add3A_174 : i32
        %get3A_176 = arith.index_cast %add3A_175 : i32 to index
        %get3A_177 = arith.constant 0 : index
        %get3A_178 = tpu.vector_load %arg13[%get3A_176, %get3A_177] {strides = array<i32>} : memref<128x128xf32, #tpu.memory_space<vmem>>, vector<1x16xf32>,
        %get3A_179 = vector.shape_cast %get3A_178 : vector<1x16xf32> to vector<16xf32>
        %add3A_180 = arith.addf %get3A_171, %get3A_179 : vector<16xf32>
        %max3A_181 = arith.maximumf %max3A_163, %add3A_180 : vector<16xf32>
        %mul3A_182 = arith.constant 16 : i32
        %mul3A_183 = arith.muli %scan3A_116, %mul3A_182 : i32
        %add3A_184 = arith.constant 4 : i32
        %add3A_185 = arith.addi %mul3A_183, %add3A_184 : i32
        %get3A_186 = arith.index_cast %add3A_185 : i32 to index
        %get3A_187 = arith.constant 0 : index
        %get3A_188 = tpu.vector_load %arg12[%get3A_186, %get3A_187] {strides = array<i32>} : memref<128x128xf32, #tpu.memory_space<vmem>>, vector<1x16xf32>,
        %get3A_189 = vector.shape_cast %get3A_188 : vector<1x16xf32> to vector<16xf32>
        %mul3A_190 = arith.constant 16 : i32
        %mul3A_191 = arith.muli %scan3A_116, %mul3A_190 : i32
        %add3A_192 = arith.constant 4 : i32
        %add3A_193 = arith.addi %mul3A_191, %add3A_192 : i32
        %get3A_194 = arith.index_cast %add3A_193 : i32 to index
        %get3A_195 = arith.constant 0 : index
        %get3A_196 = tpu.vector_load %arg13[%get3A_194, %get3A_195] {strides = array<i32>} : memref<128x128xf32, #tpu.memory_space<vmem>>, vector<1x16xf32>,
        %get3A_197 = vector.shape_cast %get3A_196 : vector<1x16xf32> to vector<16xf32>
        %add3A_198 = arith.addf %get3A_189, %get3A_197 : vector<16xf32>
        %max3A_199 = arith.maximumf %max3A_181, %add3A_198 : vector<16xf32>
        %mul3A_200 = arith.constant 16 : i32
        %mul3A_201 = arith.muli %scan3A_116, %mul3A_200 : i32
        %add3A_202 = arith.constant 5 : i32
        %add3A_203 = arith.addi %mul3A_201, %add3A_202 : i32
        %get3A_204 = arith.index_cast %add3A_203 : i32 to index
        %get3A_205 = arith.constant 0 : index
        %get3A_206 = tpu.vector_load %arg12[%get3A_204, %get3A_205] {strides = array<i32>} : memref<128x128xf32, #tpu.memory_space<vmem>>, vector<1x16xf32>,
        %get3A_207 = vector.shape_cast %get3A_206 : vector<1x16xf32> to vector<16xf32>
        %mul3A_208 = arith.constant 16 : i32
        %mul3A_209 = arith.muli %scan3A_116, %mul3A_208 : i32
        %add3A_210 = arith.constant 5 : i32
        %add3A_211 = arith.addi %mul3A_209, %add3A_210 : i32
        %get3A_212 = arith.index_cast %add3A_211 : i32 to index
        %get3A_213 = arith.constant 0 : index
        %get3A_214 = tpu.vector_load %arg13[%get3A_212, %get3A_213] {strides = array<i32>} : memref<128x128xf32, #tpu.memory_space<vmem>>, vector<1x16xf32>,
        %get3A_215 = vector.shape_cast %get3A_214 : vector<1x16xf32> to vector<16xf32>
        %add3A_216 = arith.addf %get3A_207, %get3A_215 : vector<16xf32>
        %max3A_217 = arith.maximumf %max3A_199, %add3A_216 : vector<16xf32>
        %mul3A_218 = arith.constant 16 : i32
        %mul3A_219 = arith.muli %scan3A_116, %mul3A_218 : i32
        %add3A_220 = arith.constant 6 : i32
        %add3A_221 = arith.addi %mul3A_219, %add3A_220 : i32
        %get3A_222 = arith.index_cast %add3A_221 : i32 to index
        %get3A_223 = arith.constant 0 : index
        %get3A_224 = tpu.vector_load %arg12[%get3A_222, %get3A_223] {strides = array<i32>} : memref<128x128xf32, #tpu.memory_space<vmem>>, vector<1x16xf32>,
        %get3A_225 = vector.shape_cast %get3A_224 : vector<1x16xf32> to vector<16xf32>
        %mul3A_226 = arith.constant 16 : i32
        %mul3A_227 = arith.muli %scan3A_116, %mul3A_226 : i32
        %add3A_228 = arith.constant 6 : i32
        %add3A_229 = arith.addi %mul3A_227, %add3A_228 : i32
        %get3A_230 = arith.index_cast %add3A_229 : i32 to index
        %get3A_231 = arith.constant 0 : index
        %get3A_232 = tpu.vector_load %arg13[%get3A_230, %get3A_231] {strides = array<i32>} : memref<128x128xf32, #tpu.memory_space<vmem>>, vector<1x16xf32>,
        %get3A_233 = vector.shape_cast %get3A_232 : vector<1x16xf32> to vector<16xf32>
        %add3A_234 = arith.addf %get3A_225, %get3A_233 : vector<16xf32>
        %max3A_235 = arith.maximumf %max3A_217, %add3A_234 : vector<16xf32>
        %mul3A_236 = arith.constant 16 : i32
        %mul3A_237 = arith.muli %scan3A_116, %mul3A_236 : i32
        %add3A_238 = arith.constant 7 : i32
        %add3A_239 = arith.addi %mul3A_237, %add3A_238 : i32
        %get3A_240 = arith.index_cast %add3A_239 : i32 to index
        %get3A_241 = arith.constant 0 : index
        %get3A_242 = tpu.vector_load %arg12[%get3A_240, %get3A_241] {strides = array<i32>} : memref<128x128xf32, #tpu.memory_space<vmem>>, vector<1x16xf32>,
        %get3A_243 = vector.shape_cast %get3A_242 : vector<1x16xf32> to vector<16xf32>
        %mul3A_244 = arith.constant 16 : i32
        %mul3A_245 = arith.muli %scan3A_116, %mul3A_244 : i32
        %add3A_246 = arith.constant 7 : i32
        %add3A_247 = arith.addi %mul3A_245, %add3A_246 : i32
        %get3A_248 = arith.index_cast %add3A_247 : i32 to index
        %get3A_249 = arith.constant 0 : index
        %get3A_250 = tpu.vector_load %arg13[%get3A_248, %get3A_249] {strides = array<i32>} : memref<128x128xf32, #tpu.memory_space<vmem>>, vector<1x16xf32>,
        %get3A_251 = vector.shape_cast %get3A_250 : vector<1x16xf32> to vector<16xf32>
        %add3A_252 = arith.addf %get3A_243, %get3A_251 : vector<16xf32>
        %max3A_253 = arith.maximumf %max3A_235, %add3A_252 : vector<16xf32>
        %mul3A_254 = arith.constant 16 : i32
        %mul3A_255 = arith.muli %scan3A_116, %mul3A_254 : i32
        %add3A_256 = arith.constant 8 : i32
        %add3A_257 = arith.addi %mul3A_255, %add3A_256 : i32
        %get3A_258 = arith.index_cast %add3A_257 : i32 to index
        %get3A_259 = arith.constant 0 : index
        %get3A_260 = tpu.vector_load %arg12[%get3A_258, %get3A_259] {strides = array<i32>} : memref<128x128xf32, #tpu.memory_space<vmem>>, vector<1x16xf32>,
        %get3A_261 = vector.shape_cast %get3A_260 : vector<1x16xf32> to vector<16xf32>
        %mul3A_262 = arith.constant 16 : i32
        %mul3A_263 = arith.muli %scan3A_116, %mul3A_262 : i32
        %add3A_264 = arith.constant 8 : i32
        %add3A_265 = arith.addi %mul3A_263, %add3A_264 : i32
        %get3A_266 = arith.index_cast %add3A_265 : i32 to index
        %get3A_267 = arith.constant 0 : index
        %get3A_268 = tpu.vector_load %arg13[%get3A_266, %get3A_267] {strides = array<i32>} : memref<128x128xf32, #tpu.memory_space<vmem>>, vector<1x16xf32>,
        %get3A_269 = vector.shape_cast %get3A_268 : vector<1x16xf32> to vector<16xf32>
        %add3A_270 = arith.addf %get3A_261, %get3A_269 : vector<16xf32>
        %max3A_271 = arith.maximumf %max3A_253, %add3A_270 : vector<16xf32>
        %mul3A_272 = arith.constant 16 : i32
        %mul3A_273 = arith.muli %scan3A_116, %mul3A_272 : i32
        %add3A_274 = arith.constant 9 : i32
        %add3A_275 = arith.addi %mul3A_273, %add3A_274 : i32
        %get3A_276 = arith.index_cast %add3A_275 : i32 to index
        %get3A_277 = arith.constant 0 : index
        %get3A_278 = tpu.vector_load %arg12[%get3A_276, %get3A_277] {strides = array<i32>} : memref<128x128xf32, #tpu.memory_space<vmem>>, vector<1x16xf32>,
        %get3A_279 = vector.shape_cast %get3A_278 : vector<1x16xf32> to vector<16xf32>
        %mul3A_280 = arith.constant 16 : i32
        %mul3A_281 = arith.muli %scan3A_116, %mul3A_280 : i32
        %add3A_282 = arith.constant 9 : i32
        %add3A_283 = arith.addi %mul3A_281, %add3A_282 : i32
        %get3A_284 = arith.index_cast %add3A_283 : i32 to index
        %get3A_285 = arith.constant 0 : index
        %get3A_286 = tpu.vector_load %arg13[%get3A_284, %get3A_285] {strides = array<i32>} : memref<128x128xf32, #tpu.memory_space<vmem>>, vector<1x16xf32>,
        %get3A_287 = vector.shape_cast %get3A_286 : vector<1x16xf32> to vector<16xf32>
        %add3A_288 = arith.addf %get3A_279, %get3A_287 : vector<16xf32>
        %max3A_289 = arith.maximumf %max3A_271, %add3A_288 : vector<16xf32>
        %mul3A_290 = arith.constant 16 : i32
        %mul3A_291 = arith.muli %scan3A_116, %mul3A_290 : i32
        %add3A_292 = arith.constant 10 : i32
        %add3A_293 = arith.addi %mul3A_291, %add3A_292 : i32
        %get3A_294 = arith.index_cast %add3A_293 : i32 to index
        %get3A_295 = arith.constant 0 : index
        %get3A_296 = tpu.vector_load %arg12[%get3A_294, %get3A_295] {strides = array<i32>} : memref<128x128xf32, #tpu.memory_space<vmem>>, vector<1x16xf32>,
        %get3A_297 = vector.shape_cast %get3A_296 : vector<1x16xf32> to vector<16xf32>
        %mul3A_298 = arith.constant 16 : i32
        %mul3A_299 = arith.muli %scan3A_116, %mul3A_298 : i32
        %add3A_300 = arith.constant 10 : i32
        %add3A_301 = arith.addi %mul3A_299, %add3A_300 : i32
        %get3A_302 = arith.index_cast %add3A_301 : i32 to index
        %get3A_303 = arith.constant 0 : index
        %get3A_304 = tpu.vector_load %arg13[%get3A_302, %get3A_303] {strides = array<i32>} : memref<128x128xf32, #tpu.memory_space<vmem>>, vector<1x16xf32>,
        %get3A_305 = vector.shape_cast %get3A_304 : vector<1x16xf32> to vector<16xf32>
        %add3A_306 = arith.addf %get3A_297, %get3A_305 : vector<16xf32>
        %max3A_307 = arith.maximumf %max3A_289, %add3A_306 : vector<16xf32>
        %mul3A_308 = arith.constant 16 : i32
        %mul3A_309 = arith.muli %scan3A_116, %mul3A_308 : i32
        %add3A_310 = arith.constant 11 : i32
        %add3A_311 = arith.addi %mul3A_309, %add3A_310 : i32
        %get3A_312 = arith.index_cast %add3A_311 : i32 to index
        %get3A_313 = arith.constant 0 : index
        %get3A_314 = tpu.vector_load %arg12[%get3A_312, %get3A_313] {strides = array<i32>} : memref<128x128xf32, #tpu.memory_space<vmem>>, vector<1x16xf32>,
        %get3A_315 = vector.shape_cast %get3A_314 : vector<1x16xf32> to vector<16xf32>
        %mul3A_316 = arith.constant 16 : i32
        %mul3A_317 = arith.muli %scan3A_116, %mul3A_316 : i32
        %add3A_318 = arith.constant 11 : i32
        %add3A_319 = arith.addi %mul3A_317, %add3A_318 : i32
        %get3A_320 = arith.index_cast %add3A_319 : i32 to index
        %get3A_321 = arith.constant 0 : index
        %get3A_322 = tpu.vector_load %arg13[%get3A_320, %get3A_321] {strides = array<i32>} : memref<128x128xf32, #tpu.memory_space<vmem>>, vector<1x16xf32>,
        %get3A_323 = vector.shape_cast %get3A_322 : vector<1x16xf32> to vector<16xf32>
        %add3A_324 = arith.addf %get3A_315, %get3A_323 : vector<16xf32>
        %max3A_325 = arith.maximumf %max3A_307, %add3A_324 : vector<16xf32>
        %mul3A_326 = arith.constant 16 : i32
        %mul3A_327 = arith.muli %scan3A_116, %mul3A_326 : i32
        %add3A_328 = arith.constant 12 : i32
        %add3A_329 = arith.addi %mul3A_327, %add3A_328 : i32
        %get3A_330 = arith.index_cast %add3A_329 : i32 to index
        %get3A_331 = arith.constant 0 : index
        %get3A_332 = tpu.vector_load %arg12[%get3A_330, %get3A_331] {strides = array<i32>} : memref<128x128xf32, #tpu.memory_space<vmem>>, vector<1x16xf32>,
        %get3A_333 = vector.shape_cast %get3A_332 : vector<1x16xf32> to vector<16xf32>
        %mul3A_334 = arith.constant 16 : i32
        %mul3A_335 = arith.muli %scan3A_116, %mul3A_334 : i32
        %add3A_336 = arith.constant 12 : i32
        %add3A_337 = arith.addi %mul3A_335, %add3A_336 : i32
        %get3A_338 = arith.index_cast %add3A_337 : i32 to index
        %get3A_339 = arith.constant 0 : index
        %get3A_340 = tpu.vector_load %arg13[%get3A_338, %get3A_339] {strides = array<i32>} : memref<128x128xf32, #tpu.memory_space<vmem>>, vector<1x16xf32>,
        %get3A_341 = vector.shape_cast %get3A_340 : vector<1x16xf32> to vector<16xf32>
        %add3A_342 = arith.addf %get3A_333, %get3A_341 : vector<16xf32>
        %max3A_343 = arith.maximumf %max3A_325, %add3A_342 : vector<16xf32>
        %mul3A_344 = arith.constant 16 : i32
        %mul3A_345 = arith.muli %scan3A_116, %mul3A_344 : i32
        %add3A_346 = arith.constant 13 : i32
        %add3A_347 = arith.addi %mul3A_345, %add3A_346 : i32
        %get3A_348 = arith.index_cast %add3A_347 : i32 to index
        %get3A_349 = arith.constant 0 : index
        %get3A_350 = tpu.vector_load %arg12[%get3A_348, %get3A_349] {strides = array<i32>} : memref<128x128xf32, #tpu.memory_space<vmem>>, vector<1x16xf32>,
        %get3A_351 = vector.shape_cast %get3A_350 : vector<1x16xf32> to vector<16xf32>
        %mul3A_352 = arith.constant 16 : i32
        %mul3A_353 = arith.muli %scan3A_116, %mul3A_352 : i32
        %add3A_354 = arith.constant 13 : i32
        %add3A_355 = arith.addi %mul3A_353, %add3A_354 : i32
        %get3A_356 = arith.index_cast %add3A_355 : i32 to index
        %get3A_357 = arith.constant 0 : index
        %get3A_358 = tpu.vector_load %arg13[%get3A_356, %get3A_357] {strides = array<i32>} : memref<128x128xf32, #tpu.memory_space<vmem>>, vector<1x16xf32>,
        %get3A_359 = vector.shape_cast %get3A_358 : vector<1x16xf32> to vector<16xf32>
        %add3A_360 = arith.addf %get3A_351, %get3A_359 : vector<16xf32>
        %max3A_361 = arith.maximumf %max3A_343, %add3A_360 : vector<16xf32>
        %mul3A_362 = arith.constant 16 : i32
        %mul3A_363 = arith.muli %scan3A_116, %mul3A_362 : i32
        %add3A_364 = arith.constant 14 : i32
        %add3A_365 = arith.addi %mul3A_363, %add3A_364 : i32
        %get3A_366 = arith.index_cast %add3A_365 : i32 to index
        %get3A_367 = arith.constant 0 : index
        %get3A_368 = tpu.vector_load %arg12[%get3A_366, %get3A_367] {strides = array<i32>} : memref<128x128xf32, #tpu.memory_space<vmem>>, vector<1x16xf32>,
        %get3A_369 = vector.shape_cast %get3A_368 : vector<1x16xf32> to vector<16xf32>
        %mul3A_370 = arith.constant 16 : i32
        %mul3A_371 = arith.muli %scan3A_116, %mul3A_370 : i32
        %add3A_372 = arith.constant 14 : i32
        %add3A_373 = arith.addi %mul3A_371, %add3A_372 : i32
        %get3A_374 = arith.index_cast %add3A_373 : i32 to index
        %get3A_375 = arith.constant 0 : index
        %get3A_376 = tpu.vector_load %arg13[%get3A_374, %get3A_375] {strides = array<i32>} : memref<128x128xf32, #tpu.memory_space<vmem>>, vector<1x16xf32>,
        %get3A_377 = vector.shape_cast %get3A_376 : vector<1x16xf32> to vector<16xf32>
        %add3A_378 = arith.addf %get3A_369, %get3A_377 : vector<16xf32>
        %max3A_379 = arith.maximumf %max3A_361, %add3A_378 : vector<16xf32>
        %mul3A_380 = arith.constant 16 : i32
        %mul3A_381 = arith.muli %scan3A_116, %mul3A_380 : i32
        %add3A_382 = arith.constant 15 : i32
        %add3A_383 = arith.addi %mul3A_381, %add3A_382 : i32
        %get3A_384 = arith.index_cast %add3A_383 : i32 to index
        %get3A_385 = arith.constant 0 : index
        %get3A_386 = tpu.vector_load %arg12[%get3A_384, %get3A_385] {strides = array<i32>} : memref<128x128xf32, #tpu.memory_space<vmem>>, vector<1x16xf32>,
        %get3A_387 = vector.shape_cast %get3A_386 : vector<1x16xf32> to vector<16xf32>
        %mul3A_388 = arith.constant 16 : i32
        %mul3A_389 = arith.muli %scan3A_116, %mul3A_388 : i32
        %add3A_390 = arith.constant 15 : i32
        %add3A_391 = arith.addi %mul3A_389, %add3A_390 : i32
        %get3A_392 = arith.index_cast %add3A_391 : i32 to index
        %get3A_393 = arith.constant 0 : index
        %get3A_394 = tpu.vector_load %arg13[%get3A_392, %get3A_393] {strides = array<i32>} : memref<128x128xf32, #tpu.memory_space<vmem>>, vector<1x16xf32>,
        %get3A_395 = vector.shape_cast %get3A_394 : vector<1x16xf32> to vector<16xf32>
        %add3A_396 = arith.addf %get3A_387, %get3A_395 : vector<16xf32>
        %max3A_397 = arith.maximumf %max3A_379, %add3A_396 : vector<16xf32>
        %get3A_398 = arith.constant 0 : index
        %get3A_399 = tpu.vector_load %arg14[%get3A_398] {strides = array<i32>} : memref<128xf32, #tpu.memory_space<vmem>>, vector<16xf32>,
        %get3A_400 = vector.shape_cast %get3A_399 : vector<16xf32> to vector<16xf32>
        %add3A_401 = arith.addf %max3A_397, %get3A_400 : vector<16xf32>
        %max3A_402 = arith.constant 0.000000e+00 : f32
        %max3A_403 = vector.broadcast %max3A_402 : f32 to vector<16xf32>
        %max3A_404 = arith.maximumf %add3A_401, %max3A_403 : vector<16xf32>
        %swap3A = arith.index_cast %scan3A_116 : i32 to index
        %swap3A_405 = arith.constant 0 : index
        %swap3A_406 = tpu.vector_load %arg16[%swap3A, %swap3A_405] {strides = array<i32>} : memref<8x128xf32, #tpu.memory_space<vmem>>, vector<1x16xf32>,
        %swap3A_407 = vector.shape_cast %swap3A_406 : vector<1x16xf32> to vector<16xf32>
        %swap3A_408 = vector.shape_cast %max3A_404 : vector<16xf32> to vector<1x16xf32>
        tpu.vector_store %arg16[%swap3A, %swap3A_405], %swap3A_408 {strides = array<i32>} : memref<8x128xf32, #tpu.memory_space<vmem>>, vector<1x16xf32>,
        %mul3A_409 = arith.constant 16 : i32
        %mul3A_410 = arith.muli %scan3A_116, %mul3A_409 : i32
        %get3A_411 = arith.index_cast %mul3A_410 : i32 to index
        %get3A_412 = arith.constant 16 : index
        %get3A_413 = tpu.vector_load %arg12[%get3A_411, %get3A_412] {strides = array<i32>} : memref<128x128xf32, #tpu.memory_space<vmem>>, vector<1x16xf32>,
        %get3A_414 = vector.shape_cast %get3A_413 : vector<1x16xf32> to vector<16xf32>
        %mul3A_415 = arith.constant 16 : i32
        %mul3A_416 = arith.muli %scan3A_116, %mul3A_415 : i32
        %get3A_417 = arith.index_cast %mul3A_416 : i32 to index
        %get3A_418 = arith.constant 16 : index
        %get3A_419 = tpu.vector_load %arg13[%get3A_417, %get3A_418] {strides = array<i32>} : memref<128x128xf32, #tpu.memory_space<vmem>>, vector<1x16xf32>,
        %get3A_420 = vector.shape_cast %get3A_419 : vector<1x16xf32> to vector<16xf32>
        %add3A_421 = arith.addf %get3A_414, %get3A_420 : vector<16xf32>
        %mul3A_422 = arith.constant 16 : i32
        %mul3A_423 = arith.muli %scan3A_116, %mul3A_422 : i32
        %add3A_424 = arith.constant 1 : i32
        %add3A_425 = arith.addi %mul3A_423, %add3A_424 : i32
        %get3A_426 = arith.index_cast %add3A_425 : i32 to index
        %get3A_427 = arith.constant 16 : index
        %get3A_428 = tpu.vector_load %arg12[%get3A_426, %get3A_427] {strides = array<i32>} : memref<128x128xf32, #tpu.memory_space<vmem>>, vector<1x16xf32>,
        %get3A_429 = vector.shape_cast %get3A_428 : vector<1x16xf32> to vector<16xf32>
        %mul3A_430 = arith.constant 16 : i32
        %mul3A_431 = arith.muli %scan3A_116, %mul3A_430 : i32
        %add3A_432 = arith.constant 1 : i32
        %add3A_433 = arith.addi %mul3A_431, %add3A_432 : i32
        %get3A_434 = arith.index_cast %add3A_433 : i32 to index
        %get3A_435 = arith.constant 16 : index
        %get3A_436 = tpu.vector_load %arg13[%get3A_434, %get3A_435] {strides = array<i32>} : memref<128x128xf32, #tpu.memory_space<vmem>>, vector<1x16xf32>,
        %get3A_437 = vector.shape_cast %get3A_436 : vector<1x16xf32> to vector<16xf32>
        %add3A_438 = arith.addf %get3A_429, %get3A_437 : vector<16xf32>
        %max3A_439 = arith.maximumf %add3A_421, %add3A_438 : vector<16xf32>
        %mul3A_440 = arith.constant 16 : i32
        %mul3A_441 = arith.muli %scan3A_116, %mul3A_440 : i32
        %add3A_442 = arith.constant 2 : i32
        %add3A_443 = arith.addi %mul3A_441, %add3A_442 : i32
        %get3A_444 = arith.index_cast %add3A_443 : i32 to index
        %get3A_445 = arith.constant 16 : index
        %get3A_446 = tpu.vector_load %arg12[%get3A_444, %get3A_445] {strides = array<i32>} : memref<128x128xf32, #tpu.memory_space<vmem>>, vector<1x16xf32>,
        %get3A_447 = vector.shape_cast %get3A_446 : vector<1x16xf32> to vector<16xf32>
        %mul3A_448 = arith.constant 16 : i32
        %mul3A_449 = arith.muli %scan3A_116, %mul3A_448 : i32
        %add3A_450 = arith.constant 2 : i32
        %add3A_451 = arith.addi %mul3A_449, %add3A_450 : i32
        %get3A_452 = arith.index_cast %add3A_451 : i32 to index
        %get3A_453 = arith.constant 16 : index
        %get3A_454 = tpu.vector_load %arg13[%get3A_452, %get3A_453] {strides = array<i32>} : memref<128x128xf32, #tpu.memory_space<vmem>>, vector<1x16xf32>,
        %get3A_455 = vector.shape_cast %get3A_454 : vector<1x16xf32> to vector<16xf32>
        %add3A_456 = arith.addf %get3A_447, %get3A_455 : vector<16xf32>
        %max3A_457 = arith.maximumf %max3A_439, %add3A_456 : vector<16xf32>
        %mul3A_458 = arith.constant 16 : i32
        %mul3A_459 = arith.muli %scan3A_116, %mul3A_458 : i32
        %add3A_460 = arith.constant 3 : i32
        %add3A_461 = arith.addi %mul3A_459, %add3A_460 : i32
        %get3A_462 = arith.index_cast %add3A_461 : i32 to index
        %get3A_463 = arith.constant 16 : index
        %get3A_464 = tpu.vector_load %arg12[%get3A_462, %get3A_463] {strides = array<i32>} : memref<128x128xf32, #tpu.memory_space<vmem>>, vector<1x16xf32>,
        %get3A_465 = vector.shape_cast %get3A_464 : vector<1x16xf32> to vector<16xf32>
        %mul3A_466 = arith.constant 16 : i32
        %mul3A_467 = arith.muli %scan3A_116, %mul3A_466 : i32
        %add3A_468 = arith.constant 3 : i32
        %add3A_469 = arith.addi %mul3A_467, %add3A_468 : i32
        %get3A_470 = arith.index_cast %add3A_469 : i32 to index
        %get3A_471 = arith.constant 16 : index
        %get3A_472 = tpu.vector_load %arg13[%get3A_470, %get3A_471] {strides = array<i32>} : memref<128x128xf32, #tpu.memory_space<vmem>>, vector<1x16xf32>,
        %get3A_473 = vector.shape_cast %get3A_472 : vector<1x16xf32> to vector<16xf32>
        %add3A_474 = arith.addf %get3A_465, %get3A_473 : vector<16xf32>
        %max3A_475 = arith.maximumf %max3A_457, %add3A_474 : vector<16xf32>
        %mul3A_476 = arith.constant 16 : i32
        %mul3A_477 = arith.muli %scan3A_116, %mul3A_476 : i32
        %add3A_478 = arith.constant 4 : i32
        %add3A_479 = arith.addi %mul3A_477, %add3A_478 : i32
        %get3A_480 = arith.index_cast %add3A_479 : i32 to index
        %get3A_481 = arith.constant 16 : index
        %get3A_482 = tpu.vector_load %arg12[%get3A_480, %get3A_481] {strides = array<i32>} : memref<128x128xf32, #tpu.memory_space<vmem>>, vector<1x16xf32>,
        %get3A_483 = vector.shape_cast %get3A_482 : vector<1x16xf32> to vector<16xf32>
        %mul3A_484 = arith.constant 16 : i32
        %mul3A_485 = arith.muli %scan3A_116, %mul3A_484 : i32
        %add3A_486 = arith.constant 4 : i32
        %add3A_487 = arith.addi %mul3A_485, %add3A_486 : i32
        %get3A_488 = arith.index_cast %add3A_487 : i32 to index
        %get3A_489 = arith.constant 16 : index
        %get3A_490 = tpu.vector_load %arg13[%get3A_488, %get3A_489] {strides = array<i32>} : memref<128x128xf32, #tpu.memory_space<vmem>>, vector<1x16xf32>,
        %get3A_491 = vector.shape_cast %get3A_490 : vector<1x16xf32> to vector<16xf32>
        %add3A_492 = arith.addf %get3A_483, %get3A_491 : vector<16xf32>
        %max3A_493 = arith.maximumf %max3A_475, %add3A_492 : vector<16xf32>
        %mul3A_494 = arith.constant 16 : i32
        %mul3A_495 = arith.muli %scan3A_116, %mul3A_494 : i32
        %add3A_496 = arith.constant 5 : i32
        %add3A_497 = arith.addi %mul3A_495, %add3A_496 : i32
        %get3A_498 = arith.index_cast %add3A_497 : i32 to index
        %get3A_499 = arith.constant 16 : index
        %get3A_500 = tpu.vector_load %arg12[%get3A_498, %get3A_499] {strides = array<i32>} : memref<128x128xf32, #tpu.memory_space<vmem>>, vector<1x16xf32>,
        %get3A_501 = vector.shape_cast %get3A_500 : vector<1x16xf32> to vector<16xf32>
        %mul3A_502 = arith.constant 16 : i32
        %mul3A_503 = arith.muli %scan3A_116, %mul3A_502 : i32
        %add3A_504 = arith.constant 5 : i32
        %add3A_505 = arith.addi %mul3A_503, %add3A_504 : i32
        %get3A_506 = arith.index_cast %add3A_505 : i32 to index
        %get3A_507 = arith.constant 16 : index
        %get3A_508 = tpu.vector_load %arg13[%get3A_506, %get3A_507] {strides = array<i32>} : memref<128x128xf32, #tpu.memory_space<vmem>>, vector<1x16xf32>,
        %get3A_509 = vector.shape_cast %get3A_508 : vector<1x16xf32> to vector<16xf32>
        %add3A_510 = arith.addf %get3A_501, %get3A_509 : vector<16xf32>
        %max3A_511 = arith.maximumf %max3A_493, %add3A_510 : vector<16xf32>
        %mul3A_512 = arith.constant 16 : i32
        %mul3A_513 = arith.muli %scan3A_116, %mul3A_512 : i32
        %add3A_514 = arith.constant 6 : i32
        %add3A_515 = arith.addi %mul3A_513, %add3A_514 : i32
        %get3A_516 = arith.index_cast %add3A_515 : i32 to index
        %get3A_517 = arith.constant 16 : index
        %get3A_518 = tpu.vector_load %arg12[%get3A_516, %get3A_517] {strides = array<i32>} : memref<128x128xf32, #tpu.memory_space<vmem>>, vector<1x16xf32>,
        %get3A_519 = vector.shape_cast %get3A_518 : vector<1x16xf32> to vector<16xf32>
        %mul3A_520 = arith.constant 16 : i32
        %mul3A_521 = arith.muli %scan3A_116, %mul3A_520 : i32
        %add3A_522 = arith.constant 6 : i32
        %add3A_523 = arith.addi %mul3A_521, %add3A_522 : i32
        %get3A_524 = arith.index_cast %add3A_523 : i32 to index
        %get3A_525 = arith.constant 16 : index
        %get3A_526 = tpu.vector_load %arg13[%get3A_524, %get3A_525] {strides = array<i32>} : memref<128x128xf32, #tpu.memory_space<vmem>>, vector<1x16xf32>,
        %get3A_527 = vector.shape_cast %get3A_526 : vector<1x16xf32> to vector<16xf32>
        %add3A_528 = arith.addf %get3A_519, %get3A_527 : vector<16xf32>
        %max3A_529 = arith.maximumf %max3A_511, %add3A_528 : vector<16xf32>
        %mul3A_530 = arith.constant 16 : i32
        %mul3A_531 = arith.muli %scan3A_116, %mul3A_530 : i32
        %add3A_532 = arith.constant 7 : i32
        %add3A_533 = arith.addi %mul3A_531, %add3A_532 : i32
        %get3A_534 = arith.index_cast %add3A_533 : i32 to index
        %get3A_535 = arith.constant 16 : index
        %get3A_536 = tpu.vector_load %arg12[%get3A_534, %get3A_535] {strides = array<i32>} : memref<128x128xf32, #tpu.memory_space<vmem>>, vector<1x16xf32>,
        %get3A_537 = vector.shape_cast %get3A_536 : vector<1x16xf32> to vector<16xf32>
        %mul3A_538 = arith.constant 16 : i32
        %mul3A_539 = arith.muli %scan3A_116, %mul3A_538 : i32
        %add3A_540 = arith.constant 7 : i32
        %add3A_541 = arith.addi %mul3A_539, %add3A_540 : i32
        %get3A_542 = arith.index_cast %add3A_541 : i32 to index
        %get3A_543 = arith.constant 16 : index
        %get3A_544 = tpu.vector_load %arg13[%get3A_542, %get3A_543] {strides = array<i32>} : memref<128x128xf32, #tpu.memory_space<vmem>>, vector<1x16xf32>,
        %get3A_545 = vector.shape_cast %get3A_544 : vector<1x16xf32> to vector<16xf32>
        %add3A_546 = arith.addf %get3A_537, %get3A_545 : vector<16xf32>
        %max3A_547 = arith.maximumf %max3A_529, %add3A_546 : vector<16xf32>
        %mul3A_548 = arith.constant 16 : i32
        %mul3A_549 = arith.muli %scan3A_116, %mul3A_548 : i32
        %add3A_550 = arith.constant 8 : i32
        %add3A_551 = arith.addi %mul3A_549, %add3A_550 : i32
        %get3A_552 = arith.index_cast %add3A_551 : i32 to index
        %get3A_553 = arith.constant 16 : index
        %get3A_554 = tpu.vector_load %arg12[%get3A_552, %get3A_553] {strides = array<i32>} : memref<128x128xf32, #tpu.memory_space<vmem>>, vector<1x16xf32>,
        %get3A_555 = vector.shape_cast %get3A_554 : vector<1x16xf32> to vector<16xf32>
        %mul3A_556 = arith.constant 16 : i32
        %mul3A_557 = arith.muli %scan3A_116, %mul3A_556 : i32
        %add3A_558 = arith.constant 8 : i32
        %add3A_559 = arith.addi %mul3A_557, %add3A_558 : i32
        %get3A_560 = arith.index_cast %add3A_559 : i32 to index
        %get3A_561 = arith.constant 16 : index
        %get3A_562 = tpu.vector_load %arg13[%get3A_560, %get3A_561] {strides = array<i32>} : memref<128x128xf32, #tpu.memory_space<vmem>>, vector<1x16xf32>,
        %get3A_563 = vector.shape_cast %get3A_562 : vector<1x16xf32> to vector<16xf32>
        %add3A_564 = arith.addf %get3A_555, %get3A_563 : vector<16xf32>
        %max3A_565 = arith.maximumf %max3A_547, %add3A_564 : vector<16xf32>
        %mul3A_566 = arith.constant 16 : i32
        %mul3A_567 = arith.muli %scan3A_116, %mul3A_566 : i32
        %add3A_568 = arith.constant 9 : i32
        %add3A_569 = arith.addi %mul3A_567, %add3A_568 : i32
        %get3A_570 = arith.index_cast %add3A_569 : i32 to index
        %get3A_571 = arith.constant 16 : index
        %get3A_572 = tpu.vector_load %arg12[%get3A_570, %get3A_571] {strides = array<i32>} : memref<128x128xf32, #tpu.memory_space<vmem>>, vector<1x16xf32>,
        %get3A_573 = vector.shape_cast %get3A_572 : vector<1x16xf32> to vector<16xf32>
        %mul3A_574 = arith.constant 16 : i32
        %mul3A_575 = arith.muli %scan3A_116, %mul3A_574 : i32
        %add3A_576 = arith.constant 9 : i32
        %add3A_577 = arith.addi %mul3A_575, %add3A_576 : i32
        %get3A_578 = arith.index_cast %add3A_577 : i32 to index
        %get3A_579 = arith.constant 16 : index
        %get3A_580 = tpu.vector_load %arg13[%get3A_578, %get3A_579] {strides = array<i32>} : memref<128x128xf32, #tpu.memory_space<vmem>>, vector<1x16xf32>,
        %get3A_581 = vector.shape_cast %get3A_580 : vector<1x16xf32> to vector<16xf32>
        %add3A_582 = arith.addf %get3A_573, %get3A_581 : vector<16xf32>
        %max3A_583 = arith.maximumf %max3A_565, %add3A_582 : vector<16xf32>
        %mul3A_584 = arith.constant 16 : i32
        %mul3A_585 = arith.muli %scan3A_116, %mul3A_584 : i32
        %add3A_586 = arith.constant 10 : i32
        %add3A_587 = arith.addi %mul3A_585, %add3A_586 : i32
        %get3A_588 = arith.index_cast %add3A_587 : i32 to index
        %get3A_589 = arith.constant 16 : index
        %get3A_590 = tpu.vector_load %arg12[%get3A_588, %get3A_589] {strides = array<i32>} : memref<128x128xf32, #tpu.memory_space<vmem>>, vector<1x16xf32>,
        %get3A_591 = vector.shape_cast %get3A_590 : vector<1x16xf32> to vector<16xf32>
        %mul3A_592 = arith.constant 16 : i32
        %mul3A_593 = arith.muli %scan3A_116, %mul3A_592 : i32
        %add3A_594 = arith.constant 10 : i32
        %add3A_595 = arith.addi %mul3A_593, %add3A_594 : i32
        %get3A_596 = arith.index_cast %add3A_595 : i32 to index
        %get3A_597 = arith.constant 16 : index
        %get3A_598 = tpu.vector_load %arg13[%get3A_596, %get3A_597] {strides = array<i32>} : memref<128x128xf32, #tpu.memory_space<vmem>>, vector<1x16xf32>,
        %get3A_599 = vector.shape_cast %get3A_598 : vector<1x16xf32> to vector<16xf32>
        %add3A_600 = arith.addf %get3A_591, %get3A_599 : vector<16xf32>
        %max3A_601 = arith.maximumf %max3A_583, %add3A_600 : vector<16xf32>
        %mul3A_602 = arith.constant 16 : i32
        %mul3A_603 = arith.muli %scan3A_116, %mul3A_602 : i32
        %add3A_604 = arith.constant 11 : i32
        %add3A_605 = arith.addi %mul3A_603, %add3A_604 : i32
        %get3A_606 = arith.index_cast %add3A_605 : i32 to index
        %get3A_607 = arith.constant 16 : index
        %get3A_608 = tpu.vector_load %arg12[%get3A_606, %get3A_607] {strides = array<i32>} : memref<128x128xf32, #tpu.memory_space<vmem>>, vector<1x16xf32>,
        %get3A_609 = vector.shape_cast %get3A_608 : vector<1x16xf32> to vector<16xf32>
        %mul3A_610 = arith.constant 16 : i32
        %mul3A_611 = arith.muli %scan3A_116, %mul3A_610 : i32
        %add3A_612 = arith.constant 11 : i32
        %add3A_613 = arith.addi %mul3A_611, %add3A_612 : i32
        %get3A_614 = arith.index_cast %add3A_613 : i32 to index
        %get3A_615 = arith.constant 16 : index
        %get3A_616 = tpu.vector_load %arg13[%get3A_614, %get3A_615] {strides = array<i32>} : memref<128x128xf32, #tpu.memory_space<vmem>>, vector<1x16xf32>,
        %get3A_617 = vector.shape_cast %get3A_616 : vector<1x16xf32> to vector<16xf32>
        %add3A_618 = arith.addf %get3A_609, %get3A_617 : vector<16xf32>
        %max3A_619 = arith.maximumf %max3A_601, %add3A_618 : vector<16xf32>
        %mul3A_620 = arith.constant 16 : i32
        %mul3A_621 = arith.muli %scan3A_116, %mul3A_620 : i32
        %add3A_622 = arith.constant 12 : i32
        %add3A_623 = arith.addi %mul3A_621, %add3A_622 : i32
        %get3A_624 = arith.index_cast %add3A_623 : i32 to index
        %get3A_625 = arith.constant 16 : index
        %get3A_626 = tpu.vector_load %arg12[%get3A_624, %get3A_625] {strides = array<i32>} : memref<128x128xf32, #tpu.memory_space<vmem>>, vector<1x16xf32>,
        %get3A_627 = vector.shape_cast %get3A_626 : vector<1x16xf32> to vector<16xf32>
        %mul3A_628 = arith.constant 16 : i32
        %mul3A_629 = arith.muli %scan3A_116, %mul3A_628 : i32
        %add3A_630 = arith.constant 12 : i32
        %add3A_631 = arith.addi %mul3A_629, %add3A_630 : i32
        %get3A_632 = arith.index_cast %add3A_631 : i32 to index
        %get3A_633 = arith.constant 16 : index
        %get3A_634 = tpu.vector_load %arg13[%get3A_632, %get3A_633] {strides = array<i32>} : memref<128x128xf32, #tpu.memory_space<vmem>>, vector<1x16xf32>,
        %get3A_635 = vector.shape_cast %get3A_634 : vector<1x16xf32> to vector<16xf32>
        %add3A_636 = arith.addf %get3A_627, %get3A_635 : vector<16xf32>
        %max3A_637 = arith.maximumf %max3A_619, %add3A_636 : vector<16xf32>
        %mul3A_638 = arith.constant 16 : i32
        %mul3A_639 = arith.muli %scan3A_116, %mul3A_638 : i32
        %add3A_640 = arith.constant 13 : i32
        %add3A_641 = arith.addi %mul3A_639, %add3A_640 : i32
        %get3A_642 = arith.index_cast %add3A_641 : i32 to index
        %get3A_643 = arith.constant 16 : index
        %get3A_644 = tpu.vector_load %arg12[%get3A_642, %get3A_643] {strides = array<i32>} : memref<128x128xf32, #tpu.memory_space<vmem>>, vector<1x16xf32>,
        %get3A_645 = vector.shape_cast %get3A_644 : vector<1x16xf32> to vector<16xf32>
        %mul3A_646 = arith.constant 16 : i32
        %mul3A_647 = arith.muli %scan3A_116, %mul3A_646 : i32
        %add3A_648 = arith.constant 13 : i32
        %add3A_649 = arith.addi %mul3A_647, %add3A_648 : i32
        %get3A_650 = arith.index_cast %add3A_649 : i32 to index
        %get3A_651 = arith.constant 16 : index
        %get3A_652 = tpu.vector_load %arg13[%get3A_650, %get3A_651] {strides = array<i32>} : memref<128x128xf32, #tpu.memory_space<vmem>>, vector<1x16xf32>,
        %get3A_653 = vector.shape_cast %get3A_652 : vector<1x16xf32> to vector<16xf32>
        %add3A_654 = arith.addf %get3A_645, %get3A_653 : vector<16xf32>
        %max3A_655 = arith.maximumf %max3A_637, %add3A_654 : vector<16xf32>
        %mul3A_656 = arith.constant 16 : i32
        %mul3A_657 = arith.muli %scan3A_116, %mul3A_656 : i32
        %add3A_658 = arith.constant 14 : i32
        %add3A_659 = arith.addi %mul3A_657, %add3A_658 : i32
        %get3A_660 = arith.index_cast %add3A_659 : i32 to index
        %get3A_661 = arith.constant 16 : index
        %get3A_662 = tpu.vector_load %arg12[%get3A_660, %get3A_661] {strides = array<i32>} : memref<128x128xf32, #tpu.memory_space<vmem>>, vector<1x16xf32>,
        %get3A_663 = vector.shape_cast %get3A_662 : vector<1x16xf32> to vector<16xf32>
        %mul3A_664 = arith.constant 16 : i32
        %mul3A_665 = arith.muli %scan3A_116, %mul3A_664 : i32
        %add3A_666 = arith.constant 14 : i32
        %add3A_667 = arith.addi %mul3A_665, %add3A_666 : i32
        %get3A_668 = arith.index_cast %add3A_667 : i32 to index
        %get3A_669 = arith.constant 16 : index
        %get3A_670 = tpu.vector_load %arg13[%get3A_668, %get3A_669] {strides = array<i32>} : memref<128x128xf32, #tpu.memory_space<vmem>>, vector<1x16xf32>,
        %get3A_671 = vector.shape_cast %get3A_670 : vector<1x16xf32> to vector<16xf32>
        %add3A_672 = arith.addf %get3A_663, %get3A_671 : vector<16xf32>
        %max3A_673 = arith.maximumf %max3A_655, %add3A_672 : vector<16xf32>
        %mul3A_674 = arith.constant 16 : i32
        %mul3A_675 = arith.muli %scan3A_116, %mul3A_674 : i32
        %add3A_676 = arith.constant 15 : i32
        %add3A_677 = arith.addi %mul3A_675, %add3A_676 : i32
        %get3A_678 = arith.index_cast %add3A_677 : i32 to index
        %get3A_679 = arith.constant 16 : index
        %get3A_680 = tpu.vector_load %arg12[%get3A_678, %get3A_679] {strides = array<i32>} : memref<128x128xf32, #tpu.memory_space<vmem>>, vector<1x16xf32>,
        %get3A_681 = vector.shape_cast %get3A_680 : vector<1x16xf32> to vector<16xf32>
        %mul3A_682 = arith.constant 16 : i32
        %mul3A_683 = arith.muli %scan3A_116, %mul3A_682 : i32
        %add3A_684 = arith.constant 15 : i32
        %add3A_685 = arith.addi %mul3A_683, %add3A_684 : i32
        %get3A_686 = arith.index_cast %add3A_685 : i32 to index
        %get3A_687 = arith.constant 16 : index
        %get3A_688 = tpu.vector_load %arg13[%get3A_686, %get3A_687] {strides = array<i32>} : memref<128x128xf32, #tpu.memory_space<vmem>>, vector<1x16xf32>,
        %get3A_689 = vector.shape_cast %get3A_688 : vector<1x16xf32> to vector<16xf32>
        %add3A_690 = arith.addf %get3A_681, %get3A_689 : vector<16xf32>
        %max3A_691 = arith.maximumf %max3A_673, %add3A_690 : vector<16xf32>
        %get3A_692 = arith.constant 16 : index
        %get3A_693 = tpu.vector_load %arg14[%get3A_692] {strides = array<i32>} : memref<128xf32, #tpu.memory_space<vmem>>, vector<16xf32>,
        %get3A_694 = vector.shape_cast %get3A_693 : vector<16xf32> to vector<16xf32>
        %add3A_695 = arith.addf %max3A_691, %get3A_694 : vector<16xf32>
        %max3A_696 = arith.constant 0.000000e+00 : f32
        %max3A_697 = vector.broadcast %max3A_696 : f32 to vector<16xf32>
        %max3A_698 = arith.maximumf %add3A_695, %max3A_697 : vector<16xf32>
        %swap3A_699 = arith.index_cast %scan3A_116 : i32 to index
        %swap3A_700 = arith.constant 16 : index
        %swap3A_701 = tpu.vector_load %arg16[%swap3A_699, %swap3A_700] {strides = array<i32>} : memref<8x128xf32, #tpu.memory_space<vmem>>, vector<1x16xf32>,
        %swap3A_702 = vector.shape_cast %swap3A_701 : vector<1x16xf32> to vector<16xf32>
        %swap3A_703 = vector.shape_cast %max3A_698 : vector<16xf32> to vector<1x16xf32>
        tpu.vector_store %arg16[%swap3A_699, %swap3A_700], %swap3A_703 {strides = array<i32>} : memref<8x128xf32, #tpu.memory_space<vmem>>, vector<1x16xf32>,
        %mul3A_704 = arith.constant 16 : i32
        %mul3A_705 = arith.muli %scan3A_116, %mul3A_704 : i32
        %get3A_706 = arith.index_cast %mul3A_705 : i32 to index
        %get3A_707 = arith.constant 32 : index
        %get3A_708 = tpu.vector_load %arg12[%get3A_706, %get3A_707] {strides = array<i32>} : memref<128x128xf32, #tpu.memory_space<vmem>>, vector<1x16xf32>,
        %get3A_709 = vector.shape_cast %get3A_708 : vector<1x16xf32> to vector<16xf32>
        %mul3A_710 = arith.constant 16 : i32
        %mul3A_711 = arith.muli %scan3A_116, %mul3A_710 : i32
        %get3A_712 = arith.index_cast %mul3A_711 : i32 to index
        %get3A_713 = arith.constant 32 : index
        %get3A_714 = tpu.vector_load %arg13[%get3A_712, %get3A_713] {strides = array<i32>} : memref<128x128xf32, #tpu.memory_space<vmem>>, vector<1x16xf32>,
        %get3A_715 = vector.shape_cast %get3A_714 : vector<1x16xf32> to vector<16xf32>
        %add3A_716 = arith.addf %get3A_709, %get3A_715 : vector<16xf32>
        %mul3A_717 = arith.constant 16 : i32
        %mul3A_718 = arith.muli %scan3A_116, %mul3A_717 : i32
        %add3A_719 = arith.constant 1 : i32
        %add3A_720 = arith.addi %mul3A_718, %add3A_719 : i32
        %get3A_721 = arith.index_cast %add3A_720 : i32 to index
        %get3A_722 = arith.constant 32 : index
        %get3A_723 = tpu.vector_load %arg12[%get3A_721, %get3A_722] {strides = array<i32>} : memref<128x128xf32, #tpu.memory_space<vmem>>, vector<1x16xf32>,
        %get3A_724 = vector.shape_cast %get3A_723 : vector<1x16xf32> to vector<16xf32>
        %mul3A_725 = arith.constant 16 : i32
        %mul3A_726 = arith.muli %scan3A_116, %mul3A_725 : i32
        %add3A_727 = arith.constant 1 : i32
        %add3A_728 = arith.addi %mul3A_726, %add3A_727 : i32
        %get3A_729 = arith.index_cast %add3A_728 : i32 to index
        %get3A_730 = arith.constant 32 : index
        %get3A_731 = tpu.vector_load %arg13[%get3A_729, %get3A_730] {strides = array<i32>} : memref<128x128xf32, #tpu.memory_space<vmem>>, vector<1x16xf32>,
        %get3A_732 = vector.shape_cast %get3A_731 : vector<1x16xf32> to vector<16xf32>
        %add3A_733 = arith.addf %get3A_724, %get3A_732 : vector<16xf32>
        %max3A_734 = arith.maximumf %add3A_716, %add3A_733 : vector<16xf32>
        %mul3A_735 = arith.constant 16 : i32
        %mul3A_736 = arith.muli %scan3A_116, %mul3A_735 : i32
        %add3A_737 = arith.constant 2 : i32
        %add3A_738 = arith.addi %mul3A_736, %add3A_737 : i32
        %get3A_739 = arith.index_cast %add3A_738 : i32 to index
        %get3A_740 = arith.constant 32 : index
        %get3A_741 = tpu.vector_load %arg12[%get3A_739, %get3A_740] {strides = array<i32>} : memref<128x128xf32, #tpu.memory_space<vmem>>, vector<1x16xf32>,
        %get3A_742 = vector.shape_cast %get3A_741 : vector<1x16xf32> to vector<16xf32>
        %mul3A_743 = arith.constant 16 : i32
        %mul3A_744 = arith.muli %scan3A_116, %mul3A_743 : i32
        %add3A_745 = arith.constant 2 : i32
        %add3A_746 = arith.addi %mul3A_744, %add3A_745 : i32
        %get3A_747 = arith.index_cast %add3A_746 : i32 to index
        %get3A_748 = arith.constant 32 : index
        %get3A_749 = tpu.vector_load %arg13[%get3A_747, %get3A_748] {strides = array<i32>} : memref<128x128xf32, #tpu.memory_space<vmem>>, vector<1x16xf32>,
        %get3A_750 = vector.shape_cast %get3A_749 : vector<1x16xf32> to vector<16xf32>
        %add3A_751 = arith.addf %get3A_742, %get3A_750 : vector<16xf32>
        %max3A_752 = arith.maximumf %max3A_734, %add3A_751 : vector<16xf32>
        %mul3A_753 = arith.constant 16 : i32
        %mul3A_754 = arith.muli %scan3A_116, %mul3A_753 : i32
        %add3A_755 = arith.constant 3 : i32
        %add3A_756 = arith.addi %mul3A_754, %add3A_755 : i32
        %get3A_757 = arith.index_cast %add3A_756 : i32 to index
        %get3A_758 = arith.constant 32 : index
        %get3A_759 = tpu.vector_load %arg12[%get3A_757, %get3A_758] {strides = array<i32>} : memref<128x128xf32, #tpu.memory_space<vmem>>, vector<1x16xf32>,
        %get3A_760 = vector.shape_cast %get3A_759 : vector<1x16xf32> to vector<16xf32>
        %mul3A_761 = arith.constant 16 : i32
        %mul3A_762 = arith.muli %scan3A_116, %mul3A_761 : i32
        %add3A_763 = arith.constant 3 : i32
        %add3A_764 = arith.addi %mul3A_762, %add3A_763 : i32
        %get3A_765 = arith.index_cast %add3A_764 : i32 to index
        %get3A_766 = arith.constant 32 : index
        %get3A_767 = tpu.vector_load %arg13[%get3A_765, %get3A_766] {strides = array<i32>} : memref<128x128xf32, #tpu.memory_space<vmem>>, vector<1x16xf32>,
        %get3A_768 = vector.shape_cast %get3A_767 : vector<1x16xf32> to vector<16xf32>
        %add3A_769 = arith.addf %get3A_760, %get3A_768 : vector<16xf32>
        %max3A_770 = arith.maximumf %max3A_752, %add3A_769 : vector<16xf32>
        %mul3A_771 = arith.constant 16 : i32
        %mul3A_772 = arith.muli %scan3A_116, %mul3A_771 : i32
        %add3A_773 = arith.constant 4 : i32
        %add3A_774 = arith.addi %mul3A_772, %add3A_773 : i32
        %get3A_775 = arith.index_cast %add3A_774 : i32 to index
        %get3A_776 = arith.constant 32 : index
        %get3A_777 = tpu.vector_load %arg12[%get3A_775, %get3A_776] {strides = array<i32>} : memref<128x128xf32, #tpu.memory_space<vmem>>, vector<1x16xf32>,
        %get3A_778 = vector.shape_cast %get3A_777 : vector<1x16xf32> to vector<16xf32>
        %mul3A_779 = arith.constant 16 : i32
        %mul3A_780 = arith.muli %scan3A_116, %mul3A_779 : i32
        %add3A_781 = arith.constant 4 : i32
        %add3A_782 = arith.addi %mul3A_780, %add3A_781 : i32
        %get3A_783 = arith.index_cast %add3A_782 : i32 to index
        %get3A_784 = arith.constant 32 : index
        %get3A_785 = tpu.vector_load %arg13[%get3A_783, %get3A_784] {strides = array<i32>} : memref<128x128xf32, #tpu.memory_space<vmem>>, vector<1x16xf32>,
        %get3A_786 = vector.shape_cast %get3A_785 : vector<1x16xf32> to vector<16xf32>
        %add3A_787 = arith.addf %get3A_778, %get3A_786 : vector<16xf32>
        %max3A_788 = arith.maximumf %max3A_770, %add3A_787 : vector<16xf32>
        %mul3A_789 = arith.constant 16 : i32
        %mul3A_790 = arith.muli %scan3A_116, %mul3A_789 : i32
        %add3A_791 = arith.constant 5 : i32
        %add3A_792 = arith.addi %mul3A_790, %add3A_791 : i32
        %get3A_793 = arith.index_cast %add3A_792 : i32 to index
        %get3A_794 = arith.constant 32 : index
        %get3A_795 = tpu.vector_load %arg12[%get3A_793, %get3A_794] {strides = array<i32>} : memref<128x128xf32, #tpu.memory_space<vmem>>, vector<1x16xf32>,
        %get3A_796 = vector.shape_cast %get3A_795 : vector<1x16xf32> to vector<16xf32>
        %mul3A_797 = arith.constant 16 : i32
        %mul3A_798 = arith.muli %scan3A_116, %mul3A_797 : i32
        %add3A_799 = arith.constant 5 : i32
        %add3A_800 = arith.addi %mul3A_798, %add3A_799 : i32
        %get3A_801 = arith.index_cast %add3A_800 : i32 to index
        %get3A_802 = arith.constant 32 : index
        %get3A_803 = tpu.vector_load %arg13[%get3A_801, %get3A_802] {strides = array<i32>} : memref<128x128xf32, #tpu.memory_space<vmem>>, vector<1x16xf32>,
        %get3A_804 = vector.shape_cast %get3A_803 : vector<1x16xf32> to vector<16xf32>
        %add3A_805 = arith.addf %get3A_796, %get3A_804 : vector<16xf32>
        %max3A_806 = arith.maximumf %max3A_788, %add3A_805 : vector<16xf32>
        %mul3A_807 = arith.constant 16 : i32
        %mul3A_808 = arith.muli %scan3A_116, %mul3A_807 : i32
        %add3A_809 = arith.constant 6 : i32
        %add3A_810 = arith.addi %mul3A_808, %add3A_809 : i32
        %get3A_811 = arith.index_cast %add3A_810 : i32 to index
        %get3A_812 = arith.constant 32 : index
        %get3A_813 = tpu.vector_load %arg12[%get3A_811, %get3A_812] {strides = array<i32>} : memref<128x128xf32, #tpu.memory_space<vmem>>, vector<1x16xf32>,
        %get3A_814 = vector.shape_cast %get3A_813 : vector<1x16xf32> to vector<16xf32>
        %mul3A_815 = arith.constant 16 : i32
        %mul3A_816 = arith.muli %scan3A_116, %mul3A_815 : i32
        %add3A_817 = arith.constant 6 : i32
        %add3A_818 = arith.addi %mul3A_816, %add3A_817 : i32
        %get3A_819 = arith.index_cast %add3A_818 : i32 to index
        %get3A_820 = arith.constant 32 : index
        %get3A_821 = tpu.vector_load %arg13[%get3A_819, %get3A_820] {strides = array<i32>} : memref<128x128xf32, #tpu.memory_space<vmem>>, vector<1x16xf32>,
        %get3A_822 = vector.shape_cast %get3A_821 : vector<1x16xf32> to vector<16xf32>
        %add3A_823 = arith.addf %get3A_814, %get3A_822 : vector<16xf32>
        %max3A_824 = arith.maximumf %max3A_806, %add3A_823 : vector<16xf32>
        %mul3A_825 = arith.constant 16 : i32
        %mul3A_826 = arith.muli %scan3A_116, %mul3A_825 : i32
        %add3A_827 = arith.constant 7 : i32
        %add3A_828 = arith.addi %mul3A_826, %add3A_827 : i32
        %get3A_829 = arith.index_cast %add3A_828 : i32 to index
        %get3A_830 = arith.constant 32 : index
        %get3A_831 = tpu.vector_load %arg12[%get3A_829, %get3A_830] {strides = array<i32>} : memref<128x128xf32, #tpu.memory_space<vmem>>, vector<1x16xf32>,
        %get3A_832 = vector.shape_cast %get3A_831 : vector<1x16xf32> to vector<16xf32>
        %mul3A_833 = arith.constant 16 : i32
        %mul3A_834 = arith.muli %scan3A_116, %mul3A_833 : i32
        %add3A_835 = arith.constant 7 : i32
        %add3A_836 = arith.addi %mul3A_834, %add3A_835 : i32
        %get3A_837 = arith.index_cast %add3A_836 : i32 to index
        %get3A_838 = arith.constant 32 : index
        %get3A_839 = tpu.vector_load %arg13[%get3A_837, %get3A_838] {strides = array<i32>} : memref<128x128xf32, #tpu.memory_space<vmem>>, vector<1x16xf32>,
        %get3A_840 = vector.shape_cast %get3A_839 : vector<1x16xf32> to vector<16xf32>
        %add3A_841 = arith.addf %get3A_832, %get3A_840 : vector<16xf32>
        %max3A_842 = arith.maximumf %max3A_824, %add3A_841 : vector<16xf32>
        %mul3A_843 = arith.constant 16 : i32
        %mul3A_844 = arith.muli %scan3A_116, %mul3A_843 : i32
        %add3A_845 = arith.constant 8 : i32
        %add3A_846 = arith.addi %mul3A_844, %add3A_845 : i32
        %get3A_847 = arith.index_cast %add3A_846 : i32 to index
        %get3A_848 = arith.constant 32 : index
        %get3A_849 = tpu.vector_load %arg12[%get3A_847, %get3A_848] {strides = array<i32>} : memref<128x128xf32, #tpu.memory_space<vmem>>, vector<1x16xf32>,
        %get3A_850 = vector.shape_cast %get3A_849 : vector<1x16xf32> to vector<16xf32>
        %mul3A_851 = arith.constant 16 : i32
        %mul3A_852 = arith.muli %scan3A_116, %mul3A_851 : i32
        %add3A_853 = arith.constant 8 : i32
        %add3A_854 = arith.addi %mul3A_852, %add3A_853 : i32
        %get3A_855 = arith.index_cast %add3A_854 : i32 to index
        %get3A_856 = arith.constant 32 : index
        %get3A_857 = tpu.vector_load %arg13[%get3A_855, %get3A_856] {strides = array<i32>} : memref<128x128xf32, #tpu.memory_space<vmem>>, vector<1x16xf32>,
        %get3A_858 = vector.shape_cast %get3A_857 : vector<1x16xf32> to vector<16xf32>
        %add3A_859 = arith.addf %get3A_850, %get3A_858 : vector<16xf32>
        %max3A_860 = arith.maximumf %max3A_842, %add3A_859 : vector<16xf32>
        %mul3A_861 = arith.constant 16 : i32
        %mul3A_862 = arith.muli %scan3A_116, %mul3A_861 : i32
        %add3A_863 = arith.constant 9 : i32
        %add3A_864 = arith.addi %mul3A_862, %add3A_863 : i32
        %get3A_865 = arith.index_cast %add3A_864 : i32 to index
        %get3A_866 = arith.constant 32 : index
        %get3A_867 = tpu.vector_load %arg12[%get3A_865, %get3A_866] {strides = array<i32>} : memref<128x128xf32, #tpu.memory_space<vmem>>, vector<1x16xf32>,
        %get3A_868 = vector.shape_cast %get3A_867 : vector<1x16xf32> to vector<16xf32>
        %mul3A_869 = arith.constant 16 : i32
        %mul3A_870 = arith.muli %scan3A_116, %mul3A_869 : i32
        %add3A_871 = arith.constant 9 : i32
        %add3A_872 = arith.addi %mul3A_870, %add3A_871 : i32
        %get3A_873 = arith.index_cast %add3A_872 : i32 to index
        %get3A_874 = arith.constant 32 : index
        %get3A_875 = tpu.vector_load %arg13[%get3A_873, %get3A_874] {strides = array<i32>} : memref<128x128xf32, #tpu.memory_space<vmem>>, vector<1x16xf32>,
        %get3A_876 = vector.shape_cast %get3A_875 : vector<1x16xf32> to vector<16xf32>
        %add3A_877 = arith.addf %get3A_868, %get3A_876 : vector<16xf32>
        %max3A_878 = arith.maximumf %max3A_860, %add3A_877 : vector<16xf32>
        %mul3A_879 = arith.constant 16 : i32
        %mul3A_880 = arith.muli %scan3A_116, %mul3A_879 : i32
        %add3A_881 = arith.constant 10 : i32
        %add3A_882 = arith.addi %mul3A_880, %add3A_881 : i32
        %get3A_883 = arith.index_cast %add3A_882 : i32 to index
        %get3A_884 = arith.constant 32 : index
        %get3A_885 = tpu.vector_load %arg12[%get3A_883, %get3A_884] {strides = array<i32>} : memref<128x128xf32, #tpu.memory_space<vmem>>, vector<1x16xf32>,
        %get3A_886 = vector.shape_cast %get3A_885 : vector<1x16xf32> to vector<16xf32>
        %mul3A_887 = arith.constant 16 : i32
        %mul3A_888 = arith.muli %scan3A_116, %mul3A_887 : i32
        %add3A_889 = arith.constant 10 : i32
        %add3A_890 = arith.addi %mul3A_888, %add3A_889 : i32
        %get3A_891 = arith.index_cast %add3A_890 : i32 to index
        %get3A_892 = arith.constant 32 : index
        %get3A_893 = tpu.vector_load %arg13[%get3A_891, %get3A_892] {strides = array<i32>} : memref<128x128xf32, #tpu.memory_space<vmem>>, vector<1x16xf32>,
        %get3A_894 = vector.shape_cast %get3A_893 : vector<1x16xf32> to vector<16xf32>
        %add3A_895 = arith.addf %get3A_886, %get3A_894 : vector<16xf32>
        %max3A_896 = arith.maximumf %max3A_878, %add3A_895 : vector<16xf32>
        %mul3A_897 = arith.constant 16 : i32
        %mul3A_898 = arith.muli %scan3A_116, %mul3A_897 : i32
        %add3A_899 = arith.constant 11 : i32
        %add3A_900 = arith.addi %mul3A_898, %add3A_899 : i32
        %get3A_901 = arith.index_cast %add3A_900 : i32 to index
        %get3A_902 = arith.constant 32 : index
        %get3A_903 = tpu.vector_load %arg12[%get3A_901, %get3A_902] {strides = array<i32>} : memref<128x128xf32, #tpu.memory_space<vmem>>, vector<1x16xf32>,
        %get3A_904 = vector.shape_cast %get3A_903 : vector<1x16xf32> to vector<16xf32>
        %mul3A_905 = arith.constant 16 : i32
        %mul3A_906 = arith.muli %scan3A_116, %mul3A_905 : i32
        %add3A_907 = arith.constant 11 : i32
        %add3A_908 = arith.addi %mul3A_906, %add3A_907 : i32
        %get3A_909 = arith.index_cast %add3A_908 : i32 to index
        %get3A_910 = arith.constant 32 : index
        %get3A_911 = tpu.vector_load %arg13[%get3A_909, %get3A_910] {strides = array<i32>} : memref<128x128xf32, #tpu.memory_space<vmem>>, vector<1x16xf32>,
        %get3A_912 = vector.shape_cast %get3A_911 : vector<1x16xf32> to vector<16xf32>
        %add3A_913 = arith.addf %get3A_904, %get3A_912 : vector<16xf32>
        %max3A_914 = arith.maximumf %max3A_896, %add3A_913 : vector<16xf32>
        %mul3A_915 = arith.constant 16 : i32
        %mul3A_916 = arith.muli %scan3A_116, %mul3A_915 : i32
        %add3A_917 = arith.constant 12 : i32
        %add3A_918 = arith.addi %mul3A_916, %add3A_917 : i32
        %get3A_919 = arith.index_cast %add3A_918 : i32 to index
        %get3A_920 = arith.constant 32 : index
        %get3A_921 = tpu.vector_load %arg12[%get3A_919, %get3A_920] {strides = array<i32>} : memref<128x128xf32, #tpu.memory_space<vmem>>, vector<1x16xf32>,
        %get3A_922 = vector.shape_cast %get3A_921 : vector<1x16xf32> to vector<16xf32>
        %mul3A_923 = arith.constant 16 : i32
        %mul3A_924 = arith.muli %scan3A_116, %mul3A_923 : i32
        %add3A_925 = arith.constant 12 : i32
        %add3A_926 = arith.addi %mul3A_924, %add3A_925 : i32
        %get3A_927 = arith.index_cast %add3A_926 : i32 to index
        %get3A_928 = arith.constant 32 : index
        %get3A_929 = tpu.vector_load %arg13[%get3A_927, %get3A_928] {strides = array<i32>} : memref<128x128xf32, #tpu.memory_space<vmem>>, vector<1x16xf32>,
        %get3A_930 = vector.shape_cast %get3A_929 : vector<1x16xf32> to vector<16xf32>
        %add3A_931 = arith.addf %get3A_922, %get3A_930 : vector<16xf32>
        %max3A_932 = arith.maximumf %max3A_914, %add3A_931 : vector<16xf32>
        %mul3A_933 = arith.constant 16 : i32
        %mul3A_934 = arith.muli %scan3A_116, %mul3A_933 : i32
        %add3A_935 = arith.constant 13 : i32
        %add3A_936 = arith.addi %mul3A_934, %add3A_935 : i32
        %get3A_937 = arith.index_cast %add3A_936 : i32 to index
        %get3A_938 = arith.constant 32 : index
        %get3A_939 = tpu.vector_load %arg12[%get3A_937, %get3A_938] {strides = array<i32>} : memref<128x128xf32, #tpu.memory_space<vmem>>, vector<1x16xf32>,
        %get3A_940 = vector.shape_cast %get3A_939 : vector<1x16xf32> to vector<16xf32>
        %mul3A_941 = arith.constant 16 : i32
        %mul3A_942 = arith.muli %scan3A_116, %mul3A_941 : i32
        %add3A_943 = arith.constant 13 : i32
        %add3A_944 = arith.addi %mul3A_942, %add3A_943 : i32
        %get3A_945 = arith.index_cast %add3A_944 : i32 to index
        %get3A_946 = arith.constant 32 : index
        %get3A_947 = tpu.vector_load %arg13[%get3A_945, %get3A_946] {strides = array<i32>} : memref<128x128xf32, #tpu.memory_space<vmem>>, vector<1x16xf32>,
        %get3A_948 = vector.shape_cast %get3A_947 : vector<1x16xf32> to vector<16xf32>
        %add3A_949 = arith.addf %get3A_940, %get3A_948 : vector<16xf32>
        %max3A_950 = arith.maximumf %max3A_932, %add3A_949 : vector<16xf32>
        %mul3A_951 = arith.constant 16 : i32
        %mul3A_952 = arith.muli %scan3A_116, %mul3A_951 : i32
        %add3A_953 = arith.constant 14 : i32
        %add3A_954 = arith.addi %mul3A_952, %add3A_953 : i32
        %get3A_955 = arith.index_cast %add3A_954 : i32 to index
        %get3A_956 = arith.constant 32 : index
        %get3A_957 = tpu.vector_load %arg12[%get3A_955, %get3A_956] {strides = array<i32>} : memref<128x128xf32, #tpu.memory_space<vmem>>, vector<1x16xf32>,
        %get3A_958 = vector.shape_cast %get3A_957 : vector<1x16xf32> to vector<16xf32>
        %mul3A_959 = arith.constant 16 : i32
        %mul3A_960 = arith.muli %scan3A_116, %mul3A_959 : i32
        %add3A_961 = arith.constant 14 : i32
        %add3A_962 = arith.addi %mul3A_960, %add3A_961 : i32
        %get3A_963 = arith.index_cast %add3A_962 : i32 to index
        %get3A_964 = arith.constant 32 : index
        %get3A_965 = tpu.vector_load %arg13[%get3A_963, %get3A_964] {strides = array<i32>} : memref<128x128xf32, #tpu.memory_space<vmem>>, vector<1x16xf32>,
        %get3A_966 = vector.shape_cast %get3A_965 : vector<1x16xf32> to vector<16xf32>
        %add3A_967 = arith.addf %get3A_958, %get3A_966 : vector<16xf32>
        %max3A_968 = arith.maximumf %max3A_950, %add3A_967 : vector<16xf32>
        %mul3A_969 = arith.constant 16 : i32
        %mul3A_970 = arith.muli %scan3A_116, %mul3A_969 : i32
        %add3A_971 = arith.constant 15 : i32
        %add3A_972 = arith.addi %mul3A_970, %add3A_971 : i32
        %get3A_973 = arith.index_cast %add3A_972 : i32 to index
        %get3A_974 = arith.constant 32 : index
        %get3A_975 = tpu.vector_load %arg12[%get3A_973, %get3A_974] {strides = array<i32>} : memref<128x128xf32, #tpu.memory_space<vmem>>, vector<1x16xf32>,
        %get3A_976 = vector.shape_cast %get3A_975 : vector<1x16xf32> to vector<16xf32>
        %mul3A_977 = arith.constant 16 : i32
        %mul3A_978 = arith.muli %scan3A_116, %mul3A_977 : i32
        %add3A_979 = arith.constant 15 : i32
        %add3A_980 = arith.addi %mul3A_978, %add3A_979 : i32
        %get3A_981 = arith.index_cast %add3A_980 : i32 to index
        %get3A_982 = arith.constant 32 : index
        %get3A_983 = tpu.vector_load %arg13[%get3A_981, %get3A_982] {strides = array<i32>} : memref<128x128xf32, #tpu.memory_space<vmem>>, vector<1x16xf32>,
        %get3A_984 = vector.shape_cast %get3A_983 : vector<1x16xf32> to vector<16xf32>
        %add3A_985 = arith.addf %get3A_976, %get3A_984 : vector<16xf32>
        %max3A_986 = arith.maximumf %max3A_968, %add3A_985 : vector<16xf32>
        %get3A_987 = arith.constant 32 : index
        %get3A_988 = tpu.vector_load %arg14[%get3A_987] {strides = array<i32>} : memref<128xf32, #tpu.memory_space<vmem>>, vector<16xf32>,
        %get3A_989 = vector.shape_cast %get3A_988 : vector<16xf32> to vector<16xf32>
        %add3A_990 = arith.addf %max3A_986, %get3A_989 : vector<16xf32>
        %max3A_991 = arith.constant 0.000000e+00 : f32
        %max3A_992 = vector.broadcast %max3A_991 : f32 to vector<16xf32>
        %max3A_993 = arith.maximumf %add3A_990, %max3A_992 : vector<16xf32>
        %swap3A_994 = arith.index_cast %scan3A_116 : i32 to index
        %swap3A_995 = arith.constant 32 : index
        %swap3A_996 = tpu.vector_load %arg16[%swap3A_994, %swap3A_995] {strides = array<i32>} : memref<8x128xf32, #tpu.memory_space<vmem>>, vector<1x16xf32>,
        %swap3A_997 = vector.shape_cast %swap3A_996 : vector<1x16xf32> to vector<16xf32>
        %swap3A_998 = vector.shape_cast %max3A_993 : vector<16xf32> to vector<1x16xf32>
        tpu.vector_store %arg16[%swap3A_994, %swap3A_995], %swap3A_998 {strides = array<i32>} : memref<8x128xf32, #tpu.memory_space<vmem>>, vector<1x16xf32>,
        %mul3A_999 = arith.constant 16 : i32
        %mul3A_1000 = arith.muli %scan3A_116, %mul3A_999 : i32
        %get3A_1001 = arith.index_cast %mul3A_1000 : i32 to index
        %get3A_1002 = arith.constant 48 : index
        %get3A_1003 = tpu.vector_load %arg12[%get3A_1001, %get3A_1002] {strides = array<i32>} : memref<128x128xf32, #tpu.memory_space<vmem>>, vector<1x16xf32>,
        %get3A_1004 = vector.shape_cast %get3A_1003 : vector<1x16xf32> to vector<16xf32>
        %mul3A_1005 = arith.constant 16 : i32
        %mul3A_1006 = arith.muli %scan3A_116, %mul3A_1005 : i32
        %get3A_1007 = arith.index_cast %mul3A_1006 : i32 to index
        %get3A_1008 = arith.constant 48 : index
        %get3A_1009 = tpu.vector_load %arg13[%get3A_1007, %get3A_1008] {strides = array<i32>} : memref<128x128xf32, #tpu.memory_space<vmem>>, vector<1x16xf32>,
        %get3A_1010 = vector.shape_cast %get3A_1009 : vector<1x16xf32> to vector<16xf32>
        %add3A_1011 = arith.addf %get3A_1004, %get3A_1010 : vector<16xf32>
        %mul3A_1012 = arith.constant 16 : i32
        %mul3A_1013 = arith.muli %scan3A_116, %mul3A_1012 : i32
        %add3A_1014 = arith.constant 1 : i32
        %add3A_1015 = arith.addi %mul3A_1013, %add3A_1014 : i32
        %get3A_1016 = arith.index_cast %add3A_1015 : i32 to index
        %get3A_1017 = arith.constant 48 : index
        %get3A_1018 = tpu.vector_load %arg12[%get3A_1016, %get3A_1017] {strides = array<i32>} : memref<128x128xf32, #tpu.memory_space<vmem>>, vector<1x16xf32>,
        %get3A_1019 = vector.shape_cast %get3A_1018 : vector<1x16xf32> to vector<16xf32>
        %mul3A_1020 = arith.constant 16 : i32
        %mul3A_1021 = arith.muli %scan3A_116, %mul3A_1020 : i32
        %add3A_1022 = arith.constant 1 : i32
        %add3A_1023 = arith.addi %mul3A_1021, %add3A_1022 : i32
        %get3A_1024 = arith.index_cast %add3A_1023 : i32 to index
        %get3A_1025 = arith.constant 48 : index
        %get3A_1026 = tpu.vector_load %arg13[%get3A_1024, %get3A_1025] {strides = array<i32>} : memref<128x128xf32, #tpu.memory_space<vmem>>, vector<1x16xf32>,
        %get3A_1027 = vector.shape_cast %get3A_1026 : vector<1x16xf32> to vector<16xf32>
        %add3A_1028 = arith.addf %get3A_1019, %get3A_1027 : vector<16xf32>
        %max3A_1029 = arith.maximumf %add3A_1011, %add3A_1028 : vector<16xf32>
        %mul3A_1030 = arith.constant 16 : i32
        %mul3A_1031 = arith.muli %scan3A_116, %mul3A_1030 : i32
        %add3A_1032 = arith.constant 2 : i32
        %add3A_1033 = arith.addi %mul3A_1031, %add3A_1032 : i32
        %get3A_1034 = arith.index_cast %add3A_1033 : i32 to index
        %get3A_1035 = arith.constant 48 : index
        %get3A_1036 = tpu.vector_load %arg12[%get3A_1034, %get3A_1035] {strides = array<i32>} : memref<128x128xf32, #tpu.memory_space<vmem>>, vector<1x16xf32>,
        %get3A_1037 = vector.shape_cast %get3A_1036 : vector<1x16xf32> to vector<16xf32>
        %mul3A_1038 = arith.constant 16 : i32
        %mul3A_1039 = arith.muli %scan3A_116, %mul3A_1038 : i32
        %add3A_1040 = arith.constant 2 : i32
        %add3A_1041 = arith.addi %mul3A_1039, %add3A_1040 : i32
        %get3A_1042 = arith.index_cast %add3A_1041 : i32 to index
        %get3A_1043 = arith.constant 48 : index
        %get3A_1044 = tpu.vector_load %arg13[%get3A_1042, %get3A_1043] {strides = array<i32>} : memref<128x128xf32, #tpu.memory_space<vmem>>, vector<1x16xf32>,
        %get3A_1045 = vector.shape_cast %get3A_1044 : vector<1x16xf32> to vector<16xf32>
        %add3A_1046 = arith.addf %get3A_1037, %get3A_1045 : vector<16xf32>
        %max3A_1047 = arith.maximumf %max3A_1029, %add3A_1046 : vector<16xf32>
        %mul3A_1048 = arith.constant 16 : i32
        %mul3A_1049 = arith.muli %scan3A_116, %mul3A_1048 : i32
        %add3A_1050 = arith.constant 3 : i32
        %add3A_1051 = arith.addi %mul3A_1049, %add3A_1050 : i32
        %get3A_1052 = arith.index_cast %add3A_1051 : i32 to index
        %get3A_1053 = arith.constant 48 : index
        %get3A_1054 = tpu.vector_load %arg12[%get3A_1052, %get3A_1053] {strides = array<i32>} : memref<128x128xf32, #tpu.memory_space<vmem>>, vector<1x16xf32>,
        %get3A_1055 = vector.shape_cast %get3A_1054 : vector<1x16xf32> to vector<16xf32>
        %mul3A_1056 = arith.constant 16 : i32
        %mul3A_1057 = arith.muli %scan3A_116, %mul3A_1056 : i32
        %add3A_1058 = arith.constant 3 : i32
        %add3A_1059 = arith.addi %mul3A_1057, %add3A_1058 : i32
        %get3A_1060 = arith.index_cast %add3A_1059 : i32 to index
        %get3A_1061 = arith.constant 48 : index
        %get3A_1062 = tpu.vector_load %arg13[%get3A_1060, %get3A_1061] {strides = array<i32>} : memref<128x128xf32, #tpu.memory_space<vmem>>, vector<1x16xf32>,
        %get3A_1063 = vector.shape_cast %get3A_1062 : vector<1x16xf32> to vector<16xf32>
        %add3A_1064 = arith.addf %get3A_1055, %get3A_1063 : vector<16xf32>
        %max3A_1065 = arith.maximumf %max3A_1047, %add3A_1064 : vector<16xf32>
        %mul3A_1066 = arith.constant 16 : i32
        %mul3A_1067 = arith.muli %scan3A_116, %mul3A_1066 : i32
        %add3A_1068 = arith.constant 4 : i32
        %add3A_1069 = arith.addi %mul3A_1067, %add3A_1068 : i32
        %get3A_1070 = arith.index_cast %add3A_1069 : i32 to index
        %get3A_1071 = arith.constant 48 : index
        %get3A_1072 = tpu.vector_load %arg12[%get3A_1070, %get3A_1071] {strides = array<i32>} : memref<128x128xf32, #tpu.memory_space<vmem>>, vector<1x16xf32>,
        %get3A_1073 = vector.shape_cast %get3A_1072 : vector<1x16xf32> to vector<16xf32>
        %mul3A_1074 = arith.constant 16 : i32
        %mul3A_1075 = arith.muli %scan3A_116, %mul3A_1074 : i32
        %add3A_1076 = arith.constant 4 : i32
        %add3A_1077 = arith.addi %mul3A_1075, %add3A_1076 : i32
        %get3A_1078 = arith.index_cast %add3A_1077 : i32 to index
        %get3A_1079 = arith.constant 48 : index
        %get3A_1080 = tpu.vector_load %arg13[%get3A_1078, %get3A_1079] {strides = array<i32>} : memref<128x128xf32, #tpu.memory_space<vmem>>, vector<1x16xf32>,
        %get3A_1081 = vector.shape_cast %get3A_1080 : vector<1x16xf32> to vector<16xf32>
        %add3A_1082 = arith.addf %get3A_1073, %get3A_1081 : vector<16xf32>
        %max3A_1083 = arith.maximumf %max3A_1065, %add3A_1082 : vector<16xf32>
        %mul3A_1084 = arith.constant 16 : i32
        %mul3A_1085 = arith.muli %scan3A_116, %mul3A_1084 : i32
        %add3A_1086 = arith.constant 5 : i32
        %add3A_1087 = arith.addi %mul3A_1085, %add3A_1086 : i32
        %get3A_1088 = arith.index_cast %add3A_1087 : i32 to index
        %get3A_1089 = arith.constant 48 : index
        %get3A_1090 = tpu.vector_load %arg12[%get3A_1088, %get3A_1089] {strides = array<i32>} : memref<128x128xf32, #tpu.memory_space<vmem>>, vector<1x16xf32>,
        %get3A_1091 = vector.shape_cast %get3A_1090 : vector<1x16xf32> to vector<16xf32>
        %mul3A_1092 = arith.constant 16 : i32
        %mul3A_1093 = arith.muli %scan3A_116, %mul3A_1092 : i32
        %add3A_1094 = arith.constant 5 : i32
        %add3A_1095 = arith.addi %mul3A_1093, %add3A_1094 : i32
        %get3A_1096 = arith.index_cast %add3A_1095 : i32 to index
        %get3A_1097 = arith.constant 48 : index
        %get3A_1098 = tpu.vector_load %arg13[%get3A_1096, %get3A_1097] {strides = array<i32>} : memref<128x128xf32, #tpu.memory_space<vmem>>, vector<1x16xf32>,
        %get3A_1099 = vector.shape_cast %get3A_1098 : vector<1x16xf32> to vector<16xf32>
        %add3A_1100 = arith.addf %get3A_1091, %get3A_1099 : vector<16xf32>
        %max3A_1101 = arith.maximumf %max3A_1083, %add3A_1100 : vector<16xf32>
        %mul3A_1102 = arith.constant 16 : i32
        %mul3A_1103 = arith.muli %scan3A_116, %mul3A_1102 : i32
        %add3A_1104 = arith.constant 6 : i32
        %add3A_1105 = arith.addi %mul3A_1103, %add3A_1104 : i32
        %get3A_1106 = arith.index_cast %add3A_1105 : i32 to index
        %get3A_1107 = arith.constant 48 : index
        %get3A_1108 = tpu.vector_load %arg12[%get3A_1106, %get3A_1107] {strides = array<i32>} : memref<128x128xf32, #tpu.memory_space<vmem>>, vector<1x16xf32>,
        %get3A_1109 = vector.shape_cast %get3A_1108 : vector<1x16xf32> to vector<16xf32>
        %mul3A_1110 = arith.constant 16 : i32
        %mul3A_1111 = arith.muli %scan3A_116, %mul3A_1110 : i32
        %add3A_1112 = arith.constant 6 : i32
        %add3A_1113 = arith.addi %mul3A_1111, %add3A_1112 : i32
        %get3A_1114 = arith.index_cast %add3A_1113 : i32 to index
        %get3A_1115 = arith.constant 48 : index
        %get3A_1116 = tpu.vector_load %arg13[%get3A_1114, %get3A_1115] {strides = array<i32>} : memref<128x128xf32, #tpu.memory_space<vmem>>, vector<1x16xf32>,
        %get3A_1117 = vector.shape_cast %get3A_1116 : vector<1x16xf32> to vector<16xf32>
        %add3A_1118 = arith.addf %get3A_1109, %get3A_1117 : vector<16xf32>
        %max3A_1119 = arith.maximumf %max3A_1101, %add3A_1118 : vector<16xf32>
        %mul3A_1120 = arith.constant 16 : i32
        %mul3A_1121 = arith.muli %scan3A_116, %mul3A_1120 : i32
        %add3A_1122 = arith.constant 7 : i32
        %add3A_1123 = arith.addi %mul3A_1121, %add3A_1122 : i32
        %get3A_1124 = arith.index_cast %add3A_1123 : i32 to index
        %get3A_1125 = arith.constant 48 : index
        %get3A_1126 = tpu.vector_load %arg12[%get3A_1124, %get3A_1125] {strides = array<i32>} : memref<128x128xf32, #tpu.memory_space<vmem>>, vector<1x16xf32>,
        %get3A_1127 = vector.shape_cast %get3A_1126 : vector<1x16xf32> to vector<16xf32>
        %mul3A_1128 = arith.constant 16 : i32
        %mul3A_1129 = arith.muli %scan3A_116, %mul3A_1128 : i32
        %add3A_1130 = arith.constant 7 : i32
        %add3A_1131 = arith.addi %mul3A_1129, %add3A_1130 : i32
        %get3A_1132 = arith.index_cast %add3A_1131 : i32 to index
        %get3A_1133 = arith.constant 48 : index
        %get3A_1134 = tpu.vector_load %arg13[%get3A_1132, %get3A_1133] {strides = array<i32>} : memref<128x128xf32, #tpu.memory_space<vmem>>, vector<1x16xf32>,
        %get3A_1135 = vector.shape_cast %get3A_1134 : vector<1x16xf32> to vector<16xf32>
        %add3A_1136 = arith.addf %get3A_1127, %get3A_1135 : vector<16xf32>
        %max3A_1137 = arith.maximumf %max3A_1119, %add3A_1136 : vector<16xf32>
        %mul3A_1138 = arith.constant 16 : i32
        %mul3A_1139 = arith.muli %scan3A_116, %mul3A_1138 : i32
        %add3A_1140 = arith.constant 8 : i32
        %add3A_1141 = arith.addi %mul3A_1139, %add3A_1140 : i32
        %get3A_1142 = arith.index_cast %add3A_1141 : i32 to index
        %get3A_1143 = arith.constant 48 : index
        %get3A_1144 = tpu.vector_load %arg12[%get3A_1142, %get3A_1143] {strides = array<i32>} : memref<128x128xf32, #tpu.memory_space<vmem>>, vector<1x16xf32>,
        %get3A_1145 = vector.shape_cast %get3A_1144 : vector<1x16xf32> to vector<16xf32>
        %mul3A_1146 = arith.constant 16 : i32
        %mul3A_1147 = arith.muli %scan3A_116, %mul3A_1146 : i32
        %add3A_1148 = arith.constant 8 : i32
        %add3A_1149 = arith.addi %mul3A_1147, %add3A_1148 : i32
        %get3A_1150 = arith.index_cast %add3A_1149 : i32 to index
        %get3A_1151 = arith.constant 48 : index
        %get3A_1152 = tpu.vector_load %arg13[%get3A_1150, %get3A_1151] {strides = array<i32>} : memref<128x128xf32, #tpu.memory_space<vmem>>, vector<1x16xf32>,
        %get3A_1153 = vector.shape_cast %get3A_1152 : vector<1x16xf32> to vector<16xf32>
        %add3A_1154 = arith.addf %get3A_1145, %get3A_1153 : vector<16xf32>
        %max3A_1155 = arith.maximumf %max3A_1137, %add3A_1154 : vector<16xf32>
        %mul3A_1156 = arith.constant 16 : i32
        %mul3A_1157 = arith.muli %scan3A_116, %mul3A_1156 : i32
        %add3A_1158 = arith.constant 9 : i32
        %add3A_1159 = arith.addi %mul3A_1157, %add3A_1158 : i32
        %get3A_1160 = arith.index_cast %add3A_1159 : i32 to index
        %get3A_1161 = arith.constant 48 : index
        %get3A_1162 = tpu.vector_load %arg12[%get3A_1160, %get3A_1161] {strides = array<i32>} : memref<128x128xf32, #tpu.memory_space<vmem>>, vector<1x16xf32>,
        %get3A_1163 = vector.shape_cast %get3A_1162 : vector<1x16xf32> to vector<16xf32>
        %mul3A_1164 = arith.constant 16 : i32
        %mul3A_1165 = arith.muli %scan3A_116, %mul3A_1164 : i32
        %add3A_1166 = arith.constant 9 : i32
        %add3A_1167 = arith.addi %mul3A_1165, %add3A_1166 : i32
        %get3A_1168 = arith.index_cast %add3A_1167 : i32 to index
        %get3A_1169 = arith.constant 48 : index
        %get3A_1170 = tpu.vector_load %arg13[%get3A_1168, %get3A_1169] {strides = array<i32>} : memref<128x128xf32, #tpu.memory_space<vmem>>, vector<1x16xf32>,
        %get3A_1171 = vector.shape_cast %get3A_1170 : vector<1x16xf32> to vector<16xf32>
        %add3A_1172 = arith.addf %get3A_1163, %get3A_1171 : vector<16xf32>
        %max3A_1173 = arith.maximumf %max3A_1155, %add3A_1172 : vector<16xf32>
        %mul3A_1174 = arith.constant 16 : i32
        %mul3A_1175 = arith.muli %scan3A_116, %mul3A_1174 : i32
        %add3A_1176 = arith.constant 10 : i32
        %add3A_1177 = arith.addi %mul3A_1175, %add3A_1176 : i32
        %get3A_1178 = arith.index_cast %add3A_1177 : i32 to index
        %get3A_1179 = arith.constant 48 : index
        %get3A_1180 = tpu.vector_load %arg12[%get3A_1178, %get3A_1179] {strides = array<i32>} : memref<128x128xf32, #tpu.memory_space<vmem>>, vector<1x16xf32>,
        %get3A_1181 = vector.shape_cast %get3A_1180 : vector<1x16xf32> to vector<16xf32>
        %mul3A_1182 = arith.constant 16 : i32
        %mul3A_1183 = arith.muli %scan3A_116, %mul3A_1182 : i32
        %add3A_1184 = arith.constant 10 : i32
        %add3A_1185 = arith.addi %mul3A_1183, %add3A_1184 : i32
        %get3A_1186 = arith.index_cast %add3A_1185 : i32 to index
        %get3A_1187 = arith.constant 48 : index
        %get3A_1188 = tpu.vector_load %arg13[%get3A_1186, %get3A_1187] {strides = array<i32>} : memref<128x128xf32, #tpu.memory_space<vmem>>, vector<1x16xf32>,
        %get3A_1189 = vector.shape_cast %get3A_1188 : vector<1x16xf32> to vector<16xf32>
        %add3A_1190 = arith.addf %get3A_1181, %get3A_1189 : vector<16xf32>
        %max3A_1191 = arith.maximumf %max3A_1173, %add3A_1190 : vector<16xf32>
        %mul3A_1192 = arith.constant 16 : i32
        %mul3A_1193 = arith.muli %scan3A_116, %mul3A_1192 : i32
        %add3A_1194 = arith.constant 11 : i32
        %add3A_1195 = arith.addi %mul3A_1193, %add3A_1194 : i32
        %get3A_1196 = arith.index_cast %add3A_1195 : i32 to index
        %get3A_1197 = arith.constant 48 : index
        %get3A_1198 = tpu.vector_load %arg12[%get3A_1196, %get3A_1197] {strides = array<i32>} : memref<128x128xf32, #tpu.memory_space<vmem>>, vector<1x16xf32>,
        %get3A_1199 = vector.shape_cast %get3A_1198 : vector<1x16xf32> to vector<16xf32>
        %mul3A_1200 = arith.constant 16 : i32
        %mul3A_1201 = arith.muli %scan3A_116, %mul3A_1200 : i32
        %add3A_1202 = arith.constant 11 : i32
        %add3A_1203 = arith.addi %mul3A_1201, %add3A_1202 : i32
        %get3A_1204 = arith.index_cast %add3A_1203 : i32 to index
        %get3A_1205 = arith.constant 48 : index
        %get3A_1206 = tpu.vector_load %arg13[%get3A_1204, %get3A_1205] {strides = array<i32>} : memref<128x128xf32, #tpu.memory_space<vmem>>, vector<1x16xf32>,
        %get3A_1207 = vector.shape_cast %get3A_1206 : vector<1x16xf32> to vector<16xf32>
        %add3A_1208 = arith.addf %get3A_1199, %get3A_1207 : vector<16xf32>
        %max3A_1209 = arith.maximumf %max3A_1191, %add3A_1208 : vector<16xf32>
        %mul3A_1210 = arith.constant 16 : i32
        %mul3A_1211 = arith.muli %scan3A_116, %mul3A_1210 : i32
        %add3A_1212 = arith.constant 12 : i32
        %add3A_1213 = arith.addi %mul3A_1211, %add3A_1212 : i32
        %get3A_1214 = arith.index_cast %add3A_1213 : i32 to index
        %get3A_1215 = arith.constant 48 : index
        %get3A_1216 = tpu.vector_load %arg12[%get3A_1214, %get3A_1215] {strides = array<i32>} : memref<128x128xf32, #tpu.memory_space<vmem>>, vector<1x16xf32>,
        %get3A_1217 = vector.shape_cast %get3A_1216 : vector<1x16xf32> to vector<16xf32>
        %mul3A_1218 = arith.constant 16 : i32
        %mul3A_1219 = arith.muli %scan3A_116, %mul3A_1218 : i32
        %add3A_1220 = arith.constant 12 : i32
        %add3A_1221 = arith.addi %mul3A_1219, %add3A_1220 : i32
        %get3A_1222 = arith.index_cast %add3A_1221 : i32 to index
        %get3A_1223 = arith.constant 48 : index
        %get3A_1224 = tpu.vector_load %arg13[%get3A_1222, %get3A_1223] {strides = array<i32>} : memref<128x128xf32, #tpu.memory_space<vmem>>, vector<1x16xf32>,
        %get3A_1225 = vector.shape_cast %get3A_1224 : vector<1x16xf32> to vector<16xf32>
        %add3A_1226 = arith.addf %get3A_1217, %get3A_1225 : vector<16xf32>
        %max3A_1227 = arith.maximumf %max3A_1209, %add3A_1226 : vector<16xf32>
        %mul3A_1228 = arith.constant 16 : i32
        %mul3A_1229 = arith.muli %scan3A_116, %mul3A_1228 : i32
        %add3A_1230 = arith.constant 13 : i32
        %add3A_1231 = arith.addi %mul3A_1229, %add3A_1230 : i32
        %get3A_1232 = arith.index_cast %add3A_1231 : i32 to index
        %get3A_1233 = arith.constant 48 : index
        %get3A_1234 = tpu.vector_load %arg12[%get3A_1232, %get3A_1233] {strides = array<i32>} : memref<128x128xf32, #tpu.memory_space<vmem>>, vector<1x16xf32>,
        %get3A_1235 = vector.shape_cast %get3A_1234 : vector<1x16xf32> to vector<16xf32>
        %mul3A_1236 = arith.constant 16 : i32
        %mul3A_1237 = arith.muli %scan3A_116, %mul3A_1236 : i32
        %add3A_1238 = arith.constant 13 : i32
        %add3A_1239 = arith.addi %mul3A_1237, %add3A_1238 : i32
        %get3A_1240 = arith.index_cast %add3A_1239 : i32 to index
        %get3A_1241 = arith.constant 48 : index
        %get3A_1242 = tpu.vector_load %arg13[%get3A_1240, %get3A_1241] {strides = array<i32>} : memref<128x128xf32, #tpu.memory_space<vmem>>, vector<1x16xf32>,
        %get3A_1243 = vector.shape_cast %get3A_1242 : vector<1x16xf32> to vector<16xf32>
        %add3A_1244 = arith.addf %get3A_1235, %get3A_1243 : vector<16xf32>
        %max3A_1245 = arith.maximumf %max3A_1227, %add3A_1244 : vector<16xf32>
        %mul3A_1246 = arith.constant 16 : i32
        %mul3A_1247 = arith.muli %scan3A_116, %mul3A_1246 : i32
        %add3A_1248 = arith.constant 14 : i32
        %add3A_1249 = arith.addi %mul3A_1247, %add3A_1248 : i32
        %get3A_1250 = arith.index_cast %add3A_1249 : i32 to index
        %get3A_1251 = arith.constant 48 : index
        %get3A_1252 = tpu.vector_load %arg12[%get3A_1250, %get3A_1251] {strides = array<i32>} : memref<128x128xf32, #tpu.memory_space<vmem>>, vector<1x16xf32>,
        %get3A_1253 = vector.shape_cast %get3A_1252 : vector<1x16xf32> to vector<16xf32>
        %mul3A_1254 = arith.constant 16 : i32
        %mul3A_1255 = arith.muli %scan3A_116, %mul3A_1254 : i32
        %add3A_1256 = arith.constant 14 : i32
        %add3A_1257 = arith.addi %mul3A_1255, %add3A_1256 : i32
        %get3A_1258 = arith.index_cast %add3A_1257 : i32 to index
        %get3A_1259 = arith.constant 48 : index
        %get3A_1260 = tpu.vector_load %arg13[%get3A_1258, %get3A_1259] {strides = array<i32>} : memref<128x128xf32, #tpu.memory_space<vmem>>, vector<1x16xf32>,
        %get3A_1261 = vector.shape_cast %get3A_1260 : vector<1x16xf32> to vector<16xf32>
        %add3A_1262 = arith.addf %get3A_1253, %get3A_1261 : vector<16xf32>
        %max3A_1263 = arith.maximumf %max3A_1245, %add3A_1262 : vector<16xf32>
        %mul3A_1264 = arith.constant 16 : i32
        %mul3A_1265 = arith.muli %scan3A_116, %mul3A_1264 : i32
        %add3A_1266 = arith.constant 15 : i32
        %add3A_1267 = arith.addi %mul3A_1265, %add3A_1266 : i32
        %get3A_1268 = arith.index_cast %add3A_1267 : i32 to index
        %get3A_1269 = arith.constant 48 : index
        %get3A_1270 = tpu.vector_load %arg12[%get3A_1268, %get3A_1269] {strides = array<i32>} : memref<128x128xf32, #tpu.memory_space<vmem>>, vector<1x16xf32>,
        %get3A_1271 = vector.shape_cast %get3A_1270 : vector<1x16xf32> to vector<16xf32>
        %mul3A_1272 = arith.constant 16 : i32
        %mul3A_1273 = arith.muli %scan3A_116, %mul3A_1272 : i32
        %add3A_1274 = arith.constant 15 : i32
        %add3A_1275 = arith.addi %mul3A_1273, %add3A_1274 : i32
        %get3A_1276 = arith.index_cast %add3A_1275 : i32 to index
        %get3A_1277 = arith.constant 48 : index
        %get3A_1278 = tpu.vector_load %arg13[%get3A_1276, %get3A_1277] {strides = array<i32>} : memref<128x128xf32, #tpu.memory_space<vmem>>, vector<1x16xf32>,
        %get3A_1279 = vector.shape_cast %get3A_1278 : vector<1x16xf32> to vector<16xf32>
        %add3A_1280 = arith.addf %get3A_1271, %get3A_1279 : vector<16xf32>
        %max3A_1281 = arith.maximumf %max3A_1263, %add3A_1280 : vector<16xf32>
        %get3A_1282 = arith.constant 48 : index
        %get3A_1283 = tpu.vector_load %arg14[%get3A_1282] {strides = array<i32>} : memref<128xf32, #tpu.memory_space<vmem>>, vector<16xf32>,
        %get3A_1284 = vector.shape_cast %get3A_1283 : vector<16xf32> to vector<16xf32>
        %add3A_1285 = arith.addf %max3A_1281, %get3A_1284 : vector<16xf32>
        %max3A_1286 = arith.constant 0.000000e+00 : f32
        %max3A_1287 = vector.broadcast %max3A_1286 : f32 to vector<16xf32>
        %max3A_1288 = arith.maximumf %add3A_1285, %max3A_1287 : vector<16xf32>
        %swap3A_1289 = arith.index_cast %scan3A_116 : i32 to index
        %swap3A_1290 = arith.constant 48 : index
        %swap3A_1291 = tpu.vector_load %arg16[%swap3A_1289, %swap3A_1290] {strides = array<i32>} : memref<8x128xf32, #tpu.memory_space<vmem>>, vector<1x16xf32>,
        %swap3A_1292 = vector.shape_cast %swap3A_1291 : vector<1x16xf32> to vector<16xf32>
        %swap3A_1293 = vector.shape_cast %max3A_1288 : vector<16xf32> to vector<1x16xf32>
        tpu.vector_store %arg16[%swap3A_1289, %swap3A_1290], %swap3A_1293 {strides = array<i32>} : memref<8x128xf32, #tpu.memory_space<vmem>>, vector<1x16xf32>,
        %mul3A_1294 = arith.constant 16 : i32
        %mul3A_1295 = arith.muli %scan3A_116, %mul3A_1294 : i32
        %get3A_1296 = arith.index_cast %mul3A_1295 : i32 to index
        %get3A_1297 = arith.constant 64 : index
        %get3A_1298 = tpu.vector_load %arg12[%get3A_1296, %get3A_1297] {strides = array<i32>} : memref<128x128xf32, #tpu.memory_space<vmem>>, vector<1x16xf32>,
        %get3A_1299 = vector.shape_cast %get3A_1298 : vector<1x16xf32> to vector<16xf32>
        %mul3A_1300 = arith.constant 16 : i32
        %mul3A_1301 = arith.muli %scan3A_116, %mul3A_1300 : i32
        %get3A_1302 = arith.index_cast %mul3A_1301 : i32 to index
        %get3A_1303 = arith.constant 64 : index
        %get3A_1304 = tpu.vector_load %arg13[%get3A_1302, %get3A_1303] {strides = array<i32>} : memref<128x128xf32, #tpu.memory_space<vmem>>, vector<1x16xf32>,
        %get3A_1305 = vector.shape_cast %get3A_1304 : vector<1x16xf32> to vector<16xf32>
        %add3A_1306 = arith.addf %get3A_1299, %get3A_1305 : vector<16xf32>
        %mul3A_1307 = arith.constant 16 : i32
        %mul3A_1308 = arith.muli %scan3A_116, %mul3A_1307 : i32
        %add3A_1309 = arith.constant 1 : i32
        %add3A_1310 = arith.addi %mul3A_1308, %add3A_1309 : i32
        %get3A_1311 = arith.index_cast %add3A_1310 : i32 to index
        %get3A_1312 = arith.constant 64 : index
        %get3A_1313 = tpu.vector_load %arg12[%get3A_1311, %get3A_1312] {strides = array<i32>} : memref<128x128xf32, #tpu.memory_space<vmem>>, vector<1x16xf32>,
        %get3A_1314 = vector.shape_cast %get3A_1313 : vector<1x16xf32> to vector<16xf32>
        %mul3A_1315 = arith.constant 16 : i32
        %mul3A_1316 = arith.muli %scan3A_116, %mul3A_1315 : i32
        %add3A_1317 = arith.constant 1 : i32
        %add3A_1318 = arith.addi %mul3A_1316, %add3A_1317 : i32
        %get3A_1319 = arith.index_cast %add3A_1318 : i32 to index
        %get3A_1320 = arith.constant 64 : index
        %get3A_1321 = tpu.vector_load %arg13[%get3A_1319, %get3A_1320] {strides = array<i32>} : memref<128x128xf32, #tpu.memory_space<vmem>>, vector<1x16xf32>,
        %get3A_1322 = vector.shape_cast %get3A_1321 : vector<1x16xf32> to vector<16xf32>
        %add3A_1323 = arith.addf %get3A_1314, %get3A_1322 : vector<16xf32>
        %max3A_1324 = arith.maximumf %add3A_1306, %add3A_1323 : vector<16xf32>
        %mul3A_1325 = arith.constant 16 : i32
        %mul3A_1326 = arith.muli %scan3A_116, %mul3A_1325 : i32
        %add3A_1327 = arith.constant 2 : i32
        %add3A_1328 = arith.addi %mul3A_1326, %add3A_1327 : i32
        %get3A_1329 = arith.index_cast %add3A_1328 : i32 to index
        %get3A_1330 = arith.constant 64 : index
        %get3A_1331 = tpu.vector_load %arg12[%get3A_1329, %get3A_1330] {strides = array<i32>} : memref<128x128xf32, #tpu.memory_space<vmem>>, vector<1x16xf32>,
        %get3A_1332 = vector.shape_cast %get3A_1331 : vector<1x16xf32> to vector<16xf32>
        %mul3A_1333 = arith.constant 16 : i32
        %mul3A_1334 = arith.muli %scan3A_116, %mul3A_1333 : i32
        %add3A_1335 = arith.constant 2 : i32
        %add3A_1336 = arith.addi %mul3A_1334, %add3A_1335 : i32
        %get3A_1337 = arith.index_cast %add3A_1336 : i32 to index
        %get3A_1338 = arith.constant 64 : index
        %get3A_1339 = tpu.vector_load %arg13[%get3A_1337, %get3A_1338] {strides = array<i32>} : memref<128x128xf32, #tpu.memory_space<vmem>>, vector<1x16xf32>,
        %get3A_1340 = vector.shape_cast %get3A_1339 : vector<1x16xf32> to vector<16xf32>
        %add3A_1341 = arith.addf %get3A_1332, %get3A_1340 : vector<16xf32>
        %max3A_1342 = arith.maximumf %max3A_1324, %add3A_1341 : vector<16xf32>
        %mul3A_1343 = arith.constant 16 : i32
        %mul3A_1344 = arith.muli %scan3A_116, %mul3A_1343 : i32
        %add3A_1345 = arith.constant 3 : i32
        %add3A_1346 = arith.addi %mul3A_1344, %add3A_1345 : i32
        %get3A_1347 = arith.index_cast %add3A_1346 : i32 to index
        %get3A_1348 = arith.constant 64 : index
        %get3A_1349 = tpu.vector_load %arg12[%get3A_1347, %get3A_1348] {strides = array<i32>} : memref<128x128xf32, #tpu.memory_space<vmem>>, vector<1x16xf32>,
        %get3A_1350 = vector.shape_cast %get3A_1349 : vector<1x16xf32> to vector<16xf32>
        %mul3A_1351 = arith.constant 16 : i32
        %mul3A_1352 = arith.muli %scan3A_116, %mul3A_1351 : i32
        %add3A_1353 = arith.constant 3 : i32
        %add3A_1354 = arith.addi %mul3A_1352, %add3A_1353 : i32
        %get3A_1355 = arith.index_cast %add3A_1354 : i32 to index
        %get3A_1356 = arith.constant 64 : index
        %get3A_1357 = tpu.vector_load %arg13[%get3A_1355, %get3A_1356] {strides = array<i32>} : memref<128x128xf32, #tpu.memory_space<vmem>>, vector<1x16xf32>,
        %get3A_1358 = vector.shape_cast %get3A_1357 : vector<1x16xf32> to vector<16xf32>
        %add3A_1359 = arith.addf %get3A_1350, %get3A_1358 : vector<16xf32>
        %max3A_1360 = arith.maximumf %max3A_1342, %add3A_1359 : vector<16xf32>
        %mul3A_1361 = arith.constant 16 : i32
        %mul3A_1362 = arith.muli %scan3A_116, %mul3A_1361 : i32
        %add3A_1363 = arith.constant 4 : i32
        %add3A_1364 = arith.addi %mul3A_1362, %add3A_1363 : i32
        %get3A_1365 = arith.index_cast %add3A_1364 : i32 to index
        %get3A_1366 = arith.constant 64 : index
        %get3A_1367 = tpu.vector_load %arg12[%get3A_1365, %get3A_1366] {strides = array<i32>} : memref<128x128xf32, #tpu.memory_space<vmem>>, vector<1x16xf32>,
        %get3A_1368 = vector.shape_cast %get3A_1367 : vector<1x16xf32> to vector<16xf32>
        %mul3A_1369 = arith.constant 16 : i32
        %mul3A_1370 = arith.muli %scan3A_116, %mul3A_1369 : i32
        %add3A_1371 = arith.constant 4 : i32
        %add3A_1372 = arith.addi %mul3A_1370, %add3A_1371 : i32
        %get3A_1373 = arith.index_cast %add3A_1372 : i32 to index
        %get3A_1374 = arith.constant 64 : index
        %get3A_1375 = tpu.vector_load %arg13[%get3A_1373, %get3A_1374] {strides = array<i32>} : memref<128x128xf32, #tpu.memory_space<vmem>>, vector<1x16xf32>,
        %get3A_1376 = vector.shape_cast %get3A_1375 : vector<1x16xf32> to vector<16xf32>
        %add3A_1377 = arith.addf %get3A_1368, %get3A_1376 : vector<16xf32>
        %max3A_1378 = arith.maximumf %max3A_1360, %add3A_1377 : vector<16xf32>
        %mul3A_1379 = arith.constant 16 : i32
        %mul3A_1380 = arith.muli %scan3A_116, %mul3A_1379 : i32
        %add3A_1381 = arith.constant 5 : i32
        %add3A_1382 = arith.addi %mul3A_1380, %add3A_1381 : i32
        %get3A_1383 = arith.index_cast %add3A_1382 : i32 to index
        %get3A_1384 = arith.constant 64 : index
        %get3A_1385 = tpu.vector_load %arg12[%get3A_1383, %get3A_1384] {strides = array<i32>} : memref<128x128xf32, #tpu.memory_space<vmem>>, vector<1x16xf32>,
        %get3A_1386 = vector.shape_cast %get3A_1385 : vector<1x16xf32> to vector<16xf32>
        %mul3A_1387 = arith.constant 16 : i32
        %mul3A_1388 = arith.muli %scan3A_116, %mul3A_1387 : i32
        %add3A_1389 = arith.constant 5 : i32
        %add3A_1390 = arith.addi %mul3A_1388, %add3A_1389 : i32
        %get3A_1391 = arith.index_cast %add3A_1390 : i32 to index
        %get3A_1392 = arith.constant 64 : index
        %get3A_1393 = tpu.vector_load %arg13[%get3A_1391, %get3A_1392] {strides = array<i32>} : memref<128x128xf32, #tpu.memory_space<vmem>>, vector<1x16xf32>,
        %get3A_1394 = vector.shape_cast %get3A_1393 : vector<1x16xf32> to vector<16xf32>
        %add3A_1395 = arith.addf %get3A_1386, %get3A_1394 : vector<16xf32>
        %max3A_1396 = arith.maximumf %max3A_1378, %add3A_1395 : vector<16xf32>
        %mul3A_1397 = arith.constant 16 : i32
        %mul3A_1398 = arith.muli %scan3A_116, %mul3A_1397 : i32
        %add3A_1399 = arith.constant 6 : i32
        %add3A_1400 = arith.addi %mul3A_1398, %add3A_1399 : i32
        %get3A_1401 = arith.index_cast %add3A_1400 : i32 to index
        %get3A_1402 = arith.constant 64 : index
        %get3A_1403 = tpu.vector_load %arg12[%get3A_1401, %get3A_1402] {strides = array<i32>} : memref<128x128xf32, #tpu.memory_space<vmem>>, vector<1x16xf32>,
        %get3A_1404 = vector.shape_cast %get3A_1403 : vector<1x16xf32> to vector<16xf32>
        %mul3A_1405 = arith.constant 16 : i32
        %mul3A_1406 = arith.muli %scan3A_116, %mul3A_1405 : i32
        %add3A_1407 = arith.constant 6 : i32
        %add3A_1408 = arith.addi %mul3A_1406, %add3A_1407 : i32
        %get3A_1409 = arith.index_cast %add3A_1408 : i32 to index
        %get3A_1410 = arith.constant 64 : index
        %get3A_1411 = tpu.vector_load %arg13[%get3A_1409, %get3A_1410] {strides = array<i32>} : memref<128x128xf32, #tpu.memory_space<vmem>>, vector<1x16xf32>,
        %get3A_1412 = vector.shape_cast %get3A_1411 : vector<1x16xf32> to vector<16xf32>
        %add3A_1413 = arith.addf %get3A_1404, %get3A_1412 : vector<16xf32>
        %max3A_1414 = arith.maximumf %max3A_1396, %add3A_1413 : vector<16xf32>
        %mul3A_1415 = arith.constant 16 : i32
        %mul3A_1416 = arith.muli %scan3A_116, %mul3A_1415 : i32
        %add3A_1417 = arith.constant 7 : i32
        %add3A_1418 = arith.addi %mul3A_1416, %add3A_1417 : i32
        %get3A_1419 = arith.index_cast %add3A_1418 : i32 to index
        %get3A_1420 = arith.constant 64 : index
        %get3A_1421 = tpu.vector_load %arg12[%get3A_1419, %get3A_1420] {strides = array<i32>} : memref<128x128xf32, #tpu.memory_space<vmem>>, vector<1x16xf32>,
        %get3A_1422 = vector.shape_cast %get3A_1421 : vector<1x16xf32> to vector<16xf32>
        %mul3A_1423 = arith.constant 16 : i32
        %mul3A_1424 = arith.muli %scan3A_116, %mul3A_1423 : i32
        %add3A_1425 = arith.constant 7 : i32
        %add3A_1426 = arith.addi %mul3A_1424, %add3A_1425 : i32
        %get3A_1427 = arith.index_cast %add3A_1426 : i32 to index
        %get3A_1428 = arith.constant 64 : index
        %get3A_1429 = tpu.vector_load %arg13[%get3A_1427, %get3A_1428] {strides = array<i32>} : memref<128x128xf32, #tpu.memory_space<vmem>>, vector<1x16xf32>,
        %get3A_1430 = vector.shape_cast %get3A_1429 : vector<1x16xf32> to vector<16xf32>
        %add3A_1431 = arith.addf %get3A_1422, %get3A_1430 : vector<16xf32>
        %max3A_1432 = arith.maximumf %max3A_1414, %add3A_1431 : vector<16xf32>
        %mul3A_1433 = arith.constant 16 : i32
        %mul3A_1434 = arith.muli %scan3A_116, %mul3A_1433 : i32
        %add3A_1435 = arith.constant 8 : i32
        %add3A_1436 = arith.addi %mul3A_1434, %add3A_1435 : i32
        %get3A_1437 = arith.index_cast %add3A_1436 : i32 to index
        %get3A_1438 = arith.constant 64 : index
        %get3A_1439 = tpu.vector_load %arg12[%get3A_1437, %get3A_1438] {strides = array<i32>} : memref<128x128xf32, #tpu.memory_space<vmem>>, vector<1x16xf32>,
        %get3A_1440 = vector.shape_cast %get3A_1439 : vector<1x16xf32> to vector<16xf32>
        %mul3A_1441 = arith.constant 16 : i32
        %mul3A_1442 = arith.muli %scan3A_116, %mul3A_1441 : i32
        %add3A_1443 = arith.constant 8 : i32
        %add3A_1444 = arith.addi %mul3A_1442, %add3A_1443 : i32
        %get3A_1445 = arith.index_cast %add3A_1444 : i32 to index
        %get3A_1446 = arith.constant 64 : index
        %get3A_1447 = tpu.vector_load %arg13[%get3A_1445, %get3A_1446] {strides = array<i32>} : memref<128x128xf32, #tpu.memory_space<vmem>>, vector<1x16xf32>,
        %get3A_1448 = vector.shape_cast %get3A_1447 : vector<1x16xf32> to vector<16xf32>
        %add3A_1449 = arith.addf %get3A_1440, %get3A_1448 : vector<16xf32>
        %max3A_1450 = arith.maximumf %max3A_1432, %add3A_1449 : vector<16xf32>
        %mul3A_1451 = arith.constant 16 : i32
        %mul3A_1452 = arith.muli %scan3A_116, %mul3A_1451 : i32
        %add3A_1453 = arith.constant 9 : i32
        %add3A_1454 = arith.addi %mul3A_1452, %add3A_1453 : i32
        %get3A_1455 = arith.index_cast %add3A_1454 : i32 to index
        %get3A_1456 = arith.constant 64 : index
        %get3A_1457 = tpu.vector_load %arg12[%get3A_1455, %get3A_1456] {strides = array<i32>} : memref<128x128xf32, #tpu.memory_space<vmem>>, vector<1x16xf32>,
        %get3A_1458 = vector.shape_cast %get3A_1457 : vector<1x16xf32> to vector<16xf32>
        %mul3A_1459 = arith.constant 16 : i32
        %mul3A_1460 = arith.muli %scan3A_116, %mul3A_1459 : i32
        %add3A_1461 = arith.constant 9 : i32
        %add3A_1462 = arith.addi %mul3A_1460, %add3A_1461 : i32
        %get3A_1463 = arith.index_cast %add3A_1462 : i32 to index
        %get3A_1464 = arith.constant 64 : index
        %get3A_1465 = tpu.vector_load %arg13[%get3A_1463, %get3A_1464] {strides = array<i32>} : memref<128x128xf32, #tpu.memory_space<vmem>>, vector<1x16xf32>,
        %get3A_1466 = vector.shape_cast %get3A_1465 : vector<1x16xf32> to vector<16xf32>
        %add3A_1467 = arith.addf %get3A_1458, %get3A_1466 : vector<16xf32>
        %max3A_1468 = arith.maximumf %max3A_1450, %add3A_1467 : vector<16xf32>
        %mul3A_1469 = arith.constant 16 : i32
        %mul3A_1470 = arith.muli %scan3A_116, %mul3A_1469 : i32
        %add3A_1471 = arith.constant 10 : i32
        %add3A_1472 = arith.addi %mul3A_1470, %add3A_1471 : i32
        %get3A_1473 = arith.index_cast %add3A_1472 : i32 to index
        %get3A_1474 = arith.constant 64 : index
        %get3A_1475 = tpu.vector_load %arg12[%get3A_1473, %get3A_1474] {strides = array<i32>} : memref<128x128xf32, #tpu.memory_space<vmem>>, vector<1x16xf32>,
        %get3A_1476 = vector.shape_cast %get3A_1475 : vector<1x16xf32> to vector<16xf32>
        %mul3A_1477 = arith.constant 16 : i32
        %mul3A_1478 = arith.muli %scan3A_116, %mul3A_1477 : i32
        %add3A_1479 = arith.constant 10 : i32
        %add3A_1480 = arith.addi %mul3A_1478, %add3A_1479 : i32
        %get3A_1481 = arith.index_cast %add3A_1480 : i32 to index
        %get3A_1482 = arith.constant 64 : index
        %get3A_1483 = tpu.vector_load %arg13[%get3A_1481, %get3A_1482] {strides = array<i32>} : memref<128x128xf32, #tpu.memory_space<vmem>>, vector<1x16xf32>,
        %get3A_1484 = vector.shape_cast %get3A_1483 : vector<1x16xf32> to vector<16xf32>
        %add3A_1485 = arith.addf %get3A_1476, %get3A_1484 : vector<16xf32>
        %max3A_1486 = arith.maximumf %max3A_1468, %add3A_1485 : vector<16xf32>
        %mul3A_1487 = arith.constant 16 : i32
        %mul3A_1488 = arith.muli %scan3A_116, %mul3A_1487 : i32
        %add3A_1489 = arith.constant 11 : i32
        %add3A_1490 = arith.addi %mul3A_1488, %add3A_1489 : i32
        %get3A_1491 = arith.index_cast %add3A_1490 : i32 to index
        %get3A_1492 = arith.constant 64 : index
        %get3A_1493 = tpu.vector_load %arg12[%get3A_1491, %get3A_1492] {strides = array<i32>} : memref<128x128xf32, #tpu.memory_space<vmem>>, vector<1x16xf32>,
        %get3A_1494 = vector.shape_cast %get3A_1493 : vector<1x16xf32> to vector<16xf32>
        %mul3A_1495 = arith.constant 16 : i32
        %mul3A_1496 = arith.muli %scan3A_116, %mul3A_1495 : i32
        %add3A_1497 = arith.constant 11 : i32
        %add3A_1498 = arith.addi %mul3A_1496, %add3A_1497 : i32
        %get3A_1499 = arith.index_cast %add3A_1498 : i32 to index
        %get3A_1500 = arith.constant 64 : index
        %get3A_1501 = tpu.vector_load %arg13[%get3A_1499, %get3A_1500] {strides = array<i32>} : memref<128x128xf32, #tpu.memory_space<vmem>>, vector<1x16xf32>,
        %get3A_1502 = vector.shape_cast %get3A_1501 : vector<1x16xf32> to vector<16xf32>
        %add3A_1503 = arith.addf %get3A_1494, %get3A_1502 : vector<16xf32>
        %max3A_1504 = arith.maximumf %max3A_1486, %add3A_1503 : vector<16xf32>
        %mul3A_1505 = arith.constant 16 : i32
        %mul3A_1506 = arith.muli %scan3A_116, %mul3A_1505 : i32
        %add3A_1507 = arith.constant 12 : i32
        %add3A_1508 = arith.addi %mul3A_1506, %add3A_1507 : i32
        %get3A_1509 = arith.index_cast %add3A_1508 : i32 to index
        %get3A_1510 = arith.constant 64 : index
        %get3A_1511 = tpu.vector_load %arg12[%get3A_1509, %get3A_1510] {strides = array<i32>} : memref<128x128xf32, #tpu.memory_space<vmem>>, vector<1x16xf32>,
        %get3A_1512 = vector.shape_cast %get3A_1511 : vector<1x16xf32> to vector<16xf32>
        %mul3A_1513 = arith.constant 16 : i32
        %mul3A_1514 = arith.muli %scan3A_116, %mul3A_1513 : i32
        %add3A_1515 = arith.constant 12 : i32
        %add3A_1516 = arith.addi %mul3A_1514, %add3A_1515 : i32
        %get3A_1517 = arith.index_cast %add3A_1516 : i32 to index
        %get3A_1518 = arith.constant 64 : index
        %get3A_1519 = tpu.vector_load %arg13[%get3A_1517, %get3A_1518] {strides = array<i32>} : memref<128x128xf32, #tpu.memory_space<vmem>>, vector<1x16xf32>,
        %get3A_1520 = vector.shape_cast %get3A_1519 : vector<1x16xf32> to vector<16xf32>
        %add3A_1521 = arith.addf %get3A_1512, %get3A_1520 : vector<16xf32>
        %max3A_1522 = arith.maximumf %max3A_1504, %add3A_1521 : vector<16xf32>
        %mul3A_1523 = arith.constant 16 : i32
        %mul3A_1524 = arith.muli %scan3A_116, %mul3A_1523 : i32
        %add3A_1525 = arith.constant 13 : i32
        %add3A_1526 = arith.addi %mul3A_1524, %add3A_1525 : i32
        %get3A_1527 = arith.index_cast %add3A_1526 : i32 to index
        %get3A_1528 = arith.constant 64 : index
        %get3A_1529 = tpu.vector_load %arg12[%get3A_1527, %get3A_1528] {strides = array<i32>} : memref<128x128xf32, #tpu.memory_space<vmem>>, vector<1x16xf32>,
        %get3A_1530 = vector.shape_cast %get3A_1529 : vector<1x16xf32> to vector<16xf32>
        %mul3A_1531 = arith.constant 16 : i32
        %mul3A_1532 = arith.muli %scan3A_116, %mul3A_1531 : i32
        %add3A_1533 = arith.constant 13 : i32
        %add3A_1534 = arith.addi %mul3A_1532, %add3A_1533 : i32
        %get3A_1535 = arith.index_cast %add3A_1534 : i32 to index
        %get3A_1536 = arith.constant 64 : index
        %get3A_1537 = tpu.vector_load %arg13[%get3A_1535, %get3A_1536] {strides = array<i32>} : memref<128x128xf32, #tpu.memory_space<vmem>>, vector<1x16xf32>,
        %get3A_1538 = vector.shape_cast %get3A_1537 : vector<1x16xf32> to vector<16xf32>
        %add3A_1539 = arith.addf %get3A_1530, %get3A_1538 : vector<16xf32>
        %max3A_1540 = arith.maximumf %max3A_1522, %add3A_1539 : vector<16xf32>
        %mul3A_1541 = arith.constant 16 : i32
        %mul3A_1542 = arith.muli %scan3A_116, %mul3A_1541 : i32
        %add3A_1543 = arith.constant 14 : i32
        %add3A_1544 = arith.addi %mul3A_1542, %add3A_1543 : i32
        %get3A_1545 = arith.index_cast %add3A_1544 : i32 to index
        %get3A_1546 = arith.constant 64 : index
        %get3A_1547 = tpu.vector_load %arg12[%get3A_1545, %get3A_1546] {strides = array<i32>} : memref<128x128xf32, #tpu.memory_space<vmem>>, vector<1x16xf32>,
        %get3A_1548 = vector.shape_cast %get3A_1547 : vector<1x16xf32> to vector<16xf32>
        %mul3A_1549 = arith.constant 16 : i32
        %mul3A_1550 = arith.muli %scan3A_116, %mul3A_1549 : i32
        %add3A_1551 = arith.constant 14 : i32
        %add3A_1552 = arith.addi %mul3A_1550, %add3A_1551 : i32
        %get3A_1553 = arith.index_cast %add3A_1552 : i32 to index
        %get3A_1554 = arith.constant 64 : index
        %get3A_1555 = tpu.vector_load %arg13[%get3A_1553, %get3A_1554] {strides = array<i32>} : memref<128x128xf32, #tpu.memory_space<vmem>>, vector<1x16xf32>,
        %get3A_1556 = vector.shape_cast %get3A_1555 : vector<1x16xf32> to vector<16xf32>
        %add3A_1557 = arith.addf %get3A_1548, %get3A_1556 : vector<16xf32>
        %max3A_1558 = arith.maximumf %max3A_1540, %add3A_1557 : vector<16xf32>
        %mul3A_1559 = arith.constant 16 : i32
        %mul3A_1560 = arith.muli %scan3A_116, %mul3A_1559 : i32
        %add3A_1561 = arith.constant 15 : i32
        %add3A_1562 = arith.addi %mul3A_1560, %add3A_1561 : i32
        %get3A_1563 = arith.index_cast %add3A_1562 : i32 to index
        %get3A_1564 = arith.constant 64 : index
        %get3A_1565 = tpu.vector_load %arg12[%get3A_1563, %get3A_1564] {strides = array<i32>} : memref<128x128xf32, #tpu.memory_space<vmem>>, vector<1x16xf32>,
        %get3A_1566 = vector.shape_cast %get3A_1565 : vector<1x16xf32> to vector<16xf32>
        %mul3A_1567 = arith.constant 16 : i32
        %mul3A_1568 = arith.muli %scan3A_116, %mul3A_1567 : i32
        %add3A_1569 = arith.constant 15 : i32
        %add3A_1570 = arith.addi %mul3A_1568, %add3A_1569 : i32
        %get3A_1571 = arith.index_cast %add3A_1570 : i32 to index
        %get3A_1572 = arith.constant 64 : index
        %get3A_1573 = tpu.vector_load %arg13[%get3A_1571, %get3A_1572] {strides = array<i32>} : memref<128x128xf32, #tpu.memory_space<vmem>>, vector<1x16xf32>,
        %get3A_1574 = vector.shape_cast %get3A_1573 : vector<1x16xf32> to vector<16xf32>
        %add3A_1575 = arith.addf %get3A_1566, %get3A_1574 : vector<16xf32>
        %max3A_1576 = arith.maximumf %max3A_1558, %add3A_1575 : vector<16xf32>
        %get3A_1577 = arith.constant 64 : index
        %get3A_1578 = tpu.vector_load %arg14[%get3A_1577] {strides = array<i32>} : memref<128xf32, #tpu.memory_space<vmem>>, vector<16xf32>,
        %get3A_1579 = vector.shape_cast %get3A_1578 : vector<16xf32> to vector<16xf32>
        %add3A_1580 = arith.addf %max3A_1576, %get3A_1579 : vector<16xf32>
        %max3A_1581 = arith.constant 0.000000e+00 : f32
        %max3A_1582 = vector.broadcast %max3A_1581 : f32 to vector<16xf32>
        %max3A_1583 = arith.maximumf %add3A_1580, %max3A_1582 : vector<16xf32>
        %swap3A_1584 = arith.index_cast %scan3A_116 : i32 to index
        %swap3A_1585 = arith.constant 64 : index
        %swap3A_1586 = tpu.vector_load %arg16[%swap3A_1584, %swap3A_1585] {strides = array<i32>} : memref<8x128xf32, #tpu.memory_space<vmem>>, vector<1x16xf32>,
        %swap3A_1587 = vector.shape_cast %swap3A_1586 : vector<1x16xf32> to vector<16xf32>
        %swap3A_1588 = vector.shape_cast %max3A_1583 : vector<16xf32> to vector<1x16xf32>
        tpu.vector_store %arg16[%swap3A_1584, %swap3A_1585], %swap3A_1588 {strides = array<i32>} : memref<8x128xf32, #tpu.memory_space<vmem>>, vector<1x16xf32>,
        %mul3A_1589 = arith.constant 16 : i32
        %mul3A_1590 = arith.muli %scan3A_116, %mul3A_1589 : i32
        %get3A_1591 = arith.index_cast %mul3A_1590 : i32 to index
        %get3A_1592 = arith.constant 80 : index
        %get3A_1593 = tpu.vector_load %arg12[%get3A_1591, %get3A_1592] {strides = array<i32>} : memref<128x128xf32, #tpu.memory_space<vmem>>, vector<1x16xf32>,
        %get3A_1594 = vector.shape_cast %get3A_1593 : vector<1x16xf32> to vector<16xf32>
        %mul3A_1595 = arith.constant 16 : i32
        %mul3A_1596 = arith.muli %scan3A_116, %mul3A_1595 : i32
        %get3A_1597 = arith.index_cast %mul3A_1596 : i32 to index
        %get3A_1598 = arith.constant 80 : index
        %get3A_1599 = tpu.vector_load %arg13[%get3A_1597, %get3A_1598] {strides = array<i32>} : memref<128x128xf32, #tpu.memory_space<vmem>>, vector<1x16xf32>,
        %get3A_1600 = vector.shape_cast %get3A_1599 : vector<1x16xf32> to vector<16xf32>
        %add3A_1601 = arith.addf %get3A_1594, %get3A_1600 : vector<16xf32>
        %mul3A_1602 = arith.constant 16 : i32
        %mul3A_1603 = arith.muli %scan3A_116, %mul3A_1602 : i32
        %add3A_1604 = arith.constant 1 : i32
        %add3A_1605 = arith.addi %mul3A_1603, %add3A_1604 : i32
        %get3A_1606 = arith.index_cast %add3A_1605 : i32 to index
        %get3A_1607 = arith.constant 80 : index
        %get3A_1608 = tpu.vector_load %arg12[%get3A_1606, %get3A_1607] {strides = array<i32>} : memref<128x128xf32, #tpu.memory_space<vmem>>, vector<1x16xf32>,
        %get3A_1609 = vector.shape_cast %get3A_1608 : vector<1x16xf32> to vector<16xf32>
        %mul3A_1610 = arith.constant 16 : i32
        %mul3A_1611 = arith.muli %scan3A_116, %mul3A_1610 : i32
        %add3A_1612 = arith.constant 1 : i32
        %add3A_1613 = arith.addi %mul3A_1611, %add3A_1612 : i32
        %get3A_1614 = arith.index_cast %add3A_1613 : i32 to index
        %get3A_1615 = arith.constant 80 : index
        %get3A_1616 = tpu.vector_load %arg13[%get3A_1614, %get3A_1615] {strides = array<i32>} : memref<128x128xf32, #tpu.memory_space<vmem>>, vector<1x16xf32>,
        %get3A_1617 = vector.shape_cast %get3A_1616 : vector<1x16xf32> to vector<16xf32>
        %add3A_1618 = arith.addf %get3A_1609, %get3A_1617 : vector<16xf32>
        %max3A_1619 = arith.maximumf %add3A_1601, %add3A_1618 : vector<16xf32>
        %mul3A_1620 = arith.constant 16 : i32
        %mul3A_1621 = arith.muli %scan3A_116, %mul3A_1620 : i32
        %add3A_1622 = arith.constant 2 : i32
        %add3A_1623 = arith.addi %mul3A_1621, %add3A_1622 : i32
        %get3A_1624 = arith.index_cast %add3A_1623 : i32 to index
        %get3A_1625 = arith.constant 80 : index
        %get3A_1626 = tpu.vector_load %arg12[%get3A_1624, %get3A_1625] {strides = array<i32>} : memref<128x128xf32, #tpu.memory_space<vmem>>, vector<1x16xf32>,
        %get3A_1627 = vector.shape_cast %get3A_1626 : vector<1x16xf32> to vector<16xf32>
        %mul3A_1628 = arith.constant 16 : i32
        %mul3A_1629 = arith.muli %scan3A_116, %mul3A_1628 : i32
        %add3A_1630 = arith.constant 2 : i32
        %add3A_1631 = arith.addi %mul3A_1629, %add3A_1630 : i32
        %get3A_1632 = arith.index_cast %add3A_1631 : i32 to index
        %get3A_1633 = arith.constant 80 : index
        %get3A_1634 = tpu.vector_load %arg13[%get3A_1632, %get3A_1633] {strides = array<i32>} : memref<128x128xf32, #tpu.memory_space<vmem>>, vector<1x16xf32>,
        %get3A_1635 = vector.shape_cast %get3A_1634 : vector<1x16xf32> to vector<16xf32>
        %add3A_1636 = arith.addf %get3A_1627, %get3A_1635 : vector<16xf32>
        %max3A_1637 = arith.maximumf %max3A_1619, %add3A_1636 : vector<16xf32>
        %mul3A_1638 = arith.constant 16 : i32
        %mul3A_1639 = arith.muli %scan3A_116, %mul3A_1638 : i32
        %add3A_1640 = arith.constant 3 : i32
        %add3A_1641 = arith.addi %mul3A_1639, %add3A_1640 : i32
        %get3A_1642 = arith.index_cast %add3A_1641 : i32 to index
        %get3A_1643 = arith.constant 80 : index
        %get3A_1644 = tpu.vector_load %arg12[%get3A_1642, %get3A_1643] {strides = array<i32>} : memref<128x128xf32, #tpu.memory_space<vmem>>, vector<1x16xf32>,
        %get3A_1645 = vector.shape_cast %get3A_1644 : vector<1x16xf32> to vector<16xf32>
        %mul3A_1646 = arith.constant 16 : i32
        %mul3A_1647 = arith.muli %scan3A_116, %mul3A_1646 : i32
        %add3A_1648 = arith.constant 3 : i32
        %add3A_1649 = arith.addi %mul3A_1647, %add3A_1648 : i32
        %get3A_1650 = arith.index_cast %add3A_1649 : i32 to index
        %get3A_1651 = arith.constant 80 : index
        %get3A_1652 = tpu.vector_load %arg13[%get3A_1650, %get3A_1651] {strides = array<i32>} : memref<128x128xf32, #tpu.memory_space<vmem>>, vector<1x16xf32>,
        %get3A_1653 = vector.shape_cast %get3A_1652 : vector<1x16xf32> to vector<16xf32>
        %add3A_1654 = arith.addf %get3A_1645, %get3A_1653 : vector<16xf32>
        %max3A_1655 = arith.maximumf %max3A_1637, %add3A_1654 : vector<16xf32>
        %mul3A_1656 = arith.constant 16 : i32
        %mul3A_1657 = arith.muli %scan3A_116, %mul3A_1656 : i32
        %add3A_1658 = arith.constant 4 : i32
        %add3A_1659 = arith.addi %mul3A_1657, %add3A_1658 : i32
        %get3A_1660 = arith.index_cast %add3A_1659 : i32 to index
        %get3A_1661 = arith.constant 80 : index
        %get3A_1662 = tpu.vector_load %arg12[%get3A_1660, %get3A_1661] {strides = array<i32>} : memref<128x128xf32, #tpu.memory_space<vmem>>, vector<1x16xf32>,
        %get3A_1663 = vector.shape_cast %get3A_1662 : vector<1x16xf32> to vector<16xf32>
        %mul3A_1664 = arith.constant 16 : i32
        %mul3A_1665 = arith.muli %scan3A_116, %mul3A_1664 : i32
        %add3A_1666 = arith.constant 4 : i32
        %add3A_1667 = arith.addi %mul3A_1665, %add3A_1666 : i32
        %get3A_1668 = arith.index_cast %add3A_1667 : i32 to index
        %get3A_1669 = arith.constant 80 : index
        %get3A_1670 = tpu.vector_load %arg13[%get3A_1668, %get3A_1669] {strides = array<i32>} : memref<128x128xf32, #tpu.memory_space<vmem>>, vector<1x16xf32>,
        %get3A_1671 = vector.shape_cast %get3A_1670 : vector<1x16xf32> to vector<16xf32>
        %add3A_1672 = arith.addf %get3A_1663, %get3A_1671 : vector<16xf32>
        %max3A_1673 = arith.maximumf %max3A_1655, %add3A_1672 : vector<16xf32>
        %mul3A_1674 = arith.constant 16 : i32
        %mul3A_1675 = arith.muli %scan3A_116, %mul3A_1674 : i32
        %add3A_1676 = arith.constant 5 : i32
        %add3A_1677 = arith.addi %mul3A_1675, %add3A_1676 : i32
        %get3A_1678 = arith.index_cast %add3A_1677 : i32 to index
        %get3A_1679 = arith.constant 80 : index
        %get3A_1680 = tpu.vector_load %arg12[%get3A_1678, %get3A_1679] {strides = array<i32>} : memref<128x128xf32, #tpu.memory_space<vmem>>, vector<1x16xf32>,
        %get3A_1681 = vector.shape_cast %get3A_1680 : vector<1x16xf32> to vector<16xf32>
        %mul3A_1682 = arith.constant 16 : i32
        %mul3A_1683 = arith.muli %scan3A_116, %mul3A_1682 : i32
        %add3A_1684 = arith.constant 5 : i32
        %add3A_1685 = arith.addi %mul3A_1683, %add3A_1684 : i32
        %get3A_1686 = arith.index_cast %add3A_1685 : i32 to index
        %get3A_1687 = arith.constant 80 : index
        %get3A_1688 = tpu.vector_load %arg13[%get3A_1686, %get3A_1687] {strides = array<i32>} : memref<128x128xf32, #tpu.memory_space<vmem>>, vector<1x16xf32>,
        %get3A_1689 = vector.shape_cast %get3A_1688 : vector<1x16xf32> to vector<16xf32>
        %add3A_1690 = arith.addf %get3A_1681, %get3A_1689 : vector<16xf32>
        %max3A_1691 = arith.maximumf %max3A_1673, %add3A_1690 : vector<16xf32>
        %mul3A_1692 = arith.constant 16 : i32
        %mul3A_1693 = arith.muli %scan3A_116, %mul3A_1692 : i32
        %add3A_1694 = arith.constant 6 : i32
        %add3A_1695 = arith.addi %mul3A_1693, %add3A_1694 : i32
        %get3A_1696 = arith.index_cast %add3A_1695 : i32 to index
        %get3A_1697 = arith.constant 80 : index
        %get3A_1698 = tpu.vector_load %arg12[%get3A_1696, %get3A_1697] {strides = array<i32>} : memref<128x128xf32, #tpu.memory_space<vmem>>, vector<1x16xf32>,
        %get3A_1699 = vector.shape_cast %get3A_1698 : vector<1x16xf32> to vector<16xf32>
        %mul3A_1700 = arith.constant 16 : i32
        %mul3A_1701 = arith.muli %scan3A_116, %mul3A_1700 : i32
        %add3A_1702 = arith.constant 6 : i32
        %add3A_1703 = arith.addi %mul3A_1701, %add3A_1702 : i32
        %get3A_1704 = arith.index_cast %add3A_1703 : i32 to index
        %get3A_1705 = arith.constant 80 : index
        %get3A_1706 = tpu.vector_load %arg13[%get3A_1704, %get3A_1705] {strides = array<i32>} : memref<128x128xf32, #tpu.memory_space<vmem>>, vector<1x16xf32>,
        %get3A_1707 = vector.shape_cast %get3A_1706 : vector<1x16xf32> to vector<16xf32>
        %add3A_1708 = arith.addf %get3A_1699, %get3A_1707 : vector<16xf32>
        %max3A_1709 = arith.maximumf %max3A_1691, %add3A_1708 : vector<16xf32>
        %mul3A_1710 = arith.constant 16 : i32
        %mul3A_1711 = arith.muli %scan3A_116, %mul3A_1710 : i32
        %add3A_1712 = arith.constant 7 : i32
        %add3A_1713 = arith.addi %mul3A_1711, %add3A_1712 : i32
        %get3A_1714 = arith.index_cast %add3A_1713 : i32 to index
        %get3A_1715 = arith.constant 80 : index
        %get3A_1716 = tpu.vector_load %arg12[%get3A_1714, %get3A_1715] {strides = array<i32>} : memref<128x128xf32, #tpu.memory_space<vmem>>, vector<1x16xf32>,
        %get3A_1717 = vector.shape_cast %get3A_1716 : vector<1x16xf32> to vector<16xf32>
        %mul3A_1718 = arith.constant 16 : i32
        %mul3A_1719 = arith.muli %scan3A_116, %mul3A_1718 : i32
        %add3A_1720 = arith.constant 7 : i32
        %add3A_1721 = arith.addi %mul3A_1719, %add3A_1720 : i32
        %get3A_1722 = arith.index_cast %add3A_1721 : i32 to index
        %get3A_1723 = arith.constant 80 : index
        %get3A_1724 = tpu.vector_load %arg13[%get3A_1722, %get3A_1723] {strides = array<i32>} : memref<128x128xf32, #tpu.memory_space<vmem>>, vector<1x16xf32>,
        %get3A_1725 = vector.shape_cast %get3A_1724 : vector<1x16xf32> to vector<16xf32>
        %add3A_1726 = arith.addf %get3A_1717, %get3A_1725 : vector<16xf32>
        %max3A_1727 = arith.maximumf %max3A_1709, %add3A_1726 : vector<16xf32>
        %mul3A_1728 = arith.constant 16 : i32
        %mul3A_1729 = arith.muli %scan3A_116, %mul3A_1728 : i32
        %add3A_1730 = arith.constant 8 : i32
        %add3A_1731 = arith.addi %mul3A_1729, %add3A_1730 : i32
        %get3A_1732 = arith.index_cast %add3A_1731 : i32 to index
        %get3A_1733 = arith.constant 80 : index
        %get3A_1734 = tpu.vector_load %arg12[%get3A_1732, %get3A_1733] {strides = array<i32>} : memref<128x128xf32, #tpu.memory_space<vmem>>, vector<1x16xf32>,
        %get3A_1735 = vector.shape_cast %get3A_1734 : vector<1x16xf32> to vector<16xf32>
        %mul3A_1736 = arith.constant 16 : i32
        %mul3A_1737 = arith.muli %scan3A_116, %mul3A_1736 : i32
        %add3A_1738 = arith.constant 8 : i32
        %add3A_1739 = arith.addi %mul3A_1737, %add3A_1738 : i32
        %get3A_1740 = arith.index_cast %add3A_1739 : i32 to index
        %get3A_1741 = arith.constant 80 : index
        %get3A_1742 = tpu.vector_load %arg13[%get3A_1740, %get3A_1741] {strides = array<i32>} : memref<128x128xf32, #tpu.memory_space<vmem>>, vector<1x16xf32>,
        %get3A_1743 = vector.shape_cast %get3A_1742 : vector<1x16xf32> to vector<16xf32>
        %add3A_1744 = arith.addf %get3A_1735, %get3A_1743 : vector<16xf32>
        %max3A_1745 = arith.maximumf %max3A_1727, %add3A_1744 : vector<16xf32>
        %mul3A_1746 = arith.constant 16 : i32
        %mul3A_1747 = arith.muli %scan3A_116, %mul3A_1746 : i32
        %add3A_1748 = arith.constant 9 : i32
        %add3A_1749 = arith.addi %mul3A_1747, %add3A_1748 : i32
        %get3A_1750 = arith.index_cast %add3A_1749 : i32 to index
        %get3A_1751 = arith.constant 80 : index
        %get3A_1752 = tpu.vector_load %arg12[%get3A_1750, %get3A_1751] {strides = array<i32>} : memref<128x128xf32, #tpu.memory_space<vmem>>, vector<1x16xf32>,
        %get3A_1753 = vector.shape_cast %get3A_1752 : vector<1x16xf32> to vector<16xf32>
        %mul3A_1754 = arith.constant 16 : i32
        %mul3A_1755 = arith.muli %scan3A_116, %mul3A_1754 : i32
        %add3A_1756 = arith.constant 9 : i32
        %add3A_1757 = arith.addi %mul3A_1755, %add3A_1756 : i32
        %get3A_1758 = arith.index_cast %add3A_1757 : i32 to index
        %get3A_1759 = arith.constant 80 : index
        %get3A_1760 = tpu.vector_load %arg13[%get3A_1758, %get3A_1759] {strides = array<i32>} : memref<128x128xf32, #tpu.memory_space<vmem>>, vector<1x16xf32>,
        %get3A_1761 = vector.shape_cast %get3A_1760 : vector<1x16xf32> to vector<16xf32>
        %add3A_1762 = arith.addf %get3A_1753, %get3A_1761 : vector<16xf32>
        %max3A_1763 = arith.maximumf %max3A_1745, %add3A_1762 : vector<16xf32>
        %mul3A_1764 = arith.constant 16 : i32
        %mul3A_1765 = arith.muli %scan3A_116, %mul3A_1764 : i32
        %add3A_1766 = arith.constant 10 : i32
        %add3A_1767 = arith.addi %mul3A_1765, %add3A_1766 : i32
        %get3A_1768 = arith.index_cast %add3A_1767 : i32 to index
        %get3A_1769 = arith.constant 80 : index
        %get3A_1770 = tpu.vector_load %arg12[%get3A_1768, %get3A_1769] {strides = array<i32>} : memref<128x128xf32, #tpu.memory_space<vmem>>, vector<1x16xf32>,
        %get3A_1771 = vector.shape_cast %get3A_1770 : vector<1x16xf32> to vector<16xf32>
        %mul3A_1772 = arith.constant 16 : i32
        %mul3A_1773 = arith.muli %scan3A_116, %mul3A_1772 : i32
        %add3A_1774 = arith.constant 10 : i32
        %add3A_1775 = arith.addi %mul3A_1773, %add3A_1774 : i32
        %get3A_1776 = arith.index_cast %add3A_1775 : i32 to index
        %get3A_1777 = arith.constant 80 : index
        %get3A_1778 = tpu.vector_load %arg13[%get3A_1776, %get3A_1777] {strides = array<i32>} : memref<128x128xf32, #tpu.memory_space<vmem>>, vector<1x16xf32>,
        %get3A_1779 = vector.shape_cast %get3A_1778 : vector<1x16xf32> to vector<16xf32>
        %add3A_1780 = arith.addf %get3A_1771, %get3A_1779 : vector<16xf32>
        %max3A_1781 = arith.maximumf %max3A_1763, %add3A_1780 : vector<16xf32>
        %mul3A_1782 = arith.constant 16 : i32
        %mul3A_1783 = arith.muli %scan3A_116, %mul3A_1782 : i32
        %add3A_1784 = arith.constant 11 : i32
        %add3A_1785 = arith.addi %mul3A_1783, %add3A_1784 : i32
        %get3A_1786 = arith.index_cast %add3A_1785 : i32 to index
        %get3A_1787 = arith.constant 80 : index
        %get3A_1788 = tpu.vector_load %arg12[%get3A_1786, %get3A_1787] {strides = array<i32>} : memref<128x128xf32, #tpu.memory_space<vmem>>, vector<1x16xf32>,
        %get3A_1789 = vector.shape_cast %get3A_1788 : vector<1x16xf32> to vector<16xf32>
        %mul3A_1790 = arith.constant 16 : i32
        %mul3A_1791 = arith.muli %scan3A_116, %mul3A_1790 : i32
        %add3A_1792 = arith.constant 11 : i32
        %add3A_1793 = arith.addi %mul3A_1791, %add3A_1792 : i32
        %get3A_1794 = arith.index_cast %add3A_1793 : i32 to index
        %get3A_1795 = arith.constant 80 : index
        %get3A_1796 = tpu.vector_load %arg13[%get3A_1794, %get3A_1795] {strides = array<i32>} : memref<128x128xf32, #tpu.memory_space<vmem>>, vector<1x16xf32>,
        %get3A_1797 = vector.shape_cast %get3A_1796 : vector<1x16xf32> to vector<16xf32>
        %add3A_1798 = arith.addf %get3A_1789, %get3A_1797 : vector<16xf32>
        %max3A_1799 = arith.maximumf %max3A_1781, %add3A_1798 : vector<16xf32>
        %mul3A_1800 = arith.constant 16 : i32
        %mul3A_1801 = arith.muli %scan3A_116, %mul3A_1800 : i32
        %add3A_1802 = arith.constant 12 : i32
        %add3A_1803 = arith.addi %mul3A_1801, %add3A_1802 : i32
        %get3A_1804 = arith.index_cast %add3A_1803 : i32 to index
        %get3A_1805 = arith.constant 80 : index
        %get3A_1806 = tpu.vector_load %arg12[%get3A_1804, %get3A_1805] {strides = array<i32>} : memref<128x128xf32, #tpu.memory_space<vmem>>, vector<1x16xf32>,
        %get3A_1807 = vector.shape_cast %get3A_1806 : vector<1x16xf32> to vector<16xf32>
        %mul3A_1808 = arith.constant 16 : i32
        %mul3A_1809 = arith.muli %scan3A_116, %mul3A_1808 : i32
        %add3A_1810 = arith.constant 12 : i32
        %add3A_1811 = arith.addi %mul3A_1809, %add3A_1810 : i32
        %get3A_1812 = arith.index_cast %add3A_1811 : i32 to index
        %get3A_1813 = arith.constant 80 : index
        %get3A_1814 = tpu.vector_load %arg13[%get3A_1812, %get3A_1813] {strides = array<i32>} : memref<128x128xf32, #tpu.memory_space<vmem>>, vector<1x16xf32>,
        %get3A_1815 = vector.shape_cast %get3A_1814 : vector<1x16xf32> to vector<16xf32>
        %add3A_1816 = arith.addf %get3A_1807, %get3A_1815 : vector<16xf32>
        %max3A_1817 = arith.maximumf %max3A_1799, %add3A_1816 : vector<16xf32>
        %mul3A_1818 = arith.constant 16 : i32
        %mul3A_1819 = arith.muli %scan3A_116, %mul3A_1818 : i32
        %add3A_1820 = arith.constant 13 : i32
        %add3A_1821 = arith.addi %mul3A_1819, %add3A_1820 : i32
        %get3A_1822 = arith.index_cast %add3A_1821 : i32 to index
        %get3A_1823 = arith.constant 80 : index
        %get3A_1824 = tpu.vector_load %arg12[%get3A_1822, %get3A_1823] {strides = array<i32>} : memref<128x128xf32, #tpu.memory_space<vmem>>, vector<1x16xf32>,
        %get3A_1825 = vector.shape_cast %get3A_1824 : vector<1x16xf32> to vector<16xf32>
        %mul3A_1826 = arith.constant 16 : i32
        %mul3A_1827 = arith.muli %scan3A_116, %mul3A_1826 : i32
        %add3A_1828 = arith.constant 13 : i32
        %add3A_1829 = arith.addi %mul3A_1827, %add3A_1828 : i32
        %get3A_1830 = arith.index_cast %add3A_1829 : i32 to index
        %get3A_1831 = arith.constant 80 : index
        %get3A_1832 = tpu.vector_load %arg13[%get3A_1830, %get3A_1831] {strides = array<i32>} : memref<128x128xf32, #tpu.memory_space<vmem>>, vector<1x16xf32>,
        %get3A_1833 = vector.shape_cast %get3A_1832 : vector<1x16xf32> to vector<16xf32>
        %add3A_1834 = arith.addf %get3A_1825, %get3A_1833 : vector<16xf32>
        %max3A_1835 = arith.maximumf %max3A_1817, %add3A_1834 : vector<16xf32>
        %mul3A_1836 = arith.constant 16 : i32
        %mul3A_1837 = arith.muli %scan3A_116, %mul3A_1836 : i32
        %add3A_1838 = arith.constant 14 : i32
        %add3A_1839 = arith.addi %mul3A_1837, %add3A_1838 : i32
        %get3A_1840 = arith.index_cast %add3A_1839 : i32 to index
        %get3A_1841 = arith.constant 80 : index
        %get3A_1842 = tpu.vector_load %arg12[%get3A_1840, %get3A_1841] {strides = array<i32>} : memref<128x128xf32, #tpu.memory_space<vmem>>, vector<1x16xf32>,
        %get3A_1843 = vector.shape_cast %get3A_1842 : vector<1x16xf32> to vector<16xf32>
        %mul3A_1844 = arith.constant 16 : i32
        %mul3A_1845 = arith.muli %scan3A_116, %mul3A_1844 : i32
        %add3A_1846 = arith.constant 14 : i32
        %add3A_1847 = arith.addi %mul3A_1845, %add3A_1846 : i32
        %get3A_1848 = arith.index_cast %add3A_1847 : i32 to index
        %get3A_1849 = arith.constant 80 : index
        %get3A_1850 = tpu.vector_load %arg13[%get3A_1848, %get3A_1849] {strides = array<i32>} : memref<128x128xf32, #tpu.memory_space<vmem>>, vector<1x16xf32>,
        %get3A_1851 = vector.shape_cast %get3A_1850 : vector<1x16xf32> to vector<16xf32>
        %add3A_1852 = arith.addf %get3A_1843, %get3A_1851 : vector<16xf32>
        %max3A_1853 = arith.maximumf %max3A_1835, %add3A_1852 : vector<16xf32>
        %mul3A_1854 = arith.constant 16 : i32
        %mul3A_1855 = arith.muli %scan3A_116, %mul3A_1854 : i32
        %add3A_1856 = arith.constant 15 : i32
        %add3A_1857 = arith.addi %mul3A_1855, %add3A_1856 : i32
        %get3A_1858 = arith.index_cast %add3A_1857 : i32 to index
        %get3A_1859 = arith.constant 80 : index
        %get3A_1860 = tpu.vector_load %arg12[%get3A_1858, %get3A_1859] {strides = array<i32>} : memref<128x128xf32, #tpu.memory_space<vmem>>, vector<1x16xf32>,
        %get3A_1861 = vector.shape_cast %get3A_1860 : vector<1x16xf32> to vector<16xf32>
        %mul3A_1862 = arith.constant 16 : i32
        %mul3A_1863 = arith.muli %scan3A_116, %mul3A_1862 : i32
        %add3A_1864 = arith.constant 15 : i32
        %add3A_1865 = arith.addi %mul3A_1863, %add3A_1864 : i32
        %get3A_1866 = arith.index_cast %add3A_1865 : i32 to index
        %get3A_1867 = arith.constant 80 : index
        %get3A_1868 = tpu.vector_load %arg13[%get3A_1866, %get3A_1867] {strides = array<i32>} : memref<128x128xf32, #tpu.memory_space<vmem>>, vector<1x16xf32>,
        %get3A_1869 = vector.shape_cast %get3A_1868 : vector<1x16xf32> to vector<16xf32>
        %add3A_1870 = arith.addf %get3A_1861, %get3A_1869 : vector<16xf32>
        %max3A_1871 = arith.maximumf %max3A_1853, %add3A_1870 : vector<16xf32>
        %get3A_1872 = arith.constant 80 : index
        %get3A_1873 = tpu.vector_load %arg14[%get3A_1872] {strides = array<i32>} : memref<128xf32, #tpu.memory_space<vmem>>, vector<16xf32>,
        %get3A_1874 = vector.shape_cast %get3A_1873 : vector<16xf32> to vector<16xf32>
        %add3A_1875 = arith.addf %max3A_1871, %get3A_1874 : vector<16xf32>
        %max3A_1876 = arith.constant 0.000000e+00 : f32
        %max3A_1877 = vector.broadcast %max3A_1876 : f32 to vector<16xf32>
        %max3A_1878 = arith.maximumf %add3A_1875, %max3A_1877 : vector<16xf32>
        %swap3A_1879 = arith.index_cast %scan3A_116 : i32 to index
        %swap3A_1880 = arith.constant 80 : index
        %swap3A_1881 = tpu.vector_load %arg16[%swap3A_1879, %swap3A_1880] {strides = array<i32>} : memref<8x128xf32, #tpu.memory_space<vmem>>, vector<1x16xf32>,
        %swap3A_1882 = vector.shape_cast %swap3A_1881 : vector<1x16xf32> to vector<16xf32>
        %swap3A_1883 = vector.shape_cast %max3A_1878 : vector<16xf32> to vector<1x16xf32>
        tpu.vector_store %arg16[%swap3A_1879, %swap3A_1880], %swap3A_1883 {strides = array<i32>} : memref<8x128xf32, #tpu.memory_space<vmem>>, vector<1x16xf32>,
        %mul3A_1884 = arith.constant 16 : i32
        %mul3A_1885 = arith.muli %scan3A_116, %mul3A_1884 : i32
        %get3A_1886 = arith.index_cast %mul3A_1885 : i32 to index
        %get3A_1887 = arith.constant 96 : index
        %get3A_1888 = tpu.vector_load %arg12[%get3A_1886, %get3A_1887] {strides = array<i32>} : memref<128x128xf32, #tpu.memory_space<vmem>>, vector<1x16xf32>,
        %get3A_1889 = vector.shape_cast %get3A_1888 : vector<1x16xf32> to vector<16xf32>
        %mul3A_1890 = arith.constant 16 : i32
        %mul3A_1891 = arith.muli %scan3A_116, %mul3A_1890 : i32
        %get3A_1892 = arith.index_cast %mul3A_1891 : i32 to index
        %get3A_1893 = arith.constant 96 : index
        %get3A_1894 = tpu.vector_load %arg13[%get3A_1892, %get3A_1893] {strides = array<i32>} : memref<128x128xf32, #tpu.memory_space<vmem>>, vector<1x16xf32>,
        %get3A_1895 = vector.shape_cast %get3A_1894 : vector<1x16xf32> to vector<16xf32>
        %add3A_1896 = arith.addf %get3A_1889, %get3A_1895 : vector<16xf32>
        %mul3A_1897 = arith.constant 16 : i32
        %mul3A_1898 = arith.muli %scan3A_116, %mul3A_1897 : i32
        %add3A_1899 = arith.constant 1 : i32
        %add3A_1900 = arith.addi %mul3A_1898, %add3A_1899 : i32
        %get3A_1901 = arith.index_cast %add3A_1900 : i32 to index
        %get3A_1902 = arith.constant 96 : index
        %get3A_1903 = tpu.vector_load %arg12[%get3A_1901, %get3A_1902] {strides = array<i32>} : memref<128x128xf32, #tpu.memory_space<vmem>>, vector<1x16xf32>,
        %get3A_1904 = vector.shape_cast %get3A_1903 : vector<1x16xf32> to vector<16xf32>
        %mul3A_1905 = arith.constant 16 : i32
        %mul3A_1906 = arith.muli %scan3A_116, %mul3A_1905 : i32
        %add3A_1907 = arith.constant 1 : i32
        %add3A_1908 = arith.addi %mul3A_1906, %add3A_1907 : i32
        %get3A_1909 = arith.index_cast %add3A_1908 : i32 to index
        %get3A_1910 = arith.constant 96 : index
        %get3A_1911 = tpu.vector_load %arg13[%get3A_1909, %get3A_1910] {strides = array<i32>} : memref<128x128xf32, #tpu.memory_space<vmem>>, vector<1x16xf32>,
        %get3A_1912 = vector.shape_cast %get3A_1911 : vector<1x16xf32> to vector<16xf32>
        %add3A_1913 = arith.addf %get3A_1904, %get3A_1912 : vector<16xf32>
        %max3A_1914 = arith.maximumf %add3A_1896, %add3A_1913 : vector<16xf32>
        %mul3A_1915 = arith.constant 16 : i32
        %mul3A_1916 = arith.muli %scan3A_116, %mul3A_1915 : i32
        %add3A_1917 = arith.constant 2 : i32
        %add3A_1918 = arith.addi %mul3A_1916, %add3A_1917 : i32
        %get3A_1919 = arith.index_cast %add3A_1918 : i32 to index
        %get3A_1920 = arith.constant 96 : index
        %get3A_1921 = tpu.vector_load %arg12[%get3A_1919, %get3A_1920] {strides = array<i32>} : memref<128x128xf32, #tpu.memory_space<vmem>>, vector<1x16xf32>,
        %get3A_1922 = vector.shape_cast %get3A_1921 : vector<1x16xf32> to vector<16xf32>
        %mul3A_1923 = arith.constant 16 : i32
        %mul3A_1924 = arith.muli %scan3A_116, %mul3A_1923 : i32
        %add3A_1925 = arith.constant 2 : i32
        %add3A_1926 = arith.addi %mul3A_1924, %add3A_1925 : i32
        %get3A_1927 = arith.index_cast %add3A_1926 : i32 to index
        %get3A_1928 = arith.constant 96 : index
        %get3A_1929 = tpu.vector_load %arg13[%get3A_1927, %get3A_1928] {strides = array<i32>} : memref<128x128xf32, #tpu.memory_space<vmem>>, vector<1x16xf32>,
        %get3A_1930 = vector.shape_cast %get3A_1929 : vector<1x16xf32> to vector<16xf32>
        %add3A_1931 = arith.addf %get3A_1922, %get3A_1930 : vector<16xf32>
        %max3A_1932 = arith.maximumf %max3A_1914, %add3A_1931 : vector<16xf32>
        %mul3A_1933 = arith.constant 16 : i32
        %mul3A_1934 = arith.muli %scan3A_116, %mul3A_1933 : i32
        %add3A_1935 = arith.constant 3 : i32
        %add3A_1936 = arith.addi %mul3A_1934, %add3A_1935 : i32
        %get3A_1937 = arith.index_cast %add3A_1936 : i32 to index
        %get3A_1938 = arith.constant 96 : index
        %get3A_1939 = tpu.vector_load %arg12[%get3A_1937, %get3A_1938] {strides = array<i32>} : memref<128x128xf32, #tpu.memory_space<vmem>>, vector<1x16xf32>,
        %get3A_1940 = vector.shape_cast %get3A_1939 : vector<1x16xf32> to vector<16xf32>
        %mul3A_1941 = arith.constant 16 : i32
        %mul3A_1942 = arith.muli %scan3A_116, %mul3A_1941 : i32
        %add3A_1943 = arith.constant 3 : i32
        %add3A_1944 = arith.addi %mul3A_1942, %add3A_1943 : i32
        %get3A_1945 = arith.index_cast %add3A_1944 : i32 to index
        %get3A_1946 = arith.constant 96 : index
        %get3A_1947 = tpu.vector_load %arg13[%get3A_1945, %get3A_1946] {strides = array<i32>} : memref<128x128xf32, #tpu.memory_space<vmem>>, vector<1x16xf32>,
        %get3A_1948 = vector.shape_cast %get3A_1947 : vector<1x16xf32> to vector<16xf32>
        %add3A_1949 = arith.addf %get3A_1940, %get3A_1948 : vector<16xf32>
        %max3A_1950 = arith.maximumf %max3A_1932, %add3A_1949 : vector<16xf32>
        %mul3A_1951 = arith.constant 16 : i32
        %mul3A_1952 = arith.muli %scan3A_116, %mul3A_1951 : i32
        %add3A_1953 = arith.constant 4 : i32
        %add3A_1954 = arith.addi %mul3A_1952, %add3A_1953 : i32
        %get3A_1955 = arith.index_cast %add3A_1954 : i32 to index
        %get3A_1956 = arith.constant 96 : index
        %get3A_1957 = tpu.vector_load %arg12[%get3A_1955, %get3A_1956] {strides = array<i32>} : memref<128x128xf32, #tpu.memory_space<vmem>>, vector<1x16xf32>,
        %get3A_1958 = vector.shape_cast %get3A_1957 : vector<1x16xf32> to vector<16xf32>
        %mul3A_1959 = arith.constant 16 : i32
        %mul3A_1960 = arith.muli %scan3A_116, %mul3A_1959 : i32
        %add3A_1961 = arith.constant 4 : i32
        %add3A_1962 = arith.addi %mul3A_1960, %add3A_1961 : i32
        %get3A_1963 = arith.index_cast %add3A_1962 : i32 to index
        %get3A_1964 = arith.constant 96 : index
        %get3A_1965 = tpu.vector_load %arg13[%get3A_1963, %get3A_1964] {strides = array<i32>} : memref<128x128xf32, #tpu.memory_space<vmem>>, vector<1x16xf32>,
        %get3A_1966 = vector.shape_cast %get3A_1965 : vector<1x16xf32> to vector<16xf32>
        %add3A_1967 = arith.addf %get3A_1958, %get3A_1966 : vector<16xf32>
        %max3A_1968 = arith.maximumf %max3A_1950, %add3A_1967 : vector<16xf32>
        %mul3A_1969 = arith.constant 16 : i32
        %mul3A_1970 = arith.muli %scan3A_116, %mul3A_1969 : i32
        %add3A_1971 = arith.constant 5 : i32
        %add3A_1972 = arith.addi %mul3A_1970, %add3A_1971 : i32
        %get3A_1973 = arith.index_cast %add3A_1972 : i32 to index
        %get3A_1974 = arith.constant 96 : index
        %get3A_1975 = tpu.vector_load %arg12[%get3A_1973, %get3A_1974] {strides = array<i32>} : memref<128x128xf32, #tpu.memory_space<vmem>>, vector<1x16xf32>,
        %get3A_1976 = vector.shape_cast %get3A_1975 : vector<1x16xf32> to vector<16xf32>
        %mul3A_1977 = arith.constant 16 : i32
        %mul3A_1978 = arith.muli %scan3A_116, %mul3A_1977 : i32
        %add3A_1979 = arith.constant 5 : i32
        %add3A_1980 = arith.addi %mul3A_1978, %add3A_1979 : i32
        %get3A_1981 = arith.index_cast %add3A_1980 : i32 to index
        %get3A_1982 = arith.constant 96 : index
        %get3A_1983 = tpu.vector_load %arg13[%get3A_1981, %get3A_1982] {strides = array<i32>} : memref<128x128xf32, #tpu.memory_space<vmem>>, vector<1x16xf32>,
        %get3A_1984 = vector.shape_cast %get3A_1983 : vector<1x16xf32> to vector<16xf32>
        %add3A_1985 = arith.addf %get3A_1976, %get3A_1984 : vector<16xf32>
        %max3A_1986 = arith.maximumf %max3A_1968, %add3A_1985 : vector<16xf32>
        %mul3A_1987 = arith.constant 16 : i32
        %mul3A_1988 = arith.muli %scan3A_116, %mul3A_1987 : i32
        %add3A_1989 = arith.constant 6 : i32
        %add3A_1990 = arith.addi %mul3A_1988, %add3A_1989 : i32
        %get3A_1991 = arith.index_cast %add3A_1990 : i32 to index
        %get3A_1992 = arith.constant 96 : index
        %get3A_1993 = tpu.vector_load %arg12[%get3A_1991, %get3A_1992] {strides = array<i32>} : memref<128x128xf32, #tpu.memory_space<vmem>>, vector<1x16xf32>,
        %get3A_1994 = vector.shape_cast %get3A_1993 : vector<1x16xf32> to vector<16xf32>
        %mul3A_1995 = arith.constant 16 : i32
        %mul3A_1996 = arith.muli %scan3A_116, %mul3A_1995 : i32
        %add3A_1997 = arith.constant 6 : i32
        %add3A_1998 = arith.addi %mul3A_1996, %add3A_1997 : i32
        %get3A_1999 = arith.index_cast %add3A_1998 : i32 to index
        %get3A_2000 = arith.constant 96 : index
        %get3A_2001 = tpu.vector_load %arg13[%get3A_1999, %get3A_2000] {strides = array<i32>} : memref<128x128xf32, #tpu.memory_space<vmem>>, vector<1x16xf32>,
        %get3A_2002 = vector.shape_cast %get3A_2001 : vector<1x16xf32> to vector<16xf32>
        %add3A_2003 = arith.addf %get3A_1994, %get3A_2002 : vector<16xf32>
        %max3A_2004 = arith.maximumf %max3A_1986, %add3A_2003 : vector<16xf32>
        %mul3A_2005 = arith.constant 16 : i32
        %mul3A_2006 = arith.muli %scan3A_116, %mul3A_2005 : i32
        %add3A_2007 = arith.constant 7 : i32
        %add3A_2008 = arith.addi %mul3A_2006, %add3A_2007 : i32
        %get3A_2009 = arith.index_cast %add3A_2008 : i32 to index
        %get3A_2010 = arith.constant 96 : index
        %get3A_2011 = tpu.vector_load %arg12[%get3A_2009, %get3A_2010] {strides = array<i32>} : memref<128x128xf32, #tpu.memory_space<vmem>>, vector<1x16xf32>,
        %get3A_2012 = vector.shape_cast %get3A_2011 : vector<1x16xf32> to vector<16xf32>
        %mul3A_2013 = arith.constant 16 : i32
        %mul3A_2014 = arith.muli %scan3A_116, %mul3A_2013 : i32
        %add3A_2015 = arith.constant 7 : i32
        %add3A_2016 = arith.addi %mul3A_2014, %add3A_2015 : i32
        %get3A_2017 = arith.index_cast %add3A_2016 : i32 to index
        %get3A_2018 = arith.constant 96 : index
        %get3A_2019 = tpu.vector_load %arg13[%get3A_2017, %get3A_2018] {strides = array<i32>} : memref<128x128xf32, #tpu.memory_space<vmem>>, vector<1x16xf32>,
        %get3A_2020 = vector.shape_cast %get3A_2019 : vector<1x16xf32> to vector<16xf32>
        %add3A_2021 = arith.addf %get3A_2012, %get3A_2020 : vector<16xf32>
        %max3A_2022 = arith.maximumf %max3A_2004, %add3A_2021 : vector<16xf32>
        %mul3A_2023 = arith.constant 16 : i32
        %mul3A_2024 = arith.muli %scan3A_116, %mul3A_2023 : i32
        %add3A_2025 = arith.constant 8 : i32
        %add3A_2026 = arith.addi %mul3A_2024, %add3A_2025 : i32
        %get3A_2027 = arith.index_cast %add3A_2026 : i32 to index
        %get3A_2028 = arith.constant 96 : index
        %get3A_2029 = tpu.vector_load %arg12[%get3A_2027, %get3A_2028] {strides = array<i32>} : memref<128x128xf32, #tpu.memory_space<vmem>>, vector<1x16xf32>,
        %get3A_2030 = vector.shape_cast %get3A_2029 : vector<1x16xf32> to vector<16xf32>
        %mul3A_2031 = arith.constant 16 : i32
        %mul3A_2032 = arith.muli %scan3A_116, %mul3A_2031 : i32
        %add3A_2033 = arith.constant 8 : i32
        %add3A_2034 = arith.addi %mul3A_2032, %add3A_2033 : i32
        %get3A_2035 = arith.index_cast %add3A_2034 : i32 to index
        %get3A_2036 = arith.constant 96 : index
        %get3A_2037 = tpu.vector_load %arg13[%get3A_2035, %get3A_2036] {strides = array<i32>} : memref<128x128xf32, #tpu.memory_space<vmem>>, vector<1x16xf32>,
        %get3A_2038 = vector.shape_cast %get3A_2037 : vector<1x16xf32> to vector<16xf32>
        %add3A_2039 = arith.addf %get3A_2030, %get3A_2038 : vector<16xf32>
        %max3A_2040 = arith.maximumf %max3A_2022, %add3A_2039 : vector<16xf32>
        %mul3A_2041 = arith.constant 16 : i32
        %mul3A_2042 = arith.muli %scan3A_116, %mul3A_2041 : i32
        %add3A_2043 = arith.constant 9 : i32
        %add3A_2044 = arith.addi %mul3A_2042, %add3A_2043 : i32
        %get3A_2045 = arith.index_cast %add3A_2044 : i32 to index
        %get3A_2046 = arith.constant 96 : index
        %get3A_2047 = tpu.vector_load %arg12[%get3A_2045, %get3A_2046] {strides = array<i32>} : memref<128x128xf32, #tpu.memory_space<vmem>>, vector<1x16xf32>,
        %get3A_2048 = vector.shape_cast %get3A_2047 : vector<1x16xf32> to vector<16xf32>
        %mul3A_2049 = arith.constant 16 : i32
        %mul3A_2050 = arith.muli %scan3A_116, %mul3A_2049 : i32
        %add3A_2051 = arith.constant 9 : i32
        %add3A_2052 = arith.addi %mul3A_2050, %add3A_2051 : i32
        %get3A_2053 = arith.index_cast %add3A_2052 : i32 to index
        %get3A_2054 = arith.constant 96 : index
        %get3A_2055 = tpu.vector_load %arg13[%get3A_2053, %get3A_2054] {strides = array<i32>} : memref<128x128xf32, #tpu.memory_space<vmem>>, vector<1x16xf32>,
        %get3A_2056 = vector.shape_cast %get3A_2055 : vector<1x16xf32> to vector<16xf32>
        %add3A_2057 = arith.addf %get3A_2048, %get3A_2056 : vector<16xf32>
        %max3A_2058 = arith.maximumf %max3A_2040, %add3A_2057 : vector<16xf32>
        %mul3A_2059 = arith.constant 16 : i32
        %mul3A_2060 = arith.muli %scan3A_116, %mul3A_2059 : i32
        %add3A_2061 = arith.constant 10 : i32
        %add3A_2062 = arith.addi %mul3A_2060, %add3A_2061 : i32
        %get3A_2063 = arith.index_cast %add3A_2062 : i32 to index
        %get3A_2064 = arith.constant 96 : index
        %get3A_2065 = tpu.vector_load %arg12[%get3A_2063, %get3A_2064] {strides = array<i32>} : memref<128x128xf32, #tpu.memory_space<vmem>>, vector<1x16xf32>,
        %get3A_2066 = vector.shape_cast %get3A_2065 : vector<1x16xf32> to vector<16xf32>
        %mul3A_2067 = arith.constant 16 : i32
        %mul3A_2068 = arith.muli %scan3A_116, %mul3A_2067 : i32
        %add3A_2069 = arith.constant 10 : i32
        %add3A_2070 = arith.addi %mul3A_2068, %add3A_2069 : i32
        %get3A_2071 = arith.index_cast %add3A_2070 : i32 to index
        %get3A_2072 = arith.constant 96 : index
        %get3A_2073 = tpu.vector_load %arg13[%get3A_2071, %get3A_2072] {strides = array<i32>} : memref<128x128xf32, #tpu.memory_space<vmem>>, vector<1x16xf32>,
        %get3A_2074 = vector.shape_cast %get3A_2073 : vector<1x16xf32> to vector<16xf32>
        %add3A_2075 = arith.addf %get3A_2066, %get3A_2074 : vector<16xf32>
        %max3A_2076 = arith.maximumf %max3A_2058, %add3A_2075 : vector<16xf32>
        %mul3A_2077 = arith.constant 16 : i32
        %mul3A_2078 = arith.muli %scan3A_116, %mul3A_2077 : i32
        %add3A_2079 = arith.constant 11 : i32
        %add3A_2080 = arith.addi %mul3A_2078, %add3A_2079 : i32
        %get3A_2081 = arith.index_cast %add3A_2080 : i32 to index
        %get3A_2082 = arith.constant 96 : index
        %get3A_2083 = tpu.vector_load %arg12[%get3A_2081, %get3A_2082] {strides = array<i32>} : memref<128x128xf32, #tpu.memory_space<vmem>>, vector<1x16xf32>,
        %get3A_2084 = vector.shape_cast %get3A_2083 : vector<1x16xf32> to vector<16xf32>
        %mul3A_2085 = arith.constant 16 : i32
        %mul3A_2086 = arith.muli %scan3A_116, %mul3A_2085 : i32
        %add3A_2087 = arith.constant 11 : i32
        %add3A_2088 = arith.addi %mul3A_2086, %add3A_2087 : i32
        %get3A_2089 = arith.index_cast %add3A_2088 : i32 to index
        %get3A_2090 = arith.constant 96 : index
        %get3A_2091 = tpu.vector_load %arg13[%get3A_2089, %get3A_2090] {strides = array<i32>} : memref<128x128xf32, #tpu.memory_space<vmem>>, vector<1x16xf32>,
        %get3A_2092 = vector.shape_cast %get3A_2091 : vector<1x16xf32> to vector<16xf32>
        %add3A_2093 = arith.addf %get3A_2084, %get3A_2092 : vector<16xf32>
        %max3A_2094 = arith.maximumf %max3A_2076, %add3A_2093 : vector<16xf32>
        %mul3A_2095 = arith.constant 16 : i32
        %mul3A_2096 = arith.muli %scan3A_116, %mul3A_2095 : i32
        %add3A_2097 = arith.constant 12 : i32
        %add3A_2098 = arith.addi %mul3A_2096, %add3A_2097 : i32
        %get3A_2099 = arith.index_cast %add3A_2098 : i32 to index
        %get3A_2100 = arith.constant 96 : index
        %get3A_2101 = tpu.vector_load %arg12[%get3A_2099, %get3A_2100] {strides = array<i32>} : memref<128x128xf32, #tpu.memory_space<vmem>>, vector<1x16xf32>,
        %get3A_2102 = vector.shape_cast %get3A_2101 : vector<1x16xf32> to vector<16xf32>
        %mul3A_2103 = arith.constant 16 : i32
        %mul3A_2104 = arith.muli %scan3A_116, %mul3A_2103 : i32
        %add3A_2105 = arith.constant 12 : i32
        %add3A_2106 = arith.addi %mul3A_2104, %add3A_2105 : i32
        %get3A_2107 = arith.index_cast %add3A_2106 : i32 to index
        %get3A_2108 = arith.constant 96 : index
        %get3A_2109 = tpu.vector_load %arg13[%get3A_2107, %get3A_2108] {strides = array<i32>} : memref<128x128xf32, #tpu.memory_space<vmem>>, vector<1x16xf32>,
        %get3A_2110 = vector.shape_cast %get3A_2109 : vector<1x16xf32> to vector<16xf32>
        %add3A_2111 = arith.addf %get3A_2102, %get3A_2110 : vector<16xf32>
        %max3A_2112 = arith.maximumf %max3A_2094, %add3A_2111 : vector<16xf32>
        %mul3A_2113 = arith.constant 16 : i32
        %mul3A_2114 = arith.muli %scan3A_116, %mul3A_2113 : i32
        %add3A_2115 = arith.constant 13 : i32
        %add3A_2116 = arith.addi %mul3A_2114, %add3A_2115 : i32
        %get3A_2117 = arith.index_cast %add3A_2116 : i32 to index
        %get3A_2118 = arith.constant 96 : index
        %get3A_2119 = tpu.vector_load %arg12[%get3A_2117, %get3A_2118] {strides = array<i32>} : memref<128x128xf32, #tpu.memory_space<vmem>>, vector<1x16xf32>,
        %get3A_2120 = vector.shape_cast %get3A_2119 : vector<1x16xf32> to vector<16xf32>
        %mul3A_2121 = arith.constant 16 : i32
        %mul3A_2122 = arith.muli %scan3A_116, %mul3A_2121 : i32
        %add3A_2123 = arith.constant 13 : i32
        %add3A_2124 = arith.addi %mul3A_2122, %add3A_2123 : i32
        %get3A_2125 = arith.index_cast %add3A_2124 : i32 to index
        %get3A_2126 = arith.constant 96 : index
        %get3A_2127 = tpu.vector_load %arg13[%get3A_2125, %get3A_2126] {strides = array<i32>} : memref<128x128xf32, #tpu.memory_space<vmem>>, vector<1x16xf32>,
        %get3A_2128 = vector.shape_cast %get3A_2127 : vector<1x16xf32> to vector<16xf32>
        %add3A_2129 = arith.addf %get3A_2120, %get3A_2128 : vector<16xf32>
        %max3A_2130 = arith.maximumf %max3A_2112, %add3A_2129 : vector<16xf32>
        %mul3A_2131 = arith.constant 16 : i32
        %mul3A_2132 = arith.muli %scan3A_116, %mul3A_2131 : i32
        %add3A_2133 = arith.constant 14 : i32
        %add3A_2134 = arith.addi %mul3A_2132, %add3A_2133 : i32
        %get3A_2135 = arith.index_cast %add3A_2134 : i32 to index
        %get3A_2136 = arith.constant 96 : index
        %get3A_2137 = tpu.vector_load %arg12[%get3A_2135, %get3A_2136] {strides = array<i32>} : memref<128x128xf32, #tpu.memory_space<vmem>>, vector<1x16xf32>,
        %get3A_2138 = vector.shape_cast %get3A_2137 : vector<1x16xf32> to vector<16xf32>
        %mul3A_2139 = arith.constant 16 : i32
        %mul3A_2140 = arith.muli %scan3A_116, %mul3A_2139 : i32
        %add3A_2141 = arith.constant 14 : i32
        %add3A_2142 = arith.addi %mul3A_2140, %add3A_2141 : i32
        %get3A_2143 = arith.index_cast %add3A_2142 : i32 to index
        %get3A_2144 = arith.constant 96 : index
        %get3A_2145 = tpu.vector_load %arg13[%get3A_2143, %get3A_2144] {strides = array<i32>} : memref<128x128xf32, #tpu.memory_space<vmem>>, vector<1x16xf32>,
        %get3A_2146 = vector.shape_cast %get3A_2145 : vector<1x16xf32> to vector<16xf32>
        %add3A_2147 = arith.addf %get3A_2138, %get3A_2146 : vector<16xf32>
        %max3A_2148 = arith.maximumf %max3A_2130, %add3A_2147 : vector<16xf32>
        %mul3A_2149 = arith.constant 16 : i32
        %mul3A_2150 = arith.muli %scan3A_116, %mul3A_2149 : i32
        %add3A_2151 = arith.constant 15 : i32
        %add3A_2152 = arith.addi %mul3A_2150, %add3A_2151 : i32
        %get3A_2153 = arith.index_cast %add3A_2152 : i32 to index
        %get3A_2154 = arith.constant 96 : index
        %get3A_2155 = tpu.vector_load %arg12[%get3A_2153, %get3A_2154] {strides = array<i32>} : memref<128x128xf32, #tpu.memory_space<vmem>>, vector<1x16xf32>,
        %get3A_2156 = vector.shape_cast %get3A_2155 : vector<1x16xf32> to vector<16xf32>
        %mul3A_2157 = arith.constant 16 : i32
        %mul3A_2158 = arith.muli %scan3A_116, %mul3A_2157 : i32
        %add3A_2159 = arith.constant 15 : i32
        %add3A_2160 = arith.addi %mul3A_2158, %add3A_2159 : i32
        %get3A_2161 = arith.index_cast %add3A_2160 : i32 to index
        %get3A_2162 = arith.constant 96 : index
        %get3A_2163 = tpu.vector_load %arg13[%get3A_2161, %get3A_2162] {strides = array<i32>} : memref<128x128xf32, #tpu.memory_space<vmem>>, vector<1x16xf32>,
        %get3A_2164 = vector.shape_cast %get3A_2163 : vector<1x16xf32> to vector<16xf32>
        %add3A_2165 = arith.addf %get3A_2156, %get3A_2164 : vector<16xf32>
        %max3A_2166 = arith.maximumf %max3A_2148, %add3A_2165 : vector<16xf32>
        %get3A_2167 = arith.constant 96 : index
        %get3A_2168 = tpu.vector_load %arg14[%get3A_2167] {strides = array<i32>} : memref<128xf32, #tpu.memory_space<vmem>>, vector<16xf32>,
        %get3A_2169 = vector.shape_cast %get3A_2168 : vector<16xf32> to vector<16xf32>
        %add3A_2170 = arith.addf %max3A_2166, %get3A_2169 : vector<16xf32>
        %max3A_2171 = arith.constant 0.000000e+00 : f32
        %max3A_2172 = vector.broadcast %max3A_2171 : f32 to vector<16xf32>
        %max3A_2173 = arith.maximumf %add3A_2170, %max3A_2172 : vector<16xf32>
        %swap3A_2174 = arith.index_cast %scan3A_116 : i32 to index
        %swap3A_2175 = arith.constant 96 : index
        %swap3A_2176 = tpu.vector_load %arg16[%swap3A_2174, %swap3A_2175] {strides = array<i32>} : memref<8x128xf32, #tpu.memory_space<vmem>>, vector<1x16xf32>,
        %swap3A_2177 = vector.shape_cast %swap3A_2176 : vector<1x16xf32> to vector<16xf32>
        %swap3A_2178 = vector.shape_cast %max3A_2173 : vector<16xf32> to vector<1x16xf32>
        tpu.vector_store %arg16[%swap3A_2174, %swap3A_2175], %swap3A_2178 {strides = array<i32>} : memref<8x128xf32, #tpu.memory_space<vmem>>, vector<1x16xf32>,
        %mul3A_2179 = arith.constant 16 : i32
        %mul3A_2180 = arith.muli %scan3A_116, %mul3A_2179 : i32
        %get3A_2181 = arith.index_cast %mul3A_2180 : i32 to index
        %get3A_2182 = arith.constant 112 : index
        %get3A_2183 = tpu.vector_load %arg12[%get3A_2181, %get3A_2182] {strides = array<i32>} : memref<128x128xf32, #tpu.memory_space<vmem>>, vector<1x16xf32>,
        %get3A_2184 = vector.shape_cast %get3A_2183 : vector<1x16xf32> to vector<16xf32>
        %mul3A_2185 = arith.constant 16 : i32
        %mul3A_2186 = arith.muli %scan3A_116, %mul3A_2185 : i32
        %get3A_2187 = arith.index_cast %mul3A_2186 : i32 to index
        %get3A_2188 = arith.constant 112 : index
        %get3A_2189 = tpu.vector_load %arg13[%get3A_2187, %get3A_2188] {strides = array<i32>} : memref<128x128xf32, #tpu.memory_space<vmem>>, vector<1x16xf32>,
        %get3A_2190 = vector.shape_cast %get3A_2189 : vector<1x16xf32> to vector<16xf32>
        %add3A_2191 = arith.addf %get3A_2184, %get3A_2190 : vector<16xf32>
        %mul3A_2192 = arith.constant 16 : i32
        %mul3A_2193 = arith.muli %scan3A_116, %mul3A_2192 : i32
        %add3A_2194 = arith.constant 1 : i32
        %add3A_2195 = arith.addi %mul3A_2193, %add3A_2194 : i32
        %get3A_2196 = arith.index_cast %add3A_2195 : i32 to index
        %get3A_2197 = arith.constant 112 : index
        %get3A_2198 = tpu.vector_load %arg12[%get3A_2196, %get3A_2197] {strides = array<i32>} : memref<128x128xf32, #tpu.memory_space<vmem>>, vector<1x16xf32>,
        %get3A_2199 = vector.shape_cast %get3A_2198 : vector<1x16xf32> to vector<16xf32>
        %mul3A_2200 = arith.constant 16 : i32
        %mul3A_2201 = arith.muli %scan3A_116, %mul3A_2200 : i32
        %add3A_2202 = arith.constant 1 : i32
        %add3A_2203 = arith.addi %mul3A_2201, %add3A_2202 : i32
        %get3A_2204 = arith.index_cast %add3A_2203 : i32 to index
        %get3A_2205 = arith.constant 112 : index
        %get3A_2206 = tpu.vector_load %arg13[%get3A_2204, %get3A_2205] {strides = array<i32>} : memref<128x128xf32, #tpu.memory_space<vmem>>, vector<1x16xf32>,
        %get3A_2207 = vector.shape_cast %get3A_2206 : vector<1x16xf32> to vector<16xf32>
        %add3A_2208 = arith.addf %get3A_2199, %get3A_2207 : vector<16xf32>
        %max3A_2209 = arith.maximumf %add3A_2191, %add3A_2208 : vector<16xf32>
        %mul3A_2210 = arith.constant 16 : i32
        %mul3A_2211 = arith.muli %scan3A_116, %mul3A_2210 : i32
        %add3A_2212 = arith.constant 2 : i32
        %add3A_2213 = arith.addi %mul3A_2211, %add3A_2212 : i32
        %get3A_2214 = arith.index_cast %add3A_2213 : i32 to index
        %get3A_2215 = arith.constant 112 : index
        %get3A_2216 = tpu.vector_load %arg12[%get3A_2214, %get3A_2215] {strides = array<i32>} : memref<128x128xf32, #tpu.memory_space<vmem>>, vector<1x16xf32>,
        %get3A_2217 = vector.shape_cast %get3A_2216 : vector<1x16xf32> to vector<16xf32>
        %mul3A_2218 = arith.constant 16 : i32
        %mul3A_2219 = arith.muli %scan3A_116, %mul3A_2218 : i32
        %add3A_2220 = arith.constant 2 : i32
        %add3A_2221 = arith.addi %mul3A_2219, %add3A_2220 : i32
        %get3A_2222 = arith.index_cast %add3A_2221 : i32 to index
        %get3A_2223 = arith.constant 112 : index
        %get3A_2224 = tpu.vector_load %arg13[%get3A_2222, %get3A_2223] {strides = array<i32>} : memref<128x128xf32, #tpu.memory_space<vmem>>, vector<1x16xf32>,
        %get3A_2225 = vector.shape_cast %get3A_2224 : vector<1x16xf32> to vector<16xf32>
        %add3A_2226 = arith.addf %get3A_2217, %get3A_2225 : vector<16xf32>
        %max3A_2227 = arith.maximumf %max3A_2209, %add3A_2226 : vector<16xf32>
        %mul3A_2228 = arith.constant 16 : i32
        %mul3A_2229 = arith.muli %scan3A_116, %mul3A_2228 : i32
        %add3A_2230 = arith.constant 3 : i32
        %add3A_2231 = arith.addi %mul3A_2229, %add3A_2230 : i32
        %get3A_2232 = arith.index_cast %add3A_2231 : i32 to index
        %get3A_2233 = arith.constant 112 : index
        %get3A_2234 = tpu.vector_load %arg12[%get3A_2232, %get3A_2233] {strides = array<i32>} : memref<128x128xf32, #tpu.memory_space<vmem>>, vector<1x16xf32>,
        %get3A_2235 = vector.shape_cast %get3A_2234 : vector<1x16xf32> to vector<16xf32>
        %mul3A_2236 = arith.constant 16 : i32
        %mul3A_2237 = arith.muli %scan3A_116, %mul3A_2236 : i32
        %add3A_2238 = arith.constant 3 : i32
        %add3A_2239 = arith.addi %mul3A_2237, %add3A_2238 : i32
        %get3A_2240 = arith.index_cast %add3A_2239 : i32 to index
        %get3A_2241 = arith.constant 112 : index
        %get3A_2242 = tpu.vector_load %arg13[%get3A_2240, %get3A_2241] {strides = array<i32>} : memref<128x128xf32, #tpu.memory_space<vmem>>, vector<1x16xf32>,
        %get3A_2243 = vector.shape_cast %get3A_2242 : vector<1x16xf32> to vector<16xf32>
        %add3A_2244 = arith.addf %get3A_2235, %get3A_2243 : vector<16xf32>
        %max3A_2245 = arith.maximumf %max3A_2227, %add3A_2244 : vector<16xf32>
        %mul3A_2246 = arith.constant 16 : i32
        %mul3A_2247 = arith.muli %scan3A_116, %mul3A_2246 : i32
        %add3A_2248 = arith.constant 4 : i32
        %add3A_2249 = arith.addi %mul3A_2247, %add3A_2248 : i32
        %get3A_2250 = arith.index_cast %add3A_2249 : i32 to index
        %get3A_2251 = arith.constant 112 : index
        %get3A_2252 = tpu.vector_load %arg12[%get3A_2250, %get3A_2251] {strides = array<i32>} : memref<128x128xf32, #tpu.memory_space<vmem>>, vector<1x16xf32>,
        %get3A_2253 = vector.shape_cast %get3A_2252 : vector<1x16xf32> to vector<16xf32>
        %mul3A_2254 = arith.constant 16 : i32
        %mul3A_2255 = arith.muli %scan3A_116, %mul3A_2254 : i32
        %add3A_2256 = arith.constant 4 : i32
        %add3A_2257 = arith.addi %mul3A_2255, %add3A_2256 : i32
        %get3A_2258 = arith.index_cast %add3A_2257 : i32 to index
        %get3A_2259 = arith.constant 112 : index
        %get3A_2260 = tpu.vector_load %arg13[%get3A_2258, %get3A_2259] {strides = array<i32>} : memref<128x128xf32, #tpu.memory_space<vmem>>, vector<1x16xf32>,
        %get3A_2261 = vector.shape_cast %get3A_2260 : vector<1x16xf32> to vector<16xf32>
        %add3A_2262 = arith.addf %get3A_2253, %get3A_2261 : vector<16xf32>
        %max3A_2263 = arith.maximumf %max3A_2245, %add3A_2262 : vector<16xf32>
        %mul3A_2264 = arith.constant 16 : i32
        %mul3A_2265 = arith.muli %scan3A_116, %mul3A_2264 : i32
        %add3A_2266 = arith.constant 5 : i32
        %add3A_2267 = arith.addi %mul3A_2265, %add3A_2266 : i32
        %get3A_2268 = arith.index_cast %add3A_2267 : i32 to index
        %get3A_2269 = arith.constant 112 : index
        %get3A_2270 = tpu.vector_load %arg12[%get3A_2268, %get3A_2269] {strides = array<i32>} : memref<128x128xf32, #tpu.memory_space<vmem>>, vector<1x16xf32>,
        %get3A_2271 = vector.shape_cast %get3A_2270 : vector<1x16xf32> to vector<16xf32>
        %mul3A_2272 = arith.constant 16 : i32
        %mul3A_2273 = arith.muli %scan3A_116, %mul3A_2272 : i32
        %add3A_2274 = arith.constant 5 : i32
        %add3A_2275 = arith.addi %mul3A_2273, %add3A_2274 : i32
        %get3A_2276 = arith.index_cast %add3A_2275 : i32 to index
        %get3A_2277 = arith.constant 112 : index
        %get3A_2278 = tpu.vector_load %arg13[%get3A_2276, %get3A_2277] {strides = array<i32>} : memref<128x128xf32, #tpu.memory_space<vmem>>, vector<1x16xf32>,
        %get3A_2279 = vector.shape_cast %get3A_2278 : vector<1x16xf32> to vector<16xf32>
        %add3A_2280 = arith.addf %get3A_2271, %get3A_2279 : vector<16xf32>
        %max3A_2281 = arith.maximumf %max3A_2263, %add3A_2280 : vector<16xf32>
        %mul3A_2282 = arith.constant 16 : i32
        %mul3A_2283 = arith.muli %scan3A_116, %mul3A_2282 : i32
        %add3A_2284 = arith.constant 6 : i32
        %add3A_2285 = arith.addi %mul3A_2283, %add3A_2284 : i32
        %get3A_2286 = arith.index_cast %add3A_2285 : i32 to index
        %get3A_2287 = arith.constant 112 : index
        %get3A_2288 = tpu.vector_load %arg12[%get3A_2286, %get3A_2287] {strides = array<i32>} : memref<128x128xf32, #tpu.memory_space<vmem>>, vector<1x16xf32>,
        %get3A_2289 = vector.shape_cast %get3A_2288 : vector<1x16xf32> to vector<16xf32>
        %mul3A_2290 = arith.constant 16 : i32
        %mul3A_2291 = arith.muli %scan3A_116, %mul3A_2290 : i32
        %add3A_2292 = arith.constant 6 : i32
        %add3A_2293 = arith.addi %mul3A_2291, %add3A_2292 : i32
        %get3A_2294 = arith.index_cast %add3A_2293 : i32 to index
        %get3A_2295 = arith.constant 112 : index
        %get3A_2296 = tpu.vector_load %arg13[%get3A_2294, %get3A_2295] {strides = array<i32>} : memref<128x128xf32, #tpu.memory_space<vmem>>, vector<1x16xf32>,
        %get3A_2297 = vector.shape_cast %get3A_2296 : vector<1x16xf32> to vector<16xf32>
        %add3A_2298 = arith.addf %get3A_2289, %get3A_2297 : vector<16xf32>
        %max3A_2299 = arith.maximumf %max3A_2281, %add3A_2298 : vector<16xf32>
        %mul3A_2300 = arith.constant 16 : i32
        %mul3A_2301 = arith.muli %scan3A_116, %mul3A_2300 : i32
        %add3A_2302 = arith.constant 7 : i32
        %add3A_2303 = arith.addi %mul3A_2301, %add3A_2302 : i32
        %get3A_2304 = arith.index_cast %add3A_2303 : i32 to index
        %get3A_2305 = arith.constant 112 : index
        %get3A_2306 = tpu.vector_load %arg12[%get3A_2304, %get3A_2305] {strides = array<i32>} : memref<128x128xf32, #tpu.memory_space<vmem>>, vector<1x16xf32>,
        %get3A_2307 = vector.shape_cast %get3A_2306 : vector<1x16xf32> to vector<16xf32>
        %mul3A_2308 = arith.constant 16 : i32
        %mul3A_2309 = arith.muli %scan3A_116, %mul3A_2308 : i32
        %add3A_2310 = arith.constant 7 : i32
        %add3A_2311 = arith.addi %mul3A_2309, %add3A_2310 : i32
        %get3A_2312 = arith.index_cast %add3A_2311 : i32 to index
        %get3A_2313 = arith.constant 112 : index
        %get3A_2314 = tpu.vector_load %arg13[%get3A_2312, %get3A_2313] {strides = array<i32>} : memref<128x128xf32, #tpu.memory_space<vmem>>, vector<1x16xf32>,
        %get3A_2315 = vector.shape_cast %get3A_2314 : vector<1x16xf32> to vector<16xf32>
        %add3A_2316 = arith.addf %get3A_2307, %get3A_2315 : vector<16xf32>
        %max3A_2317 = arith.maximumf %max3A_2299, %add3A_2316 : vector<16xf32>
        %mul3A_2318 = arith.constant 16 : i32
        %mul3A_2319 = arith.muli %scan3A_116, %mul3A_2318 : i32
        %add3A_2320 = arith.constant 8 : i32
        %add3A_2321 = arith.addi %mul3A_2319, %add3A_2320 : i32
        %get3A_2322 = arith.index_cast %add3A_2321 : i32 to index
        %get3A_2323 = arith.constant 112 : index
        %get3A_2324 = tpu.vector_load %arg12[%get3A_2322, %get3A_2323] {strides = array<i32>} : memref<128x128xf32, #tpu.memory_space<vmem>>, vector<1x16xf32>,
        %get3A_2325 = vector.shape_cast %get3A_2324 : vector<1x16xf32> to vector<16xf32>
        %mul3A_2326 = arith.constant 16 : i32
        %mul3A_2327 = arith.muli %scan3A_116, %mul3A_2326 : i32
        %add3A_2328 = arith.constant 8 : i32
        %add3A_2329 = arith.addi %mul3A_2327, %add3A_2328 : i32
        %get3A_2330 = arith.index_cast %add3A_2329 : i32 to index
        %get3A_2331 = arith.constant 112 : index
        %get3A_2332 = tpu.vector_load %arg13[%get3A_2330, %get3A_2331] {strides = array<i32>} : memref<128x128xf32, #tpu.memory_space<vmem>>, vector<1x16xf32>,
        %get3A_2333 = vector.shape_cast %get3A_2332 : vector<1x16xf32> to vector<16xf32>
        %add3A_2334 = arith.addf %get3A_2325, %get3A_2333 : vector<16xf32>
        %max3A_2335 = arith.maximumf %max3A_2317, %add3A_2334 : vector<16xf32>
        %mul3A_2336 = arith.constant 16 : i32
        %mul3A_2337 = arith.muli %scan3A_116, %mul3A_2336 : i32
        %add3A_2338 = arith.constant 9 : i32
        %add3A_2339 = arith.addi %mul3A_2337, %add3A_2338 : i32
        %get3A_2340 = arith.index_cast %add3A_2339 : i32 to index
        %get3A_2341 = arith.constant 112 : index
        %get3A_2342 = tpu.vector_load %arg12[%get3A_2340, %get3A_2341] {strides = array<i32>} : memref<128x128xf32, #tpu.memory_space<vmem>>, vector<1x16xf32>,
        %get3A_2343 = vector.shape_cast %get3A_2342 : vector<1x16xf32> to vector<16xf32>
        %mul3A_2344 = arith.constant 16 : i32
        %mul3A_2345 = arith.muli %scan3A_116, %mul3A_2344 : i32
        %add3A_2346 = arith.constant 9 : i32
        %add3A_2347 = arith.addi %mul3A_2345, %add3A_2346 : i32
        %get3A_2348 = arith.index_cast %add3A_2347 : i32 to index
        %get3A_2349 = arith.constant 112 : index
        %get3A_2350 = tpu.vector_load %arg13[%get3A_2348, %get3A_2349] {strides = array<i32>} : memref<128x128xf32, #tpu.memory_space<vmem>>, vector<1x16xf32>,
        %get3A_2351 = vector.shape_cast %get3A_2350 : vector<1x16xf32> to vector<16xf32>
        %add3A_2352 = arith.addf %get3A_2343, %get3A_2351 : vector<16xf32>
        %max3A_2353 = arith.maximumf %max3A_2335, %add3A_2352 : vector<16xf32>
        %mul3A_2354 = arith.constant 16 : i32
        %mul3A_2355 = arith.muli %scan3A_116, %mul3A_2354 : i32
        %add3A_2356 = arith.constant 10 : i32
        %add3A_2357 = arith.addi %mul3A_2355, %add3A_2356 : i32
        %get3A_2358 = arith.index_cast %add3A_2357 : i32 to index
        %get3A_2359 = arith.constant 112 : index
        %get3A_2360 = tpu.vector_load %arg12[%get3A_2358, %get3A_2359] {strides = array<i32>} : memref<128x128xf32, #tpu.memory_space<vmem>>, vector<1x16xf32>,
        %get3A_2361 = vector.shape_cast %get3A_2360 : vector<1x16xf32> to vector<16xf32>
        %mul3A_2362 = arith.constant 16 : i32
        %mul3A_2363 = arith.muli %scan3A_116, %mul3A_2362 : i32
        %add3A_2364 = arith.constant 10 : i32
        %add3A_2365 = arith.addi %mul3A_2363, %add3A_2364 : i32
        %get3A_2366 = arith.index_cast %add3A_2365 : i32 to index
        %get3A_2367 = arith.constant 112 : index
        %get3A_2368 = tpu.vector_load %arg13[%get3A_2366, %get3A_2367] {strides = array<i32>} : memref<128x128xf32, #tpu.memory_space<vmem>>, vector<1x16xf32>,
        %get3A_2369 = vector.shape_cast %get3A_2368 : vector<1x16xf32> to vector<16xf32>
        %add3A_2370 = arith.addf %get3A_2361, %get3A_2369 : vector<16xf32>
        %max3A_2371 = arith.maximumf %max3A_2353, %add3A_2370 : vector<16xf32>
        %mul3A_2372 = arith.constant 16 : i32
        %mul3A_2373 = arith.muli %scan3A_116, %mul3A_2372 : i32
        %add3A_2374 = arith.constant 11 : i32
        %add3A_2375 = arith.addi %mul3A_2373, %add3A_2374 : i32
        %get3A_2376 = arith.index_cast %add3A_2375 : i32 to index
        %get3A_2377 = arith.constant 112 : index
        %get3A_2378 = tpu.vector_load %arg12[%get3A_2376, %get3A_2377] {strides = array<i32>} : memref<128x128xf32, #tpu.memory_space<vmem>>, vector<1x16xf32>,
        %get3A_2379 = vector.shape_cast %get3A_2378 : vector<1x16xf32> to vector<16xf32>
        %mul3A_2380 = arith.constant 16 : i32
        %mul3A_2381 = arith.muli %scan3A_116, %mul3A_2380 : i32
        %add3A_2382 = arith.constant 11 : i32
        %add3A_2383 = arith.addi %mul3A_2381, %add3A_2382 : i32
        %get3A_2384 = arith.index_cast %add3A_2383 : i32 to index
        %get3A_2385 = arith.constant 112 : index
        %get3A_2386 = tpu.vector_load %arg13[%get3A_2384, %get3A_2385] {strides = array<i32>} : memref<128x128xf32, #tpu.memory_space<vmem>>, vector<1x16xf32>,
        %get3A_2387 = vector.shape_cast %get3A_2386 : vector<1x16xf32> to vector<16xf32>
        %add3A_2388 = arith.addf %get3A_2379, %get3A_2387 : vector<16xf32>
        %max3A_2389 = arith.maximumf %max3A_2371, %add3A_2388 : vector<16xf32>
        %mul3A_2390 = arith.constant 16 : i32
        %mul3A_2391 = arith.muli %scan3A_116, %mul3A_2390 : i32
        %add3A_2392 = arith.constant 12 : i32
        %add3A_2393 = arith.addi %mul3A_2391, %add3A_2392 : i32
        %get3A_2394 = arith.index_cast %add3A_2393 : i32 to index
        %get3A_2395 = arith.constant 112 : index
        %get3A_2396 = tpu.vector_load %arg12[%get3A_2394, %get3A_2395] {strides = array<i32>} : memref<128x128xf32, #tpu.memory_space<vmem>>, vector<1x16xf32>,
        %get3A_2397 = vector.shape_cast %get3A_2396 : vector<1x16xf32> to vector<16xf32>
        %mul3A_2398 = arith.constant 16 : i32
        %mul3A_2399 = arith.muli %scan3A_116, %mul3A_2398 : i32
        %add3A_2400 = arith.constant 12 : i32
        %add3A_2401 = arith.addi %mul3A_2399, %add3A_2400 : i32
        %get3A_2402 = arith.index_cast %add3A_2401 : i32 to index
        %get3A_2403 = arith.constant 112 : index
        %get3A_2404 = tpu.vector_load %arg13[%get3A_2402, %get3A_2403] {strides = array<i32>} : memref<128x128xf32, #tpu.memory_space<vmem>>, vector<1x16xf32>,
        %get3A_2405 = vector.shape_cast %get3A_2404 : vector<1x16xf32> to vector<16xf32>
        %add3A_2406 = arith.addf %get3A_2397, %get3A_2405 : vector<16xf32>
        %max3A_2407 = arith.maximumf %max3A_2389, %add3A_2406 : vector<16xf32>
        %mul3A_2408 = arith.constant 16 : i32
        %mul3A_2409 = arith.muli %scan3A_116, %mul3A_2408 : i32
        %add3A_2410 = arith.constant 13 : i32
        %add3A_2411 = arith.addi %mul3A_2409, %add3A_2410 : i32
        %get3A_2412 = arith.index_cast %add3A_2411 : i32 to index
        %get3A_2413 = arith.constant 112 : index
        %get3A_2414 = tpu.vector_load %arg12[%get3A_2412, %get3A_2413] {strides = array<i32>} : memref<128x128xf32, #tpu.memory_space<vmem>>, vector<1x16xf32>,
        %get3A_2415 = vector.shape_cast %get3A_2414 : vector<1x16xf32> to vector<16xf32>
        %mul3A_2416 = arith.constant 16 : i32
        %mul3A_2417 = arith.muli %scan3A_116, %mul3A_2416 : i32
        %add3A_2418 = arith.constant 13 : i32
        %add3A_2419 = arith.addi %mul3A_2417, %add3A_2418 : i32
        %get3A_2420 = arith.index_cast %add3A_2419 : i32 to index
        %get3A_2421 = arith.constant 112 : index
        %get3A_2422 = tpu.vector_load %arg13[%get3A_2420, %get3A_2421] {strides = array<i32>} : memref<128x128xf32, #tpu.memory_space<vmem>>, vector<1x16xf32>,
        %get3A_2423 = vector.shape_cast %get3A_2422 : vector<1x16xf32> to vector<16xf32>
        %add3A_2424 = arith.addf %get3A_2415, %get3A_2423 : vector<16xf32>
        %max3A_2425 = arith.maximumf %max3A_2407, %add3A_2424 : vector<16xf32>
        %mul3A_2426 = arith.constant 16 : i32
        %mul3A_2427 = arith.muli %scan3A_116, %mul3A_2426 : i32
        %add3A_2428 = arith.constant 14 : i32
        %add3A_2429 = arith.addi %mul3A_2427, %add3A_2428 : i32
        %get3A_2430 = arith.index_cast %add3A_2429 : i32 to index
        %get3A_2431 = arith.constant 112 : index
        %get3A_2432 = tpu.vector_load %arg12[%get3A_2430, %get3A_2431] {strides = array<i32>} : memref<128x128xf32, #tpu.memory_space<vmem>>, vector<1x16xf32>,
        %get3A_2433 = vector.shape_cast %get3A_2432 : vector<1x16xf32> to vector<16xf32>
        %mul3A_2434 = arith.constant 16 : i32
        %mul3A_2435 = arith.muli %scan3A_116, %mul3A_2434 : i32
        %add3A_2436 = arith.constant 14 : i32
        %add3A_2437 = arith.addi %mul3A_2435, %add3A_2436 : i32
        %get3A_2438 = arith.index_cast %add3A_2437 : i32 to index
        %get3A_2439 = arith.constant 112 : index
        %get3A_2440 = tpu.vector_load %arg13[%get3A_2438, %get3A_2439] {strides = array<i32>} : memref<128x128xf32, #tpu.memory_space<vmem>>, vector<1x16xf32>,
        %get3A_2441 = vector.shape_cast %get3A_2440 : vector<1x16xf32> to vector<16xf32>
        %add3A_2442 = arith.addf %get3A_2433, %get3A_2441 : vector<16xf32>
        %max3A_2443 = arith.maximumf %max3A_2425, %add3A_2442 : vector<16xf32>
        %mul3A_2444 = arith.constant 16 : i32
        %mul3A_2445 = arith.muli %scan3A_116, %mul3A_2444 : i32
        %add3A_2446 = arith.constant 15 : i32
        %add3A_2447 = arith.addi %mul3A_2445, %add3A_2446 : i32
        %get3A_2448 = arith.index_cast %add3A_2447 : i32 to index
        %get3A_2449 = arith.constant 112 : index
        %get3A_2450 = tpu.vector_load %arg12[%get3A_2448, %get3A_2449] {strides = array<i32>} : memref<128x128xf32, #tpu.memory_space<vmem>>, vector<1x16xf32>,
        %get3A_2451 = vector.shape_cast %get3A_2450 : vector<1x16xf32> to vector<16xf32>
        %mul3A_2452 = arith.constant 16 : i32
        %mul3A_2453 = arith.muli %scan3A_116, %mul3A_2452 : i32
        %add3A_2454 = arith.constant 15 : i32
        %add3A_2455 = arith.addi %mul3A_2453, %add3A_2454 : i32
        %get3A_2456 = arith.index_cast %add3A_2455 : i32 to index
        %get3A_2457 = arith.constant 112 : index
        %get3A_2458 = tpu.vector_load %arg13[%get3A_2456, %get3A_2457] {strides = array<i32>} : memref<128x128xf32, #tpu.memory_space<vmem>>, vector<1x16xf32>,
        %get3A_2459 = vector.shape_cast %get3A_2458 : vector<1x16xf32> to vector<16xf32>
        %add3A_2460 = arith.addf %get3A_2451, %get3A_2459 : vector<16xf32>
        %max3A_2461 = arith.maximumf %max3A_2443, %add3A_2460 : vector<16xf32>
        %get3A_2462 = arith.constant 112 : index
        %get3A_2463 = tpu.vector_load %arg14[%get3A_2462] {strides = array<i32>} : memref<128xf32, #tpu.memory_space<vmem>>, vector<16xf32>,
        %get3A_2464 = vector.shape_cast %get3A_2463 : vector<16xf32> to vector<16xf32>
        %add3A_2465 = arith.addf %max3A_2461, %get3A_2464 : vector<16xf32>
        %max3A_2466 = arith.constant 0.000000e+00 : f32
        %max3A_2467 = vector.broadcast %max3A_2466 : f32 to vector<16xf32>
        %max3A_2468 = arith.maximumf %add3A_2465, %max3A_2467 : vector<16xf32>
        %swap3A_2469 = arith.index_cast %scan3A_116 : i32 to index
        %swap3A_2470 = arith.constant 112 : index
        %swap3A_2471 = tpu.vector_load %arg16[%swap3A_2469, %swap3A_2470] {strides = array<i32>} : memref<8x128xf32, #tpu.memory_space<vmem>>, vector<1x16xf32>,
        %swap3A_2472 = vector.shape_cast %swap3A_2471 : vector<1x16xf32> to vector<16xf32>
        %swap3A_2473 = vector.shape_cast %max3A_2468 : vector<16xf32> to vector<1x16xf32>
        tpu.vector_store %arg16[%swap3A_2469, %swap3A_2470], %swap3A_2473 {strides = array<i32>} : memref<8x128xf32, #tpu.memory_space<vmem>>, vector<1x16xf32>,
      }
      %scan3A_108 = arith.constant 8 : i32
      %add3A_109 = arith.addi %mul3A_2, %add3A_40 : i32
      %mul3A_110 = arith.constant 8 : i32
      %mul3A_111 = arith.muli %add3A_109, %mul3A_110 : i32
      %dma_start3A_112 = arith.constant 0 : i32
      %dma_start3A_113 = tpu.memref_slice %arg7[%mul3A_111, %dma_start3A_112] : memref<20480x128xf32, #tpu.memory_space<hbm>> -> memref<8x128xf32, #tpu.memory_space<hbm>>
      %dma_start3A_114 = arith.constant 0 : i32
      %dma_start3A_115 = tpu.memref_slice %arg7[%mul3A_111, %dma_start3A_114] : memref<20480x128xf32, #tpu.memory_space<hbm>> -> memref<8x128xf32, #tpu.memory_space<hbm>>
      tpu.enqueue_dma source(%arg16 : memref<8x128xf32, #tpu.memory_space<vmem>>) target(%dma_start3A_115 : memref<8x128xf32, #tpu.memory_space<hbm>>) target_semaphore(%arg22 : memref<!tpu.dma_semaphore, #tpu.memory_space<semaphore_mem>>)
    }
    %scan3A_20 = arith.constant 40 : i32
    %add3A_21 = arith.constant 78 : i32
    %add3A_22 = arith.addi %mul3A_2, %add3A_21 : i32
    %mul3A_23 = arith.constant 8 : i32
    %mul3A_24 = arith.muli %add3A_22, %mul3A_23 : i32
    %dma_wait3A = arith.constant 0 : i32
    %dma_wait3A_25 = tpu.memref_slice %arg7[%mul3A_24, %dma_wait3A] : memref<20480x128xf32, #tpu.memory_space<hbm>> -> memref<8x128xf32, #tpu.memory_space<hbm>>
    %dma_wait3A_26 = arith.constant 0 : i32
    %dma_wait3A_27 = tpu.memref_slice %arg7[%mul3A_24, %dma_wait3A_26] : memref<20480x128xf32, #tpu.memory_space<hbm>> -> memref<8x128xf32, #tpu.memory_space<hbm>>
    tpu.wait_dma2 semaphore(%arg21 : memref<!tpu.dma_semaphore, #tpu.memory_space<semaphore_mem>>) src(%arg15 : memref<8x128xf32, #tpu.memory_space<vmem>>) dst(%dma_wait3A_27 : memref<8x128xf32, #tpu.memory_space<hbm>>)
    %add3A_28 = arith.constant 79 : i32
    %add3A_29 = arith.addi %mul3A_2, %add3A_28 : i32
    %mul3A_30 = arith.constant 8 : i32
    %mul3A_31 = arith.muli %add3A_29, %mul3A_30 : i32
    %dma_wait3A_32 = arith.constant 0 : i32
    %dma_wait3A_33 = tpu.memref_slice %arg7[%mul3A_31, %dma_wait3A_32] : memref<20480x128xf32, #tpu.memory_space<hbm>> -> memref<8x128xf32, #tpu.memory_space<hbm>>
    %dma_wait3A_34 = arith.constant 0 : i32
    %dma_wait3A_35 = tpu.memref_slice %arg7[%mul3A_31, %dma_wait3A_34] : memref<20480x128xf32, #tpu.memory_space<hbm>> -> memref<8x128xf32, #tpu.memory_space<hbm>>
    tpu.wait_dma2 semaphore(%arg22 : memref<!tpu.dma_semaphore, #tpu.memory_space<semaphore_mem>>) src(%arg16 : memref<8x128xf32, #tpu.memory_space<vmem>>) dst(%dma_wait3A_35 : memref<8x128xf32, #tpu.memory_space<hbm>>)
    return
  }
}

module attributes {stable_mosaic.version = 14 : i64} {
  func.func @_mm_kernel(%arg0: i32, %arg1: memref<2000x128xf32, #tpu.memory_space<vmem>>, %arg2: memref<128x256xf32, #tpu.memory_space<vmem>>, %arg3: memref<2000x128xf32, #tpu.memory_space<vmem>>, %arg4: memref<2000x128xf32, #tpu.memory_space<vmem>>) attributes {dimension_semantics = [#tpu.dimension_semantics<arbitrary>], iteration_bounds = array<i64: 10>, scalar_prefetch = 0 : i64, scratch_operands = 0 : i64, tpu.core_type = #tpu.core_type<tc>, window_params = [{transform_indices = @transform_0, window_bounds = array<i64: 2000, 128>}, {pipeline_mode = #tpu.pipeline_mode<synchronous>, transform_indices = @transform_1, window_bounds = array<i64: 128, 256>}, {transform_indices = @transform_2, window_bounds = array<i64: 2000, 128>}, {transform_indices = @transform_3, window_bounds = array<i64: 2000, 128>}]} {
    %get3A = arith.constant 0 : index
    %get3A_0 = arith.constant 0 : index
    %get3A_1 = vector.load %arg1[%get3A, %get3A_0] : memref<2000x128xf32, #tpu.memory_space<vmem>>, vector<2000x128xf32>
    %get3A_2 = arith.constant 0 : index
    %get3A_3 = arith.constant 0 : index
    %get3A_4 = vector.load %arg2[%get3A_2, %get3A_3] : memref<128x256xf32, #tpu.memory_space<vmem>>, vector<128x256xf32>
    %slice3A = vector.extract_strided_slice %get3A_4 {offsets = [0, 0], sizes = [128, 128], strides = [1, 1]} : vector<128x256xf32> to vector<128x128xf32>
    %slice3A_5 = vector.extract_strided_slice %get3A_4 {offsets = [0, 128], sizes = [128, 128], strides = [1, 1]} : vector<128x256xf32> to vector<128x128xf32>
    %sub3A = arith.subf %slice3A, %slice3A_5 : vector<128x128xf32>
    %dot_general3A = arith.constant dense<0.000000e+00> : vector<2000x128xf32>
    %dot_general3A_6 = tpu.matmul %get3A_1, %sub3A, %dot_general3A {dimension_numbers = #tpu.dot_dimension_numbers<[1], [1], [0], [0], [0, 0, 1, 0], [], []>, transpose_lhs_hint = false} : vector<2000x128xf32>, vector<128x128xf32>, vector<2000x128xf32> -> vector<2000x128xf32>
    %swap3A = arith.constant 0 : index
    %swap3A_7 = arith.constant 0 : index
    %swap3A_8 = vector.load %arg3[%swap3A, %swap3A_7] : memref<2000x128xf32, #tpu.memory_space<vmem>>, vector<2000x128xf32>
    tpu.vector_store %arg3[%swap3A, %swap3A_7], %dot_general3A_6 {strides = array<i32>} : memref<2000x128xf32, #tpu.memory_space<vmem>>, vector<2000x128xf32>,
    %dot_general3A_9 = arith.constant dense<0.000000e+00> : vector<2000x128xf32>
    %dot_general3A_10 = tpu.matmul %get3A_1, %slice3A_5, %dot_general3A_9 {dimension_numbers = #tpu.dot_dimension_numbers<[1], [1], [0], [0], [0, 0, 1, 0], [], []>, transpose_lhs_hint = false} : vector<2000x128xf32>, vector<128x128xf32>, vector<2000x128xf32> -> vector<2000x128xf32>
    %swap3A_11 = arith.constant 0 : index
    %swap3A_12 = arith.constant 0 : index
    %swap3A_13 = vector.load %arg4[%swap3A_11, %swap3A_12] : memref<2000x128xf32, #tpu.memory_space<vmem>>, vector<2000x128xf32>
    tpu.vector_store %arg4[%swap3A_11, %swap3A_12], %dot_general3A_10 {strides = array<i32>} : memref<2000x128xf32, #tpu.memory_space<vmem>>, vector<2000x128xf32>,
    return
  }
  func.func @transform_0(%arg0: i32) -> (i32, i32) {
    %c0_i32 = arith.constant 0 : i32
    %c0_i32_0 = arith.constant 0 : i32
    return %arg0, %c0_i32 : i32, i32
  }
  func.func @transform_1(%arg0: i32) -> (i32, i32) {
    %c0_i32 = arith.constant 0 : i32
    %c0_i32_0 = arith.constant 0 : i32
    %c0_i32_1 = arith.constant 0 : i32
    return %c0_i32, %c0_i32_0 : i32, i32
  }
  func.func @transform_2(%arg0: i32) -> (i32, i32) {
    %c0_i32 = arith.constant 0 : i32
    %c0_i32_0 = arith.constant 0 : i32
    return %arg0, %c0_i32 : i32, i32
  }
  func.func @transform_3(%arg0: i32) -> (i32, i32) {
    %c0_i32 = arith.constant 0 : i32
    %c0_i32_0 = arith.constant 0 : i32
    return %arg0, %c0_i32 : i32, i32
  }
}

</mosaic_0001>

<sc_bundles>
// kernel: kernel.4.cloned.1.call-start
scs
__scs_entry_jumppad:
0x0: {  	(pc) =	sbr.rel $0x88, $3  }
0x1: {  	(tag) =	ssettag $0x0;
	lr =	simm.s32 $0x1  }
0x2: {  	[smem:$0x3F9D] =	sst lr;
	_ =	strace $0xD0000000  }
0x3: {  	_ = 	snop  }
0x4: {  	_ = 	snop  }
0x5: {  	_ = 	snop  }
0x6: {  	_ = 	snop  }
0x7: {  	_ = 	snop  }
__scs_overlays_trampoline_lowered:
0x8: {  	[smem:$0x3FAC] =	sst s0  }
0x9: {  	[smem:$0x3FAD] =	sst s1  }
0xa: {  	[smem:$0x3FAE] =	sst s2  }
0xb: {  	[smem:$0x3FAF] =	sst s3  }
0xc: {  	[smem:$0x3FB0] =	sst s4  }
0xd: {  	[smem:$0x3FB1] =	sst s5  }
0xe: {  	[smem:$0x3FB2] =	sst s6  }
0xf: {  	[smem:$0x3FB3] =	sst s7  }
0x10: {  	[smem:$0x3FB4] =	sst s8  }
0x11: {  	[smem:$0x3FB5] =	sst s9;
	s0 =	simm.s32 @!p0 $0x0  }
0x12: {  	s1 =	sld [smem:$0x3F9B];
	s0 =	simm.s32 @p0 $0x1  }
0x13: {  	[smem:$0x3FB6] =	sst s0;
	s0 =	simm.s32 @!p1 $0x0  }
0x14: {  	s2 =	sld [smem:$0x3F9A];
	s0 =	simm.s32 @p1 $0x1  }
0x15: {  	[smem:$0x3FB7] =	sst s0;
	s0 =	simm.s32 @!p2 $0x0  }
0x16: {  	s3 =	sld [smem:$0x3FDB];
	s0 =	simm.s32 @p2 $0x1  }
0x17: {  	s4 =	simm.s32 $0x1BF5;
	[smem:$0x3FB9] =	sst s0  }
0x18: {  	s0 =	sld [smem:$0x3F9C];
	_ =	swait.ge [sflag:s4], $0x0  }
0x19: {  	s7 =	sld [smem:$0x3F9D]  }
0x1a: {  	s8 =	sadd.s32 $0xFFFFE003, lr  }
0x1b: {  	s9 =	sadd.s32 $0xFFFFFEF7, lr;
	s5 =	simm.s32 $0xFFFFFFFF;
	p2 =	slt.u32 s8, $0xFFFFF086  }
0x1c: {  	p1 =	slt.u32 s9, $0xF7A;
	s5 =	simm.s32 @!p2 $0x0  }
0x1d: {  	s5 =	simm.s32 @p1 $0x1;
	p0 =	seq.s32 s7, s2  }
0x1e: {  	s7 =	smul.u32 @!p0 $0xF7A, s2;
	p2 =	seq.s32 @!p0 s5, $0x0  }
0x1f: {  	s9 =	smul.u32 $0xF7A, s1;
	s8 =	simm.s32 @!p0 $0x1BF5;
	p2 =	por !p2, p0  }
0x20: {  	[sflag:s8] =	ssyncset.s32 @!p0 $0xFFFFF086;
	s6 =	sadd.s32 @!p0 s3, s7;
	s7 =	simm.s32 @!p0 $0x108  }
0x21: {  	s3 =	sadd.s32 s3, s9;
	s6 =	sadd.s32 @!p0 $0x88, s6;
	s7 =	simm.s32 @p2 $0x1082  }
0x22: {  	[simem:s7], [sflag:s8] =	dma.local @!p0 [hbm:s6], $0xF7A  }
0x23: {  	s9 =	sor.u32 $0xD0000000, s2;
	s6 =	simm.s32 $0x108;
	_ =	swait.ge @!p0 [sflag:s8], $0x0  }
0x24: {  	s3 =	sadd.s32 $0x88, s3;
	s6 =	simm.s32 @!p1 $0x1082;
	[sflag:s4] =	ssyncset.s32 $0xFFFFF086  }
0x25: {  	[simem:s6], [sflag:s4] =	dma.local [hbm:s3], $0xF7A  }
0x26: {  	[smem:$0x3F9D] =	sst s1;
	(tag) =	ssettag s2;
	_ =	strace s9  }
0x27: {  	s1 =	sld [smem:$0x3FAD]  }
0x28: {  	s2 =	sld [smem:$0x3FAE]  }
0x29: {  	s4 =	sld [smem:$0x3FB0]  }
0x2a: {  	p0 =	seq.s32 s5, $0x0;
	s5 =	sld [smem:$0x3FB1]  }
0x2b: {  	s6 =	sld [smem:$0x3FB2]  }
0x2c: {  	s7 =	sld [smem:$0x3FB3]  }
0x2d: {  	s3 =	simm.s32 $0x108;
	s8 =	sld [smem:$0x3FB4]  }
0x2e: {  	s3 =	simm.s32 @!p0 $0x1082;
	s9 =	sld [smem:$0x3FB5]  }
0x2f: {  	lr =	sadd.s32 s0, s3;
	s0 =	sld [smem:$0x3FAC]  }
0x30: {  	s3 =	sld [smem:$0x3FAF]  }
0x31: {  	[smem:$0x3FB8] =	sst s10  }
0x32: {  	s10 =	sld [smem:$0x3FB6];
	_ =	sdelay $0x3  }
0x33: {  	p0 =	seq.s32 s10, $0x1;
	s10 =	sld [smem:$0x3FB8];
	_ =	sdelay $0x3  }
0x34: {  	[smem:$0x3FB8] =	sst s10  }
0x35: {  	s10 =	sld [smem:$0x3FB7];
	_ =	sdelay $0x3  }
0x36: {  	p1 =	seq.s32 s10, $0x1;
	s10 =	sld [smem:$0x3FB8];
	_ =	sdelay $0x3  }
0x37: {  	[smem:$0x3FB8] =	sst s10  }
0x38: {  	s10 =	sld [smem:$0x3FB9]  }
0x39: {  	_ = 	snop;
	(pc) =	sbr.ind lr, $3  }
0x3a: {  	_ = 	snop  }
0x3b: {  	_ = 	snop  }
0x3c: {  	p2 =	seq.s32 s10, $0x1;
	s10 =	sld [smem:$0x3FB8]  }
0x3d: {  	_ =	shalt  }
0x3e: {  	_ =	shalt  }
0x3f: {  	_ =	shalt  }
0x40: {  	_ =	shalt  }
0x41: {  	_ =	shalt  }
0x42: {  	_ =	shalt  }
0x43: {  	_ =	shalt  }
0x44: {  	_ =	shalt  }
0x45: {  	_ =	shalt  }
0x46: {  	_ =	shalt  }
0x47: {  	_ =	shalt  }
0x48: {  	_ =	shalt  }
0x49: {  	_ =	shalt  }
0x4a: {  	_ =	shalt  }
0x4b: {  	_ =	shalt  }
0x4c: {  	_ =	shalt  }
0x4d: {  	_ =	shalt  }
0x4e: {  	_ =	shalt  }
0x4f: {  	_ =	shalt  }
0x50: {  	_ =	shalt  }
0x51: {  	_ =	shalt  }
0x52: {  	_ =	shalt  }
0x53: {  	_ =	shalt  }
0x54: {  	_ =	shalt  }
0x55: {  	_ =	shalt  }
0x56: {  	_ =	shalt  }
0x57: {  	_ =	shalt  }
0x58: {  	_ =	shalt  }
0x59: {  	_ =	shalt  }
0x5a: {  	_ =	shalt  }
0x5b: {  	_ =	shalt  }
0x5c: {  	_ =	shalt  }
0x5d: {  	_ =	shalt  }
0x5e: {  	_ =	shalt  }
0x5f: {  	_ =	shalt  }
0x60: {  	_ =	shalt  }
0x61: {  	_ =	shalt  }
0x62: {  	_ =	shalt  }
0x63: {  	_ =	shalt  }
0x64: {  	_ =	shalt  }
0x65: {  	_ =	shalt  }
0x66: {  	_ =	shalt  }
0x67: {  	_ =	shalt  }
0x68: {  	_ =	shalt  }
0x69: {  	_ =	shalt  }
0x6a: {  	_ =	shalt  }
0x6b: {  	_ =	shalt  }
0x6c: {  	_ =	shalt  }
0x6d: {  	_ =	shalt  }
0x6e: {  	_ =	shalt  }
0x6f: {  	_ =	shalt  }
0x70: {  	_ =	shalt  }
0x71: {  	_ =	shalt  }
0x72: {  	_ =	shalt  }
0x73: {  	_ =	shalt  }
0x74: {  	_ =	shalt  }
0x75: {  	_ =	shalt  }
0x76: {  	_ =	shalt  }
0x77: {  	_ =	shalt  }
0x78: {  	_ =	shalt  }
0x79: {  	_ =	shalt  }
0x7a: {  	_ =	shalt  }
0x7b: {  	_ =	shalt  }
0x7c: {  	_ =	shalt  }
0x7d: {  	_ =	shalt  }
0x7e: {  	_ =	shalt  }
0x7f: {  	_ =	shalt  }
0x80: {  	_ =	shalt  }
0x81: {  	_ =	shalt  }
0x82: {  	_ =	shalt  }
0x83: {  	_ =	shalt  }
0x84: {  	_ =	shalt  }
0x85: {  	_ =	shalt  }
0x86: {  	_ =	shalt  }
0x87: {  	_ =	shalt  }
.Lfunc_end0:
.L_simem_size_0:
called_computation_lowered:
.L_overlay_start_0:
0x88: {  	s2 =	sld [smem:$0x3FD9]  }
0x89: {  	s3 =	sld [smem:$0x3FFE];
	_ =	sdelay $0x1  }
0x8a: {  	s1 =	srdreg.scid  }
0x8b: {  	s0 =	sand.u32 $0x1, s1  }
0x8c: {  	s17 =	sshll.u32 s0, $0xA;
	s2 =	sadd.s32 s3, s2  }
0x8d: {  	s2 =	sadd.s32 s2, s17  }
0x8e: {  	[smem:$0x3FC4] =	sst s2  }
0x8f: {  	_ = 	snop  }
0x90: {  	s2 =	sld [smem:$0x3FC6]  }
0x91: {  	s18 =	sld [smem:$0x3FD0];
	(tm) =	ssettm $0x1  }
0x92: {  	s4 =	sld [smem:$0x3FFB];
	_ =	sdelay $0x3  }
0x93: {  	_ =	strace s4  }
0x94: {  	s4 =	sld [smem:$0x3FFC];
	_ =	sdelay $0x3  }
0x95: {  	_ =	strace s4  }
0x96: {  	s4 =	sld [smem:$0x3FFD];
	_ =	sdelay $0x3  }
0x97: {  	_ =	strace s4  }
0x98: {  	_ =	strace $0x8FFFFFFF  }
0x99: {  	s19 =	sld [smem:$0x3FDB];
	_ =	sdelay $0x1  }
0x9a: {  	s5 =	simm.s32 $_scs_section_size  }
0x9b: {  	s6 =	simm.s32 $_size__tile_overlayer_lowered;
	s7 =	simm.s32 $_tile_overlayer_lowered  }
0x9c: {  	s22 =	simm.s32 $0x1BFF;
	s21 =	sshll.u32 s7, $0x1;
	s4 =	sadd.s32 s5, s19  }
0x9d: {  	s8 =	simm.s32 $0x0;
	s20 =	sshll.u32 s6, $0x1;
	s6 =	sadd.s32 s21, s4  }
0x9e: {  	[timem:s8], [sflag:s22] =	dma.local [hbm:s6], s20  }
0x9f: {  	_ =	swait.ge [sflag:s22], s20  }
0xa0: {  	s5 =	ssub.s32 $0x0, s20;
	[sflag:s22] =	ssyncset.done $0x0  }
0xa1: {  	[sflag:s22] =	ssyncadd.s32 s5;
	_ =	sdelay $0x1  }
0xa2: {  	s23 =	simm.s32 $0x1B8B  }
0xa3: {  	_ =	swait.ge [sflag:s23], $0x1  }
0xa4: {  	[sflag:s23] =	ssyncset.done $0x0  }
0xa5: {  	s25 =	simm.s32 $0x1B8E;
	s24 =	sld [smem:$0x3FFE];
	[sflag:s23] =	ssyncadd.s32 $0xFFFFFFFF  }
0xa6: {  	s26 =	simm.s32 $execute0_lowered;
	[smem:$0x3FD2] =	sst s25  }
0xa7: {  	s6 =	sshll.u32 s26, $0x1;
	_ =	strace $0x80000046;
	[dreg:$0x1] =	wrdreg $0xFFFFFFFF  }
0xa8: {  	s28 =	simm.s32 $_size_execute0_lowered;
	s4 =	sadd.s32 s4, s6;
	[dreg:$0x0] =	wrdreg $0x0  }
0xa9: {  	s6 =	sshll.u32 s28, $0x1;
	[dreg:$0x2] =	wrdreg s4  }
0xaa: {  	[dreg:$0x3] =	wrdreg s6  }
0xab: {  	[dreg:$0x4] =	wrdreg $0xC0  }
0xac: {  	_ =	task [dreg:s8], $0x5FFFF  }
0xad: {  	[dreg:$0x1] =	wrdreg $0xFFFFFFFF  }
0xae: {  	[dreg:$0x0] =	wrdreg $0x60  }
0xaf: {  	[dreg:$0x2] =	wrdreg s18  }
0xb0: {  	[dreg:$0x3] =	wrdreg s24  }
0xb1: {  	[dreg:$0x4] =	wrdreg s2  }
0xb2: {  	[dreg:$0x5] =	wrdreg $0x9  }
0xb3: {  	_ =	task.clear_ibuf [dreg:s8], $0x6FFFF;
	_ =	strace $0x90000046  }
0xb4: {  	s29 =	simm.s32 $0x9;
	_ =	strace $0x80000048  }
0xb5: {  	_ =	swait.ge [sflag:s29], $0x1  }
0xb6: {  	[sflag:s29] =	ssyncadd.s32 $0xFFFFFFFF  }
0xb7: {  	_ =	strace $0x90000048  }
0xb8: {  	_ =	sfence  }
0xb9: {  	s30 =	sld [smem:$0x0];
	_ =	sdelay $0x2  }
0xba: {  	s31 =	sshll.u32 s1, $0xD;
	s1 =	sshrl.u32 s1, $0x2  }
0xbb: {  	s3 =	sand.u32 $0x4000, s31;
	s1 =	sadd.s32 s1, s30  }
0xbc: {  	s0 =	sor.u32 s3, s0;
	s1 =	sshll.u32 s1, $0x11  }
0xbd: {  	s0 =	sor.u32 s1, s0  }
0xbe: {  	s0 =	sadd.s32 $0x8F2B, s0  }
0xbf: {  	[sflag:s0] =	ssyncadd.remote.s32 $0x1  }
0xc0: {  	_ =	sfence.sel $0xFFFF  }
0xc1: {  	[dreg:$0x0] =	wrdreg $0xFFFFFFFF;
	(pc) =	sbr.abs _section_cstart, $3  }
0xc2: {  	[dreg:$0x1] =	wrdreg $0xFFFFFFFF  }
0xc3: {  	_ =	task.clear_ibuf [dreg:s8], $0x2FFFF;
	_ =	strace $0x9FFFFFFF  }
0xc4: {  	(tm) =	ssettm $0x7FFFFFFF  }
0xc5: {  	_ =	shalt  }
tec
execute0_lowered:
.L_overlay_start_1:
0x0: {  	(tag) =	ssettag $0x1  }
0x1: {  	s1 =	rddreg [dreg:$0x0]  }
0x2: {  	s0 =	rddreg [dreg:$0x1]  }
0x3: {  	s2 =	srdreg.scid;
	s3 =	stileid.u32;
	s4 =	simm.s32 $0x0  }
0x4: {  	s11 =	simm.s32 $0x15000;
	s12 =	simm.s32 $0x7;
	s13 =	simm.s32 $0x2800  }
0x5: {  	s14 =	simm.s32 $0x80;
	s15 =	simm.s32 $0x5000;
	s16 =	simm.s32 $0x9000  }
0x6: {  	s17 =	simm.s32 $0xD000;
	s18 =	simm.s32 $0x11000;
	s19 =	simm.s32 $0x1  }
0x7: {  	s20 =	simm.s32 $0x2;
	s21 =	simm.s32 $0x15080;
	s22 =	simm.s32 $0x3  }
0x8: {  	s23 =	simm.s32 $0x4;
	s24 =	simm.s32 $0x15480;
	s25 =	simm.s32 $0x5  }
0x9: {  	s26 =	simm.s32 $0x6;
	s2 =	sand.u32 $0x1, s2;
	s3 =	sshll.u32 s3, $0x1  }
0xa: {  	s28 =	simm.s32 $0x0;
	s3 =	sor.u32 s2, s3;
	s2 =	ssub.s32 $0x2, s2  }
0xb: {  	[smem:$0x7FF] =	sst s4;
	s6 =	smul.u32 $0x500, s3;
	s7 =	sshrl.u32 s2, $0x1  }
0xc: {  	s5 =	sadd.s32 $0x15200, s0;
	_ =	strace $0x80000047;
	s31 =	ssub.s32 s2, s7  }
0xd: {  	s7 =	smul.u32 $0x50, s3;
	s9 =	sadd.s32 s6, s0;
	s6 =	sadd.s32 $0x63400, s0  }
0xe: {  	s10 =	smax.u32 s31, $0x1;
	s8 =	sadd.s32 $0xB200, s9;
	s9 =	sadd.s32 $0x1200, s9  }
.LBB2_1:
0xf: {  	s0 =	rddreg [dreg:$0x2]  }
0x10: {  	[tilespmem:s11], [sflag:$0x7] =	stream.linear.gather [hbm4b:s0+s4], $0x80, $0x38;
	[tilespmem:$0x15880] =	vst v63  }
0x11: {  	_ =	swait.ge [sflag:s12], $0x80  }
0x12: {  	[sflag:s12] =	ssyncset.done $0x0  }
0x13: {  	[sflag:s12] =	ssyncadd.s32 $0xFFFFFF80  }
0x14: {  	[tilespmem:s4], [sflag:$0x7] =	stream.linear.gather [hbm4b:s8+s4], $0x2800, $0x38;
	[tilespmem:$0x15880] =	vst v63  }
0x15: {  	_ =	swait.ge [sflag:s12], $0x2800  }
0x16: {  	[sflag:s12] =	ssyncset.done $0x0  }
0x17: {  	[sflag:s12] =	ssyncadd.s32 $0xFFFFD800  }
0x18: {  	[tilespmem:s13], [sflag:$0x7] =	stream.linear.gather [hbm4b:s9+s4], $0x2800, $0x38;
	[tilespmem:$0x15880] =	vst v63  }
0x19: {  	_ =	swait.ge [sflag:s12], $0x2800  }
0x1a: {  	[sflag:s12] =	ssyncset.done $0x0  }
0x1b: {  	[sflag:s12] =	ssyncadd.s32 $0xFFFFD800  }
0x1c: {  	[tilespmem:s15], [sflag:$0x1] =	stream.indirect.gather [hbm4b:s1+s14], $0x80, s4, s14, $0xb8;
	[tilespmem:$0x15880] =	vst v63  }
0x1d: {  	s29 =	simm.s32 $0x0  }
0x1e: {  	[tilespmem:s16], [sflag:$0x2] =	stream.indirect.gather [hbm4b:s5+s14], $0x80, s13, s14, $0xb8;
	[tilespmem:$0x15880] =	vst v63  }
.LBB2_2:
0x1f: {  	s30 =	sshllo.u32 s29, $0x1  }
0x20: {  	s0 =	sshll.u32 s30, $0x7  }
0x21: {  	[tilespmem:s17], [sflag:$0x3] =	stream.indirect.gather [hbm4b:s1+s14], $0x80, s0, s14, $0xb8;
	[tilespmem:$0x15880] =	vst v63  }
0x22: {  	s0 =	sadd.s32 $0x2800, s0  }
0x23: {  	[tilespmem:s18], [sflag:$0x4] =	stream.indirect.gather [hbm4b:s5+s14], $0x80, s0, s14, $0xb8;
	[tilespmem:$0x15880] =	vst v63  }
0x24: {  	_ =	swait.ge [sflag:s19], $0x4000  }
0x25: {  	[sflag:s19] =	ssyncset.done $0x0  }
0x26: {  	[sflag:s19] =	ssyncadd.s32 $0xFFFFC000  }
0x27: {  	_ =	swait.ge [sflag:s20], $0x4000  }
0x28: {  	p0 =	seq.s32 s29, $0x0;
	[sflag:s20] =	ssyncset.done $0x0  }
0x29: {  	s0 =	simm.s32 @!p0 $0x5;
	[sflag:s20] =	ssyncadd.s32 $0xFFFFC000  }
0x2a: {  	_ =	swait.ge @!p0 [sflag:s0], $0x400  }
0x2b: {  	[sflag:s0] =	ssyncset.done @!p0 $0x0  }
0x2c: {  	s31 =	sshll.u32 s29, $0x1;
	s2 =	simm.s32 $0x0;
	[sflag:s0] =	ssyncadd.s32 @!p0 $0xFFFFFC00  }
.LBB2_3:
0x2d: {  	s0 =	sshll.u32 s2, $0xB  }
0x2e: {  	v0 =	vld [tilespmem:s0+$0x5000]  }
0x2f: {  	v1 =	vld [tilespmem:s0+$0x9000]  }
0x30: {  	v2 =	vld [tilespmem:s0+$0x5080]  }
0x31: {  	v3 =	vld [tilespmem:s0+$0x9080]  }
0x32: {  	v4 =	vld [tilespmem:s0+$0x5100]  }
0x33: {  	v5 =	vld [tilespmem:s0+$0x9100]  }
0x34: {  	v6 =	vld [tilespmem:s0+$0x5180]  }
0x35: {  	v7 =	vld [tilespmem:s0+$0x9180]  }
0x36: {  	v8 =	vld [tilespmem:s0+$0x5200]  }
0x37: {  	v9 =	vld [tilespmem:s0+$0x9200]  }
0x38: {  	v10 =	vld [tilespmem:s0+$0x5280]  }
0x39: {  	v11 =	vld [tilespmem:s0+$0x9280]  }
0x3a: {  	v12 =	vld [tilespmem:s0+$0x5300]  }
0x3b: {  	v13 =	vld [tilespmem:s0+$0x9300]  }
0x3c: {  	v14 =	vld [tilespmem:s0+$0x5380]  }
0x3d: {  	v15 =	vld [tilespmem:s0+$0x9380]  }
0x3e: {  	v16 =	vld [tilespmem:s0+$0x5400]  }
0x3f: {  	v17 =	vld [tilespmem:s0+$0x9400]  }
0x40: {  	v18 =	vld [tilespmem:s0+$0x5480]  }
0x41: {  	v19 =	vld [tilespmem:s0+$0x9480]  }
0x42: {  	v20 =	vld [tilespmem:s0+$0x5500]  }
0x43: {  	v21 =	vld [tilespmem:s0+$0x9500]  }
0x44: {  	v51 =	vld [tilespmem:s0+$0x5580];
	v0 =	vadd.f32 v1, v0;
	v50 =	vadd.f32 v3, v2  }
0x45: {  	v53 =	vld [tilespmem:s0+$0x9580];
	v52 =	vadd.f32 v5, v4  }
0x46: {  	v55 =	vld [tilespmem:s0+$0x5600];
	v54 =	vadd.f32 v7, v6;
	v0 =	vmax.f32 v0, v50  }
0x47: {  	v57 =	vld [tilespmem:s0+$0x9600];
	v56 =	vadd.f32 v9, v8;
	v0 =	vmax.f32 v0, v52  }
0x48: {  	v59 =	vld [tilespmem:s0+$0x5680];
	v58 =	vadd.f32 v11, v10;
	v0 =	vmax.f32 v0, v54  }
0x49: {  	v61 =	vld [tilespmem:s0+$0x9680];
	v60 =	vadd.f32 v13, v12;
	v0 =	vmax.f32 v0, v56  }
0x4a: {  	v63 =	vld [tilespmem:s0+$0x5700];
	v62 =	vadd.f32 v15, v14;
	v0 =	vmax.f32 v0, v58  }
0x4b: {  	v22 =	vld [tilespmem:s0+$0x9780];
	v16 =	vadd.f32 v17, v16;
	v0 =	vmax.f32 v0, v60  }
0x4c: {  	v17 =	vld [tilespmem:s0+$0x9700];
	v18 =	vadd.f32 v19, v18;
	v0 =	vmax.f32 v0, v62  }
0x4d: {  	v19 =	vld [tilespmem:s0+$0x5780];
	v21 =	vadd.f32 v21, v20;
	v0 =	vmax.f32 v0, v16  }
0x4e: {  	v23 =	vadd.f32 v53, v51;
	v0 =	vmax.f32 v0, v18  }
0x4f: {  	v24 =	vadd.f32 v57, v55;
	v0 =	vmax.f32 v0, v21  }
0x50: {  	v26 =	vld [tilespmem:$0x15000];
	v25 =	vadd.f32 v61, v59;
	v0 =	vmax.f32 v0, v23  }
0x51: {  	v27 =	vadd.f32 v17, v63;
	v0 =	vmax.f32 v0, v24  }
0x52: {  	v28 =	vadd.f32 v22, v19;
	v0 =	vmax.f32 v0, v25  }
0x53: {  	v0 =	vmax.f32 v0, v27  }
0x54: {  	v0 =	vmax.f32 v0, v28  }
0x55: {  	v0 =	vadd.f32 v0, v26  }
0x56: {  	s3 =	sshll.u32 s2, $0x7  }
0x57: {  	s3 =	sand.u32 $0x3FFFFF80, s3;
	v0 =	vmax.f32 v0, $0.0e+00  }
0x58: {  	[tilespmem:s3+$0x15080] =	vst v0  }
0x59: {  	v0 =	vld [tilespmem:s0+$0x5010]  }
0x5a: {  	v29 =	vld [tilespmem:s0+$0x9010]  }
0x5b: {  	v30 =	vld [tilespmem:s0+$0x5090]  }
0x5c: {  	v31 =	vld [tilespmem:s0+$0x9090]  }
0x5d: {  	v32 =	vld [tilespmem:s0+$0x5110]  }
0x5e: {  	v33 =	vld [tilespmem:s0+$0x9110]  }
0x5f: {  	v34 =	vld [tilespmem:s0+$0x5190]  }
0x60: {  	v35 =	vld [tilespmem:s0+$0x9190]  }
0x61: {  	v36 =	vld [tilespmem:s0+$0x5210]  }
0x62: {  	v37 =	vld [tilespmem:s0+$0x9210]  }
0x63: {  	v38 =	vld [tilespmem:s0+$0x5290]  }
0x64: {  	v39 =	vld [tilespmem:s0+$0x9290]  }
0x65: {  	v40 =	vld [tilespmem:s0+$0x5310]  }
0x66: {  	v41 =	vld [tilespmem:s0+$0x9310]  }
0x67: {  	v42 =	vld [tilespmem:s0+$0x5390]  }
0x68: {  	v43 =	vld [tilespmem:s0+$0x9390]  }
0x69: {  	v44 =	vld [tilespmem:s0+$0x5410]  }
0x6a: {  	v45 =	vld [tilespmem:s0+$0x9410]  }
0x6b: {  	v46 =	vld [tilespmem:s0+$0x5490]  }
0x6c: {  	v47 =	vld [tilespmem:s0+$0x9490]  }
0x6d: {  	v48 =	vld [tilespmem:s0+$0x5510]  }
0x6e: {  	v49 =	vld [tilespmem:s0+$0x9510]  }
0x6f: {  	v51 =	vld [tilespmem:s0+$0x5590];
	v0 =	vadd.f32 v29, v0;
	v50 =	vadd.f32 v31, v30  }
0x70: {  	v53 =	vld [tilespmem:s0+$0x9590];
	v52 =	vadd.f32 v33, v32  }
0x71: {  	v55 =	vld [tilespmem:s0+$0x5610];
	v54 =	vadd.f32 v35, v34;
	v0 =	vmax.f32 v0, v50  }
0x72: {  	v57 =	vld [tilespmem:s0+$0x9610];
	v56 =	vadd.f32 v37, v36;
	v0 =	vmax.f32 v0, v52  }
0x73: {  	v59 =	vld [tilespmem:s0+$0x5690];
	v58 =	vadd.f32 v39, v38;
	v0 =	vmax.f32 v0, v54  }
0x74: {  	v61 =	vld [tilespmem:s0+$0x9690];
	v60 =	vadd.f32 v41, v40;
	v0 =	vmax.f32 v0, v56  }
0x75: {  	v63 =	vld [tilespmem:s0+$0x5710];
	v62 =	vadd.f32 v43, v42;
	v0 =	vmax.f32 v0, v58  }
0x76: {  	v17 =	vld [tilespmem:s0+$0x9710];
	v16 =	vadd.f32 v45, v44;
	v0 =	vmax.f32 v0, v60  }
0x77: {  	v19 =	vld [tilespmem:s0+$0x5790];
	v18 =	vadd.f32 v47, v46;
	v0 =	vmax.f32 v0, v62  }
0x78: {  	v22 =	vld [tilespmem:s0+$0x9790];
	v21 =	vadd.f32 v49, v48;
	v0 =	vmax.f32 v0, v16  }
0x79: {  	v23 =	vadd.f32 v53, v51;
	v0 =	vmax.f32 v0, v18  }
0x7a: {  	v24 =	vadd.f32 v57, v55;
	v0 =	vmax.f32 v0, v21  }
0x7b: {  	v26 =	vld [tilespmem:$0x15010];
	v25 =	vadd.f32 v61, v59;
	v0 =	vmax.f32 v0, v23  }
0x7c: {  	v27 =	vadd.f32 v17, v63;
	v0 =	vmax.f32 v0, v24  }
0x7d: {  	v28 =	vadd.f32 v22, v19;
	v0 =	vmax.f32 v0, v25  }
0x7e: {  	v0 =	vmax.f32 v0, v27  }
0x7f: {  	v0 =	vmax.f32 v0, v28  }
0x80: {  	v0 =	vadd.f32 v0, v26;
	_ =	sdelay $0x1  }
0x81: {  	v0 =	vmax.f32 v0, $0.0e+00  }
0x82: {  	[tilespmem:s3+$0x15090] =	vst v0  }
0x83: {  	v0 =	vld [tilespmem:s0+$0x5020]  }
0x84: {  	v29 =	vld [tilespmem:s0+$0x9020]  }
0x85: {  	v30 =	vld [tilespmem:s0+$0x50A0]  }
0x86: {  	v31 =	vld [tilespmem:s0+$0x90A0]  }
0x87: {  	v32 =	vld [tilespmem:s0+$0x5120]  }
0x88: {  	v33 =	vld [tilespmem:s0+$0x9120]  }
0x89: {  	v34 =	vld [tilespmem:s0+$0x51A0]  }
0x8a: {  	v35 =	vld [tilespmem:s0+$0x91A0]  }
0x8b: {  	v36 =	vld [tilespmem:s0+$0x5220]  }
0x8c: {  	v37 =	vld [tilespmem:s0+$0x9220]  }
0x8d: {  	v38 =	vld [tilespmem:s0+$0x52A0]  }
0x8e: {  	v39 =	vld [tilespmem:s0+$0x92A0]  }
0x8f: {  	v40 =	vld [tilespmem:s0+$0x5320]  }
0x90: {  	v41 =	vld [tilespmem:s0+$0x9320]  }
0x91: {  	v42 =	vld [tilespmem:s0+$0x53A0]  }
0x92: {  	v43 =	vld [tilespmem:s0+$0x93A0]  }
0x93: {  	v44 =	vld [tilespmem:s0+$0x5420]  }
0x94: {  	v45 =	vld [tilespmem:s0+$0x9420]  }
0x95: {  	v46 =	vld [tilespmem:s0+$0x54A0]  }
0x96: {  	v47 =	vld [tilespmem:s0+$0x94A0]  }
0x97: {  	v48 =	vld [tilespmem:s0+$0x5520]  }
0x98: {  	v49 =	vld [tilespmem:s0+$0x9520]  }
0x99: {  	v51 =	vld [tilespmem:s0+$0x55A0];
	v0 =	vadd.f32 v29, v0;
	v50 =	vadd.f32 v31, v30  }
0x9a: {  	v53 =	vld [tilespmem:s0+$0x95A0];
	v52 =	vadd.f32 v33, v32  }
0x9b: {  	v55 =	vld [tilespmem:s0+$0x5620];
	v54 =	vadd.f32 v35, v34;
	v0 =	vmax.f32 v0, v50  }
0x9c: {  	v57 =	vld [tilespmem:s0+$0x9620];
	v56 =	vadd.f32 v37, v36;
	v0 =	vmax.f32 v0, v52  }
0x9d: {  	v59 =	vld [tilespmem:s0+$0x56A0];
	v58 =	vadd.f32 v39, v38;
	v0 =	vmax.f32 v0, v54  }
0x9e: {  	v61 =	vld [tilespmem:s0+$0x96A0];
	v60 =	vadd.f32 v41, v40;
	v0 =	vmax.f32 v0, v56  }
0x9f: {  	v63 =	vld [tilespmem:s0+$0x5720];
	v62 =	vadd.f32 v43, v42;
	v0 =	vmax.f32 v0, v58  }
0xa0: {  	v22 =	vld [tilespmem:s0+$0x9720];
	v17 =	vadd.f32 v45, v44;
	v0 =	vmax.f32 v0, v60  }
0xa1: {  	v24 =	vld [tilespmem:s0+$0x57A0];
	v23 =	vadd.f32 v47, v46;
	v0 =	vmax.f32 v0, v62  }
0xa2: {  	v26 =	vld [tilespmem:s0+$0x97A0];
	v25 =	vadd.f32 v49, v48;
	v0 =	vmax.f32 v0, v17  }
0xa3: {  	v27 =	vadd.f32 v53, v51;
	v0 =	vmax.f32 v0, v23  }
0xa4: {  	v28 =	vadd.f32 v57, v55;
	v0 =	vmax.f32 v0, v25  }
0xa5: {  	v29 =	vadd.f32 v61, v59;
	v30 =	vld [tilespmem:$0x15020];
	v0 =	vmax.f32 v0, v27  }
0xa6: {  	v31 =	vadd.f32 v22, v63;
	v0 =	vmax.f32 v0, v28  }
0xa7: {  	v32 =	vadd.f32 v26, v24;
	v0 =	vmax.f32 v0, v29  }
0xa8: {  	v0 =	vmax.f32 v0, v31  }
0xa9: {  	v0 =	vmax.f32 v0, v32  }
0xaa: {  	v0 =	vadd.f32 v0, v30;
	_ =	sdelay $0x1  }
0xab: {  	v0 =	vmax.f32 v0, $0.0e+00  }
0xac: {  	[tilespmem:s3+$0x150A0] =	vst v0  }
0xad: {  	v0 =	vld [tilespmem:s0+$0x5030]  }
0xae: {  	v33 =	vld [tilespmem:s0+$0x9030]  }
0xaf: {  	v34 =	vld [tilespmem:s0+$0x50B0]  }
0xb0: {  	v35 =	vld [tilespmem:s0+$0x90B0]  }
0xb1: {  	v36 =	vld [tilespmem:s0+$0x5130]  }
0xb2: {  	v37 =	vld [tilespmem:s0+$0x9130]  }
0xb3: {  	v38 =	vld [tilespmem:s0+$0x51B0]  }
0xb4: {  	v39 =	vld [tilespmem:s0+$0x91B0]  }
0xb5: {  	v40 =	vld [tilespmem:s0+$0x5230]  }
0xb6: {  	v41 =	vld [tilespmem:s0+$0x9230]  }
0xb7: {  	v42 =	vld [tilespmem:s0+$0x52B0]  }
0xb8: {  	v43 =	vld [tilespmem:s0+$0x92B0]  }
0xb9: {  	v44 =	vld [tilespmem:s0+$0x5330]  }
0xba: {  	v45 =	vld [tilespmem:s0+$0x9330]  }
0xbb: {  	v46 =	vld [tilespmem:s0+$0x53B0]  }
0xbc: {  	v47 =	vld [tilespmem:s0+$0x93B0]  }
0xbd: {  	v48 =	vld [tilespmem:s0+$0x5430]  }
0xbe: {  	v49 =	vld [tilespmem:s0+$0x9430]  }
0xbf: {  	v50 =	vld [tilespmem:s0+$0x54B0]  }
0xc0: {  	v51 =	vld [tilespmem:s0+$0x94B0]  }
0xc1: {  	v52 =	vld [tilespmem:s0+$0x5530]  }
0xc2: {  	v53 =	vld [tilespmem:s0+$0x9530]  }
0xc3: {  	v55 =	vld [tilespmem:s0+$0x55B0];
	v0 =	vadd.f32 v33, v0;
	v54 =	vadd.f32 v35, v34  }
0xc4: {  	v57 =	vld [tilespmem:s0+$0x95B0];
	v56 =	vadd.f32 v37, v36  }
0xc5: {  	v59 =	vld [tilespmem:s0+$0x5630];
	v58 =	vadd.f32 v39, v38;
	v0 =	vmax.f32 v0, v54  }
0xc6: {  	v61 =	vld [tilespmem:s0+$0x9630];
	v60 =	vadd.f32 v41, v40;
	v0 =	vmax.f32 v0, v56  }
0xc7: {  	v63 =	vld [tilespmem:s0+$0x56B0];
	v62 =	vadd.f32 v43, v42;
	v0 =	vmax.f32 v0, v58  }
0xc8: {  	v23 =	vld [tilespmem:s0+$0x96B0];
	v22 =	vadd.f32 v45, v44;
	v0 =	vmax.f32 v0, v60  }
0xc9: {  	v25 =	vld [tilespmem:s0+$0x5730];
	v24 =	vadd.f32 v47, v46;
	v0 =	vmax.f32 v0, v62  }
0xca: {  	v27 =	vld [tilespmem:s0+$0x9730];
	v26 =	vadd.f32 v49, v48;
	v0 =	vmax.f32 v0, v22  }
0xcb: {  	v29 =	vld [tilespmem:s0+$0x57B0];
	v28 =	vadd.f32 v51, v50;
	v0 =	vmax.f32 v0, v24  }
0xcc: {  	v31 =	vld [tilespmem:s0+$0x97B0];
	v30 =	vadd.f32 v53, v52;
	v0 =	vmax.f32 v0, v26  }
0xcd: {  	v32 =	vadd.f32 v57, v55;
	v0 =	vmax.f32 v0, v28  }
0xce: {  	v33 =	vadd.f32 v61, v59;
	v0 =	vmax.f32 v0, v30  }
0xcf: {  	v34 =	vadd.f32 v23, v63;
	v35 =	vld [tilespmem:$0x15030];
	v0 =	vmax.f32 v0, v32  }
0xd0: {  	v36 =	vadd.f32 v27, v25;
	v0 =	vmax.f32 v0, v33  }
0xd1: {  	v37 =	vadd.f32 v31, v29;
	v0 =	vmax.f32 v0, v34  }
0xd2: {  	v0 =	vmax.f32 v0, v36  }
0xd3: {  	v0 =	vmax.f32 v0, v37  }
0xd4: {  	v0 =	vadd.f32 v0, v35;
	_ =	sdelay $0x1  }
0xd5: {  	v0 =	vmax.f32 v0, $0.0e+00  }
0xd6: {  	[tilespmem:s3+$0x150B0] =	vst v0  }
0xd7: {  	v0 =	vld [tilespmem:s0+$0x5040]  }
0xd8: {  	v38 =	vld [tilespmem:s0+$0x9040]  }
0xd9: {  	v39 =	vld [tilespmem:s0+$0x50C0]  }
0xda: {  	v40 =	vld [tilespmem:s0+$0x90C0]  }
0xdb: {  	v41 =	vld [tilespmem:s0+$0x5140]  }
0xdc: {  	v42 =	vld [tilespmem:s0+$0x9140]  }
0xdd: {  	v43 =	vld [tilespmem:s0+$0x51C0]  }
0xde: {  	v44 =	vld [tilespmem:s0+$0x91C0]  }
0xdf: {  	v45 =	vld [tilespmem:s0+$0x5240]  }
0xe0: {  	v46 =	vld [tilespmem:s0+$0x9240]  }
0xe1: {  	v47 =	vld [tilespmem:s0+$0x52C0]  }
0xe2: {  	v48 =	vld [tilespmem:s0+$0x92C0]  }
0xe3: {  	v49 =	vld [tilespmem:s0+$0x5340]  }
0xe4: {  	v50 =	vld [tilespmem:s0+$0x9340]  }
0xe5: {  	v51 =	vld [tilespmem:s0+$0x53C0]  }
0xe6: {  	v52 =	vld [tilespmem:s0+$0x93C0]  }
0xe7: {  	v53 =	vld [tilespmem:s0+$0x5440]  }
0xe8: {  	v54 =	vld [tilespmem:s0+$0x9440]  }
0xe9: {  	v55 =	vld [tilespmem:s0+$0x54C0]  }
0xea: {  	v56 =	vld [tilespmem:s0+$0x94C0]  }
0xeb: {  	v57 =	vld [tilespmem:s0+$0x5540]  }
0xec: {  	v58 =	vld [tilespmem:s0+$0x9540]  }
0xed: {  	v60 =	vld [tilespmem:s0+$0x55C0];
	v0 =	vadd.f32 v38, v0;
	v59 =	vadd.f32 v40, v39  }
0xee: {  	v62 =	vld [tilespmem:s0+$0x95C0];
	v61 =	vadd.f32 v42, v41  }
0xef: {  	v22 =	vld [tilespmem:s0+$0x5640];
	v63 =	vadd.f32 v44, v43;
	v0 =	vmax.f32 v0, v59  }
0xf0: {  	v24 =	vld [tilespmem:s0+$0x9640];
	v23 =	vadd.f32 v46, v45;
	v0 =	vmax.f32 v0, v61  }
0xf1: {  	v26 =	vld [tilespmem:s0+$0x56C0];
	v25 =	vadd.f32 v48, v47;
	v0 =	vmax.f32 v0, v63  }
0xf2: {  	v28 =	vld [tilespmem:s0+$0x96C0];
	v27 =	vadd.f32 v50, v49;
	v0 =	vmax.f32 v0, v23  }
0xf3: {  	v30 =	vld [tilespmem:s0+$0x5740];
	v29 =	vadd.f32 v52, v51;
	v0 =	vmax.f32 v0, v25  }
0xf4: {  	v32 =	vld [tilespmem:s0+$0x9740];
	v31 =	vadd.f32 v54, v53;
	v0 =	vmax.f32 v0, v27  }
0xf5: {  	v34 =	vld [tilespmem:s0+$0x57C0];
	v33 =	vadd.f32 v56, v55;
	v0 =	vmax.f32 v0, v29  }
0xf6: {  	v36 =	vld [tilespmem:s0+$0x97C0];
	v35 =	vadd.f32 v58, v57;
	v0 =	vmax.f32 v0, v31  }
0xf7: {  	v37 =	vadd.f32 v62, v60;
	v0 =	vmax.f32 v0, v33  }
0xf8: {  	v38 =	vadd.f32 v24, v22;
	v0 =	vmax.f32 v0, v35  }
0xf9: {  	v39 =	vadd.f32 v28, v26;
	v40 =	vld [tilespmem:$0x15040];
	v0 =	vmax.f32 v0, v37  }
0xfa: {  	v41 =	vadd.f32 v32, v30;
	v0 =	vmax.f32 v0, v38  }
0xfb: {  	v42 =	vadd.f32 v36, v34;
	v0 =	vmax.f32 v0, v39  }
0xfc: {  	v0 =	vmax.f32 v0, v41  }
0xfd: {  	v0 =	vmax.f32 v0, v42  }
0xfe: {  	v0 =	vadd.f32 v0, v40;
	_ =	sdelay $0x1  }
0xff: {  	v0 =	vmax.f32 v0, $0.0e+00  }
0x100: {  	[tilespmem:s3+$0x150C0] =	vst v0  }
0x101: {  	v0 =	vld [tilespmem:s0+$0x5050]  }
0x102: {  	v43 =	vld [tilespmem:s0+$0x9050]  }
0x103: {  	v44 =	vld [tilespmem:s0+$0x50D0]  }
0x104: {  	v45 =	vld [tilespmem:s0+$0x90D0]  }
0x105: {  	v46 =	vld [tilespmem:s0+$0x5150]  }
0x106: {  	v47 =	vld [tilespmem:s0+$0x9150]  }
0x107: {  	v48 =	vld [tilespmem:s0+$0x51D0]  }
0x108: {  	v49 =	vld [tilespmem:s0+$0x91D0]  }
0x109: {  	v50 =	vld [tilespmem:s0+$0x5250]  }
0x10a: {  	v51 =	vld [tilespmem:s0+$0x9250]  }
0x10b: {  	v52 =	vld [tilespmem:s0+$0x52D0]  }
0x10c: {  	v53 =	vld [tilespmem:s0+$0x92D0]  }
0x10d: {  	v54 =	vld [tilespmem:s0+$0x5350]  }
0x10e: {  	v55 =	vld [tilespmem:s0+$0x9350]  }
0x10f: {  	v56 =	vld [tilespmem:s0+$0x53D0]  }
0x110: {  	v57 =	vld [tilespmem:s0+$0x93D0]  }
0x111: {  	v58 =	vld [tilespmem:s0+$0x5450]  }
0x112: {  	v59 =	vld [tilespmem:s0+$0x9450]  }
0x113: {  	v60 =	vld [tilespmem:s0+$0x54D0]  }
0x114: {  	v61 =	vld [tilespmem:s0+$0x94D0]  }
0x115: {  	v62 =	vld [tilespmem:s0+$0x5550]  }
0x116: {  	v63 =	vld [tilespmem:s0+$0x9550]  }
0x117: {  	v25 =	vld [tilespmem:s0+$0x55D0];
	v0 =	vadd.f32 v43, v0;
	v24 =	vadd.f32 v45, v44  }
0x118: {  	v27 =	vld [tilespmem:s0+$0x95D0];
	v26 =	vadd.f32 v47, v46  }
0x119: {  	v29 =	vld [tilespmem:s0+$0x5650];
	v28 =	vadd.f32 v49, v48;
	v0 =	vmax.f32 v0, v24  }
0x11a: {  	v31 =	vld [tilespmem:s0+$0x9650];
	v30 =	vadd.f32 v51, v50;
	v0 =	vmax.f32 v0, v26  }
0x11b: {  	v33 =	vld [tilespmem:s0+$0x56D0];
	v32 =	vadd.f32 v53, v52;
	v0 =	vmax.f32 v0, v28  }
0x11c: {  	v35 =	vld [tilespmem:s0+$0x96D0];
	v34 =	vadd.f32 v55, v54;
	v0 =	vmax.f32 v0, v30  }
0x11d: {  	v37 =	vld [tilespmem:s0+$0x5750];
	v36 =	vadd.f32 v57, v56;
	v0 =	vmax.f32 v0, v32  }
0x11e: {  	v39 =	vld [tilespmem:s0+$0x9750];
	v38 =	vadd.f32 v59, v58;
	v0 =	vmax.f32 v0, v34  }
0x11f: {  	v41 =	vld [tilespmem:s0+$0x57D0];
	v40 =	vadd.f32 v61, v60;
	v0 =	vmax.f32 v0, v36  }
0x120: {  	v42 =	vadd.f32 v63, v62;
	v43 =	vld [tilespmem:s0+$0x97D0];
	v0 =	vmax.f32 v0, v38  }
0x121: {  	v44 =	vadd.f32 v27, v25;
	v0 =	vmax.f32 v0, v40  }
0x122: {  	v45 =	vadd.f32 v31, v29;
	v0 =	vmax.f32 v0, v42  }
0x123: {  	v46 =	vadd.f32 v35, v33;
	v47 =	vld [tilespmem:$0x15050];
	v0 =	vmax.f32 v0, v44  }
0x124: {  	v48 =	vadd.f32 v39, v37;
	v0 =	vmax.f32 v0, v45  }
0x125: {  	v49 =	vadd.f32 v43, v41;
	v0 =	vmax.f32 v0, v46  }
0x126: {  	v0 =	vmax.f32 v0, v48  }
0x127: {  	v0 =	vmax.f32 v0, v49  }
0x128: {  	v0 =	vadd.f32 v0, v47;
	_ =	sdelay $0x1  }
0x129: {  	v0 =	vmax.f32 v0, $0.0e+00  }
0x12a: {  	[tilespmem:s3+$0x150D0] =	vst v0  }
0x12b: {  	v0 =	vld [tilespmem:s0+$0x5060]  }
0x12c: {  	v50 =	vld [tilespmem:s0+$0x9060]  }
0x12d: {  	v51 =	vld [tilespmem:s0+$0x50E0]  }
0x12e: {  	v52 =	vld [tilespmem:s0+$0x90E0]  }
0x12f: {  	v53 =	vld [tilespmem:s0+$0x5160]  }
0x130: {  	v54 =	vld [tilespmem:s0+$0x9160]  }
0x131: {  	v55 =	vld [tilespmem:s0+$0x51E0]  }
0x132: {  	v56 =	vld [tilespmem:s0+$0x91E0]  }
0x133: {  	v57 =	vld [tilespmem:s0+$0x5260]  }
0x134: {  	v58 =	vld [tilespmem:s0+$0x9260]  }
0x135: {  	v59 =	vld [tilespmem:s0+$0x52E0]  }
0x136: {  	v60 =	vld [tilespmem:s0+$0x92E0]  }
0x137: {  	v61 =	vld [tilespmem:s0+$0x5360]  }
0x138: {  	v62 =	vld [tilespmem:s0+$0x9360]  }
0x139: {  	v63 =	vld [tilespmem:s0+$0x53E0]  }
0x13a: {  	v24 =	vld [tilespmem:s0+$0x93E0]  }
0x13b: {  	v25 =	vld [tilespmem:s0+$0x5460]  }
0x13c: {  	v26 =	vld [tilespmem:s0+$0x9460]  }
0x13d: {  	v27 =	vld [tilespmem:s0+$0x54E0]  }
0x13e: {  	v28 =	vld [tilespmem:s0+$0x94E0]  }
0x13f: {  	v29 =	vld [tilespmem:s0+$0x5560]  }
0x140: {  	v30 =	vld [tilespmem:s0+$0x9560]  }
0x141: {  	v32 =	vld [tilespmem:s0+$0x55E0];
	v0 =	vadd.f32 v50, v0;
	v31 =	vadd.f32 v52, v51  }
0x142: {  	v34 =	vld [tilespmem:s0+$0x95E0];
	v33 =	vadd.f32 v54, v53  }
0x143: {  	v36 =	vld [tilespmem:s0+$0x5660];
	v35 =	vadd.f32 v56, v55;
	v0 =	vmax.f32 v0, v31  }
0x144: {  	v38 =	vld [tilespmem:s0+$0x9660];
	v37 =	vadd.f32 v58, v57;
	v0 =	vmax.f32 v0, v33  }
0x145: {  	v40 =	vld [tilespmem:s0+$0x56E0];
	v39 =	vadd.f32 v60, v59;
	v0 =	vmax.f32 v0, v35  }
0x146: {  	v42 =	vld [tilespmem:s0+$0x96E0];
	v41 =	vadd.f32 v62, v61;
	v0 =	vmax.f32 v0, v37  }
0x147: {  	v44 =	vld [tilespmem:s0+$0x5760];
	v43 =	vadd.f32 v24, v63;
	v0 =	vmax.f32 v0, v39  }
0x148: {  	v46 =	vld [tilespmem:s0+$0x9760];
	v45 =	vadd.f32 v26, v25;
	v0 =	vmax.f32 v0, v41  }
0x149: {  	v48 =	vld [tilespmem:s0+$0x57E0];
	v47 =	vadd.f32 v28, v27;
	v0 =	vmax.f32 v0, v43  }
0x14a: {  	v49 =	vadd.f32 v30, v29;
	v50 =	vld [tilespmem:s0+$0x97E0];
	v0 =	vmax.f32 v0, v45  }
0x14b: {  	v51 =	vadd.f32 v34, v32;
	v0 =	vmax.f32 v0, v47  }
0x14c: {  	v52 =	vadd.f32 v38, v36;
	v0 =	vmax.f32 v0, v49  }
0x14d: {  	v53 =	vadd.f32 v42, v40;
	v54 =	vld [tilespmem:$0x15060];
	v0 =	vmax.f32 v0, v51  }
0x14e: {  	v55 =	vadd.f32 v46, v44;
	v0 =	vmax.f32 v0, v52  }
0x14f: {  	v56 =	vadd.f32 v50, v48;
	v0 =	vmax.f32 v0, v53  }
0x150: {  	v0 =	vmax.f32 v0, v55  }
0x151: {  	v0 =	vmax.f32 v0, v56  }
0x152: {  	v0 =	vadd.f32 v0, v54;
	_ =	sdelay $0x1  }
0x153: {  	v0 =	vmax.f32 v0, $0.0e+00  }
0x154: {  	[tilespmem:s3+$0x150E0] =	vst v0  }
0x155: {  	v0 =	vld [tilespmem:s0+$0x5070]  }
0x156: {  	v57 =	vld [tilespmem:s0+$0x9070]  }
0x157: {  	v58 =	vld [tilespmem:s0+$0x50F0]  }
0x158: {  	v59 =	vld [tilespmem:s0+$0x90F0]  }
0x159: {  	v60 =	vld [tilespmem:s0+$0x5170]  }
0x15a: {  	v61 =	vld [tilespmem:s0+$0x9170]  }
0x15b: {  	v62 =	vld [tilespmem:s0+$0x51F0]  }
0x15c: {  	v63 =	vld [tilespmem:s0+$0x91F0]  }
0x15d: {  	v24 =	vld [tilespmem:s0+$0x5270]  }
0x15e: {  	v25 =	vld [tilespmem:s0+$0x9270]  }
0x15f: {  	v26 =	vld [tilespmem:s0+$0x52F0]  }
0x160: {  	v27 =	vld [tilespmem:s0+$0x92F0]  }
0x161: {  	v28 =	vld [tilespmem:s0+$0x5370]  }
0x162: {  	v29 =	vld [tilespmem:s0+$0x9370]  }
0x163: {  	v30 =	vld [tilespmem:s0+$0x53F0]  }
0x164: {  	v31 =	vld [tilespmem:s0+$0x93F0]  }
0x165: {  	v32 =	vld [tilespmem:s0+$0x5470]  }
0x166: {  	v33 =	vld [tilespmem:s0+$0x9470]  }
0x167: {  	v34 =	vld [tilespmem:s0+$0x54F0]  }
0x168: {  	v35 =	vld [tilespmem:s0+$0x94F0]  }
0x169: {  	v36 =	vld [tilespmem:s0+$0x5570]  }
0x16a: {  	v37 =	vld [tilespmem:s0+$0x9570]  }
0x16b: {  	v39 =	vld [tilespmem:s0+$0x55F0];
	v0 =	vadd.f32 v57, v0;
	v38 =	vadd.f32 v59, v58  }
0x16c: {  	v41 =	vld [tilespmem:s0+$0x95F0];
	v40 =	vadd.f32 v61, v60  }
0x16d: {  	v43 =	vld [tilespmem:s0+$0x5670];
	v42 =	vadd.f32 v63, v62;
	v0 =	vmax.f32 v0, v38  }
0x16e: {  	v45 =	vld [tilespmem:s0+$0x9670];
	v44 =	vadd.f32 v25, v24;
	v0 =	vmax.f32 v0, v40  }
0x16f: {  	v47 =	vld [tilespmem:s0+$0x56F0];
	v46 =	vadd.f32 v27, v26;
	v0 =	vmax.f32 v0, v42  }
0x170: {  	v49 =	vld [tilespmem:s0+$0x96F0];
	v48 =	vadd.f32 v29, v28;
	v0 =	vmax.f32 v0, v44  }
0x171: {  	v51 =	vld [tilespmem:s0+$0x5770];
	v50 =	vadd.f32 v31, v30;
	v0 =	vmax.f32 v0, v46  }
0x172: {  	v53 =	vld [tilespmem:s0+$0x9770];
	v52 =	vadd.f32 v33, v32;
	v0 =	vmax.f32 v0, v48  }
0x173: {  	v55 =	vld [tilespmem:s0+$0x57F0];
	v54 =	vadd.f32 v35, v34;
	v0 =	vmax.f32 v0, v50  }
0x174: {  	v56 =	vadd.f32 v37, v36;
	v57 =	vld [tilespmem:s0+$0x97F0];
	v0 =	vmax.f32 v0, v52  }
0x175: {  	v58 =	vadd.f32 v41, v39;
	v0 =	vmax.f32 v0, v54  }
0x176: {  	v59 =	vadd.f32 v45, v43;
	v0 =	vmax.f32 v0, v56  }
0x177: {  	v60 =	vadd.f32 v49, v47;
	v61 =	vld [tilespmem:$0x15070];
	v0 =	vmax.f32 v0, v58  }
0x178: {  	v62 =	vadd.f32 v53, v51;
	v0 =	vmax.f32 v0, v59  }
0x179: {  	v63 =	vadd.f32 v57, v55;
	v0 =	vmax.f32 v0, v60  }
0x17a: {  	p1 =	sne.s32 s2, $0x7;
	v0 =	vmax.f32 v0, v62  }
.Ltmp0:
0x17b: {  	v0 =	vmax.f32 v0, v63;
	(pc) =	sbr.rel @p1 .LBB2_3-.Ltmp0, $3  }
0x17c: {  	v0 =	vadd.f32 v0, v61;
	_ =	sdelay $0x1  }
0x17d: {  	v0 =	vmax.f32 v0, $0.0e+00  }
0x17e: {  	s2 =	sadd.s32 $0x1, s2;
	[tilespmem:s3+$0x150F0] =	vst v0  }
0x17f: {  	s0 =	sadd.s32 s7, s31  }
0x180: {  	s0 =	sshll.u32 s0, $0x7  }
0x181: {  	p1 =	seq.s32 s29, $0x27;
	s0 =	sadd.s32 s6, s0  }
0x182: {  	[hbm4b:s0+s4] =	stream.linear.scatter [tilespmem:s21], [sflag:$0x5], $0x400, $0x38;
	[tilespmem:$0x15880] =	vst v63  }
0x183: {  	s0 =	sshll.u32 @!p1 s29, $0x8  }
0x184: {  	s3 =	simm.s32 @!p1 $0x80;
	s31 =	simm.s32 @!p1 $0x5000;
	s2 =	sadd.s32 @!p1 $0x100, s0  }
0x185: {  	[tilespmem:s31], [sflag:$0x1] =	stream.indirect.gather @!p1 [hbm4b:s1+s3], $0x80, s2, s3, $0xb8;
	[tilespmem:$0x15880] =	vst v63  }
0x186: {  	s0 =	sadd.s32 @!p1 $0x2900, s0;
	s2 =	simm.s32 @!p1 $0x9000  }
0x187: {  	[tilespmem:s2], [sflag:$0x2] =	stream.indirect.gather @!p1 [hbm4b:s5+s3], $0x80, s0, s3, $0xb8;
	[tilespmem:$0x15880] =	vst v63  }
0x188: {  	_ =	swait.ge [sflag:s22], $0x4000  }
0x189: {  	[sflag:s22] =	ssyncset.done $0x0  }
0x18a: {  	[sflag:s22] =	ssyncadd.s32 $0xFFFFC000  }
0x18b: {  	_ =	swait.ge [sflag:s23], $0x4000  }
0x18c: {  	[sflag:s23] =	ssyncset.done $0x0  }
0x18d: {  	s0 =	simm.s32 @!p0 $0x6;
	[sflag:s23] =	ssyncadd.s32 $0xFFFFC000  }
0x18e: {  	_ =	swait.ge @!p0 [sflag:s0], $0x400  }
0x18f: {  	[sflag:s0] =	ssyncset.done @!p0 $0x0  }
0x190: {  	s2 =	simm.s32 $0x0;
	[sflag:s0] =	ssyncadd.s32 @!p0 $0xFFFFFC00  }
.LBB2_5:
0x191: {  	s0 =	sshll.u32 s2, $0xB  }
0x192: {  	v0 =	vld [tilespmem:s0+$0xD000]  }
0x193: {  	v1 =	vld [tilespmem:s0+$0x11000]  }
0x194: {  	v2 =	vld [tilespmem:s0+$0xD080]  }
0x195: {  	v3 =	vld [tilespmem:s0+$0x11080]  }
0x196: {  	v4 =	vld [tilespmem:s0+$0xD100]  }
0x197: {  	v5 =	vld [tilespmem:s0+$0x11100]  }
0x198: {  	v6 =	vld [tilespmem:s0+$0xD180]  }
0x199: {  	v7 =	vld [tilespmem:s0+$0x11180]  }
0x19a: {  	v8 =	vld [tilespmem:s0+$0xD200]  }
0x19b: {  	v9 =	vld [tilespmem:s0+$0x11200]  }
0x19c: {  	v10 =	vld [tilespmem:s0+$0xD280]  }
0x19d: {  	v11 =	vld [tilespmem:s0+$0x11280]  }
0x19e: {  	v12 =	vld [tilespmem:s0+$0xD300]  }
0x19f: {  	v13 =	vld [tilespmem:s0+$0x11300]  }
0x1a0: {  	v14 =	vld [tilespmem:s0+$0xD380]  }
0x1a1: {  	v15 =	vld [tilespmem:s0+$0x11380]  }
0x1a2: {  	v16 =	vld [tilespmem:s0+$0xD400]  }
0x1a3: {  	v17 =	vld [tilespmem:s0+$0x11400]  }
0x1a4: {  	v18 =	vld [tilespmem:s0+$0xD480]  }
0x1a5: {  	v19 =	vld [tilespmem:s0+$0x11480]  }
0x1a6: {  	v20 =	vld [tilespmem:s0+$0xD500]  }
0x1a7: {  	v21 =	vld [tilespmem:s0+$0x11500]  }
0x1a8: {  	v51 =	vld [tilespmem:s0+$0xD580];
	v0 =	vadd.f32 v1, v0;
	v50 =	vadd.f32 v3, v2  }
0x1a9: {  	v53 =	vld [tilespmem:s0+$0x11580];
	v52 =	vadd.f32 v5, v4  }
0x1aa: {  	v55 =	vld [tilespmem:s0+$0xD600];
	v54 =	vadd.f32 v7, v6;
	v0 =	vmax.f32 v0, v50  }
0x1ab: {  	v57 =	vld [tilespmem:s0+$0x11600];
	v56 =	vadd.f32 v9, v8;
	v0 =	vmax.f32 v0, v52  }
0x1ac: {  	v59 =	vld [tilespmem:s0+$0xD680];
	v58 =	vadd.f32 v11, v10;
	v0 =	vmax.f32 v0, v54  }
0x1ad: {  	v61 =	vld [tilespmem:s0+$0x11680];
	v60 =	vadd.f32 v13, v12;
	v0 =	vmax.f32 v0, v56  }
0x1ae: {  	v63 =	vld [tilespmem:s0+$0xD700];
	v62 =	vadd.f32 v15, v14;
	v0 =	vmax.f32 v0, v58  }
0x1af: {  	v22 =	vld [tilespmem:s0+$0x11780];
	v16 =	vadd.f32 v17, v16;
	v0 =	vmax.f32 v0, v60  }
0x1b0: {  	v17 =	vld [tilespmem:s0+$0x11700];
	v18 =	vadd.f32 v19, v18;
	v0 =	vmax.f32 v0, v62  }
0x1b1: {  	v19 =	vld [tilespmem:s0+$0xD780];
	v21 =	vadd.f32 v21, v20;
	v0 =	vmax.f32 v0, v16  }
0x1b2: {  	v23 =	vadd.f32 v53, v51;
	v0 =	vmax.f32 v0, v18  }
0x1b3: {  	v24 =	vadd.f32 v57, v55;
	v0 =	vmax.f32 v0, v21  }
0x1b4: {  	v26 =	vld [tilespmem:$0x15000];
	v25 =	vadd.f32 v61, v59;
	v0 =	vmax.f32 v0, v23  }
0x1b5: {  	v27 =	vadd.f32 v17, v63;
	v0 =	vmax.f32 v0, v24  }
0x1b6: {  	v28 =	vadd.f32 v22, v19;
	v0 =	vmax.f32 v0, v25  }
0x1b7: {  	v0 =	vmax.f32 v0, v27  }
0x1b8: {  	v0 =	vmax.f32 v0, v28  }
0x1b9: {  	v0 =	vadd.f32 v0, v26  }
0x1ba: {  	s3 =	sshll.u32 s2, $0x7  }
0x1bb: {  	s3 =	sand.u32 $0x3FFFFF80, s3;
	v0 =	vmax.f32 v0, $0.0e+00  }
0x1bc: {  	[tilespmem:s3+$0x15480] =	vst v0  }
0x1bd: {  	v0 =	vld [tilespmem:s0+$0xD010]  }
0x1be: {  	v29 =	vld [tilespmem:s0+$0x11010]  }
0x1bf: {  	v30 =	vld [tilespmem:s0+$0xD090]  }
0x1c0: {  	v31 =	vld [tilespmem:s0+$0x11090]  }
0x1c1: {  	v32 =	vld [tilespmem:s0+$0xD110]  }
0x1c2: {  	v33 =	vld [tilespmem:s0+$0x11110]  }
0x1c3: {  	v34 =	vld [tilespmem:s0+$0xD190]  }
0x1c4: {  	v35 =	vld [tilespmem:s0+$0x11190]  }
0x1c5: {  	v36 =	vld [tilespmem:s0+$0xD210]  }
0x1c6: {  	v37 =	vld [tilespmem:s0+$0x11210]  }
0x1c7: {  	v38 =	vld [tilespmem:s0+$0xD290]  }
0x1c8: {  	v39 =	vld [tilespmem:s0+$0x11290]  }
0x1c9: {  	v40 =	vld [tilespmem:s0+$0xD310]  }
0x1ca: {  	v41 =	vld [tilespmem:s0+$0x11310]  }
0x1cb: {  	v42 =	vld [tilespmem:s0+$0xD390]  }
0x1cc: {  	v43 =	vld [tilespmem:s0+$0x11390]  }
0x1cd: {  	v44 =	vld [tilespmem:s0+$0xD410]  }
0x1ce: {  	v45 =	vld [tilespmem:s0+$0x11410]  }
0x1cf: {  	v46 =	vld [tilespmem:s0+$0xD490]  }
0x1d0: {  	v47 =	vld [tilespmem:s0+$0x11490]  }
0x1d1: {  	v48 =	vld [tilespmem:s0+$0xD510]  }
0x1d2: {  	v49 =	vld [tilespmem:s0+$0x11510]  }
0x1d3: {  	v51 =	vld [tilespmem:s0+$0xD590];
	v0 =	vadd.f32 v29, v0;
	v50 =	vadd.f32 v31, v30  }
0x1d4: {  	v53 =	vld [tilespmem:s0+$0x11590];
	v52 =	vadd.f32 v33, v32  }
0x1d5: {  	v55 =	vld [tilespmem:s0+$0xD610];
	v54 =	vadd.f32 v35, v34;
	v0 =	vmax.f32 v0, v50  }
0x1d6: {  	v57 =	vld [tilespmem:s0+$0x11610];
	v56 =	vadd.f32 v37, v36;
	v0 =	vmax.f32 v0, v52  }
0x1d7: {  	v59 =	vld [tilespmem:s0+$0xD690];
	v58 =	vadd.f32 v39, v38;
	v0 =	vmax.f32 v0, v54  }
0x1d8: {  	v61 =	vld [tilespmem:s0+$0x11690];
	v60 =	vadd.f32 v41, v40;
	v0 =	vmax.f32 v0, v56  }
0x1d9: {  	v63 =	vld [tilespmem:s0+$0xD710];
	v62 =	vadd.f32 v43, v42;
	v0 =	vmax.f32 v0, v58  }
0x1da: {  	v17 =	vld [tilespmem:s0+$0x11710];
	v16 =	vadd.f32 v45, v44;
	v0 =	vmax.f32 v0, v60  }
0x1db: {  	v19 =	vld [tilespmem:s0+$0xD790];
	v18 =	vadd.f32 v47, v46;
	v0 =	vmax.f32 v0, v62  }
0x1dc: {  	v22 =	vld [tilespmem:s0+$0x11790];
	v21 =	vadd.f32 v49, v48;
	v0 =	vmax.f32 v0, v16  }
0x1dd: {  	v23 =	vadd.f32 v53, v51;
	v0 =	vmax.f32 v0, v18  }
0x1de: {  	v24 =	vadd.f32 v57, v55;
	v0 =	vmax.f32 v0, v21  }
0x1df: {  	v26 =	vld [tilespmem:$0x15010];
	v25 =	vadd.f32 v61, v59;
	v0 =	vmax.f32 v0, v23  }
0x1e0: {  	v27 =	vadd.f32 v17, v63;
	v0 =	vmax.f32 v0, v24  }
0x1e1: {  	v28 =	vadd.f32 v22, v19;
	v0 =	vmax.f32 v0, v25  }
0x1e2: {  	v0 =	vmax.f32 v0, v27  }
0x1e3: {  	v0 =	vmax.f32 v0, v28  }
0x1e4: {  	v0 =	vadd.f32 v0, v26;
	_ =	sdelay $0x1  }
0x1e5: {  	v0 =	vmax.f32 v0, $0.0e+00  }
0x1e6: {  	[tilespmem:s3+$0x15490] =	vst v0  }
0x1e7: {  	v0 =	vld [tilespmem:s0+$0xD020]  }
0x1e8: {  	v29 =	vld [tilespmem:s0+$0x11020]  }
0x1e9: {  	v30 =	vld [tilespmem:s0+$0xD0A0]  }
0x1ea: {  	v31 =	vld [tilespmem:s0+$0x110A0]  }
0x1eb: {  	v32 =	vld [tilespmem:s0+$0xD120]  }
0x1ec: {  	v33 =	vld [tilespmem:s0+$0x11120]  }
0x1ed: {  	v34 =	vld [tilespmem:s0+$0xD1A0]  }
0x1ee: {  	v35 =	vld [tilespmem:s0+$0x111A0]  }
0x1ef: {  	v36 =	vld [tilespmem:s0+$0xD220]  }
0x1f0: {  	v37 =	vld [tilespmem:s0+$0x11220]  }
0x1f1: {  	v38 =	vld [tilespmem:s0+$0xD2A0]  }
0x1f2: {  	v39 =	vld [tilespmem:s0+$0x112A0]  }
0x1f3: {  	v40 =	vld [tilespmem:s0+$0xD320]  }
0x1f4: {  	v41 =	vld [tilespmem:s0+$0x11320]  }
0x1f5: {  	v42 =	vld [tilespmem:s0+$0xD3A0]  }
0x1f6: {  	v43 =	vld [tilespmem:s0+$0x113A0]  }
0x1f7: {  	v44 =	vld [tilespmem:s0+$0xD420]  }
0x1f8: {  	v45 =	vld [tilespmem:s0+$0x11420]  }
0x1f9: {  	v46 =	vld [tilespmem:s0+$0xD4A0]  }
0x1fa: {  	v47 =	vld [tilespmem:s0+$0x114A0]  }
0x1fb: {  	v48 =	vld [tilespmem:s0+$0xD520]  }
0x1fc: {  	v49 =	vld [tilespmem:s0+$0x11520]  }
0x1fd: {  	v51 =	vld [tilespmem:s0+$0xD5A0];
	v0 =	vadd.f32 v29, v0;
	v50 =	vadd.f32 v31, v30  }
0x1fe: {  	v53 =	vld [tilespmem:s0+$0x115A0];
	v52 =	vadd.f32 v33, v32  }
0x1ff: {  	v55 =	vld [tilespmem:s0+$0xD620];
	v54 =	vadd.f32 v35, v34;
	v0 =	vmax.f32 v0, v50  }
0x200: {  	v57 =	vld [tilespmem:s0+$0x11620];
	v56 =	vadd.f32 v37, v36;
	v0 =	vmax.f32 v0, v52  }
0x201: {  	v59 =	vld [tilespmem:s0+$0xD6A0];
	v58 =	vadd.f32 v39, v38;
	v0 =	vmax.f32 v0, v54  }
0x202: {  	v61 =	vld [tilespmem:s0+$0x116A0];
	v60 =	vadd.f32 v41, v40;
	v0 =	vmax.f32 v0, v56  }
0x203: {  	v63 =	vld [tilespmem:s0+$0xD720];
	v62 =	vadd.f32 v43, v42;
	v0 =	vmax.f32 v0, v58  }
0x204: {  	v22 =	vld [tilespmem:s0+$0x11720];
	v17 =	vadd.f32 v45, v44;
	v0 =	vmax.f32 v0, v60  }
0x205: {  	v24 =	vld [tilespmem:s0+$0xD7A0];
	v23 =	vadd.f32 v47, v46;
	v0 =	vmax.f32 v0, v62  }
0x206: {  	v26 =	vld [tilespmem:s0+$0x117A0];
	v25 =	vadd.f32 v49, v48;
	v0 =	vmax.f32 v0, v17  }
0x207: {  	v27 =	vadd.f32 v53, v51;
	v0 =	vmax.f32 v0, v23  }
0x208: {  	v28 =	vadd.f32 v57, v55;
	v0 =	vmax.f32 v0, v25  }
0x209: {  	v29 =	vadd.f32 v61, v59;
	v30 =	vld [tilespmem:$0x15020];
	v0 =	vmax.f32 v0, v27  }
0x20a: {  	v31 =	vadd.f32 v22, v63;
	v0 =	vmax.f32 v0, v28  }
0x20b: {  	v32 =	vadd.f32 v26, v24;
	v0 =	vmax.f32 v0, v29  }
0x20c: {  	v0 =	vmax.f32 v0, v31  }
0x20d: {  	v0 =	vmax.f32 v0, v32  }
0x20e: {  	v0 =	vadd.f32 v0, v30;
	_ =	sdelay $0x1  }
0x20f: {  	v0 =	vmax.f32 v0, $0.0e+00  }
0x210: {  	[tilespmem:s3+$0x154A0] =	vst v0  }
0x211: {  	v0 =	vld [tilespmem:s0+$0xD030]  }
0x212: {  	v33 =	vld [tilespmem:s0+$0x11030]  }
0x213: {  	v34 =	vld [tilespmem:s0+$0xD0B0]  }
0x214: {  	v35 =	vld [tilespmem:s0+$0x110B0]  }
0x215: {  	v36 =	vld [tilespmem:s0+$0xD130]  }
0x216: {  	v37 =	vld [tilespmem:s0+$0x11130]  }
0x217: {  	v38 =	vld [tilespmem:s0+$0xD1B0]  }
0x218: {  	v39 =	vld [tilespmem:s0+$0x111B0]  }
0x219: {  	v40 =	vld [tilespmem:s0+$0xD230]  }
0x21a: {  	v41 =	vld [tilespmem:s0+$0x11230]  }
0x21b: {  	v42 =	vld [tilespmem:s0+$0xD2B0]  }
0x21c: {  	v43 =	vld [tilespmem:s0+$0x112B0]  }
0x21d: {  	v44 =	vld [tilespmem:s0+$0xD330]  }
0x21e: {  	v45 =	vld [tilespmem:s0+$0x11330]  }
0x21f: {  	v46 =	vld [tilespmem:s0+$0xD3B0]  }
0x220: {  	v47 =	vld [tilespmem:s0+$0x113B0]  }
0x221: {  	v48 =	vld [tilespmem:s0+$0xD430]  }
0x222: {  	v49 =	vld [tilespmem:s0+$0x11430]  }
0x223: {  	v50 =	vld [tilespmem:s0+$0xD4B0]  }
0x224: {  	v51 =	vld [tilespmem:s0+$0x114B0]  }
0x225: {  	v52 =	vld [tilespmem:s0+$0xD530]  }
0x226: {  	v53 =	vld [tilespmem:s0+$0x11530]  }
0x227: {  	v55 =	vld [tilespmem:s0+$0xD5B0];
	v0 =	vadd.f32 v33, v0;
	v54 =	vadd.f32 v35, v34  }
0x228: {  	v57 =	vld [tilespmem:s0+$0x115B0];
	v56 =	vadd.f32 v37, v36  }
0x229: {  	v59 =	vld [tilespmem:s0+$0xD630];
	v58 =	vadd.f32 v39, v38;
	v0 =	vmax.f32 v0, v54  }
0x22a: {  	v61 =	vld [tilespmem:s0+$0x11630];
	v60 =	vadd.f32 v41, v40;
	v0 =	vmax.f32 v0, v56  }
0x22b: {  	v63 =	vld [tilespmem:s0+$0xD6B0];
	v62 =	vadd.f32 v43, v42;
	v0 =	vmax.f32 v0, v58  }
0x22c: {  	v23 =	vld [tilespmem:s0+$0x116B0];
	v22 =	vadd.f32 v45, v44;
	v0 =	vmax.f32 v0, v60  }
0x22d: {  	v25 =	vld [tilespmem:s0+$0xD730];
	v24 =	vadd.f32 v47, v46;
	v0 =	vmax.f32 v0, v62  }
0x22e: {  	v27 =	vld [tilespmem:s0+$0x11730];
	v26 =	vadd.f32 v49, v48;
	v0 =	vmax.f32 v0, v22  }
0x22f: {  	v29 =	vld [tilespmem:s0+$0xD7B0];
	v28 =	vadd.f32 v51, v50;
	v0 =	vmax.f32 v0, v24  }
0x230: {  	v31 =	vld [tilespmem:s0+$0x117B0];
	v30 =	vadd.f32 v53, v52;
	v0 =	vmax.f32 v0, v26  }
0x231: {  	v32 =	vadd.f32 v57, v55;
	v0 =	vmax.f32 v0, v28  }
0x232: {  	v33 =	vadd.f32 v61, v59;
	v0 =	vmax.f32 v0, v30  }
0x233: {  	v34 =	vadd.f32 v23, v63;
	v35 =	vld [tilespmem:$0x15030];
	v0 =	vmax.f32 v0, v32  }
0x234: {  	v36 =	vadd.f32 v27, v25;
	v0 =	vmax.f32 v0, v33  }
0x235: {  	v37 =	vadd.f32 v31, v29;
	v0 =	vmax.f32 v0, v34  }
0x236: {  	v0 =	vmax.f32 v0, v36  }
0x237: {  	v0 =	vmax.f32 v0, v37  }
0x238: {  	v0 =	vadd.f32 v0, v35;
	_ =	sdelay $0x1  }
0x239: {  	v0 =	vmax.f32 v0, $0.0e+00  }
0x23a: {  	[tilespmem:s3+$0x154B0] =	vst v0  }
0x23b: {  	v0 =	vld [tilespmem:s0+$0xD040]  }
0x23c: {  	v38 =	vld [tilespmem:s0+$0x11040]  }
0x23d: {  	v39 =	vld [tilespmem:s0+$0xD0C0]  }
0x23e: {  	v40 =	vld [tilespmem:s0+$0x110C0]  }
0x23f: {  	v41 =	vld [tilespmem:s0+$0xD140]  }
0x240: {  	v42 =	vld [tilespmem:s0+$0x11140]  }
0x241: {  	v43 =	vld [tilespmem:s0+$0xD1C0]  }
0x242: {  	v44 =	vld [tilespmem:s0+$0x111C0]  }
0x243: {  	v45 =	vld [tilespmem:s0+$0xD240]  }
0x244: {  	v46 =	vld [tilespmem:s0+$0x11240]  }
0x245: {  	v47 =	vld [tilespmem:s0+$0xD2C0]  }
0x246: {  	v48 =	vld [tilespmem:s0+$0x112C0]  }
0x247: {  	v49 =	vld [tilespmem:s0+$0xD340]  }
0x248: {  	v50 =	vld [tilespmem:s0+$0x11340]  }
0x249: {  	v51 =	vld [tilespmem:s0+$0xD3C0]  }
0x24a: {  	v52 =	vld [tilespmem:s0+$0x113C0]  }
0x24b: {  	v53 =	vld [tilespmem:s0+$0xD440]  }
0x24c: {  	v54 =	vld [tilespmem:s0+$0x11440]  }
0x24d: {  	v55 =	vld [tilespmem:s0+$0xD4C0]  }
0x24e: {  	v56 =	vld [tilespmem:s0+$0x114C0]  }
0x24f: {  	v57 =	vld [tilespmem:s0+$0xD540]  }
0x250: {  	v58 =	vld [tilespmem:s0+$0x11540]  }
0x251: {  	v60 =	vld [tilespmem:s0+$0xD5C0];
	v0 =	vadd.f32 v38, v0;
	v59 =	vadd.f32 v40, v39  }
0x252: {  	v62 =	vld [tilespmem:s0+$0x115C0];
	v61 =	vadd.f32 v42, v41  }
0x253: {  	v22 =	vld [tilespmem:s0+$0xD640];
	v63 =	vadd.f32 v44, v43;
	v0 =	vmax.f32 v0, v59  }
0x254: {  	v24 =	vld [tilespmem:s0+$0x11640];
	v23 =	vadd.f32 v46, v45;
	v0 =	vmax.f32 v0, v61  }
0x255: {  	v26 =	vld [tilespmem:s0+$0xD6C0];
	v25 =	vadd.f32 v48, v47;
	v0 =	vmax.f32 v0, v63  }
0x256: {  	v28 =	vld [tilespmem:s0+$0x116C0];
	v27 =	vadd.f32 v50, v49;
	v0 =	vmax.f32 v0, v23  }
0x257: {  	v30 =	vld [tilespmem:s0+$0xD740];
	v29 =	vadd.f32 v52, v51;
	v0 =	vmax.f32 v0, v25  }
0x258: {  	v32 =	vld [tilespmem:s0+$0x11740];
	v31 =	vadd.f32 v54, v53;
	v0 =	vmax.f32 v0, v27  }
0x259: {  	v34 =	vld [tilespmem:s0+$0xD7C0];
	v33 =	vadd.f32 v56, v55;
	v0 =	vmax.f32 v0, v29  }
0x25a: {  	v36 =	vld [tilespmem:s0+$0x117C0];
	v35 =	vadd.f32 v58, v57;
	v0 =	vmax.f32 v0, v31  }
0x25b: {  	v37 =	vadd.f32 v62, v60;
	v0 =	vmax.f32 v0, v33  }
0x25c: {  	v38 =	vadd.f32 v24, v22;
	v0 =	vmax.f32 v0, v35  }
0x25d: {  	v39 =	vadd.f32 v28, v26;
	v40 =	vld [tilespmem:$0x15040];
	v0 =	vmax.f32 v0, v37  }
0x25e: {  	v41 =	vadd.f32 v32, v30;
	v0 =	vmax.f32 v0, v38  }
0x25f: {  	v42 =	vadd.f32 v36, v34;
	v0 =	vmax.f32 v0, v39  }
0x260: {  	v0 =	vmax.f32 v0, v41  }
0x261: {  	v0 =	vmax.f32 v0, v42  }
0x262: {  	v0 =	vadd.f32 v0, v40;
	_ =	sdelay $0x1  }
0x263: {  	v0 =	vmax.f32 v0, $0.0e+00  }
0x264: {  	[tilespmem:s3+$0x154C0] =	vst v0  }
0x265: {  	v0 =	vld [tilespmem:s0+$0xD050]  }
0x266: {  	v43 =	vld [tilespmem:s0+$0x11050]  }
0x267: {  	v44 =	vld [tilespmem:s0+$0xD0D0]  }
0x268: {  	v45 =	vld [tilespmem:s0+$0x110D0]  }
0x269: {  	v46 =	vld [tilespmem:s0+$0xD150]  }
0x26a: {  	v47 =	vld [tilespmem:s0+$0x11150]  }
0x26b: {  	v48 =	vld [tilespmem:s0+$0xD1D0]  }
0x26c: {  	v49 =	vld [tilespmem:s0+$0x111D0]  }
0x26d: {  	v50 =	vld [tilespmem:s0+$0xD250]  }
0x26e: {  	v51 =	vld [tilespmem:s0+$0x11250]  }
0x26f: {  	v52 =	vld [tilespmem:s0+$0xD2D0]  }
0x270: {  	v53 =	vld [tilespmem:s0+$0x112D0]  }
0x271: {  	v54 =	vld [tilespmem:s0+$0xD350]  }
0x272: {  	v55 =	vld [tilespmem:s0+$0x11350]  }
0x273: {  	v56 =	vld [tilespmem:s0+$0xD3D0]  }
0x274: {  	v57 =	vld [tilespmem:s0+$0x113D0]  }
0x275: {  	v58 =	vld [tilespmem:s0+$0xD450]  }
0x276: {  	v59 =	vld [tilespmem:s0+$0x11450]  }
0x277: {  	v60 =	vld [tilespmem:s0+$0xD4D0]  }
0x278: {  	v61 =	vld [tilespmem:s0+$0x114D0]  }
0x279: {  	v62 =	vld [tilespmem:s0+$0xD550]  }
0x27a: {  	v63 =	vld [tilespmem:s0+$0x11550]  }
0x27b: {  	v25 =	vld [tilespmem:s0+$0xD5D0];
	v0 =	vadd.f32 v43, v0;
	v24 =	vadd.f32 v45, v44  }
0x27c: {  	v27 =	vld [tilespmem:s0+$0x115D0];
	v26 =	vadd.f32 v47, v46  }
0x27d: {  	v29 =	vld [tilespmem:s0+$0xD650];
	v28 =	vadd.f32 v49, v48;
	v0 =	vmax.f32 v0, v24  }
0x27e: {  	v31 =	vld [tilespmem:s0+$0x11650];
	v30 =	vadd.f32 v51, v50;
	v0 =	vmax.f32 v0, v26  }
0x27f: {  	v33 =	vld [tilespmem:s0+$0xD6D0];
	v32 =	vadd.f32 v53, v52;
	v0 =	vmax.f32 v0, v28  }
0x280: {  	v35 =	vld [tilespmem:s0+$0x116D0];
	v34 =	vadd.f32 v55, v54;
	v0 =	vmax.f32 v0, v30  }
0x281: {  	v37 =	vld [tilespmem:s0+$0xD750];
	v36 =	vadd.f32 v57, v56;
	v0 =	vmax.f32 v0, v32  }
0x282: {  	v39 =	vld [tilespmem:s0+$0x11750];
	v38 =	vadd.f32 v59, v58;
	v0 =	vmax.f32 v0, v34  }
0x283: {  	v41 =	vld [tilespmem:s0+$0xD7D0];
	v40 =	vadd.f32 v61, v60;
	v0 =	vmax.f32 v0, v36  }
0x284: {  	v42 =	vadd.f32 v63, v62;
	v43 =	vld [tilespmem:s0+$0x117D0];
	v0 =	vmax.f32 v0, v38  }
0x285: {  	v44 =	vadd.f32 v27, v25;
	v0 =	vmax.f32 v0, v40  }
0x286: {  	v45 =	vadd.f32 v31, v29;
	v0 =	vmax.f32 v0, v42  }
0x287: {  	v46 =	vadd.f32 v35, v33;
	v47 =	vld [tilespmem:$0x15050];
	v0 =	vmax.f32 v0, v44  }
0x288: {  	v48 =	vadd.f32 v39, v37;
	v0 =	vmax.f32 v0, v45  }
0x289: {  	v49 =	vadd.f32 v43, v41;
	v0 =	vmax.f32 v0, v46  }
0x28a: {  	v0 =	vmax.f32 v0, v48  }
0x28b: {  	v0 =	vmax.f32 v0, v49  }
0x28c: {  	v0 =	vadd.f32 v0, v47;
	_ =	sdelay $0x1  }
0x28d: {  	v0 =	vmax.f32 v0, $0.0e+00  }
0x28e: {  	[tilespmem:s3+$0x154D0] =	vst v0  }
0x28f: {  	v0 =	vld [tilespmem:s0+$0xD060]  }
0x290: {  	v50 =	vld [tilespmem:s0+$0x11060]  }
0x291: {  	v51 =	vld [tilespmem:s0+$0xD0E0]  }
0x292: {  	v52 =	vld [tilespmem:s0+$0x110E0]  }
0x293: {  	v53 =	vld [tilespmem:s0+$0xD160]  }
0x294: {  	v54 =	vld [tilespmem:s0+$0x11160]  }
0x295: {  	v55 =	vld [tilespmem:s0+$0xD1E0]  }
0x296: {  	v56 =	vld [tilespmem:s0+$0x111E0]  }
0x297: {  	v57 =	vld [tilespmem:s0+$0xD260]  }
0x298: {  	v58 =	vld [tilespmem:s0+$0x11260]  }
0x299: {  	v59 =	vld [tilespmem:s0+$0xD2E0]  }
0x29a: {  	v60 =	vld [tilespmem:s0+$0x112E0]  }
0x29b: {  	v61 =	vld [tilespmem:s0+$0xD360]  }
0x29c: {  	v62 =	vld [tilespmem:s0+$0x11360]  }
0x29d: {  	v63 =	vld [tilespmem:s0+$0xD3E0]  }
0x29e: {  	v24 =	vld [tilespmem:s0+$0x113E0]  }
0x29f: {  	v25 =	vld [tilespmem:s0+$0xD460]  }
0x2a0: {  	v26 =	vld [tilespmem:s0+$0x11460]  }
0x2a1: {  	v27 =	vld [tilespmem:s0+$0xD4E0]  }
0x2a2: {  	v28 =	vld [tilespmem:s0+$0x114E0]  }
0x2a3: {  	v29 =	vld [tilespmem:s0+$0xD560]  }
0x2a4: {  	v30 =	vld [tilespmem:s0+$0x11560]  }
0x2a5: {  	v32 =	vld [tilespmem:s0+$0xD5E0];
	v0 =	vadd.f32 v50, v0;
	v31 =	vadd.f32 v52, v51  }
0x2a6: {  	v34 =	vld [tilespmem:s0+$0x115E0];
	v33 =	vadd.f32 v54, v53  }
0x2a7: {  	v36 =	vld [tilespmem:s0+$0xD660];
	v35 =	vadd.f32 v56, v55;
	v0 =	vmax.f32 v0, v31  }
0x2a8: {  	v38 =	vld [tilespmem:s0+$0x11660];
	v37 =	vadd.f32 v58, v57;
	v0 =	vmax.f32 v0, v33  }
0x2a9: {  	v40 =	vld [tilespmem:s0+$0xD6E0];
	v39 =	vadd.f32 v60, v59;
	v0 =	vmax.f32 v0, v35  }
0x2aa: {  	v42 =	vld [tilespmem:s0+$0x116E0];
	v41 =	vadd.f32 v62, v61;
	v0 =	vmax.f32 v0, v37  }
0x2ab: {  	v44 =	vld [tilespmem:s0+$0xD760];
	v43 =	vadd.f32 v24, v63;
	v0 =	vmax.f32 v0, v39  }
0x2ac: {  	v46 =	vld [tilespmem:s0+$0x11760];
	v45 =	vadd.f32 v26, v25;
	v0 =	vmax.f32 v0, v41  }
0x2ad: {  	v48 =	vld [tilespmem:s0+$0xD7E0];
	v47 =	vadd.f32 v28, v27;
	v0 =	vmax.f32 v0, v43  }
0x2ae: {  	v49 =	vadd.f32 v30, v29;
	v50 =	vld [tilespmem:s0+$0x117E0];
	v0 =	vmax.f32 v0, v45  }
0x2af: {  	v51 =	vadd.f32 v34, v32;
	v0 =	vmax.f32 v0, v47  }
0x2b0: {  	v52 =	vadd.f32 v38, v36;
	v0 =	vmax.f32 v0, v49  }
0x2b1: {  	v53 =	vadd.f32 v42, v40;
	v54 =	vld [tilespmem:$0x15060];
	v0 =	vmax.f32 v0, v51  }
0x2b2: {  	v55 =	vadd.f32 v46, v44;
	v0 =	vmax.f32 v0, v52  }
0x2b3: {  	v56 =	vadd.f32 v50, v48;
	v0 =	vmax.f32 v0, v53  }
0x2b4: {  	v0 =	vmax.f32 v0, v55  }
0x2b5: {  	v0 =	vmax.f32 v0, v56  }
0x2b6: {  	v0 =	vadd.f32 v0, v54;
	_ =	sdelay $0x1  }
0x2b7: {  	v0 =	vmax.f32 v0, $0.0e+00  }
0x2b8: {  	[tilespmem:s3+$0x154E0] =	vst v0  }
0x2b9: {  	v0 =	vld [tilespmem:s0+$0xD070]  }
0x2ba: {  	v57 =	vld [tilespmem:s0+$0x11070]  }
0x2bb: {  	v58 =	vld [tilespmem:s0+$0xD0F0]  }
0x2bc: {  	v59 =	vld [tilespmem:s0+$0x110F0]  }
0x2bd: {  	v60 =	vld [tilespmem:s0+$0xD170]  }
0x2be: {  	v61 =	vld [tilespmem:s0+$0x11170]  }
0x2bf: {  	v62 =	vld [tilespmem:s0+$0xD1F0]  }
0x2c0: {  	v63 =	vld [tilespmem:s0+$0x111F0]  }
0x2c1: {  	v24 =	vld [tilespmem:s0+$0xD270]  }
0x2c2: {  	v25 =	vld [tilespmem:s0+$0x11270]  }
0x2c3: {  	v26 =	vld [tilespmem:s0+$0xD2F0]  }
0x2c4: {  	v27 =	vld [tilespmem:s0+$0x112F0]  }
0x2c5: {  	v28 =	vld [tilespmem:s0+$0xD370]  }
0x2c6: {  	v29 =	vld [tilespmem:s0+$0x11370]  }
0x2c7: {  	v30 =	vld [tilespmem:s0+$0xD3F0]  }
0x2c8: {  	v31 =	vld [tilespmem:s0+$0x113F0]  }
0x2c9: {  	v32 =	vld [tilespmem:s0+$0xD470]  }
0x2ca: {  	v33 =	vld [tilespmem:s0+$0x11470]  }
0x2cb: {  	v34 =	vld [tilespmem:s0+$0xD4F0]  }
0x2cc: {  	v35 =	vld [tilespmem:s0+$0x114F0]  }
0x2cd: {  	v36 =	vld [tilespmem:s0+$0xD570]  }
0x2ce: {  	v37 =	vld [tilespmem:s0+$0x11570]  }
0x2cf: {  	v39 =	vld [tilespmem:s0+$0xD5F0];
	v0 =	vadd.f32 v57, v0;
	v38 =	vadd.f32 v59, v58  }
0x2d0: {  	v41 =	vld [tilespmem:s0+$0x115F0];
	v40 =	vadd.f32 v61, v60  }
0x2d1: {  	v43 =	vld [tilespmem:s0+$0xD670];
	v42 =	vadd.f32 v63, v62;
	v0 =	vmax.f32 v0, v38  }
0x2d2: {  	v45 =	vld [tilespmem:s0+$0x11670];
	v44 =	vadd.f32 v25, v24;
	v0 =	vmax.f32 v0, v40  }
0x2d3: {  	v47 =	vld [tilespmem:s0+$0xD6F0];
	v46 =	vadd.f32 v27, v26;
	v0 =	vmax.f32 v0, v42  }
0x2d4: {  	v49 =	vld [tilespmem:s0+$0x116F0];
	v48 =	vadd.f32 v29, v28;
	v0 =	vmax.f32 v0, v44  }
0x2d5: {  	v51 =	vld [tilespmem:s0+$0xD770];
	v50 =	vadd.f32 v31, v30;
	v0 =	vmax.f32 v0, v46  }
0x2d6: {  	v53 =	vld [tilespmem:s0+$0x11770];
	v52 =	vadd.f32 v33, v32;
	v0 =	vmax.f32 v0, v48  }
0x2d7: {  	v55 =	vld [tilespmem:s0+$0xD7F0];
	v54 =	vadd.f32 v35, v34;
	v0 =	vmax.f32 v0, v50  }
0x2d8: {  	v56 =	vadd.f32 v37, v36;
	v57 =	vld [tilespmem:s0+$0x117F0];
	v0 =	vmax.f32 v0, v52  }
0x2d9: {  	v58 =	vadd.f32 v41, v39;
	v0 =	vmax.f32 v0, v54  }
0x2da: {  	v59 =	vadd.f32 v45, v43;
	v0 =	vmax.f32 v0, v56  }
0x2db: {  	v60 =	vadd.f32 v49, v47;
	v61 =	vld [tilespmem:$0x15070];
	v0 =	vmax.f32 v0, v58  }
0x2dc: {  	v62 =	vadd.f32 v53, v51;
	v0 =	vmax.f32 v0, v59  }
0x2dd: {  	v63 =	vadd.f32 v57, v55;
	v0 =	vmax.f32 v0, v60  }
0x2de: {  	p0 =	sne.s32 s2, $0x7;
	v0 =	vmax.f32 v0, v62  }
.Ltmp1:
0x2df: {  	v0 =	vmax.f32 v0, v63;
	(pc) =	sbr.rel @p0 .LBB2_5-.Ltmp1, $3  }
0x2e0: {  	v0 =	vadd.f32 v0, v61;
	_ =	sdelay $0x1  }
0x2e1: {  	v0 =	vmax.f32 v0, $0.0e+00  }
0x2e2: {  	s2 =	sadd.s32 $0x1, s2;
	[tilespmem:s3+$0x154F0] =	vst v0  }
0x2e3: {  	s29 =	sadd.s32 $0x1, s29  }
0x2e4: {  	p0 =	sne.s32 s29, $0x28  }
.Ltmp2:
0x2e5: {  	s0 =	sadd.s32 s7, s30;
	(pc) =	sbr.rel @p0 .LBB2_2-.Ltmp2, $4  }
0x2e6: {  	s0 =	sshll.u32 s0, $0x7  }
0x2e7: {  	s0 =	sand.u32 $0x1FFFFF80, s0  }
0x2e8: {  	s0 =	sadd.s32 s6, s0  }
0x2e9: {  	[hbm4b:s0+s4] =	stream.linear.scatter [tilespmem:s24], [sflag:$0x6], $0x400, $0x38;
	[tilespmem:$0x15880] =	vst v63  }
0x2ea: {  	s28 =	sadd.s32 $0x1, s28  }
0x2eb: {  	_ =	swait.ge [sflag:s25], $0x400;
	p0 =	sne.s32 s28, s10  }
.Ltmp3:
0x2ec: {  	[sflag:s25] =	ssyncset.done $0x0;
	(pc) =	sbr.rel @p0 .LBB2_1-.Ltmp3, $4  }
0x2ed: {  	[sflag:s25] =	ssyncadd.s32 $0xFFFFFC00  }
0x2ee: {  	_ =	swait.ge [sflag:s26], $0x400  }
0x2ef: {  	[sflag:s26] =	ssyncset.done $0x0  }
0x2f0: {  	[sflag:s26] =	ssyncadd.s32 $0xFFFFFC00  }
0x2f1: {  	_ =	sfence.sel $0x180000  }
0x2f2: {  	[bflag:$0x0] =	sbarrier.arrive $0xFFFF  }
0x2f3: {  	_ =	strace $0x90000047  }
0x2f4: {  	s0 =	stileid.u32;
	[bflag:$0x2] =	sbarrier.arrive $0xFFFF  }
0x2f5: {  	p0 =	sne.s32 s0, $0x0;
	s0 =	rddreg [dreg:$0x3]  }
0x2f6: {  	s0 =	sadd.s32 @!p0 $0x100000, s0  }
0x2f7: {  	[sflag:s0] =	ssyncadd.tile.s32 @!p0 $0x1;
	_ =	shalt  }
.Lfunc_end2:
_tile_overlayer_lowered:
.L_overlay_start_2:
0x2f8: {  	(tag) =	ssettag $0x2  }
0x2f9: {  	s0 =	rddreg [dreg:$0x0];
	s2 =	stileid.u32  }
0x2fa: {  	s1 =	rddreg [dreg:$0x1];
	p0 =	sne.s32 s2, $0x0  }
0x2fb: {  	s3 =	rddreg [dreg:$0x2];
	[bflag:$0x3] =	sbarrier.arrive $0xFFFF;
	s2 =	simm.s32 @!p0 $0x1C07  }
0x2fc: {  	[timem:s3], [sflag:s2] =	dma.local @!p0 [hbm:s0], s1  }
0x2fd: {  	s0 =	simm.s32 @!p0 $0x7  }
0x2fe: {  	_ =	swait.ge @!p0 [sflag:s0], s1  }
0x2ff: {  	s1 =	ssub.s32 @!p0 $0x0, s1;
	[sflag:s0] =	ssyncset.done @!p0 $0x0  }
0x300: {  	[sflag:s0] =	ssyncadd.s32 @!p0 s1  }
0x301: {  	[bflag:$0x3] =	sbarrier.arrive $0xFFFF  }
0x302: {  	_ =	shalt  }

</sc_bundles>
